<compile_context>
chip_gen: v7x
topology: tpu7x:2x2x1
jax: 0.10.2.dev20260603
libtpu: 0.0.44.dev20260713+nightly
codegen_flags: <defaults>
</compile_context>

<pallas_src>
import jax
import jax.numpy as jnp
from jax import lax
from jax.experimental import pallas as pl
from jax.experimental.pallas import tpu as pltpu
from jax.experimental.pallas import tpu_sc as plsc

T = 2048
D = 768
E = 64
K = 2
F = 512

TM = 128
N_TILES = (T * K) // TM + (E - 1)
NG = N_TILES * TM

NW = 32
GB = (T * K) // NW
CB = T // NW
LANES = 16
DC = D // LANES


BS = 256
NB = T // BS
NT_PAD = 128


def _router_kernel(hs_ref, wg_ref, w_ref, slots_ref, sa_ref, sb_ref,
                   te_ref, tx_ref, ty_ref):
    logits = jnp.dot(hs_ref[...], wg_ref[...], preferred_element_type=jnp.float32)
    m = jnp.max(logits, axis=1, keepdims=True)
    p = jnp.exp(logits - m)
    p = p / jnp.sum(p, axis=1, keepdims=True)
    iota = jax.lax.broadcasted_iota(jnp.int32, (T, E), 1)
    m1 = jnp.max(p, axis=1, keepdims=True)
    i1 = jnp.min(jnp.where(p == m1, iota, E), axis=1, keepdims=True)
    p2 = jnp.where(iota == i1, -1e30, p)
    m2 = jnp.max(p2, axis=1, keepdims=True)
    i2 = jnp.min(jnp.where(p2 == m2, iota, E), axis=1, keepdims=True)
    s = m1 + m2
    w_ref[...] = jnp.concatenate(
        [jnp.broadcast_to(m1 / s, (T, LANES)),
         jnp.broadcast_to(m2 / s, (T, LANES))], axis=1)

    oh1 = (iota == i1).astype(jnp.float32)
    oh2 = (iota == i2).astype(jnp.float32)
    cmat = oh1 + oh2
    r_i = jax.lax.broadcasted_iota(jnp.int32, (BS, BS), 0)
    c_i = jax.lax.broadcasted_iota(jnp.int32, (BS, BS), 1)
    lts = (c_i < r_i).astype(jnp.float32)
    counts = jnp.zeros((1, E), jnp.float32)
    blocks = []
    for b in range(NB):
        cb = cmat[b * BS:(b + 1) * BS, :]
        blocks.append(jnp.dot(lts, cb, preferred_element_type=jnp.float32)
                      + counts)
        counts = counts + jnp.sum(cb, axis=0, keepdims=True)
    cum = jnp.concatenate(blocks, axis=0)

    padded = jnp.floor((counts + (TM - 1)) * (1.0 / TM)) * TM
    ue = (jax.lax.broadcasted_iota(jnp.int32, (E, E), 0)
          <= jax.lax.broadcasted_iota(jnp.int32, (E, E), 1)).astype(jnp.float32)
    pad_end = jnp.dot(padded, ue, preferred_element_type=jnp.float32)
    pad_start = pad_end - padded
    total = jnp.sum(padded)

    slot1 = jnp.sum(oh1 * (pad_start + cum), axis=1, keepdims=True)
    slot2 = jnp.sum(oh2 * (pad_start + cum), axis=1, keepdims=True)
    slots_ref[...] = jnp.concatenate([slot1, slot2], axis=1).astype(jnp.int32)
    sa_ref[...] = slot1.astype(jnp.int32)
    sb_ref[...] = slot2.astype(jnp.int32)

    tcol = jax.lax.broadcasted_iota(jnp.int32, (NT_PAD, E), 0) * TM
    tscol = jnp.minimum(tcol.astype(jnp.float32), total - 1.0)
    cmp = (jnp.broadcast_to(pad_end, (NT_PAD, E)) <= tscol).astype(jnp.float32)
    te = jnp.minimum(jnp.sum(cmp, axis=1, keepdims=True), E - 1)
    te_ref[...] = te.astype(jnp.int32)
    live = tcol[:, :1].astype(jnp.float32) < total
    tid = jax.lax.broadcasted_iota(jnp.int32, (NT_PAD, 1), 0)
    tx_ref[...] = jnp.where(live, tid, 0)
    ty_ref[...] = jnp.where(live, tid, N_TILES)


def _ffn_kernel(te_ref, tx_ref, ty_ref, x_ref, wgu_ref, wd_ref, y_ref):
    i = pl.program_id(0)

    @pl.when(ty_ref[i] != N_TILES)
    def _():
        gu = jnp.dot(x_ref[...], wgu_ref[0],
                     preferred_element_type=jnp.float32)
        g = gu[:, :F]
        u = gu[:, F:]
        h = g * jax.nn.sigmoid(g) * u
        y_ref[...] = jnp.dot(h, wd_ref[0], preferred_element_type=jnp.float32)


HG = GB // 2


def _sc_dispatch_body(hs_hbm, tok_hbm, slot_hbm, xs_hbm,
                      tok0_v, tok1_v, slot0_v, slot1_v, rows0_v, rows1_v,
                      sem_i, sem_g0, sem_g1, sem_s):
    wid = lax.axis_index("s") * 2 + lax.axis_index("c")
    base = wid * GB
    c0 = pltpu.async_copy(tok_hbm.at[pl.ds(base, HG)], tok0_v, sem_i)
    c1 = pltpu.async_copy(tok_hbm.at[pl.ds(base + HG, HG)], tok1_v, sem_i)
    c2 = pltpu.async_copy(slot_hbm.at[pl.ds(base, HG)], slot0_v, sem_i)
    c3 = pltpu.async_copy(slot_hbm.at[pl.ds(base + HG, HG)], slot1_v, sem_i)
    c0.wait()
    c1.wait()
    c2.wait()
    c3.wait()
    g0 = pltpu.async_copy(hs_hbm.at[tok0_v], rows0_v, sem_g0)
    g1 = pltpu.async_copy(hs_hbm.at[tok1_v], rows1_v, sem_g1)
    g0.wait()
    s0 = pltpu.async_copy(rows0_v, xs_hbm.at[slot0_v], sem_s)
    g1.wait()
    s1 = pltpu.async_copy(rows1_v, xs_hbm.at[slot1_v], sem_s)
    s0.wait()
    s1.wait()


HC = CB // 2


def _sc_combine_body(ys_hbm, sa_hbm, sb_hbm, wab_hbm, out_hbm,
                     sa_v, sb_v, ya_v, yb_v, wab_v,
                     sem_i, sem_a, sem_b, sem_o):
    wid = lax.axis_index("s") * 2 + lax.axis_index("c")
    base = wid * CB
    c0 = pltpu.async_copy(sa_hbm.at[pl.ds(base, CB)], sa_v, sem_i)
    c1 = pltpu.async_copy(sb_hbm.at[pl.ds(base, CB)], sb_v, sem_i)
    c2 = pltpu.async_copy(wab_hbm.at[pl.ds(base, CB)], wab_v, sem_i)
    c0.wait()
    c1.wait()
    c2.wait()
    ga0 = pltpu.async_copy(ys_hbm.at[sa_v.at[pl.ds(0, HC)]],
                           ya_v.at[pl.ds(0, HC)], sem_a)
    gb0 = pltpu.async_copy(ys_hbm.at[sb_v.at[pl.ds(0, HC)]],
                           yb_v.at[pl.ds(0, HC)], sem_a)
    ga1 = pltpu.async_copy(ys_hbm.at[sa_v.at[pl.ds(HC, HC)]],
                           ya_v.at[pl.ds(HC, HC)], sem_b)
    gb1 = pltpu.async_copy(ys_hbm.at[sb_v.at[pl.ds(HC, HC)]],
                           yb_v.at[pl.ds(HC, HC)], sem_b)

    def row_body(r, carry):
        wa = wab_v[r, pl.ds(0, LANES)]
        wb = wab_v[r, pl.ds(LANES, LANES)]
        for c in range(DC):
            ya = ya_v[r, pl.ds(c * LANES, LANES)]
            yb = yb_v[r, pl.ds(c * LANES, LANES)]
            ya_v[r, pl.ds(c * LANES, LANES)] = wa * ya + wb * yb
        return carry

    ga0.wait()
    gb0.wait()
    lax.fori_loop(0, HC, row_body, 0)
    o0 = pltpu.async_copy(ya_v.at[pl.ds(0, HC)],
                          out_hbm.at[pl.ds(base, HC)], sem_o)
    ga1.wait()
    gb1.wait()
    lax.fori_loop(HC, CB, row_body, 0)
    o1 = pltpu.async_copy(ya_v.at[pl.ds(HC, HC)],
                          out_hbm.at[pl.ds(base + HC, HC)], sem_o)
    o0.wait()
    o1.wait()


def kernel(hidden_states, W_gate, W_gate_up, W_down, num_global_tokens,
           max_num_tokens_per_gpu):
    hs = hidden_states
    wab, slots, sa, sb, te2, tx2, ty2 = pl.pallas_call(
        _router_kernel,
        out_shape=(
            jax.ShapeDtypeStruct((T, 2 * LANES), jnp.float32),
            jax.ShapeDtypeStruct((T, K), jnp.int32),
            jax.ShapeDtypeStruct((T, 1), jnp.int32),
            jax.ShapeDtypeStruct((T, 1), jnp.int32),
            jax.ShapeDtypeStruct((NT_PAD, 1), jnp.int32),
            jax.ShapeDtypeStruct((NT_PAD, 1), jnp.int32),
            jax.ShapeDtypeStruct((NT_PAD, 1), jnp.int32),
        ),
    )(hs, W_gate)
    tile_expert = te2.reshape(-1)
    tile_x = tx2.reshape(-1)
    tile_y = ty2.reshape(-1)
    t_flat = jnp.repeat(jnp.arange(T, dtype=jnp.int32), K)
    slot = slots.reshape(-1)

    sc_mesh = plsc.VectorSubcoreMesh(core_axis_name="c", subcore_axis_name="s")
    sc_dispatch = pl.kernel(
        _sc_dispatch_body,
        mesh=sc_mesh,
        out_type=jax.ShapeDtypeStruct((NG, D), jnp.float32),
        scratch_types=[
            pltpu.VMEM((HG,), jnp.int32),
            pltpu.VMEM((HG,), jnp.int32),
            pltpu.VMEM((HG,), jnp.int32),
            pltpu.VMEM((HG,), jnp.int32),
            pltpu.VMEM((HG, D), jnp.float32),
            pltpu.VMEM((HG, D), jnp.float32),
            pltpu.SemaphoreType.DMA,
            pltpu.SemaphoreType.DMA,
            pltpu.SemaphoreType.DMA,
            pltpu.SemaphoreType.DMA,
        ],
    )
    x_sorted = sc_dispatch(hs, t_flat, slot)

    grid_spec = pltpu.PrefetchScalarGridSpec(
        num_scalar_prefetch=3,
        grid=(N_TILES,),
        in_specs=[
            pl.BlockSpec((TM, D), lambda i, te, tx, ty: (tx[i], 0)),
            pl.BlockSpec((1, D, 2 * F), lambda i, te, tx, ty: (te[i], 0, 0)),
            pl.BlockSpec((1, F, D), lambda i, te, tx, ty: (te[i], 0, 0)),
        ],
        out_specs=pl.BlockSpec((TM, D), lambda i, te, tx, ty: (ty[i], 0)),
    )
    y_sorted = pl.pallas_call(
        _ffn_kernel,
        grid_spec=grid_spec,
        out_shape=jax.ShapeDtypeStruct(((N_TILES + 1) * TM, D), jnp.float32),
    )(tile_expert, tile_x, tile_y, x_sorted, W_gate_up, W_down)

    sc_combine = pl.kernel(
        _sc_combine_body,
        mesh=sc_mesh,
        out_type=jax.ShapeDtypeStruct((T, D), jnp.float32),
        scratch_types=[
            pltpu.VMEM((CB,), jnp.int32),
            pltpu.VMEM((CB,), jnp.int32),
            pltpu.VMEM((CB, D), jnp.float32),
            pltpu.VMEM((CB, D), jnp.float32),
            pltpu.VMEM((CB, 2 * LANES), jnp.float32),
            pltpu.SemaphoreType.DMA,
            pltpu.SemaphoreType.DMA,
            pltpu.SemaphoreType.DMA,
            pltpu.SemaphoreType.DMA,
        ],
    )
    out = sc_combine(y_sorted, sa.reshape(T), sb.reshape(T), wab)
    return out

# --- scband reference (transcript-rebuilt; emitter-appended) ---
"""Pipeline reference for scband-qwen3-5-moe-sparse-moe-block-78752520339563 (READ-ONLY COPY).

The authoritative reference and input builder live on the scoring server;
editing this copy changes nothing except your own understanding.
"""

import jax, jax.numpy as jnp
import numpy as np

T = 2048   # tokens (batch=1 x seq=2048)
D = 768    # hidden_size
E = 64     # num_experts
K = 2      # num_experts_per_tok
F = 512    # moe_intermediate_size


def setup_inputs(seed: int = 0) -> dict:
    key = jax.random.key(seed)
    k1, k2, k3, k4 = jax.random.split(key, 4)
    hidden_states = jax.random.normal(k1, (T, D), dtype=jnp.float32)
    # gate (router) linear: hidden_size -> num_experts, no bias
    W_gate = jax.random.normal(k2, (D, E), dtype=jnp.float32) * 0.02
    # per-expert merged gate_up projection: D -> 2F, and down projection: F -> D
    W_gate_up = jax.random.normal(k3, (E, D, 2 * F), dtype=jnp.float32) * 0.02
    W_down = jax.random.normal(k4, (E, F, D), dtype=jnp.float32) * 0.02
    return {
        "hidden_states": hidden_states,
        "W_gate": W_gate,
        "W_gate_up": W_gate_up,
        "W_down": W_down,
        "num_global_tokens": T,
        "max_num_tokens_per_gpu": T,
    }


def _moe_forward(hs, wg, wgu, wd):
    # router
    logits = hs @ wg                                   # [T, E]
    # RoutingMethodType.RenormalizeNaive: softmax over all experts, then top-k, then renormalize
    probs = jax.nn.softmax(logits.astype(jnp.float32), axis=-1)
    topk_w, topk_idx = jax.lax.top_k(probs, K)          # [T, K]
    # norm_topk_prob=True -> renormalize selected weights
    topk_w = topk_w / jnp.sum(topk_w, axis=-1, keepdims=True)
    # dense combine-weight matrix [T, E]; zero for unselected experts, so the
    # masked-dense expert evaluation below is mathematically identical to
    # sparse token dispatch/combine in MoELayer.
    cw = jnp.sum(jax.nn.one_hot(topk_idx, E, dtype=hs.dtype) * topk_w[..., None], axis=1)
    out = jnp.zeros_like(hs)
    for e in range(E):
        gu = hs @ wgu[e]                               # [T, 2F]
        g = gu[:, :F]
        u = gu[:, F:]
        h = jax.nn.silu(g) * u                          # SiluAndMul
        y = h @ wd[e]                                   # [T, D]
        out = out + cw[:, e:e + 1] * y
    return out


def reference(hidden_states, W_gate, W_gate_up, W_down, num_global_tokens, max_num_tokens_per_gpu):
    # num_global_tokens / max_num_tokens_per_gpu only affect distributed comm scheduling; single-chip math ignores them
    return _moe_forward(hidden_states, W_gate, W_gate_up, W_down)

if __name__ == "__main__":
    import jax
    _d = setup_inputs()
    print(jax.jit(kernel)(*tuple(_d.values())))

</pallas_src>

<mosaic_0001>
#map = affine_map<(d0, d1) -> (0, 0)>
#map1 = affine_map<(d0, d1) -> (0)>
module attributes {stable_mosaic.version = 14 : i64} {
  func.func @_sc_dispatch_body(%arg0: i32, %arg1: i32, %arg2: memref<2048x768xf32, #tpu.memory_space<hbm>>, %arg3: memref<4096xi32, #tpu.memory_space<hbm>>, %arg4: memref<4096xi32, #tpu.memory_space<hbm>>, %arg5: memref<12160x768xf32, #tpu.memory_space<hbm>>, %arg6: memref<64xi32, #tpu.memory_space<vmem>>, %arg7: memref<64xi32, #tpu.memory_space<vmem>>, %arg8: memref<64xi32, #tpu.memory_space<vmem>>, %arg9: memref<64xi32, #tpu.memory_space<vmem>>, %arg10: memref<64x768xf32, #tpu.memory_space<vmem>>, %arg11: memref<64x768xf32, #tpu.memory_space<vmem>>, %arg12: memref<!tpu.dma_semaphore, #tpu.memory_space<semaphore_mem>>, %arg13: memref<!tpu.dma_semaphore, #tpu.memory_space<semaphore_mem>>, %arg14: memref<!tpu.dma_semaphore, #tpu.memory_space<semaphore_mem>>, %arg15: memref<!tpu.dma_semaphore, #tpu.memory_space<semaphore_mem>>) attributes {dimension_semantics = [#tpu.dimension_semantics<core_parallel>, #tpu.dimension_semantics<subcore_parallel>], iteration_bounds = array<i64: 2, 16>, scalar_prefetch = 0 : i64, scratch_operands = 10 : i64, tpu.core_type = #tpu.core_type<sc_vector_subcore>, window_params = [{transform_indices = #map}, {transform_indices = #map1}, {transform_indices = #map1}, {transform_indices = #map}]} {
    %mul3A = arith.constant 2 : i32
    %mul3A_0 = arith.muli %arg1, %mul3A : i32
    %add3A = arith.addi %mul3A_0, %arg0 : i32
    %mul3A_1 = arith.constant 128 : i32
    %mul3A_2 = arith.muli %add3A, %mul3A_1 : i32
    %dma_start3A = tpu.memref_slice %arg3[%mul3A_2] : memref<4096xi32, #tpu.memory_space<hbm>> -> memref<64xi32, #tpu.memory_space<hbm>>
    %dma_start3A_3 = tpu.memref_slice %arg3[%mul3A_2] : memref<4096xi32, #tpu.memory_space<hbm>> -> memref<64xi32, #tpu.memory_space<hbm>>
    tpu.enqueue_dma source(%dma_start3A_3 : memref<64xi32, #tpu.memory_space<hbm>>) target(%arg6 : memref<64xi32, #tpu.memory_space<vmem>>) target_semaphore(%arg12 : memref<!tpu.dma_semaphore, #tpu.memory_space<semaphore_mem>>)
    %add3A_4 = arith.constant 64 : i32
    %add3A_5 = arith.addi %mul3A_2, %add3A_4 : i32
    %dma_start3A_6 = tpu.memref_slice %arg3[%add3A_5] : memref<4096xi32, #tpu.memory_space<hbm>> -> memref<64xi32, #tpu.memory_space<hbm>>
    %dma_start3A_7 = tpu.memref_slice %arg3[%add3A_5] : memref<4096xi32, #tpu.memory_space<hbm>> -> memref<64xi32, #tpu.memory_space<hbm>>
    tpu.enqueue_dma source(%dma_start3A_7 : memref<64xi32, #tpu.memory_space<hbm>>) target(%arg7 : memref<64xi32, #tpu.memory_space<vmem>>) target_semaphore(%arg12 : memref<!tpu.dma_semaphore, #tpu.memory_space<semaphore_mem>>)
    %dma_start3A_8 = tpu.memref_slice %arg4[%mul3A_2] : memref<4096xi32, #tpu.memory_space<hbm>> -> memref<64xi32, #tpu.memory_space<hbm>>
    %dma_start3A_9 = tpu.memref_slice %arg4[%mul3A_2] : memref<4096xi32, #tpu.memory_space<hbm>> -> memref<64xi32, #tpu.memory_space<hbm>>
    tpu.enqueue_dma source(%dma_start3A_9 : memref<64xi32, #tpu.memory_space<hbm>>) target(%arg8 : memref<64xi32, #tpu.memory_space<vmem>>) target_semaphore(%arg12 : memref<!tpu.dma_semaphore, #tpu.memory_space<semaphore_mem>>)
    %add3A_10 = arith.constant 64 : i32
    %add3A_11 = arith.addi %mul3A_2, %add3A_10 : i32
    %dma_start3A_12 = tpu.memref_slice %arg4[%add3A_11] : memref<4096xi32, #tpu.memory_space<hbm>> -> memref<64xi32, #tpu.memory_space<hbm>>
    %dma_start3A_13 = tpu.memref_slice %arg4[%add3A_11] : memref<4096xi32, #tpu.memory_space<hbm>> -> memref<64xi32, #tpu.memory_space<hbm>>
    tpu.enqueue_dma source(%dma_start3A_13 : memref<64xi32, #tpu.memory_space<hbm>>) target(%arg9 : memref<64xi32, #tpu.memory_space<vmem>>) target_semaphore(%arg12 : memref<!tpu.dma_semaphore, #tpu.memory_space<semaphore_mem>>)
    %dma_wait3A = tpu.memref_slice %arg3[%mul3A_2] : memref<4096xi32, #tpu.memory_space<hbm>> -> memref<64xi32, #tpu.memory_space<hbm>>
    %dma_wait3A_14 = tpu.memref_slice %arg3[%mul3A_2] : memref<4096xi32, #tpu.memory_space<hbm>> -> memref<64xi32, #tpu.memory_space<hbm>>
    tpu.wait_dma2 semaphore(%arg12 : memref<!tpu.dma_semaphore, #tpu.memory_space<semaphore_mem>>) src(%dma_wait3A_14 : memref<64xi32, #tpu.memory_space<hbm>>) dst(%arg6 : memref<64xi32, #tpu.memory_space<vmem>>)
    %dma_wait3A_15 = tpu.memref_slice %arg3[%add3A_5] : memref<4096xi32, #tpu.memory_space<hbm>> -> memref<64xi32, #tpu.memory_space<hbm>>
    %dma_wait3A_16 = tpu.memref_slice %arg3[%add3A_5] : memref<4096xi32, #tpu.memory_space<hbm>> -> memref<64xi32, #tpu.memory_space<hbm>>
    tpu.wait_dma2 semaphore(%arg12 : memref<!tpu.dma_semaphore, #tpu.memory_space<semaphore_mem>>) src(%dma_wait3A_16 : memref<64xi32, #tpu.memory_space<hbm>>) dst(%arg7 : memref<64xi32, #tpu.memory_space<vmem>>)
    %dma_wait3A_17 = tpu.memref_slice %arg4[%mul3A_2] : memref<4096xi32, #tpu.memory_space<hbm>> -> memref<64xi32, #tpu.memory_space<hbm>>
    %dma_wait3A_18 = tpu.memref_slice %arg4[%mul3A_2] : memref<4096xi32, #tpu.memory_space<hbm>> -> memref<64xi32, #tpu.memory_space<hbm>>
    tpu.wait_dma2 semaphore(%arg12 : memref<!tpu.dma_semaphore, #tpu.memory_space<semaphore_mem>>) src(%dma_wait3A_18 : memref<64xi32, #tpu.memory_space<hbm>>) dst(%arg8 : memref<64xi32, #tpu.memory_space<vmem>>)
    %dma_wait3A_19 = tpu.memref_slice %arg4[%add3A_11] : memref<4096xi32, #tpu.memory_space<hbm>> -> memref<64xi32, #tpu.memory_space<hbm>>
    %dma_wait3A_20 = tpu.memref_slice %arg4[%add3A_11] : memref<4096xi32, #tpu.memory_space<hbm>> -> memref<64xi32, #tpu.memory_space<hbm>>
    tpu.wait_dma2 semaphore(%arg12 : memref<!tpu.dma_semaphore, #tpu.memory_space<semaphore_mem>>) src(%dma_wait3A_20 : memref<64xi32, #tpu.memory_space<hbm>>) dst(%arg9 : memref<64xi32, #tpu.memory_space<vmem>>)
    %dma_start3A_21 = arith.constant 0 : i32
    %dma_start3A_22 = arith.constant 0 : i32
    %dma_start3A_23 = tpu.memref_slice %arg2[%dma_start3A_21, %dma_start3A_22] : memref<2048x768xf32, #tpu.memory_space<hbm>> -> memref<2048x768xf32, #tpu.memory_space<hbm>>
    tpu.enqueue_indirect_dma source(%dma_start3A_23 : memref<2048x768xf32, #tpu.memory_space<hbm>>) target(%arg10 : memref<64x768xf32, #tpu.memory_space<vmem>>) offsets(%arg6 : memref<64xi32, #tpu.memory_space<vmem>>) semaphore(%arg13 : memref<!tpu.dma_semaphore, #tpu.memory_space<semaphore_mem>>)
    %dma_start3A_24 = arith.constant 0 : i32
    %dma_start3A_25 = arith.constant 0 : i32
    %dma_start3A_26 = tpu.memref_slice %arg2[%dma_start3A_24, %dma_start3A_25] : memref<2048x768xf32, #tpu.memory_space<hbm>> -> memref<2048x768xf32, #tpu.memory_space<hbm>>
    tpu.enqueue_indirect_dma source(%dma_start3A_26 : memref<2048x768xf32, #tpu.memory_space<hbm>>) target(%arg11 : memref<64x768xf32, #tpu.memory_space<vmem>>) offsets(%arg7 : memref<64xi32, #tpu.memory_space<vmem>>) semaphore(%arg14 : memref<!tpu.dma_semaphore, #tpu.memory_space<semaphore_mem>>)
    %dma_wait3A_27 = arith.constant 0 : i32
    %dma_wait3A_28 = arith.constant 0 : i32
    %dma_wait3A_29 = tpu.memref_slice %arg2[%dma_wait3A_27, %dma_wait3A_28] : memref<2048x768xf32, #tpu.memory_space<hbm>> -> memref<2048x768xf32, #tpu.memory_space<hbm>>
    tpu.wait_indirect_dma semaphore(%arg13 : memref<!tpu.dma_semaphore, #tpu.memory_space<semaphore_mem>>) src(%dma_wait3A_29 : memref<2048x768xf32, #tpu.memory_space<hbm>>) dst(%arg10 : memref<64x768xf32, #tpu.memory_space<vmem>>)
    %dma_start3A_30 = arith.constant 0 : i32
    %dma_start3A_31 = arith.constant 0 : i32
    %dma_start3A_32 = tpu.memref_slice %arg5[%dma_start3A_30, %dma_start3A_31] : memref<12160x768xf32, #tpu.memory_space<hbm>> -> memref<12160x768xf32, #tpu.memory_space<hbm>>
    tpu.enqueue_indirect_dma source(%arg10 : memref<64x768xf32, #tpu.memory_space<vmem>>) target(%dma_start3A_32 : memref<12160x768xf32, #tpu.memory_space<hbm>>) offsets(%arg8 : memref<64xi32, #tpu.memory_space<vmem>>) semaphore(%arg15 : memref<!tpu.dma_semaphore, #tpu.memory_space<semaphore_mem>>)
    %dma_wait3A_33 = arith.constant 0 : i32
    %dma_wait3A_34 = arith.constant 0 : i32
    %dma_wait3A_35 = tpu.memref_slice %arg2[%dma_wait3A_33, %dma_wait3A_34] : memref<2048x768xf32, #tpu.memory_space<hbm>> -> memref<2048x768xf32, #tpu.memory_space<hbm>>
    tpu.wait_indirect_dma semaphore(%arg14 : memref<!tpu.dma_semaphore, #tpu.memory_space<semaphore_mem>>) src(%dma_wait3A_35 : memref<2048x768xf32, #tpu.memory_space<hbm>>) dst(%arg11 : memref<64x768xf32, #tpu.memory_space<vmem>>)
    %dma_start3A_36 = arith.constant 0 : i32
    %dma_start3A_37 = arith.constant 0 : i32
    %dma_start3A_38 = tpu.memref_slice %arg5[%dma_start3A_36, %dma_start3A_37] : memref<12160x768xf32, #tpu.memory_space<hbm>> -> memref<12160x768xf32, #tpu.memory_space<hbm>>
    tpu.enqueue_indirect_dma source(%arg11 : memref<64x768xf32, #tpu.memory_space<vmem>>) target(%dma_start3A_38 : memref<12160x768xf32, #tpu.memory_space<hbm>>) offsets(%arg9 : memref<64xi32, #tpu.memory_space<vmem>>) semaphore(%arg15 : memref<!tpu.dma_semaphore, #tpu.memory_space<semaphore_mem>>)
    %dma_wait3A_39 = arith.constant 0 : i32
    %dma_wait3A_40 = arith.constant 0 : i32
    %dma_wait3A_41 = tpu.memref_slice %arg5[%dma_wait3A_39, %dma_wait3A_40] : memref<12160x768xf32, #tpu.memory_space<hbm>> -> memref<12160x768xf32, #tpu.memory_space<hbm>>
    tpu.wait_indirect_dma semaphore(%arg15 : memref<!tpu.dma_semaphore, #tpu.memory_space<semaphore_mem>>) src(%arg10 : memref<64x768xf32, #tpu.memory_space<vmem>>) dst(%dma_wait3A_41 : memref<12160x768xf32, #tpu.memory_space<hbm>>)
    %dma_wait3A_42 = arith.constant 0 : i32
    %dma_wait3A_43 = arith.constant 0 : i32
    %dma_wait3A_44 = tpu.memref_slice %arg5[%dma_wait3A_42, %dma_wait3A_43] : memref<12160x768xf32, #tpu.memory_space<hbm>> -> memref<12160x768xf32, #tpu.memory_space<hbm>>
    tpu.wait_indirect_dma semaphore(%arg15 : memref<!tpu.dma_semaphore, #tpu.memory_space<semaphore_mem>>) src(%arg11 : memref<64x768xf32, #tpu.memory_space<vmem>>) dst(%dma_wait3A_44 : memref<12160x768xf32, #tpu.memory_space<hbm>>)
    return
  }
}

#map = affine_map<(d0, d1) -> (0, 0)>
#map1 = affine_map<(d0, d1) -> (0)>
module attributes {stable_mosaic.version = 14 : i64} {
  func.func @_sc_combine_body(%arg0: i32, %arg1: i32, %arg2: memref<12288x768xf32, #tpu.memory_space<hbm>>, %arg3: memref<2048xi32, #tpu.memory_space<hbm>>, %arg4: memref<2048xi32, #tpu.memory_space<hbm>>, %arg5: memref<2048x32xf32, #tpu.memory_space<hbm>>, %arg6: memref<2048x768xf32, #tpu.memory_space<hbm>>, %arg7: memref<64xi32, #tpu.memory_space<vmem>>, %arg8: memref<64xi32, #tpu.memory_space<vmem>>, %arg9: memref<64x768xf32, #tpu.memory_space<vmem>>, %arg10: memref<64x768xf32, #tpu.memory_space<vmem>>, %arg11: memref<64x32xf32, #tpu.memory_space<vmem>>, %arg12: memref<!tpu.dma_semaphore, #tpu.memory_space<semaphore_mem>>, %arg13: memref<!tpu.dma_semaphore, #tpu.memory_space<semaphore_mem>>, %arg14: memref<!tpu.dma_semaphore, #tpu.memory_space<semaphore_mem>>, %arg15: memref<!tpu.dma_semaphore, #tpu.memory_space<semaphore_mem>>) attributes {dimension_semantics = [#tpu.dimension_semantics<core_parallel>, #tpu.dimension_semantics<subcore_parallel>], iteration_bounds = array<i64: 2, 16>, scalar_prefetch = 0 : i64, scratch_operands = 9 : i64, tpu.core_type = #tpu.core_type<sc_vector_subcore>, window_params = [{transform_indices = #map}, {transform_indices = #map1}, {transform_indices = #map1}, {transform_indices = #map}, {transform_indices = #map}]} {
    %mul3A = arith.constant 2 : i32
    %mul3A_0 = arith.muli %arg1, %mul3A : i32
    %add3A = arith.addi %mul3A_0, %arg0 : i32
    %mul3A_1 = arith.constant 64 : i32
    %mul3A_2 = arith.muli %add3A, %mul3A_1 : i32
    %dma_start3A = tpu.memref_slice %arg3[%mul3A_2] : memref<2048xi32, #tpu.memory_space<hbm>> -> memref<64xi32, #tpu.memory_space<hbm>>
    %dma_start3A_3 = tpu.memref_slice %arg3[%mul3A_2] : memref<2048xi32, #tpu.memory_space<hbm>> -> memref<64xi32, #tpu.memory_space<hbm>>
    tpu.enqueue_dma source(%dma_start3A_3 : memref<64xi32, #tpu.memory_space<hbm>>) target(%arg7 : memref<64xi32, #tpu.memory_space<vmem>>) target_semaphore(%arg12 : memref<!tpu.dma_semaphore, #tpu.memory_space<semaphore_mem>>)
    %dma_start3A_4 = tpu.memref_slice %arg4[%mul3A_2] : memref<2048xi32, #tpu.memory_space<hbm>> -> memref<64xi32, #tpu.memory_space<hbm>>
    %dma_start3A_5 = tpu.memref_slice %arg4[%mul3A_2] : memref<2048xi32, #tpu.memory_space<hbm>> -> memref<64xi32, #tpu.memory_space<hbm>>
    tpu.enqueue_dma source(%dma_start3A_5 : memref<64xi32, #tpu.memory_space<hbm>>) target(%arg8 : memref<64xi32, #tpu.memory_space<vmem>>) target_semaphore(%arg12 : memref<!tpu.dma_semaphore, #tpu.memory_space<semaphore_mem>>)
    %dma_start3A_6 = arith.constant 0 : i32
    %dma_start3A_7 = tpu.memref_slice %arg5[%mul3A_2, %dma_start3A_6] : memref<2048x32xf32, #tpu.memory_space<hbm>> -> memref<64x32xf32, #tpu.memory_space<hbm>>
    %dma_start3A_8 = arith.constant 0 : i32
    %dma_start3A_9 = tpu.memref_slice %arg5[%mul3A_2, %dma_start3A_8] : memref<2048x32xf32, #tpu.memory_space<hbm>> -> memref<64x32xf32, #tpu.memory_space<hbm>>
    tpu.enqueue_dma source(%dma_start3A_9 : memref<64x32xf32, #tpu.memory_space<hbm>>) target(%arg11 : memref<64x32xf32, #tpu.memory_space<vmem>>) target_semaphore(%arg12 : memref<!tpu.dma_semaphore, #tpu.memory_space<semaphore_mem>>)
    %dma_wait3A = tpu.memref_slice %arg3[%mul3A_2] : memref<2048xi32, #tpu.memory_space<hbm>> -> memref<64xi32, #tpu.memory_space<hbm>>
    %dma_wait3A_10 = tpu.memref_slice %arg3[%mul3A_2] : memref<2048xi32, #tpu.memory_space<hbm>> -> memref<64xi32, #tpu.memory_space<hbm>>
    tpu.wait_dma2 semaphore(%arg12 : memref<!tpu.dma_semaphore, #tpu.memory_space<semaphore_mem>>) src(%dma_wait3A_10 : memref<64xi32, #tpu.memory_space<hbm>>) dst(%arg7 : memref<64xi32, #tpu.memory_space<vmem>>)
    %dma_wait3A_11 = tpu.memref_slice %arg4[%mul3A_2] : memref<2048xi32, #tpu.memory_space<hbm>> -> memref<64xi32, #tpu.memory_space<hbm>>
    %dma_wait3A_12 = tpu.memref_slice %arg4[%mul3A_2] : memref<2048xi32, #tpu.memory_space<hbm>> -> memref<64xi32, #tpu.memory_space<hbm>>
    tpu.wait_dma2 semaphore(%arg12 : memref<!tpu.dma_semaphore, #tpu.memory_space<semaphore_mem>>) src(%dma_wait3A_12 : memref<64xi32, #tpu.memory_space<hbm>>) dst(%arg8 : memref<64xi32, #tpu.memory_space<vmem>>)
    %dma_wait3A_13 = arith.constant 0 : i32
    %dma_wait3A_14 = tpu.memref_slice %arg5[%mul3A_2, %dma_wait3A_13] : memref<2048x32xf32, #tpu.memory_space<hbm>> -> memref<64x32xf32, #tpu.memory_space<hbm>>
    %dma_wait3A_15 = arith.constant 0 : i32
    %dma_wait3A_16 = tpu.memref_slice %arg5[%mul3A_2, %dma_wait3A_15] : memref<2048x32xf32, #tpu.memory_space<hbm>> -> memref<64x32xf32, #tpu.memory_space<hbm>>
    tpu.wait_dma2 semaphore(%arg12 : memref<!tpu.dma_semaphore, #tpu.memory_space<semaphore_mem>>) src(%dma_wait3A_16 : memref<64x32xf32, #tpu.memory_space<hbm>>) dst(%arg11 : memref<64x32xf32, #tpu.memory_space<vmem>>)
    %dma_start3A_17 = arith.constant 0 : i32
    %dma_start3A_18 = arith.constant 0 : i32
    %dma_start3A_19 = tpu.memref_slice %arg9[%dma_start3A_17, %dma_start3A_18] : memref<64x768xf32, #tpu.memory_space<vmem>> -> memref<32x768xf32, #tpu.memory_space<vmem>>
    %dma_start3A_20 = arith.constant 0 : i32
    %dma_start3A_21 = tpu.memref_slice %arg7[%dma_start3A_20] : memref<64xi32, #tpu.memory_space<vmem>> -> memref<32xi32, #tpu.memory_space<vmem>>
    %dma_start3A_22 = arith.constant 0 : i32
    %dma_start3A_23 = arith.constant 0 : i32
    %dma_start3A_24 = tpu.memref_slice %arg2[%dma_start3A_22, %dma_start3A_23] : memref<12288x768xf32, #tpu.memory_space<hbm>> -> memref<12288x768xf32, #tpu.memory_space<hbm>>
    tpu.enqueue_indirect_dma source(%dma_start3A_24 : memref<12288x768xf32, #tpu.memory_space<hbm>>) target(%dma_start3A_19 : memref<32x768xf32, #tpu.memory_space<vmem>>) offsets(%dma_start3A_21 : memref<32xi32, #tpu.memory_space<vmem>>) semaphore(%arg13 : memref<!tpu.dma_semaphore, #tpu.memory_space<semaphore_mem>>)
    %dma_start3A_25 = arith.constant 0 : i32
    %dma_start3A_26 = arith.constant 0 : i32
    %dma_start3A_27 = tpu.memref_slice %arg10[%dma_start3A_25, %dma_start3A_26] : memref<64x768xf32, #tpu.memory_space<vmem>> -> memref<32x768xf32, #tpu.memory_space<vmem>>
    %dma_start3A_28 = arith.constant 0 : i32
    %dma_start3A_29 = tpu.memref_slice %arg8[%dma_start3A_28] : memref<64xi32, #tpu.memory_space<vmem>> -> memref<32xi32, #tpu.memory_space<vmem>>
    %dma_start3A_30 = arith.constant 0 : i32
    %dma_start3A_31 = arith.constant 0 : i32
    %dma_start3A_32 = tpu.memref_slice %arg2[%dma_start3A_30, %dma_start3A_31] : memref<12288x768xf32, #tpu.memory_space<hbm>> -> memref<12288x768xf32, #tpu.memory_space<hbm>>
    tpu.enqueue_indirect_dma source(%dma_start3A_32 : memref<12288x768xf32, #tpu.memory_space<hbm>>) target(%dma_start3A_27 : memref<32x768xf32, #tpu.memory_space<vmem>>) offsets(%dma_start3A_29 : memref<32xi32, #tpu.memory_space<vmem>>) semaphore(%arg13 : memref<!tpu.dma_semaphore, #tpu.memory_space<semaphore_mem>>)
    %dma_start3A_33 = arith.constant 32 : i32
    %dma_start3A_34 = arith.constant 0 : i32
    %dma_start3A_35 = tpu.memref_slice %arg9[%dma_start3A_33, %dma_start3A_34] : memref<64x768xf32, #tpu.memory_space<vmem>> -> memref<32x768xf32, #tpu.memory_space<vmem>>
    %dma_start3A_36 = arith.constant 32 : i32
    %dma_start3A_37 = tpu.memref_slice %arg7[%dma_start3A_36] : memref<64xi32, #tpu.memory_space<vmem>> -> memref<32xi32, #tpu.memory_space<vmem>>
    %dma_start3A_38 = arith.constant 0 : i32
    %dma_start3A_39 = arith.constant 0 : i32
    %dma_start3A_40 = tpu.memref_slice %arg2[%dma_start3A_38, %dma_start3A_39] : memref<12288x768xf32, #tpu.memory_space<hbm>> -> memref<12288x768xf32, #tpu.memory_space<hbm>>
    tpu.enqueue_indirect_dma source(%dma_start3A_40 : memref<12288x768xf32, #tpu.memory_space<hbm>>) target(%dma_start3A_35 : memref<32x768xf32, #tpu.memory_space<vmem>>) offsets(%dma_start3A_37 : memref<32xi32, #tpu.memory_space<vmem>>) semaphore(%arg14 : memref<!tpu.dma_semaphore, #tpu.memory_space<semaphore_mem>>)
    %dma_start3A_41 = arith.constant 32 : i32
    %dma_start3A_42 = arith.constant 0 : i32
    %dma_start3A_43 = tpu.memref_slice %arg10[%dma_start3A_41, %dma_start3A_42] : memref<64x768xf32, #tpu.memory_space<vmem>> -> memref<32x768xf32, #tpu.memory_space<vmem>>
    %dma_start3A_44 = arith.constant 32 : i32
    %dma_start3A_45 = tpu.memref_slice %arg8[%dma_start3A_44] : memref<64xi32, #tpu.memory_space<vmem>> -> memref<32xi32, #tpu.memory_space<vmem>>
    %dma_start3A_46 = arith.constant 0 : i32
    %dma_start3A_47 = arith.constant 0 : i32
    %dma_start3A_48 = tpu.memref_slice %arg2[%dma_start3A_46, %dma_start3A_47] : memref<12288x768xf32, #tpu.memory_space<hbm>> -> memref<12288x768xf32, #tpu.memory_space<hbm>>
    tpu.enqueue_indirect_dma source(%dma_start3A_48 : memref<12288x768xf32, #tpu.memory_space<hbm>>) target(%dma_start3A_43 : memref<32x768xf32, #tpu.memory_space<vmem>>) offsets(%dma_start3A_45 : memref<32xi32, #tpu.memory_space<vmem>>) semaphore(%arg14 : memref<!tpu.dma_semaphore, #tpu.memory_space<semaphore_mem>>)
    %dma_wait3A_49 = arith.constant 0 : i32
    %dma_wait3A_50 = arith.constant 0 : i32
    %dma_wait3A_51 = tpu.memref_slice %arg9[%dma_wait3A_49, %dma_wait3A_50] : memref<64x768xf32, #tpu.memory_space<vmem>> -> memref<32x768xf32, #tpu.memory_space<vmem>>
    %dma_wait3A_52 = arith.constant 0 : i32
    %dma_wait3A_53 = tpu.memref_slice %arg7[%dma_wait3A_52] : memref<64xi32, #tpu.memory_space<vmem>> -> memref<32xi32, #tpu.memory_space<vmem>>
    %dma_wait3A_54 = arith.constant 0 : i32
    %dma_wait3A_55 = arith.constant 0 : i32
    %dma_wait3A_56 = tpu.memref_slice %arg2[%dma_wait3A_54, %dma_wait3A_55] : memref<12288x768xf32, #tpu.memory_space<hbm>> -> memref<12288x768xf32, #tpu.memory_space<hbm>>
    tpu.wait_indirect_dma semaphore(%arg13 : memref<!tpu.dma_semaphore, #tpu.memory_space<semaphore_mem>>) src(%dma_wait3A_56 : memref<12288x768xf32, #tpu.memory_space<hbm>>) dst(%dma_wait3A_51 : memref<32x768xf32, #tpu.memory_space<vmem>>)
    %dma_wait3A_57 = arith.constant 0 : i32
    %dma_wait3A_58 = arith.constant 0 : i32
    %dma_wait3A_59 = tpu.memref_slice %arg10[%dma_wait3A_57, %dma_wait3A_58] : memref<64x768xf32, #tpu.memory_space<vmem>> -> memref<32x768xf32, #tpu.memory_space<vmem>>
    %dma_wait3A_60 = arith.constant 0 : i32
    %dma_wait3A_61 = tpu.memref_slice %arg8[%dma_wait3A_60] : memref<64xi32, #tpu.memory_space<vmem>> -> memref<32xi32, #tpu.memory_space<vmem>>
    %dma_wait3A_62 = arith.constant 0 : i32
    %dma_wait3A_63 = arith.constant 0 : i32
    %dma_wait3A_64 = tpu.memref_slice %arg2[%dma_wait3A_62, %dma_wait3A_63] : memref<12288x768xf32, #tpu.memory_space<hbm>> -> memref<12288x768xf32, #tpu.memory_space<hbm>>
    tpu.wait_indirect_dma semaphore(%arg13 : memref<!tpu.dma_semaphore, #tpu.memory_space<semaphore_mem>>) src(%dma_wait3A_64 : memref<12288x768xf32, #tpu.memory_space<hbm>>) dst(%dma_wait3A_59 : memref<32x768xf32, #tpu.memory_space<vmem>>)
    %scan3A = arith.constant 0 : i32
    %scan3A_65 = arith.constant 0 : i32
    %scan3A_66 = arith.constant 32 : i32
    %scan3A_67 = arith.addi %scan3A_65, %scan3A_66 : i32
    %scan3A_68 = arith.constant 1 : i32
    scf.for %scan3A_134 = %scan3A_65 to %scan3A_67 step %scan3A_68  : i32 {
      %get3A = arith.index_cast %scan3A_134 : i32 to index
      %get3A_135 = arith.constant 0 : index
      %get3A_136 = tpu.vector_load %arg11[%get3A, %get3A_135] {strides = array<i32>} : memref<64x32xf32, #tpu.memory_space<vmem>>, vector<1x16xf32>,
      %get3A_137 = vector.shape_cast %get3A_136 : vector<1x16xf32> to vector<16xf32>
      %get3A_138 = arith.index_cast %scan3A_134 : i32 to index
      %get3A_139 = arith.constant 16 : index
      %get3A_140 = tpu.vector_load %arg11[%get3A_138, %get3A_139] {strides = array<i32>} : memref<64x32xf32, #tpu.memory_space<vmem>>, vector<1x16xf32>,
      %get3A_141 = vector.shape_cast %get3A_140 : vector<1x16xf32> to vector<16xf32>
      %get3A_142 = arith.index_cast %scan3A_134 : i32 to index
      %get3A_143 = arith.constant 0 : index
      %get3A_144 = tpu.vector_load %arg9[%get3A_142, %get3A_143] {strides = array<i32>} : memref<64x768xf32, #tpu.memory_space<vmem>>, vector<1x16xf32>,
      %get3A_145 = vector.shape_cast %get3A_144 : vector<1x16xf32> to vector<16xf32>
      %get3A_146 = arith.index_cast %scan3A_134 : i32 to index
      %get3A_147 = arith.constant 0 : index
      %get3A_148 = tpu.vector_load %arg10[%get3A_146, %get3A_147] {strides = array<i32>} : memref<64x768xf32, #tpu.memory_space<vmem>>, vector<1x16xf32>,
      %get3A_149 = vector.shape_cast %get3A_148 : vector<1x16xf32> to vector<16xf32>
      %mul3A_150 = arith.mulf %get3A_137, %get3A_145 : vector<16xf32>
      %mul3A_151 = arith.mulf %get3A_141, %get3A_149 : vector<16xf32>
      %add3A_152 = arith.addf %mul3A_150, %mul3A_151 : vector<16xf32>
      %swap3A = arith.index_cast %scan3A_134 : i32 to index
      %swap3A_153 = arith.constant 0 : index
      %swap3A_154 = tpu.vector_load %arg9[%swap3A, %swap3A_153] {strides = array<i32>} : memref<64x768xf32, #tpu.memory_space<vmem>>, vector<1x16xf32>,
      %swap3A_155 = vector.shape_cast %swap3A_154 : vector<1x16xf32> to vector<16xf32>
      %swap3A_156 = vector.shape_cast %add3A_152 : vector<16xf32> to vector<1x16xf32>
      tpu.vector_store %arg9[%swap3A, %swap3A_153], %swap3A_156 {strides = array<i32>} : memref<64x768xf32, #tpu.memory_space<vmem>>, vector<1x16xf32>,
      %get3A_157 = arith.index_cast %scan3A_134 : i32 to index
      %get3A_158 = arith.constant 16 : index
      %get3A_159 = tpu.vector_load %arg9[%get3A_157, %get3A_158] {strides = array<i32>} : memref<64x768xf32, #tpu.memory_space<vmem>>, vector<1x16xf32>,
      %get3A_160 = vector.shape_cast %get3A_159 : vector<1x16xf32> to vector<16xf32>
      %get3A_161 = arith.index_cast %scan3A_134 : i32 to index
      %get3A_162 = arith.constant 16 : index
      %get3A_163 = tpu.vector_load %arg10[%get3A_161, %get3A_162] {strides = array<i32>} : memref<64x768xf32, #tpu.memory_space<vmem>>, vector<1x16xf32>,
      %get3A_164 = vector.shape_cast %get3A_163 : vector<1x16xf32> to vector<16xf32>
      %mul3A_165 = arith.mulf %get3A_137, %get3A_160 : vector<16xf32>
      %mul3A_166 = arith.mulf %get3A_141, %get3A_164 : vector<16xf32>
      %add3A_167 = arith.addf %mul3A_165, %mul3A_166 : vector<16xf32>
      %swap3A_168 = arith.index_cast %scan3A_134 : i32 to index
      %swap3A_169 = arith.constant 16 : index
      %swap3A_170 = tpu.vector_load %arg9[%swap3A_168, %swap3A_169] {strides = array<i32>} : memref<64x768xf32, #tpu.memory_space<vmem>>, vector<1x16xf32>,
      %swap3A_171 = vector.shape_cast %swap3A_170 : vector<1x16xf32> to vector<16xf32>
      %swap3A_172 = vector.shape_cast %add3A_167 : vector<16xf32> to vector<1x16xf32>
      tpu.vector_store %arg9[%swap3A_168, %swap3A_169], %swap3A_172 {strides = array<i32>} : memref<64x768xf32, #tpu.memory_space<vmem>>, vector<1x16xf32>,
      %get3A_173 = arith.index_cast %scan3A_134 : i32 to index
      %get3A_174 = arith.constant 32 : index
      %get3A_175 = tpu.vector_load %arg9[%get3A_173, %get3A_174] {strides = array<i32>} : memref<64x768xf32, #tpu.memory_space<vmem>>, vector<1x16xf32>,
      %get3A_176 = vector.shape_cast %get3A_175 : vector<1x16xf32> to vector<16xf32>
      %get3A_177 = arith.index_cast %scan3A_134 : i32 to index
      %get3A_178 = arith.constant 32 : index
      %get3A_179 = tpu.vector_load %arg10[%get3A_177, %get3A_178] {strides = array<i32>} : memref<64x768xf32, #tpu.memory_space<vmem>>, vector<1x16xf32>,
      %get3A_180 = vector.shape_cast %get3A_179 : vector<1x16xf32> to vector<16xf32>
      %mul3A_181 = arith.mulf %get3A_137, %get3A_176 : vector<16xf32>
      %mul3A_182 = arith.mulf %get3A_141, %get3A_180 : vector<16xf32>
      %add3A_183 = arith.addf %mul3A_181, %mul3A_182 : vector<16xf32>
      %swap3A_184 = arith.index_cast %scan3A_134 : i32 to index
      %swap3A_185 = arith.constant 32 : index
      %swap3A_186 = tpu.vector_load %arg9[%swap3A_184, %swap3A_185] {strides = array<i32>} : memref<64x768xf32, #tpu.memory_space<vmem>>, vector<1x16xf32>,
      %swap3A_187 = vector.shape_cast %swap3A_186 : vector<1x16xf32> to vector<16xf32>
      %swap3A_188 = vector.shape_cast %add3A_183 : vector<16xf32> to vector<1x16xf32>
      tpu.vector_store %arg9[%swap3A_184, %swap3A_185], %swap3A_188 {strides = array<i32>} : memref<64x768xf32, #tpu.memory_space<vmem>>, vector<1x16xf32>,
      %get3A_189 = arith.index_cast %scan3A_134 : i32 to index
      %get3A_190 = arith.constant 48 : index
      %get3A_191 = tpu.vector_load %arg9[%get3A_189, %get3A_190] {strides = array<i32>} : memref<64x768xf32, #tpu.memory_space<vmem>>, vector<1x16xf32>,
      %get3A_192 = vector.shape_cast %get3A_191 : vector<1x16xf32> to vector<16xf32>
      %get3A_193 = arith.index_cast %scan3A_134 : i32 to index
      %get3A_194 = arith.constant 48 : index
      %get3A_195 = tpu.vector_load %arg10[%get3A_193, %get3A_194] {strides = array<i32>} : memref<64x768xf32, #tpu.memory_space<vmem>>, vector<1x16xf32>,
      %get3A_196 = vector.shape_cast %get3A_195 : vector<1x16xf32> to vector<16xf32>
      %mul3A_197 = arith.mulf %get3A_137, %get3A_192 : vector<16xf32>
      %mul3A_198 = arith.mulf %get3A_141, %get3A_196 : vector<16xf32>
      %add3A_199 = arith.addf %mul3A_197, %mul3A_198 : vector<16xf32>
      %swap3A_200 = arith.index_cast %scan3A_134 : i32 to index
      %swap3A_201 = arith.constant 48 : index
      %swap3A_202 = tpu.vector_load %arg9[%swap3A_200, %swap3A_201] {strides = array<i32>} : memref<64x768xf32, #tpu.memory_space<vmem>>, vector<1x16xf32>,
      %swap3A_203 = vector.shape_cast %swap3A_202 : vector<1x16xf32> to vector<16xf32>
      %swap3A_204 = vector.shape_cast %add3A_199 : vector<16xf32> to vector<1x16xf32>
      tpu.vector_store %arg9[%swap3A_200, %swap3A_201], %swap3A_204 {strides = array<i32>} : memref<64x768xf32, #tpu.memory_space<vmem>>, vector<1x16xf32>,
      %get3A_205 = arith.index_cast %scan3A_134 : i32 to index
      %get3A_206 = arith.constant 64 : index
      %get3A_207 = tpu.vector_load %arg9[%get3A_205, %get3A_206] {strides = array<i32>} : memref<64x768xf32, #tpu.memory_space<vmem>>, vector<1x16xf32>,
      %get3A_208 = vector.shape_cast %get3A_207 : vector<1x16xf32> to vector<16xf32>
      %get3A_209 = arith.index_cast %scan3A_134 : i32 to index
      %get3A_210 = arith.constant 64 : index
      %get3A_211 = tpu.vector_load %arg10[%get3A_209, %get3A_210] {strides = array<i32>} : memref<64x768xf32, #tpu.memory_space<vmem>>, vector<1x16xf32>,
      %get3A_212 = vector.shape_cast %get3A_211 : vector<1x16xf32> to vector<16xf32>
      %mul3A_213 = arith.mulf %get3A_137, %get3A_208 : vector<16xf32>
      %mul3A_214 = arith.mulf %get3A_141, %get3A_212 : vector<16xf32>
      %add3A_215 = arith.addf %mul3A_213, %mul3A_214 : vector<16xf32>
      %swap3A_216 = arith.index_cast %scan3A_134 : i32 to index
      %swap3A_217 = arith.constant 64 : index
      %swap3A_218 = tpu.vector_load %arg9[%swap3A_216, %swap3A_217] {strides = array<i32>} : memref<64x768xf32, #tpu.memory_space<vmem>>, vector<1x16xf32>,
      %swap3A_219 = vector.shape_cast %swap3A_218 : vector<1x16xf32> to vector<16xf32>
      %swap3A_220 = vector.shape_cast %add3A_215 : vector<16xf32> to vector<1x16xf32>
      tpu.vector_store %arg9[%swap3A_216, %swap3A_217], %swap3A_220 {strides = array<i32>} : memref<64x768xf32, #tpu.memory_space<vmem>>, vector<1x16xf32>,
      %get3A_221 = arith.index_cast %scan3A_134 : i32 to index
      %get3A_222 = arith.constant 80 : index
      %get3A_223 = tpu.vector_load %arg9[%get3A_221, %get3A_222] {strides = array<i32>} : memref<64x768xf32, #tpu.memory_space<vmem>>, vector<1x16xf32>,
      %get3A_224 = vector.shape_cast %get3A_223 : vector<1x16xf32> to vector<16xf32>
      %get3A_225 = arith.index_cast %scan3A_134 : i32 to index
      %get3A_226 = arith.constant 80 : index
      %get3A_227 = tpu.vector_load %arg10[%get3A_225, %get3A_226] {strides = array<i32>} : memref<64x768xf32, #tpu.memory_space<vmem>>, vector<1x16xf32>,
      %get3A_228 = vector.shape_cast %get3A_227 : vector<1x16xf32> to vector<16xf32>
      %mul3A_229 = arith.mulf %get3A_137, %get3A_224 : vector<16xf32>
      %mul3A_230 = arith.mulf %get3A_141, %get3A_228 : vector<16xf32>
      %add3A_231 = arith.addf %mul3A_229, %mul3A_230 : vector<16xf32>
      %swap3A_232 = arith.index_cast %scan3A_134 : i32 to index
      %swap3A_233 = arith.constant 80 : index
      %swap3A_234 = tpu.vector_load %arg9[%swap3A_232, %swap3A_233] {strides = array<i32>} : memref<64x768xf32, #tpu.memory_space<vmem>>, vector<1x16xf32>,
      %swap3A_235 = vector.shape_cast %swap3A_234 : vector<1x16xf32> to vector<16xf32>
      %swap3A_236 = vector.shape_cast %add3A_231 : vector<16xf32> to vector<1x16xf32>
      tpu.vector_store %arg9[%swap3A_232, %swap3A_233], %swap3A_236 {strides = array<i32>} : memref<64x768xf32, #tpu.memory_space<vmem>>, vector<1x16xf32>,
      %get3A_237 = arith.index_cast %scan3A_134 : i32 to index
      %get3A_238 = arith.constant 96 : index
      %get3A_239 = tpu.vector_load %arg9[%get3A_237, %get3A_238] {strides = array<i32>} : memref<64x768xf32, #tpu.memory_space<vmem>>, vector<1x16xf32>,
      %get3A_240 = vector.shape_cast %get3A_239 : vector<1x16xf32> to vector<16xf32>
      %get3A_241 = arith.index_cast %scan3A_134 : i32 to index
      %get3A_242 = arith.constant 96 : index
      %get3A_243 = tpu.vector_load %arg10[%get3A_241, %get3A_242] {strides = array<i32>} : memref<64x768xf32, #tpu.memory_space<vmem>>, vector<1x16xf32>,
      %get3A_244 = vector.shape_cast %get3A_243 : vector<1x16xf32> to vector<16xf32>
      %mul3A_245 = arith.mulf %get3A_137, %get3A_240 : vector<16xf32>
      %mul3A_246 = arith.mulf %get3A_141, %get3A_244 : vector<16xf32>
      %add3A_247 = arith.addf %mul3A_245, %mul3A_246 : vector<16xf32>
      %swap3A_248 = arith.index_cast %scan3A_134 : i32 to index
      %swap3A_249 = arith.constant 96 : index
      %swap3A_250 = tpu.vector_load %arg9[%swap3A_248, %swap3A_249] {strides = array<i32>} : memref<64x768xf32, #tpu.memory_space<vmem>>, vector<1x16xf32>,
      %swap3A_251 = vector.shape_cast %swap3A_250 : vector<1x16xf32> to vector<16xf32>
      %swap3A_252 = vector.shape_cast %add3A_247 : vector<16xf32> to vector<1x16xf32>
      tpu.vector_store %arg9[%swap3A_248, %swap3A_249], %swap3A_252 {strides = array<i32>} : memref<64x768xf32, #tpu.memory_space<vmem>>, vector<1x16xf32>,
      %get3A_253 = arith.index_cast %scan3A_134 : i32 to index
      %get3A_254 = arith.constant 112 : index
      %get3A_255 = tpu.vector_load %arg9[%get3A_253, %get3A_254] {strides = array<i32>} : memref<64x768xf32, #tpu.memory_space<vmem>>, vector<1x16xf32>,
      %get3A_256 = vector.shape_cast %get3A_255 : vector<1x16xf32> to vector<16xf32>
      %get3A_257 = arith.index_cast %scan3A_134 : i32 to index
      %get3A_258 = arith.constant 112 : index
      %get3A_259 = tpu.vector_load %arg10[%get3A_257, %get3A_258] {strides = array<i32>} : memref<64x768xf32, #tpu.memory_space<vmem>>, vector<1x16xf32>,
      %get3A_260 = vector.shape_cast %get3A_259 : vector<1x16xf32> to vector<16xf32>
      %mul3A_261 = arith.mulf %get3A_137, %get3A_256 : vector<16xf32>
      %mul3A_262 = arith.mulf %get3A_141, %get3A_260 : vector<16xf32>
      %add3A_263 = arith.addf %mul3A_261, %mul3A_262 : vector<16xf32>
      %swap3A_264 = arith.index_cast %scan3A_134 : i32 to index
      %swap3A_265 = arith.constant 112 : index
      %swap3A_266 = tpu.vector_load %arg9[%swap3A_264, %swap3A_265] {strides = array<i32>} : memref<64x768xf32, #tpu.memory_space<vmem>>, vector<1x16xf32>,
      %swap3A_267 = vector.shape_cast %swap3A_266 : vector<1x16xf32> to vector<16xf32>
      %swap3A_268 = vector.shape_cast %add3A_263 : vector<16xf32> to vector<1x16xf32>
      tpu.vector_store %arg9[%swap3A_264, %swap3A_265], %swap3A_268 {strides = array<i32>} : memref<64x768xf32, #tpu.memory_space<vmem>>, vector<1x16xf32>,
      %get3A_269 = arith.index_cast %scan3A_134 : i32 to index
      %get3A_270 = arith.constant 128 : index
      %get3A_271 = tpu.vector_load %arg9[%get3A_269, %get3A_270] {strides = array<i32>} : memref<64x768xf32, #tpu.memory_space<vmem>>, vector<1x16xf32>,
      %get3A_272 = vector.shape_cast %get3A_271 : vector<1x16xf32> to vector<16xf32>
      %get3A_273 = arith.index_cast %scan3A_134 : i32 to index
      %get3A_274 = arith.constant 128 : index
      %get3A_275 = tpu.vector_load %arg10[%get3A_273, %get3A_274] {strides = array<i32>} : memref<64x768xf32, #tpu.memory_space<vmem>>, vector<1x16xf32>,
      %get3A_276 = vector.shape_cast %get3A_275 : vector<1x16xf32> to vector<16xf32>
      %mul3A_277 = arith.mulf %get3A_137, %get3A_272 : vector<16xf32>
      %mul3A_278 = arith.mulf %get3A_141, %get3A_276 : vector<16xf32>
      %add3A_279 = arith.addf %mul3A_277, %mul3A_278 : vector<16xf32>
      %swap3A_280 = arith.index_cast %scan3A_134 : i32 to index
      %swap3A_281 = arith.constant 128 : index
      %swap3A_282 = tpu.vector_load %arg9[%swap3A_280, %swap3A_281] {strides = array<i32>} : memref<64x768xf32, #tpu.memory_space<vmem>>, vector<1x16xf32>,
      %swap3A_283 = vector.shape_cast %swap3A_282 : vector<1x16xf32> to vector<16xf32>
      %swap3A_284 = vector.shape_cast %add3A_279 : vector<16xf32> to vector<1x16xf32>
      tpu.vector_store %arg9[%swap3A_280, %swap3A_281], %swap3A_284 {strides = array<i32>} : memref<64x768xf32, #tpu.memory_space<vmem>>, vector<1x16xf32>,
      %get3A_285 = arith.index_cast %scan3A_134 : i32 to index
      %get3A_286 = arith.constant 144 : index
      %get3A_287 = tpu.vector_load %arg9[%get3A_285, %get3A_286] {strides = array<i32>} : memref<64x768xf32, #tpu.memory_space<vmem>>, vector<1x16xf32>,
      %get3A_288 = vector.shape_cast %get3A_287 : vector<1x16xf32> to vector<16xf32>
      %get3A_289 = arith.index_cast %scan3A_134 : i32 to index
      %get3A_290 = arith.constant 144 : index
      %get3A_291 = tpu.vector_load %arg10[%get3A_289, %get3A_290] {strides = array<i32>} : memref<64x768xf32, #tpu.memory_space<vmem>>, vector<1x16xf32>,
      %get3A_292 = vector.shape_cast %get3A_291 : vector<1x16xf32> to vector<16xf32>
      %mul3A_293 = arith.mulf %get3A_137, %get3A_288 : vector<16xf32>
      %mul3A_294 = arith.mulf %get3A_141, %get3A_292 : vector<16xf32>
      %add3A_295 = arith.addf %mul3A_293, %mul3A_294 : vector<16xf32>
      %swap3A_296 = arith.index_cast %scan3A_134 : i32 to index
      %swap3A_297 = arith.constant 144 : index
      %swap3A_298 = tpu.vector_load %arg9[%swap3A_296, %swap3A_297] {strides = array<i32>} : memref<64x768xf32, #tpu.memory_space<vmem>>, vector<1x16xf32>,
      %swap3A_299 = vector.shape_cast %swap3A_298 : vector<1x16xf32> to vector<16xf32>
      %swap3A_300 = vector.shape_cast %add3A_295 : vector<16xf32> to vector<1x16xf32>
      tpu.vector_store %arg9[%swap3A_296, %swap3A_297], %swap3A_300 {strides = array<i32>} : memref<64x768xf32, #tpu.memory_space<vmem>>, vector<1x16xf32>,
      %get3A_301 = arith.index_cast %scan3A_134 : i32 to index
      %get3A_302 = arith.constant 160 : index
      %get3A_303 = tpu.vector_load %arg9[%get3A_301, %get3A_302] {strides = array<i32>} : memref<64x768xf32, #tpu.memory_space<vmem>>, vector<1x16xf32>,
      %get3A_304 = vector.shape_cast %get3A_303 : vector<1x16xf32> to vector<16xf32>
      %get3A_305 = arith.index_cast %scan3A_134 : i32 to index
      %get3A_306 = arith.constant 160 : index
      %get3A_307 = tpu.vector_load %arg10[%get3A_305, %get3A_306] {strides = array<i32>} : memref<64x768xf32, #tpu.memory_space<vmem>>, vector<1x16xf32>,
      %get3A_308 = vector.shape_cast %get3A_307 : vector<1x16xf32> to vector<16xf32>
      %mul3A_309 = arith.mulf %get3A_137, %get3A_304 : vector<16xf32>
      %mul3A_310 = arith.mulf %get3A_141, %get3A_308 : vector<16xf32>
      %add3A_311 = arith.addf %mul3A_309, %mul3A_310 : vector<16xf32>
      %swap3A_312 = arith.index_cast %scan3A_134 : i32 to index
      %swap3A_313 = arith.constant 160 : index
      %swap3A_314 = tpu.vector_load %arg9[%swap3A_312, %swap3A_313] {strides = array<i32>} : memref<64x768xf32, #tpu.memory_space<vmem>>, vector<1x16xf32>,
      %swap3A_315 = vector.shape_cast %swap3A_314 : vector<1x16xf32> to vector<16xf32>
      %swap3A_316 = vector.shape_cast %add3A_311 : vector<16xf32> to vector<1x16xf32>
      tpu.vector_store %arg9[%swap3A_312, %swap3A_313], %swap3A_316 {strides = array<i32>} : memref<64x768xf32, #tpu.memory_space<vmem>>, vector<1x16xf32>,
      %get3A_317 = arith.index_cast %scan3A_134 : i32 to index
      %get3A_318 = arith.constant 176 : index
      %get3A_319 = tpu.vector_load %arg9[%get3A_317, %get3A_318] {strides = array<i32>} : memref<64x768xf32, #tpu.memory_space<vmem>>, vector<1x16xf32>,
      %get3A_320 = vector.shape_cast %get3A_319 : vector<1x16xf32> to vector<16xf32>
      %get3A_321 = arith.index_cast %scan3A_134 : i32 to index
      %get3A_322 = arith.constant 176 : index
      %get3A_323 = tpu.vector_load %arg10[%get3A_321, %get3A_322] {strides = array<i32>} : memref<64x768xf32, #tpu.memory_space<vmem>>, vector<1x16xf32>,
      %get3A_324 = vector.shape_cast %get3A_323 : vector<1x16xf32> to vector<16xf32>
      %mul3A_325 = arith.mulf %get3A_137, %get3A_320 : vector<16xf32>
      %mul3A_326 = arith.mulf %get3A_141, %get3A_324 : vector<16xf32>
      %add3A_327 = arith.addf %mul3A_325, %mul3A_326 : vector<16xf32>
      %swap3A_328 = arith.index_cast %scan3A_134 : i32 to index
      %swap3A_329 = arith.constant 176 : index
      %swap3A_330 = tpu.vector_load %arg9[%swap3A_328, %swap3A_329] {strides = array<i32>} : memref<64x768xf32, #tpu.memory_space<vmem>>, vector<1x16xf32>,
      %swap3A_331 = vector.shape_cast %swap3A_330 : vector<1x16xf32> to vector<16xf32>
      %swap3A_332 = vector.shape_cast %add3A_327 : vector<16xf32> to vector<1x16xf32>
      tpu.vector_store %arg9[%swap3A_328, %swap3A_329], %swap3A_332 {strides = array<i32>} : memref<64x768xf32, #tpu.memory_space<vmem>>, vector<1x16xf32>,
      %get3A_333 = arith.index_cast %scan3A_134 : i32 to index
      %get3A_334 = arith.constant 192 : index
      %get3A_335 = tpu.vector_load %arg9[%get3A_333, %get3A_334] {strides = array<i32>} : memref<64x768xf32, #tpu.memory_space<vmem>>, vector<1x16xf32>,
      %get3A_336 = vector.shape_cast %get3A_335 : vector<1x16xf32> to vector<16xf32>
      %get3A_337 = arith.index_cast %scan3A_134 : i32 to index
      %get3A_338 = arith.constant 192 : index
      %get3A_339 = tpu.vector_load %arg10[%get3A_337, %get3A_338] {strides = array<i32>} : memref<64x768xf32, #tpu.memory_space<vmem>>, vector<1x16xf32>,
      %get3A_340 = vector.shape_cast %get3A_339 : vector<1x16xf32> to vector<16xf32>
      %mul3A_341 = arith.mulf %get3A_137, %get3A_336 : vector<16xf32>
      %mul3A_342 = arith.mulf %get3A_141, %get3A_340 : vector<16xf32>
      %add3A_343 = arith.addf %mul3A_341, %mul3A_342 : vector<16xf32>
      %swap3A_344 = arith.index_cast %scan3A_134 : i32 to index
      %swap3A_345 = arith.constant 192 : index
      %swap3A_346 = tpu.vector_load %arg9[%swap3A_344, %swap3A_345] {strides = array<i32>} : memref<64x768xf32, #tpu.memory_space<vmem>>, vector<1x16xf32>,
      %swap3A_347 = vector.shape_cast %swap3A_346 : vector<1x16xf32> to vector<16xf32>
      %swap3A_348 = vector.shape_cast %add3A_343 : vector<16xf32> to vector<1x16xf32>
      tpu.vector_store %arg9[%swap3A_344, %swap3A_345], %swap3A_348 {strides = array<i32>} : memref<64x768xf32, #tpu.memory_space<vmem>>, vector<1x16xf32>,
      %get3A_349 = arith.index_cast %scan3A_134 : i32 to index
      %get3A_350 = arith.constant 208 : index
      %get3A_351 = tpu.vector_load %arg9[%get3A_349, %get3A_350] {strides = array<i32>} : memref<64x768xf32, #tpu.memory_space<vmem>>, vector<1x16xf32>,
      %get3A_352 = vector.shape_cast %get3A_351 : vector<1x16xf32> to vector<16xf32>
      %get3A_353 = arith.index_cast %scan3A_134 : i32 to index
      %get3A_354 = arith.constant 208 : index
      %get3A_355 = tpu.vector_load %arg10[%get3A_353, %get3A_354] {strides = array<i32>} : memref<64x768xf32, #tpu.memory_space<vmem>>, vector<1x16xf32>,
      %get3A_356 = vector.shape_cast %get3A_355 : vector<1x16xf32> to vector<16xf32>
      %mul3A_357 = arith.mulf %get3A_137, %get3A_352 : vector<16xf32>
      %mul3A_358 = arith.mulf %get3A_141, %get3A_356 : vector<16xf32>
      %add3A_359 = arith.addf %mul3A_357, %mul3A_358 : vector<16xf32>
      %swap3A_360 = arith.index_cast %scan3A_134 : i32 to index
      %swap3A_361 = arith.constant 208 : index
      %swap3A_362 = tpu.vector_load %arg9[%swap3A_360, %swap3A_361] {strides = array<i32>} : memref<64x768xf32, #tpu.memory_space<vmem>>, vector<1x16xf32>,
      %swap3A_363 = vector.shape_cast %swap3A_362 : vector<1x16xf32> to vector<16xf32>
      %swap3A_364 = vector.shape_cast %add3A_359 : vector<16xf32> to vector<1x16xf32>
      tpu.vector_store %arg9[%swap3A_360, %swap3A_361], %swap3A_364 {strides = array<i32>} : memref<64x768xf32, #tpu.memory_space<vmem>>, vector<1x16xf32>,
      %get3A_365 = arith.index_cast %scan3A_134 : i32 to index
      %get3A_366 = arith.constant 224 : index
      %get3A_367 = tpu.vector_load %arg9[%get3A_365, %get3A_366] {strides = array<i32>} : memref<64x768xf32, #tpu.memory_space<vmem>>, vector<1x16xf32>,
      %get3A_368 = vector.shape_cast %get3A_367 : vector<1x16xf32> to vector<16xf32>
      %get3A_369 = arith.index_cast %scan3A_134 : i32 to index
      %get3A_370 = arith.constant 224 : index
      %get3A_371 = tpu.vector_load %arg10[%get3A_369, %get3A_370] {strides = array<i32>} : memref<64x768xf32, #tpu.memory_space<vmem>>, vector<1x16xf32>,
      %get3A_372 = vector.shape_cast %get3A_371 : vector<1x16xf32> to vector<16xf32>
      %mul3A_373 = arith.mulf %get3A_137, %get3A_368 : vector<16xf32>
      %mul3A_374 = arith.mulf %get3A_141, %get3A_372 : vector<16xf32>
      %add3A_375 = arith.addf %mul3A_373, %mul3A_374 : vector<16xf32>
      %swap3A_376 = arith.index_cast %scan3A_134 : i32 to index
      %swap3A_377 = arith.constant 224 : index
      %swap3A_378 = tpu.vector_load %arg9[%swap3A_376, %swap3A_377] {strides = array<i32>} : memref<64x768xf32, #tpu.memory_space<vmem>>, vector<1x16xf32>,
      %swap3A_379 = vector.shape_cast %swap3A_378 : vector<1x16xf32> to vector<16xf32>
      %swap3A_380 = vector.shape_cast %add3A_375 : vector<16xf32> to vector<1x16xf32>
      tpu.vector_store %arg9[%swap3A_376, %swap3A_377], %swap3A_380 {strides = array<i32>} : memref<64x768xf32, #tpu.memory_space<vmem>>, vector<1x16xf32>,
      %get3A_381 = arith.index_cast %scan3A_134 : i32 to index
      %get3A_382 = arith.constant 240 : index
      %get3A_383 = tpu.vector_load %arg9[%get3A_381, %get3A_382] {strides = array<i32>} : memref<64x768xf32, #tpu.memory_space<vmem>>, vector<1x16xf32>,
      %get3A_384 = vector.shape_cast %get3A_383 : vector<1x16xf32> to vector<16xf32>
      %get3A_385 = arith.index_cast %scan3A_134 : i32 to index
      %get3A_386 = arith.constant 240 : index
      %get3A_387 = tpu.vector_load %arg10[%get3A_385, %get3A_386] {strides = array<i32>} : memref<64x768xf32, #tpu.memory_space<vmem>>, vector<1x16xf32>,
      %get3A_388 = vector.shape_cast %get3A_387 : vector<1x16xf32> to vector<16xf32>
      %mul3A_389 = arith.mulf %get3A_137, %get3A_384 : vector<16xf32>
      %mul3A_390 = arith.mulf %get3A_141, %get3A_388 : vector<16xf32>
      %add3A_391 = arith.addf %mul3A_389, %mul3A_390 : vector<16xf32>
      %swap3A_392 = arith.index_cast %scan3A_134 : i32 to index
      %swap3A_393 = arith.constant 240 : index
      %swap3A_394 = tpu.vector_load %arg9[%swap3A_392, %swap3A_393] {strides = array<i32>} : memref<64x768xf32, #tpu.memory_space<vmem>>, vector<1x16xf32>,
      %swap3A_395 = vector.shape_cast %swap3A_394 : vector<1x16xf32> to vector<16xf32>
      %swap3A_396 = vector.shape_cast %add3A_391 : vector<16xf32> to vector<1x16xf32>
      tpu.vector_store %arg9[%swap3A_392, %swap3A_393], %swap3A_396 {strides = array<i32>} : memref<64x768xf32, #tpu.memory_space<vmem>>, vector<1x16xf32>,
      %get3A_397 = arith.index_cast %scan3A_134 : i32 to index
      %get3A_398 = arith.constant 256 : index
      %get3A_399 = tpu.vector_load %arg9[%get3A_397, %get3A_398] {strides = array<i32>} : memref<64x768xf32, #tpu.memory_space<vmem>>, vector<1x16xf32>,
      %get3A_400 = vector.shape_cast %get3A_399 : vector<1x16xf32> to vector<16xf32>
      %get3A_401 = arith.index_cast %scan3A_134 : i32 to index
      %get3A_402 = arith.constant 256 : index
      %get3A_403 = tpu.vector_load %arg10[%get3A_401, %get3A_402] {strides = array<i32>} : memref<64x768xf32, #tpu.memory_space<vmem>>, vector<1x16xf32>,
      %get3A_404 = vector.shape_cast %get3A_403 : vector<1x16xf32> to vector<16xf32>
      %mul3A_405 = arith.mulf %get3A_137, %get3A_400 : vector<16xf32>
      %mul3A_406 = arith.mulf %get3A_141, %get3A_404 : vector<16xf32>
      %add3A_407 = arith.addf %mul3A_405, %mul3A_406 : vector<16xf32>
      %swap3A_408 = arith.index_cast %scan3A_134 : i32 to index
      %swap3A_409 = arith.constant 256 : index
      %swap3A_410 = tpu.vector_load %arg9[%swap3A_408, %swap3A_409] {strides = array<i32>} : memref<64x768xf32, #tpu.memory_space<vmem>>, vector<1x16xf32>,
      %swap3A_411 = vector.shape_cast %swap3A_410 : vector<1x16xf32> to vector<16xf32>
      %swap3A_412 = vector.shape_cast %add3A_407 : vector<16xf32> to vector<1x16xf32>
      tpu.vector_store %arg9[%swap3A_408, %swap3A_409], %swap3A_412 {strides = array<i32>} : memref<64x768xf32, #tpu.memory_space<vmem>>, vector<1x16xf32>,
      %get3A_413 = arith.index_cast %scan3A_134 : i32 to index
      %get3A_414 = arith.constant 272 : index
      %get3A_415 = tpu.vector_load %arg9[%get3A_413, %get3A_414] {strides = array<i32>} : memref<64x768xf32, #tpu.memory_space<vmem>>, vector<1x16xf32>,
      %get3A_416 = vector.shape_cast %get3A_415 : vector<1x16xf32> to vector<16xf32>
      %get3A_417 = arith.index_cast %scan3A_134 : i32 to index
      %get3A_418 = arith.constant 272 : index
      %get3A_419 = tpu.vector_load %arg10[%get3A_417, %get3A_418] {strides = array<i32>} : memref<64x768xf32, #tpu.memory_space<vmem>>, vector<1x16xf32>,
      %get3A_420 = vector.shape_cast %get3A_419 : vector<1x16xf32> to vector<16xf32>
      %mul3A_421 = arith.mulf %get3A_137, %get3A_416 : vector<16xf32>
      %mul3A_422 = arith.mulf %get3A_141, %get3A_420 : vector<16xf32>
      %add3A_423 = arith.addf %mul3A_421, %mul3A_422 : vector<16xf32>
      %swap3A_424 = arith.index_cast %scan3A_134 : i32 to index
      %swap3A_425 = arith.constant 272 : index
      %swap3A_426 = tpu.vector_load %arg9[%swap3A_424, %swap3A_425] {strides = array<i32>} : memref<64x768xf32, #tpu.memory_space<vmem>>, vector<1x16xf32>,
      %swap3A_427 = vector.shape_cast %swap3A_426 : vector<1x16xf32> to vector<16xf32>
      %swap3A_428 = vector.shape_cast %add3A_423 : vector<16xf32> to vector<1x16xf32>
      tpu.vector_store %arg9[%swap3A_424, %swap3A_425], %swap3A_428 {strides = array<i32>} : memref<64x768xf32, #tpu.memory_space<vmem>>, vector<1x16xf32>,
      %get3A_429 = arith.index_cast %scan3A_134 : i32 to index
      %get3A_430 = arith.constant 288 : index
      %get3A_431 = tpu.vector_load %arg9[%get3A_429, %get3A_430] {strides = array<i32>} : memref<64x768xf32, #tpu.memory_space<vmem>>, vector<1x16xf32>,
      %get3A_432 = vector.shape_cast %get3A_431 : vector<1x16xf32> to vector<16xf32>
      %get3A_433 = arith.index_cast %scan3A_134 : i32 to index
      %get3A_434 = arith.constant 288 : index
      %get3A_435 = tpu.vector_load %arg10[%get3A_433, %get3A_434] {strides = array<i32>} : memref<64x768xf32, #tpu.memory_space<vmem>>, vector<1x16xf32>,
      %get3A_436 = vector.shape_cast %get3A_435 : vector<1x16xf32> to vector<16xf32>
      %mul3A_437 = arith.mulf %get3A_137, %get3A_432 : vector<16xf32>
      %mul3A_438 = arith.mulf %get3A_141, %get3A_436 : vector<16xf32>
      %add3A_439 = arith.addf %mul3A_437, %mul3A_438 : vector<16xf32>
      %swap3A_440 = arith.index_cast %scan3A_134 : i32 to index
      %swap3A_441 = arith.constant 288 : index
      %swap3A_442 = tpu.vector_load %arg9[%swap3A_440, %swap3A_441] {strides = array<i32>} : memref<64x768xf32, #tpu.memory_space<vmem>>, vector<1x16xf32>,
      %swap3A_443 = vector.shape_cast %swap3A_442 : vector<1x16xf32> to vector<16xf32>
      %swap3A_444 = vector.shape_cast %add3A_439 : vector<16xf32> to vector<1x16xf32>
      tpu.vector_store %arg9[%swap3A_440, %swap3A_441], %swap3A_444 {strides = array<i32>} : memref<64x768xf32, #tpu.memory_space<vmem>>, vector<1x16xf32>,
      %get3A_445 = arith.index_cast %scan3A_134 : i32 to index
      %get3A_446 = arith.constant 304 : index
      %get3A_447 = tpu.vector_load %arg9[%get3A_445, %get3A_446] {strides = array<i32>} : memref<64x768xf32, #tpu.memory_space<vmem>>, vector<1x16xf32>,
      %get3A_448 = vector.shape_cast %get3A_447 : vector<1x16xf32> to vector<16xf32>
      %get3A_449 = arith.index_cast %scan3A_134 : i32 to index
      %get3A_450 = arith.constant 304 : index
      %get3A_451 = tpu.vector_load %arg10[%get3A_449, %get3A_450] {strides = array<i32>} : memref<64x768xf32, #tpu.memory_space<vmem>>, vector<1x16xf32>,
      %get3A_452 = vector.shape_cast %get3A_451 : vector<1x16xf32> to vector<16xf32>
      %mul3A_453 = arith.mulf %get3A_137, %get3A_448 : vector<16xf32>
      %mul3A_454 = arith.mulf %get3A_141, %get3A_452 : vector<16xf32>
      %add3A_455 = arith.addf %mul3A_453, %mul3A_454 : vector<16xf32>
      %swap3A_456 = arith.index_cast %scan3A_134 : i32 to index
      %swap3A_457 = arith.constant 304 : index
      %swap3A_458 = tpu.vector_load %arg9[%swap3A_456, %swap3A_457] {strides = array<i32>} : memref<64x768xf32, #tpu.memory_space<vmem>>, vector<1x16xf32>,
      %swap3A_459 = vector.shape_cast %swap3A_458 : vector<1x16xf32> to vector<16xf32>
      %swap3A_460 = vector.shape_cast %add3A_455 : vector<16xf32> to vector<1x16xf32>
      tpu.vector_store %arg9[%swap3A_456, %swap3A_457], %swap3A_460 {strides = array<i32>} : memref<64x768xf32, #tpu.memory_space<vmem>>, vector<1x16xf32>,
      %get3A_461 = arith.index_cast %scan3A_134 : i32 to index
      %get3A_462 = arith.constant 320 : index
      %get3A_463 = tpu.vector_load %arg9[%get3A_461, %get3A_462] {strides = array<i32>} : memref<64x768xf32, #tpu.memory_space<vmem>>, vector<1x16xf32>,
      %get3A_464 = vector.shape_cast %get3A_463 : vector<1x16xf32> to vector<16xf32>
      %get3A_465 = arith.index_cast %scan3A_134 : i32 to index
      %get3A_466 = arith.constant 320 : index
      %get3A_467 = tpu.vector_load %arg10[%get3A_465, %get3A_466] {strides = array<i32>} : memref<64x768xf32, #tpu.memory_space<vmem>>, vector<1x16xf32>,
      %get3A_468 = vector.shape_cast %get3A_467 : vector<1x16xf32> to vector<16xf32>
      %mul3A_469 = arith.mulf %get3A_137, %get3A_464 : vector<16xf32>
      %mul3A_470 = arith.mulf %get3A_141, %get3A_468 : vector<16xf32>
      %add3A_471 = arith.addf %mul3A_469, %mul3A_470 : vector<16xf32>
      %swap3A_472 = arith.index_cast %scan3A_134 : i32 to index
      %swap3A_473 = arith.constant 320 : index
      %swap3A_474 = tpu.vector_load %arg9[%swap3A_472, %swap3A_473] {strides = array<i32>} : memref<64x768xf32, #tpu.memory_space<vmem>>, vector<1x16xf32>,
      %swap3A_475 = vector.shape_cast %swap3A_474 : vector<1x16xf32> to vector<16xf32>
      %swap3A_476 = vector.shape_cast %add3A_471 : vector<16xf32> to vector<1x16xf32>
      tpu.vector_store %arg9[%swap3A_472, %swap3A_473], %swap3A_476 {strides = array<i32>} : memref<64x768xf32, #tpu.memory_space<vmem>>, vector<1x16xf32>,
      %get3A_477 = arith.index_cast %scan3A_134 : i32 to index
      %get3A_478 = arith.constant 336 : index
      %get3A_479 = tpu.vector_load %arg9[%get3A_477, %get3A_478] {strides = array<i32>} : memref<64x768xf32, #tpu.memory_space<vmem>>, vector<1x16xf32>,
      %get3A_480 = vector.shape_cast %get3A_479 : vector<1x16xf32> to vector<16xf32>
      %get3A_481 = arith.index_cast %scan3A_134 : i32 to index
      %get3A_482 = arith.constant 336 : index
      %get3A_483 = tpu.vector_load %arg10[%get3A_481, %get3A_482] {strides = array<i32>} : memref<64x768xf32, #tpu.memory_space<vmem>>, vector<1x16xf32>,
      %get3A_484 = vector.shape_cast %get3A_483 : vector<1x16xf32> to vector<16xf32>
      %mul3A_485 = arith.mulf %get3A_137, %get3A_480 : vector<16xf32>
      %mul3A_486 = arith.mulf %get3A_141, %get3A_484 : vector<16xf32>
      %add3A_487 = arith.addf %mul3A_485, %mul3A_486 : vector<16xf32>
      %swap3A_488 = arith.index_cast %scan3A_134 : i32 to index
      %swap3A_489 = arith.constant 336 : index
      %swap3A_490 = tpu.vector_load %arg9[%swap3A_488, %swap3A_489] {strides = array<i32>} : memref<64x768xf32, #tpu.memory_space<vmem>>, vector<1x16xf32>,
      %swap3A_491 = vector.shape_cast %swap3A_490 : vector<1x16xf32> to vector<16xf32>
      %swap3A_492 = vector.shape_cast %add3A_487 : vector<16xf32> to vector<1x16xf32>
      tpu.vector_store %arg9[%swap3A_488, %swap3A_489], %swap3A_492 {strides = array<i32>} : memref<64x768xf32, #tpu.memory_space<vmem>>, vector<1x16xf32>,
      %get3A_493 = arith.index_cast %scan3A_134 : i32 to index
      %get3A_494 = arith.constant 352 : index
      %get3A_495 = tpu.vector_load %arg9[%get3A_493, %get3A_494] {strides = array<i32>} : memref<64x768xf32, #tpu.memory_space<vmem>>, vector<1x16xf32>,
      %get3A_496 = vector.shape_cast %get3A_495 : vector<1x16xf32> to vector<16xf32>
      %get3A_497 = arith.index_cast %scan3A_134 : i32 to index
      %get3A_498 = arith.constant 352 : index
      %get3A_499 = tpu.vector_load %arg10[%get3A_497, %get3A_498] {strides = array<i32>} : memref<64x768xf32, #tpu.memory_space<vmem>>, vector<1x16xf32>,
      %get3A_500 = vector.shape_cast %get3A_499 : vector<1x16xf32> to vector<16xf32>
      %mul3A_501 = arith.mulf %get3A_137, %get3A_496 : vector<16xf32>
      %mul3A_502 = arith.mulf %get3A_141, %get3A_500 : vector<16xf32>
      %add3A_503 = arith.addf %mul3A_501, %mul3A_502 : vector<16xf32>
      %swap3A_504 = arith.index_cast %scan3A_134 : i32 to index
      %swap3A_505 = arith.constant 352 : index
      %swap3A_506 = tpu.vector_load %arg9[%swap3A_504, %swap3A_505] {strides = array<i32>} : memref<64x768xf32, #tpu.memory_space<vmem>>, vector<1x16xf32>,
      %swap3A_507 = vector.shape_cast %swap3A_506 : vector<1x16xf32> to vector<16xf32>
      %swap3A_508 = vector.shape_cast %add3A_503 : vector<16xf32> to vector<1x16xf32>
      tpu.vector_store %arg9[%swap3A_504, %swap3A_505], %swap3A_508 {strides = array<i32>} : memref<64x768xf32, #tpu.memory_space<vmem>>, vector<1x16xf32>,
      %get3A_509 = arith.index_cast %scan3A_134 : i32 to index
      %get3A_510 = arith.constant 368 : index
      %get3A_511 = tpu.vector_load %arg9[%get3A_509, %get3A_510] {strides = array<i32>} : memref<64x768xf32, #tpu.memory_space<vmem>>, vector<1x16xf32>,
      %get3A_512 = vector.shape_cast %get3A_511 : vector<1x16xf32> to vector<16xf32>
      %get3A_513 = arith.index_cast %scan3A_134 : i32 to index
      %get3A_514 = arith.constant 368 : index
      %get3A_515 = tpu.vector_load %arg10[%get3A_513, %get3A_514] {strides = array<i32>} : memref<64x768xf32, #tpu.memory_space<vmem>>, vector<1x16xf32>,
      %get3A_516 = vector.shape_cast %get3A_515 : vector<1x16xf32> to vector<16xf32>
      %mul3A_517 = arith.mulf %get3A_137, %get3A_512 : vector<16xf32>
      %mul3A_518 = arith.mulf %get3A_141, %get3A_516 : vector<16xf32>
      %add3A_519 = arith.addf %mul3A_517, %mul3A_518 : vector<16xf32>
      %swap3A_520 = arith.index_cast %scan3A_134 : i32 to index
      %swap3A_521 = arith.constant 368 : index
      %swap3A_522 = tpu.vector_load %arg9[%swap3A_520, %swap3A_521] {strides = array<i32>} : memref<64x768xf32, #tpu.memory_space<vmem>>, vector<1x16xf32>,
      %swap3A_523 = vector.shape_cast %swap3A_522 : vector<1x16xf32> to vector<16xf32>
      %swap3A_524 = vector.shape_cast %add3A_519 : vector<16xf32> to vector<1x16xf32>
      tpu.vector_store %arg9[%swap3A_520, %swap3A_521], %swap3A_524 {strides = array<i32>} : memref<64x768xf32, #tpu.memory_space<vmem>>, vector<1x16xf32>,
      %get3A_525 = arith.index_cast %scan3A_134 : i32 to index
      %get3A_526 = arith.constant 384 : index
      %get3A_527 = tpu.vector_load %arg9[%get3A_525, %get3A_526] {strides = array<i32>} : memref<64x768xf32, #tpu.memory_space<vmem>>, vector<1x16xf32>,
      %get3A_528 = vector.shape_cast %get3A_527 : vector<1x16xf32> to vector<16xf32>
      %get3A_529 = arith.index_cast %scan3A_134 : i32 to index
      %get3A_530 = arith.constant 384 : index
      %get3A_531 = tpu.vector_load %arg10[%get3A_529, %get3A_530] {strides = array<i32>} : memref<64x768xf32, #tpu.memory_space<vmem>>, vector<1x16xf32>,
      %get3A_532 = vector.shape_cast %get3A_531 : vector<1x16xf32> to vector<16xf32>
      %mul3A_533 = arith.mulf %get3A_137, %get3A_528 : vector<16xf32>
      %mul3A_534 = arith.mulf %get3A_141, %get3A_532 : vector<16xf32>
      %add3A_535 = arith.addf %mul3A_533, %mul3A_534 : vector<16xf32>
      %swap3A_536 = arith.index_cast %scan3A_134 : i32 to index
      %swap3A_537 = arith.constant 384 : index
      %swap3A_538 = tpu.vector_load %arg9[%swap3A_536, %swap3A_537] {strides = array<i32>} : memref<64x768xf32, #tpu.memory_space<vmem>>, vector<1x16xf32>,
      %swap3A_539 = vector.shape_cast %swap3A_538 : vector<1x16xf32> to vector<16xf32>
      %swap3A_540 = vector.shape_cast %add3A_535 : vector<16xf32> to vector<1x16xf32>
      tpu.vector_store %arg9[%swap3A_536, %swap3A_537], %swap3A_540 {strides = array<i32>} : memref<64x768xf32, #tpu.memory_space<vmem>>, vector<1x16xf32>,
      %get3A_541 = arith.index_cast %scan3A_134 : i32 to index
      %get3A_542 = arith.constant 400 : index
      %get3A_543 = tpu.vector_load %arg9[%get3A_541, %get3A_542] {strides = array<i32>} : memref<64x768xf32, #tpu.memory_space<vmem>>, vector<1x16xf32>,
      %get3A_544 = vector.shape_cast %get3A_543 : vector<1x16xf32> to vector<16xf32>
      %get3A_545 = arith.index_cast %scan3A_134 : i32 to index
      %get3A_546 = arith.constant 400 : index
      %get3A_547 = tpu.vector_load %arg10[%get3A_545, %get3A_546] {strides = array<i32>} : memref<64x768xf32, #tpu.memory_space<vmem>>, vector<1x16xf32>,
      %get3A_548 = vector.shape_cast %get3A_547 : vector<1x16xf32> to vector<16xf32>
      %mul3A_549 = arith.mulf %get3A_137, %get3A_544 : vector<16xf32>
      %mul3A_550 = arith.mulf %get3A_141, %get3A_548 : vector<16xf32>
      %add3A_551 = arith.addf %mul3A_549, %mul3A_550 : vector<16xf32>
      %swap3A_552 = arith.index_cast %scan3A_134 : i32 to index
      %swap3A_553 = arith.constant 400 : index
      %swap3A_554 = tpu.vector_load %arg9[%swap3A_552, %swap3A_553] {strides = array<i32>} : memref<64x768xf32, #tpu.memory_space<vmem>>, vector<1x16xf32>,
      %swap3A_555 = vector.shape_cast %swap3A_554 : vector<1x16xf32> to vector<16xf32>
      %swap3A_556 = vector.shape_cast %add3A_551 : vector<16xf32> to vector<1x16xf32>
      tpu.vector_store %arg9[%swap3A_552, %swap3A_553], %swap3A_556 {strides = array<i32>} : memref<64x768xf32, #tpu.memory_space<vmem>>, vector<1x16xf32>,
      %get3A_557 = arith.index_cast %scan3A_134 : i32 to index
      %get3A_558 = arith.constant 416 : index
      %get3A_559 = tpu.vector_load %arg9[%get3A_557, %get3A_558] {strides = array<i32>} : memref<64x768xf32, #tpu.memory_space<vmem>>, vector<1x16xf32>,
      %get3A_560 = vector.shape_cast %get3A_559 : vector<1x16xf32> to vector<16xf32>
      %get3A_561 = arith.index_cast %scan3A_134 : i32 to index
      %get3A_562 = arith.constant 416 : index
      %get3A_563 = tpu.vector_load %arg10[%get3A_561, %get3A_562] {strides = array<i32>} : memref<64x768xf32, #tpu.memory_space<vmem>>, vector<1x16xf32>,
      %get3A_564 = vector.shape_cast %get3A_563 : vector<1x16xf32> to vector<16xf32>
      %mul3A_565 = arith.mulf %get3A_137, %get3A_560 : vector<16xf32>
      %mul3A_566 = arith.mulf %get3A_141, %get3A_564 : vector<16xf32>
      %add3A_567 = arith.addf %mul3A_565, %mul3A_566 : vector<16xf32>
      %swap3A_568 = arith.index_cast %scan3A_134 : i32 to index
      %swap3A_569 = arith.constant 416 : index
      %swap3A_570 = tpu.vector_load %arg9[%swap3A_568, %swap3A_569] {strides = array<i32>} : memref<64x768xf32, #tpu.memory_space<vmem>>, vector<1x16xf32>,
      %swap3A_571 = vector.shape_cast %swap3A_570 : vector<1x16xf32> to vector<16xf32>
      %swap3A_572 = vector.shape_cast %add3A_567 : vector<16xf32> to vector<1x16xf32>
      tpu.vector_store %arg9[%swap3A_568, %swap3A_569], %swap3A_572 {strides = array<i32>} : memref<64x768xf32, #tpu.memory_space<vmem>>, vector<1x16xf32>,
      %get3A_573 = arith.index_cast %scan3A_134 : i32 to index
      %get3A_574 = arith.constant 432 : index
      %get3A_575 = tpu.vector_load %arg9[%get3A_573, %get3A_574] {strides = array<i32>} : memref<64x768xf32, #tpu.memory_space<vmem>>, vector<1x16xf32>,
      %get3A_576 = vector.shape_cast %get3A_575 : vector<1x16xf32> to vector<16xf32>
      %get3A_577 = arith.index_cast %scan3A_134 : i32 to index
      %get3A_578 = arith.constant 432 : index
      %get3A_579 = tpu.vector_load %arg10[%get3A_577, %get3A_578] {strides = array<i32>} : memref<64x768xf32, #tpu.memory_space<vmem>>, vector<1x16xf32>,
      %get3A_580 = vector.shape_cast %get3A_579 : vector<1x16xf32> to vector<16xf32>
      %mul3A_581 = arith.mulf %get3A_137, %get3A_576 : vector<16xf32>
      %mul3A_582 = arith.mulf %get3A_141, %get3A_580 : vector<16xf32>
      %add3A_583 = arith.addf %mul3A_581, %mul3A_582 : vector<16xf32>
      %swap3A_584 = arith.index_cast %scan3A_134 : i32 to index
      %swap3A_585 = arith.constant 432 : index
      %swap3A_586 = tpu.vector_load %arg9[%swap3A_584, %swap3A_585] {strides = array<i32>} : memref<64x768xf32, #tpu.memory_space<vmem>>, vector<1x16xf32>,
      %swap3A_587 = vector.shape_cast %swap3A_586 : vector<1x16xf32> to vector<16xf32>
      %swap3A_588 = vector.shape_cast %add3A_583 : vector<16xf32> to vector<1x16xf32>
      tpu.vector_store %arg9[%swap3A_584, %swap3A_585], %swap3A_588 {strides = array<i32>} : memref<64x768xf32, #tpu.memory_space<vmem>>, vector<1x16xf32>,
      %get3A_589 = arith.index_cast %scan3A_134 : i32 to index
      %get3A_590 = arith.constant 448 : index
      %get3A_591 = tpu.vector_load %arg9[%get3A_589, %get3A_590] {strides = array<i32>} : memref<64x768xf32, #tpu.memory_space<vmem>>, vector<1x16xf32>,
      %get3A_592 = vector.shape_cast %get3A_591 : vector<1x16xf32> to vector<16xf32>
      %get3A_593 = arith.index_cast %scan3A_134 : i32 to index
      %get3A_594 = arith.constant 448 : index
      %get3A_595 = tpu.vector_load %arg10[%get3A_593, %get3A_594] {strides = array<i32>} : memref<64x768xf32, #tpu.memory_space<vmem>>, vector<1x16xf32>,
      %get3A_596 = vector.shape_cast %get3A_595 : vector<1x16xf32> to vector<16xf32>
      %mul3A_597 = arith.mulf %get3A_137, %get3A_592 : vector<16xf32>
      %mul3A_598 = arith.mulf %get3A_141, %get3A_596 : vector<16xf32>
      %add3A_599 = arith.addf %mul3A_597, %mul3A_598 : vector<16xf32>
      %swap3A_600 = arith.index_cast %scan3A_134 : i32 to index
      %swap3A_601 = arith.constant 448 : index
      %swap3A_602 = tpu.vector_load %arg9[%swap3A_600, %swap3A_601] {strides = array<i32>} : memref<64x768xf32, #tpu.memory_space<vmem>>, vector<1x16xf32>,
      %swap3A_603 = vector.shape_cast %swap3A_602 : vector<1x16xf32> to vector<16xf32>
      %swap3A_604 = vector.shape_cast %add3A_599 : vector<16xf32> to vector<1x16xf32>
      tpu.vector_store %arg9[%swap3A_600, %swap3A_601], %swap3A_604 {strides = array<i32>} : memref<64x768xf32, #tpu.memory_space<vmem>>, vector<1x16xf32>,
      %get3A_605 = arith.index_cast %scan3A_134 : i32 to index
      %get3A_606 = arith.constant 464 : index
      %get3A_607 = tpu.vector_load %arg9[%get3A_605, %get3A_606] {strides = array<i32>} : memref<64x768xf32, #tpu.memory_space<vmem>>, vector<1x16xf32>,
      %get3A_608 = vector.shape_cast %get3A_607 : vector<1x16xf32> to vector<16xf32>
      %get3A_609 = arith.index_cast %scan3A_134 : i32 to index
      %get3A_610 = arith.constant 464 : index
      %get3A_611 = tpu.vector_load %arg10[%get3A_609, %get3A_610] {strides = array<i32>} : memref<64x768xf32, #tpu.memory_space<vmem>>, vector<1x16xf32>,
      %get3A_612 = vector.shape_cast %get3A_611 : vector<1x16xf32> to vector<16xf32>
      %mul3A_613 = arith.mulf %get3A_137, %get3A_608 : vector<16xf32>
      %mul3A_614 = arith.mulf %get3A_141, %get3A_612 : vector<16xf32>
      %add3A_615 = arith.addf %mul3A_613, %mul3A_614 : vector<16xf32>
      %swap3A_616 = arith.index_cast %scan3A_134 : i32 to index
      %swap3A_617 = arith.constant 464 : index
      %swap3A_618 = tpu.vector_load %arg9[%swap3A_616, %swap3A_617] {strides = array<i32>} : memref<64x768xf32, #tpu.memory_space<vmem>>, vector<1x16xf32>,
      %swap3A_619 = vector.shape_cast %swap3A_618 : vector<1x16xf32> to vector<16xf32>
      %swap3A_620 = vector.shape_cast %add3A_615 : vector<16xf32> to vector<1x16xf32>
      tpu.vector_store %arg9[%swap3A_616, %swap3A_617], %swap3A_620 {strides = array<i32>} : memref<64x768xf32, #tpu.memory_space<vmem>>, vector<1x16xf32>,
      %get3A_621 = arith.index_cast %scan3A_134 : i32 to index
      %get3A_622 = arith.constant 480 : index
      %get3A_623 = tpu.vector_load %arg9[%get3A_621, %get3A_622] {strides = array<i32>} : memref<64x768xf32, #tpu.memory_space<vmem>>, vector<1x16xf32>,
      %get3A_624 = vector.shape_cast %get3A_623 : vector<1x16xf32> to vector<16xf32>
      %get3A_625 = arith.index_cast %scan3A_134 : i32 to index
      %get3A_626 = arith.constant 480 : index
      %get3A_627 = tpu.vector_load %arg10[%get3A_625, %get3A_626] {strides = array<i32>} : memref<64x768xf32, #tpu.memory_space<vmem>>, vector<1x16xf32>,
      %get3A_628 = vector.shape_cast %get3A_627 : vector<1x16xf32> to vector<16xf32>
      %mul3A_629 = arith.mulf %get3A_137, %get3A_624 : vector<16xf32>
      %mul3A_630 = arith.mulf %get3A_141, %get3A_628 : vector<16xf32>
      %add3A_631 = arith.addf %mul3A_629, %mul3A_630 : vector<16xf32>
      %swap3A_632 = arith.index_cast %scan3A_134 : i32 to index
      %swap3A_633 = arith.constant 480 : index
      %swap3A_634 = tpu.vector_load %arg9[%swap3A_632, %swap3A_633] {strides = array<i32>} : memref<64x768xf32, #tpu.memory_space<vmem>>, vector<1x16xf32>,
      %swap3A_635 = vector.shape_cast %swap3A_634 : vector<1x16xf32> to vector<16xf32>
      %swap3A_636 = vector.shape_cast %add3A_631 : vector<16xf32> to vector<1x16xf32>
      tpu.vector_store %arg9[%swap3A_632, %swap3A_633], %swap3A_636 {strides = array<i32>} : memref<64x768xf32, #tpu.memory_space<vmem>>, vector<1x16xf32>,
      %get3A_637 = arith.index_cast %scan3A_134 : i32 to index
      %get3A_638 = arith.constant 496 : index
      %get3A_639 = tpu.vector_load %arg9[%get3A_637, %get3A_638] {strides = array<i32>} : memref<64x768xf32, #tpu.memory_space<vmem>>, vector<1x16xf32>,
      %get3A_640 = vector.shape_cast %get3A_639 : vector<1x16xf32> to vector<16xf32>
      %get3A_641 = arith.index_cast %scan3A_134 : i32 to index
      %get3A_642 = arith.constant 496 : index
      %get3A_643 = tpu.vector_load %arg10[%get3A_641, %get3A_642] {strides = array<i32>} : memref<64x768xf32, #tpu.memory_space<vmem>>, vector<1x16xf32>,
      %get3A_644 = vector.shape_cast %get3A_643 : vector<1x16xf32> to vector<16xf32>
      %mul3A_645 = arith.mulf %get3A_137, %get3A_640 : vector<16xf32>
      %mul3A_646 = arith.mulf %get3A_141, %get3A_644 : vector<16xf32>
      %add3A_647 = arith.addf %mul3A_645, %mul3A_646 : vector<16xf32>
      %swap3A_648 = arith.index_cast %scan3A_134 : i32 to index
      %swap3A_649 = arith.constant 496 : index
      %swap3A_650 = tpu.vector_load %arg9[%swap3A_648, %swap3A_649] {strides = array<i32>} : memref<64x768xf32, #tpu.memory_space<vmem>>, vector<1x16xf32>,
      %swap3A_651 = vector.shape_cast %swap3A_650 : vector<1x16xf32> to vector<16xf32>
      %swap3A_652 = vector.shape_cast %add3A_647 : vector<16xf32> to vector<1x16xf32>
      tpu.vector_store %arg9[%swap3A_648, %swap3A_649], %swap3A_652 {strides = array<i32>} : memref<64x768xf32, #tpu.memory_space<vmem>>, vector<1x16xf32>,
      %get3A_653 = arith.index_cast %scan3A_134 : i32 to index
      %get3A_654 = arith.constant 512 : index
      %get3A_655 = tpu.vector_load %arg9[%get3A_653, %get3A_654] {strides = array<i32>} : memref<64x768xf32, #tpu.memory_space<vmem>>, vector<1x16xf32>,
      %get3A_656 = vector.shape_cast %get3A_655 : vector<1x16xf32> to vector<16xf32>
      %get3A_657 = arith.index_cast %scan3A_134 : i32 to index
      %get3A_658 = arith.constant 512 : index
      %get3A_659 = tpu.vector_load %arg10[%get3A_657, %get3A_658] {strides = array<i32>} : memref<64x768xf32, #tpu.memory_space<vmem>>, vector<1x16xf32>,
      %get3A_660 = vector.shape_cast %get3A_659 : vector<1x16xf32> to vector<16xf32>
      %mul3A_661 = arith.mulf %get3A_137, %get3A_656 : vector<16xf32>
      %mul3A_662 = arith.mulf %get3A_141, %get3A_660 : vector<16xf32>
      %add3A_663 = arith.addf %mul3A_661, %mul3A_662 : vector<16xf32>
      %swap3A_664 = arith.index_cast %scan3A_134 : i32 to index
      %swap3A_665 = arith.constant 512 : index
      %swap3A_666 = tpu.vector_load %arg9[%swap3A_664, %swap3A_665] {strides = array<i32>} : memref<64x768xf32, #tpu.memory_space<vmem>>, vector<1x16xf32>,
      %swap3A_667 = vector.shape_cast %swap3A_666 : vector<1x16xf32> to vector<16xf32>
      %swap3A_668 = vector.shape_cast %add3A_663 : vector<16xf32> to vector<1x16xf32>
      tpu.vector_store %arg9[%swap3A_664, %swap3A_665], %swap3A_668 {strides = array<i32>} : memref<64x768xf32, #tpu.memory_space<vmem>>, vector<1x16xf32>,
      %get3A_669 = arith.index_cast %scan3A_134 : i32 to index
      %get3A_670 = arith.constant 528 : index
      %get3A_671 = tpu.vector_load %arg9[%get3A_669, %get3A_670] {strides = array<i32>} : memref<64x768xf32, #tpu.memory_space<vmem>>, vector<1x16xf32>,
      %get3A_672 = vector.shape_cast %get3A_671 : vector<1x16xf32> to vector<16xf32>
      %get3A_673 = arith.index_cast %scan3A_134 : i32 to index
      %get3A_674 = arith.constant 528 : index
      %get3A_675 = tpu.vector_load %arg10[%get3A_673, %get3A_674] {strides = array<i32>} : memref<64x768xf32, #tpu.memory_space<vmem>>, vector<1x16xf32>,
      %get3A_676 = vector.shape_cast %get3A_675 : vector<1x16xf32> to vector<16xf32>
      %mul3A_677 = arith.mulf %get3A_137, %get3A_672 : vector<16xf32>
      %mul3A_678 = arith.mulf %get3A_141, %get3A_676 : vector<16xf32>
      %add3A_679 = arith.addf %mul3A_677, %mul3A_678 : vector<16xf32>
      %swap3A_680 = arith.index_cast %scan3A_134 : i32 to index
      %swap3A_681 = arith.constant 528 : index
      %swap3A_682 = tpu.vector_load %arg9[%swap3A_680, %swap3A_681] {strides = array<i32>} : memref<64x768xf32, #tpu.memory_space<vmem>>, vector<1x16xf32>,
      %swap3A_683 = vector.shape_cast %swap3A_682 : vector<1x16xf32> to vector<16xf32>
      %swap3A_684 = vector.shape_cast %add3A_679 : vector<16xf32> to vector<1x16xf32>
      tpu.vector_store %arg9[%swap3A_680, %swap3A_681], %swap3A_684 {strides = array<i32>} : memref<64x768xf32, #tpu.memory_space<vmem>>, vector<1x16xf32>,
      %get3A_685 = arith.index_cast %scan3A_134 : i32 to index
      %get3A_686 = arith.constant 544 : index
      %get3A_687 = tpu.vector_load %arg9[%get3A_685, %get3A_686] {strides = array<i32>} : memref<64x768xf32, #tpu.memory_space<vmem>>, vector<1x16xf32>,
      %get3A_688 = vector.shape_cast %get3A_687 : vector<1x16xf32> to vector<16xf32>
      %get3A_689 = arith.index_cast %scan3A_134 : i32 to index
      %get3A_690 = arith.constant 544 : index
      %get3A_691 = tpu.vector_load %arg10[%get3A_689, %get3A_690] {strides = array<i32>} : memref<64x768xf32, #tpu.memory_space<vmem>>, vector<1x16xf32>,
      %get3A_692 = vector.shape_cast %get3A_691 : vector<1x16xf32> to vector<16xf32>
      %mul3A_693 = arith.mulf %get3A_137, %get3A_688 : vector<16xf32>
      %mul3A_694 = arith.mulf %get3A_141, %get3A_692 : vector<16xf32>
      %add3A_695 = arith.addf %mul3A_693, %mul3A_694 : vector<16xf32>
      %swap3A_696 = arith.index_cast %scan3A_134 : i32 to index
      %swap3A_697 = arith.constant 544 : index
      %swap3A_698 = tpu.vector_load %arg9[%swap3A_696, %swap3A_697] {strides = array<i32>} : memref<64x768xf32, #tpu.memory_space<vmem>>, vector<1x16xf32>,
      %swap3A_699 = vector.shape_cast %swap3A_698 : vector<1x16xf32> to vector<16xf32>
      %swap3A_700 = vector.shape_cast %add3A_695 : vector<16xf32> to vector<1x16xf32>
      tpu.vector_store %arg9[%swap3A_696, %swap3A_697], %swap3A_700 {strides = array<i32>} : memref<64x768xf32, #tpu.memory_space<vmem>>, vector<1x16xf32>,
      %get3A_701 = arith.index_cast %scan3A_134 : i32 to index
      %get3A_702 = arith.constant 560 : index
      %get3A_703 = tpu.vector_load %arg9[%get3A_701, %get3A_702] {strides = array<i32>} : memref<64x768xf32, #tpu.memory_space<vmem>>, vector<1x16xf32>,
      %get3A_704 = vector.shape_cast %get3A_703 : vector<1x16xf32> to vector<16xf32>
      %get3A_705 = arith.index_cast %scan3A_134 : i32 to index
      %get3A_706 = arith.constant 560 : index
      %get3A_707 = tpu.vector_load %arg10[%get3A_705, %get3A_706] {strides = array<i32>} : memref<64x768xf32, #tpu.memory_space<vmem>>, vector<1x16xf32>,
      %get3A_708 = vector.shape_cast %get3A_707 : vector<1x16xf32> to vector<16xf32>
      %mul3A_709 = arith.mulf %get3A_137, %get3A_704 : vector<16xf32>
      %mul3A_710 = arith.mulf %get3A_141, %get3A_708 : vector<16xf32>
      %add3A_711 = arith.addf %mul3A_709, %mul3A_710 : vector<16xf32>
      %swap3A_712 = arith.index_cast %scan3A_134 : i32 to index
      %swap3A_713 = arith.constant 560 : index
      %swap3A_714 = tpu.vector_load %arg9[%swap3A_712, %swap3A_713] {strides = array<i32>} : memref<64x768xf32, #tpu.memory_space<vmem>>, vector<1x16xf32>,
      %swap3A_715 = vector.shape_cast %swap3A_714 : vector<1x16xf32> to vector<16xf32>
      %swap3A_716 = vector.shape_cast %add3A_711 : vector<16xf32> to vector<1x16xf32>
      tpu.vector_store %arg9[%swap3A_712, %swap3A_713], %swap3A_716 {strides = array<i32>} : memref<64x768xf32, #tpu.memory_space<vmem>>, vector<1x16xf32>,
      %get3A_717 = arith.index_cast %scan3A_134 : i32 to index
      %get3A_718 = arith.constant 576 : index
      %get3A_719 = tpu.vector_load %arg9[%get3A_717, %get3A_718] {strides = array<i32>} : memref<64x768xf32, #tpu.memory_space<vmem>>, vector<1x16xf32>,
      %get3A_720 = vector.shape_cast %get3A_719 : vector<1x16xf32> to vector<16xf32>
      %get3A_721 = arith.index_cast %scan3A_134 : i32 to index
      %get3A_722 = arith.constant 576 : index
      %get3A_723 = tpu.vector_load %arg10[%get3A_721, %get3A_722] {strides = array<i32>} : memref<64x768xf32, #tpu.memory_space<vmem>>, vector<1x16xf32>,
      %get3A_724 = vector.shape_cast %get3A_723 : vector<1x16xf32> to vector<16xf32>
      %mul3A_725 = arith.mulf %get3A_137, %get3A_720 : vector<16xf32>
      %mul3A_726 = arith.mulf %get3A_141, %get3A_724 : vector<16xf32>
      %add3A_727 = arith.addf %mul3A_725, %mul3A_726 : vector<16xf32>
      %swap3A_728 = arith.index_cast %scan3A_134 : i32 to index
      %swap3A_729 = arith.constant 576 : index
      %swap3A_730 = tpu.vector_load %arg9[%swap3A_728, %swap3A_729] {strides = array<i32>} : memref<64x768xf32, #tpu.memory_space<vmem>>, vector<1x16xf32>,
      %swap3A_731 = vector.shape_cast %swap3A_730 : vector<1x16xf32> to vector<16xf32>
      %swap3A_732 = vector.shape_cast %add3A_727 : vector<16xf32> to vector<1x16xf32>
      tpu.vector_store %arg9[%swap3A_728, %swap3A_729], %swap3A_732 {strides = array<i32>} : memref<64x768xf32, #tpu.memory_space<vmem>>, vector<1x16xf32>,
      %get3A_733 = arith.index_cast %scan3A_134 : i32 to index
      %get3A_734 = arith.constant 592 : index
      %get3A_735 = tpu.vector_load %arg9[%get3A_733, %get3A_734] {strides = array<i32>} : memref<64x768xf32, #tpu.memory_space<vmem>>, vector<1x16xf32>,
      %get3A_736 = vector.shape_cast %get3A_735 : vector<1x16xf32> to vector<16xf32>
      %get3A_737 = arith.index_cast %scan3A_134 : i32 to index
      %get3A_738 = arith.constant 592 : index
      %get3A_739 = tpu.vector_load %arg10[%get3A_737, %get3A_738] {strides = array<i32>} : memref<64x768xf32, #tpu.memory_space<vmem>>, vector<1x16xf32>,
      %get3A_740 = vector.shape_cast %get3A_739 : vector<1x16xf32> to vector<16xf32>
      %mul3A_741 = arith.mulf %get3A_137, %get3A_736 : vector<16xf32>
      %mul3A_742 = arith.mulf %get3A_141, %get3A_740 : vector<16xf32>
      %add3A_743 = arith.addf %mul3A_741, %mul3A_742 : vector<16xf32>
      %swap3A_744 = arith.index_cast %scan3A_134 : i32 to index
      %swap3A_745 = arith.constant 592 : index
      %swap3A_746 = tpu.vector_load %arg9[%swap3A_744, %swap3A_745] {strides = array<i32>} : memref<64x768xf32, #tpu.memory_space<vmem>>, vector<1x16xf32>,
      %swap3A_747 = vector.shape_cast %swap3A_746 : vector<1x16xf32> to vector<16xf32>
      %swap3A_748 = vector.shape_cast %add3A_743 : vector<16xf32> to vector<1x16xf32>
      tpu.vector_store %arg9[%swap3A_744, %swap3A_745], %swap3A_748 {strides = array<i32>} : memref<64x768xf32, #tpu.memory_space<vmem>>, vector<1x16xf32>,
      %get3A_749 = arith.index_cast %scan3A_134 : i32 to index
      %get3A_750 = arith.constant 608 : index
      %get3A_751 = tpu.vector_load %arg9[%get3A_749, %get3A_750] {strides = array<i32>} : memref<64x768xf32, #tpu.memory_space<vmem>>, vector<1x16xf32>,
      %get3A_752 = vector.shape_cast %get3A_751 : vector<1x16xf32> to vector<16xf32>
      %get3A_753 = arith.index_cast %scan3A_134 : i32 to index
      %get3A_754 = arith.constant 608 : index
      %get3A_755 = tpu.vector_load %arg10[%get3A_753, %get3A_754] {strides = array<i32>} : memref<64x768xf32, #tpu.memory_space<vmem>>, vector<1x16xf32>,
      %get3A_756 = vector.shape_cast %get3A_755 : vector<1x16xf32> to vector<16xf32>
      %mul3A_757 = arith.mulf %get3A_137, %get3A_752 : vector<16xf32>
      %mul3A_758 = arith.mulf %get3A_141, %get3A_756 : vector<16xf32>
      %add3A_759 = arith.addf %mul3A_757, %mul3A_758 : vector<16xf32>
      %swap3A_760 = arith.index_cast %scan3A_134 : i32 to index
      %swap3A_761 = arith.constant 608 : index
      %swap3A_762 = tpu.vector_load %arg9[%swap3A_760, %swap3A_761] {strides = array<i32>} : memref<64x768xf32, #tpu.memory_space<vmem>>, vector<1x16xf32>,
      %swap3A_763 = vector.shape_cast %swap3A_762 : vector<1x16xf32> to vector<16xf32>
      %swap3A_764 = vector.shape_cast %add3A_759 : vector<16xf32> to vector<1x16xf32>
      tpu.vector_store %arg9[%swap3A_760, %swap3A_761], %swap3A_764 {strides = array<i32>} : memref<64x768xf32, #tpu.memory_space<vmem>>, vector<1x16xf32>,
      %get3A_765 = arith.index_cast %scan3A_134 : i32 to index
      %get3A_766 = arith.constant 624 : index
      %get3A_767 = tpu.vector_load %arg9[%get3A_765, %get3A_766] {strides = array<i32>} : memref<64x768xf32, #tpu.memory_space<vmem>>, vector<1x16xf32>,
      %get3A_768 = vector.shape_cast %get3A_767 : vector<1x16xf32> to vector<16xf32>
      %get3A_769 = arith.index_cast %scan3A_134 : i32 to index
      %get3A_770 = arith.constant 624 : index
      %get3A_771 = tpu.vector_load %arg10[%get3A_769, %get3A_770] {strides = array<i32>} : memref<64x768xf32, #tpu.memory_space<vmem>>, vector<1x16xf32>,
      %get3A_772 = vector.shape_cast %get3A_771 : vector<1x16xf32> to vector<16xf32>
      %mul3A_773 = arith.mulf %get3A_137, %get3A_768 : vector<16xf32>
      %mul3A_774 = arith.mulf %get3A_141, %get3A_772 : vector<16xf32>
      %add3A_775 = arith.addf %mul3A_773, %mul3A_774 : vector<16xf32>
      %swap3A_776 = arith.index_cast %scan3A_134 : i32 to index
      %swap3A_777 = arith.constant 624 : index
      %swap3A_778 = tpu.vector_load %arg9[%swap3A_776, %swap3A_777] {strides = array<i32>} : memref<64x768xf32, #tpu.memory_space<vmem>>, vector<1x16xf32>,
      %swap3A_779 = vector.shape_cast %swap3A_778 : vector<1x16xf32> to vector<16xf32>
      %swap3A_780 = vector.shape_cast %add3A_775 : vector<16xf32> to vector<1x16xf32>
      tpu.vector_store %arg9[%swap3A_776, %swap3A_777], %swap3A_780 {strides = array<i32>} : memref<64x768xf32, #tpu.memory_space<vmem>>, vector<1x16xf32>,
      %get3A_781 = arith.index_cast %scan3A_134 : i32 to index
      %get3A_782 = arith.constant 640 : index
      %get3A_783 = tpu.vector_load %arg9[%get3A_781, %get3A_782] {strides = array<i32>} : memref<64x768xf32, #tpu.memory_space<vmem>>, vector<1x16xf32>,
      %get3A_784 = vector.shape_cast %get3A_783 : vector<1x16xf32> to vector<16xf32>
      %get3A_785 = arith.index_cast %scan3A_134 : i32 to index
      %get3A_786 = arith.constant 640 : index
      %get3A_787 = tpu.vector_load %arg10[%get3A_785, %get3A_786] {strides = array<i32>} : memref<64x768xf32, #tpu.memory_space<vmem>>, vector<1x16xf32>,
      %get3A_788 = vector.shape_cast %get3A_787 : vector<1x16xf32> to vector<16xf32>
      %mul3A_789 = arith.mulf %get3A_137, %get3A_784 : vector<16xf32>
      %mul3A_790 = arith.mulf %get3A_141, %get3A_788 : vector<16xf32>
      %add3A_791 = arith.addf %mul3A_789, %mul3A_790 : vector<16xf32>
      %swap3A_792 = arith.index_cast %scan3A_134 : i32 to index
      %swap3A_793 = arith.constant 640 : index
      %swap3A_794 = tpu.vector_load %arg9[%swap3A_792, %swap3A_793] {strides = array<i32>} : memref<64x768xf32, #tpu.memory_space<vmem>>, vector<1x16xf32>,
      %swap3A_795 = vector.shape_cast %swap3A_794 : vector<1x16xf32> to vector<16xf32>
      %swap3A_796 = vector.shape_cast %add3A_791 : vector<16xf32> to vector<1x16xf32>
      tpu.vector_store %arg9[%swap3A_792, %swap3A_793], %swap3A_796 {strides = array<i32>} : memref<64x768xf32, #tpu.memory_space<vmem>>, vector<1x16xf32>,
      %get3A_797 = arith.index_cast %scan3A_134 : i32 to index
      %get3A_798 = arith.constant 656 : index
      %get3A_799 = tpu.vector_load %arg9[%get3A_797, %get3A_798] {strides = array<i32>} : memref<64x768xf32, #tpu.memory_space<vmem>>, vector<1x16xf32>,
      %get3A_800 = vector.shape_cast %get3A_799 : vector<1x16xf32> to vector<16xf32>
      %get3A_801 = arith.index_cast %scan3A_134 : i32 to index
      %get3A_802 = arith.constant 656 : index
      %get3A_803 = tpu.vector_load %arg10[%get3A_801, %get3A_802] {strides = array<i32>} : memref<64x768xf32, #tpu.memory_space<vmem>>, vector<1x16xf32>,
      %get3A_804 = vector.shape_cast %get3A_803 : vector<1x16xf32> to vector<16xf32>
      %mul3A_805 = arith.mulf %get3A_137, %get3A_800 : vector<16xf32>
      %mul3A_806 = arith.mulf %get3A_141, %get3A_804 : vector<16xf32>
      %add3A_807 = arith.addf %mul3A_805, %mul3A_806 : vector<16xf32>
      %swap3A_808 = arith.index_cast %scan3A_134 : i32 to index
      %swap3A_809 = arith.constant 656 : index
      %swap3A_810 = tpu.vector_load %arg9[%swap3A_808, %swap3A_809] {strides = array<i32>} : memref<64x768xf32, #tpu.memory_space<vmem>>, vector<1x16xf32>,
      %swap3A_811 = vector.shape_cast %swap3A_810 : vector<1x16xf32> to vector<16xf32>
      %swap3A_812 = vector.shape_cast %add3A_807 : vector<16xf32> to vector<1x16xf32>
      tpu.vector_store %arg9[%swap3A_808, %swap3A_809], %swap3A_812 {strides = array<i32>} : memref<64x768xf32, #tpu.memory_space<vmem>>, vector<1x16xf32>,
      %get3A_813 = arith.index_cast %scan3A_134 : i32 to index
      %get3A_814 = arith.constant 672 : index
      %get3A_815 = tpu.vector_load %arg9[%get3A_813, %get3A_814] {strides = array<i32>} : memref<64x768xf32, #tpu.memory_space<vmem>>, vector<1x16xf32>,
      %get3A_816 = vector.shape_cast %get3A_815 : vector<1x16xf32> to vector<16xf32>
      %get3A_817 = arith.index_cast %scan3A_134 : i32 to index
      %get3A_818 = arith.constant 672 : index
      %get3A_819 = tpu.vector_load %arg10[%get3A_817, %get3A_818] {strides = array<i32>} : memref<64x768xf32, #tpu.memory_space<vmem>>, vector<1x16xf32>,
      %get3A_820 = vector.shape_cast %get3A_819 : vector<1x16xf32> to vector<16xf32>
      %mul3A_821 = arith.mulf %get3A_137, %get3A_816 : vector<16xf32>
      %mul3A_822 = arith.mulf %get3A_141, %get3A_820 : vector<16xf32>
      %add3A_823 = arith.addf %mul3A_821, %mul3A_822 : vector<16xf32>
      %swap3A_824 = arith.index_cast %scan3A_134 : i32 to index
      %swap3A_825 = arith.constant 672 : index
      %swap3A_826 = tpu.vector_load %arg9[%swap3A_824, %swap3A_825] {strides = array<i32>} : memref<64x768xf32, #tpu.memory_space<vmem>>, vector<1x16xf32>,
      %swap3A_827 = vector.shape_cast %swap3A_826 : vector<1x16xf32> to vector<16xf32>
      %swap3A_828 = vector.shape_cast %add3A_823 : vector<16xf32> to vector<1x16xf32>
      tpu.vector_store %arg9[%swap3A_824, %swap3A_825], %swap3A_828 {strides = array<i32>} : memref<64x768xf32, #tpu.memory_space<vmem>>, vector<1x16xf32>,
      %get3A_829 = arith.index_cast %scan3A_134 : i32 to index
      %get3A_830 = arith.constant 688 : index
      %get3A_831 = tpu.vector_load %arg9[%get3A_829, %get3A_830] {strides = array<i32>} : memref<64x768xf32, #tpu.memory_space<vmem>>, vector<1x16xf32>,
      %get3A_832 = vector.shape_cast %get3A_831 : vector<1x16xf32> to vector<16xf32>
      %get3A_833 = arith.index_cast %scan3A_134 : i32 to index
      %get3A_834 = arith.constant 688 : index
      %get3A_835 = tpu.vector_load %arg10[%get3A_833, %get3A_834] {strides = array<i32>} : memref<64x768xf32, #tpu.memory_space<vmem>>, vector<1x16xf32>,
      %get3A_836 = vector.shape_cast %get3A_835 : vector<1x16xf32> to vector<16xf32>
      %mul3A_837 = arith.mulf %get3A_137, %get3A_832 : vector<16xf32>
      %mul3A_838 = arith.mulf %get3A_141, %get3A_836 : vector<16xf32>
      %add3A_839 = arith.addf %mul3A_837, %mul3A_838 : vector<16xf32>
      %swap3A_840 = arith.index_cast %scan3A_134 : i32 to index
      %swap3A_841 = arith.constant 688 : index
      %swap3A_842 = tpu.vector_load %arg9[%swap3A_840, %swap3A_841] {strides = array<i32>} : memref<64x768xf32, #tpu.memory_space<vmem>>, vector<1x16xf32>,
      %swap3A_843 = vector.shape_cast %swap3A_842 : vector<1x16xf32> to vector<16xf32>
      %swap3A_844 = vector.shape_cast %add3A_839 : vector<16xf32> to vector<1x16xf32>
      tpu.vector_store %arg9[%swap3A_840, %swap3A_841], %swap3A_844 {strides = array<i32>} : memref<64x768xf32, #tpu.memory_space<vmem>>, vector<1x16xf32>,
      %get3A_845 = arith.index_cast %scan3A_134 : i32 to index
      %get3A_846 = arith.constant 704 : index
      %get3A_847 = tpu.vector_load %arg9[%get3A_845, %get3A_846] {strides = array<i32>} : memref<64x768xf32, #tpu.memory_space<vmem>>, vector<1x16xf32>,
      %get3A_848 = vector.shape_cast %get3A_847 : vector<1x16xf32> to vector<16xf32>
      %get3A_849 = arith.index_cast %scan3A_134 : i32 to index
      %get3A_850 = arith.constant 704 : index
      %get3A_851 = tpu.vector_load %arg10[%get3A_849, %get3A_850] {strides = array<i32>} : memref<64x768xf32, #tpu.memory_space<vmem>>, vector<1x16xf32>,
      %get3A_852 = vector.shape_cast %get3A_851 : vector<1x16xf32> to vector<16xf32>
      %mul3A_853 = arith.mulf %get3A_137, %get3A_848 : vector<16xf32>
      %mul3A_854 = arith.mulf %get3A_141, %get3A_852 : vector<16xf32>
      %add3A_855 = arith.addf %mul3A_853, %mul3A_854 : vector<16xf32>
      %swap3A_856 = arith.index_cast %scan3A_134 : i32 to index
      %swap3A_857 = arith.constant 704 : index
      %swap3A_858 = tpu.vector_load %arg9[%swap3A_856, %swap3A_857] {strides = array<i32>} : memref<64x768xf32, #tpu.memory_space<vmem>>, vector<1x16xf32>,
      %swap3A_859 = vector.shape_cast %swap3A_858 : vector<1x16xf32> to vector<16xf32>
      %swap3A_860 = vector.shape_cast %add3A_855 : vector<16xf32> to vector<1x16xf32>
      tpu.vector_store %arg9[%swap3A_856, %swap3A_857], %swap3A_860 {strides = array<i32>} : memref<64x768xf32, #tpu.memory_space<vmem>>, vector<1x16xf32>,
      %get3A_861 = arith.index_cast %scan3A_134 : i32 to index
      %get3A_862 = arith.constant 720 : index
      %get3A_863 = tpu.vector_load %arg9[%get3A_861, %get3A_862] {strides = array<i32>} : memref<64x768xf32, #tpu.memory_space<vmem>>, vector<1x16xf32>,
      %get3A_864 = vector.shape_cast %get3A_863 : vector<1x16xf32> to vector<16xf32>
      %get3A_865 = arith.index_cast %scan3A_134 : i32 to index
      %get3A_866 = arith.constant 720 : index
      %get3A_867 = tpu.vector_load %arg10[%get3A_865, %get3A_866] {strides = array<i32>} : memref<64x768xf32, #tpu.memory_space<vmem>>, vector<1x16xf32>,
      %get3A_868 = vector.shape_cast %get3A_867 : vector<1x16xf32> to vector<16xf32>
      %mul3A_869 = arith.mulf %get3A_137, %get3A_864 : vector<16xf32>
      %mul3A_870 = arith.mulf %get3A_141, %get3A_868 : vector<16xf32>
      %add3A_871 = arith.addf %mul3A_869, %mul3A_870 : vector<16xf32>
      %swap3A_872 = arith.index_cast %scan3A_134 : i32 to index
      %swap3A_873 = arith.constant 720 : index
      %swap3A_874 = tpu.vector_load %arg9[%swap3A_872, %swap3A_873] {strides = array<i32>} : memref<64x768xf32, #tpu.memory_space<vmem>>, vector<1x16xf32>,
      %swap3A_875 = vector.shape_cast %swap3A_874 : vector<1x16xf32> to vector<16xf32>
      %swap3A_876 = vector.shape_cast %add3A_871 : vector<16xf32> to vector<1x16xf32>
      tpu.vector_store %arg9[%swap3A_872, %swap3A_873], %swap3A_876 {strides = array<i32>} : memref<64x768xf32, #tpu.memory_space<vmem>>, vector<1x16xf32>,
      %get3A_877 = arith.index_cast %scan3A_134 : i32 to index
      %get3A_878 = arith.constant 736 : index
      %get3A_879 = tpu.vector_load %arg9[%get3A_877, %get3A_878] {strides = array<i32>} : memref<64x768xf32, #tpu.memory_space<vmem>>, vector<1x16xf32>,
      %get3A_880 = vector.shape_cast %get3A_879 : vector<1x16xf32> to vector<16xf32>
      %get3A_881 = arith.index_cast %scan3A_134 : i32 to index
      %get3A_882 = arith.constant 736 : index
      %get3A_883 = tpu.vector_load %arg10[%get3A_881, %get3A_882] {strides = array<i32>} : memref<64x768xf32, #tpu.memory_space<vmem>>, vector<1x16xf32>,
      %get3A_884 = vector.shape_cast %get3A_883 : vector<1x16xf32> to vector<16xf32>
      %mul3A_885 = arith.mulf %get3A_137, %get3A_880 : vector<16xf32>
      %mul3A_886 = arith.mulf %get3A_141, %get3A_884 : vector<16xf32>
      %add3A_887 = arith.addf %mul3A_885, %mul3A_886 : vector<16xf32>
      %swap3A_888 = arith.index_cast %scan3A_134 : i32 to index
      %swap3A_889 = arith.constant 736 : index
      %swap3A_890 = tpu.vector_load %arg9[%swap3A_888, %swap3A_889] {strides = array<i32>} : memref<64x768xf32, #tpu.memory_space<vmem>>, vector<1x16xf32>,
      %swap3A_891 = vector.shape_cast %swap3A_890 : vector<1x16xf32> to vector<16xf32>
      %swap3A_892 = vector.shape_cast %add3A_887 : vector<16xf32> to vector<1x16xf32>
      tpu.vector_store %arg9[%swap3A_888, %swap3A_889], %swap3A_892 {strides = array<i32>} : memref<64x768xf32, #tpu.memory_space<vmem>>, vector<1x16xf32>,
      %get3A_893 = arith.index_cast %scan3A_134 : i32 to index
      %get3A_894 = arith.constant 752 : index
      %get3A_895 = tpu.vector_load %arg9[%get3A_893, %get3A_894] {strides = array<i32>} : memref<64x768xf32, #tpu.memory_space<vmem>>, vector<1x16xf32>,
      %get3A_896 = vector.shape_cast %get3A_895 : vector<1x16xf32> to vector<16xf32>
      %get3A_897 = arith.index_cast %scan3A_134 : i32 to index
      %get3A_898 = arith.constant 752 : index
      %get3A_899 = tpu.vector_load %arg10[%get3A_897, %get3A_898] {strides = array<i32>} : memref<64x768xf32, #tpu.memory_space<vmem>>, vector<1x16xf32>,
      %get3A_900 = vector.shape_cast %get3A_899 : vector<1x16xf32> to vector<16xf32>
      %mul3A_901 = arith.mulf %get3A_137, %get3A_896 : vector<16xf32>
      %mul3A_902 = arith.mulf %get3A_141, %get3A_900 : vector<16xf32>
      %add3A_903 = arith.addf %mul3A_901, %mul3A_902 : vector<16xf32>
      %swap3A_904 = arith.index_cast %scan3A_134 : i32 to index
      %swap3A_905 = arith.constant 752 : index
      %swap3A_906 = tpu.vector_load %arg9[%swap3A_904, %swap3A_905] {strides = array<i32>} : memref<64x768xf32, #tpu.memory_space<vmem>>, vector<1x16xf32>,
      %swap3A_907 = vector.shape_cast %swap3A_906 : vector<1x16xf32> to vector<16xf32>
      %swap3A_908 = vector.shape_cast %add3A_903 : vector<16xf32> to vector<1x16xf32>
      tpu.vector_store %arg9[%swap3A_904, %swap3A_905], %swap3A_908 {strides = array<i32>} : memref<64x768xf32, #tpu.memory_space<vmem>>, vector<1x16xf32>,
    }
    %scan3A_69 = arith.constant 32 : i32
    %dma_start3A_70 = arith.constant 0 : i32
    %dma_start3A_71 = arith.constant 0 : i32
    %dma_start3A_72 = tpu.memref_slice %arg9[%dma_start3A_70, %dma_start3A_71] : memref<64x768xf32, #tpu.memory_space<vmem>> -> memref<32x768xf32, #tpu.memory_space<vmem>>
    %dma_start3A_73 = arith.constant 0 : i32
    %dma_start3A_74 = tpu.memref_slice %arg6[%mul3A_2, %dma_start3A_73] : memref<2048x768xf32, #tpu.memory_space<hbm>> -> memref<32x768xf32, #tpu.memory_space<hbm>>
    %dma_start3A_75 = arith.constant 0 : i32
    %dma_start3A_76 = tpu.memref_slice %arg6[%mul3A_2, %dma_start3A_75] : memref<2048x768xf32, #tpu.memory_space<hbm>> -> memref<32x768xf32, #tpu.memory_space<hbm>>
    %dma_start3A_77 = arith.constant 0 : i32
    %dma_start3A_78 = arith.constant 0 : i32
    %dma_start3A_79 = tpu.memref_slice %arg9[%dma_start3A_77, %dma_start3A_78] : memref<64x768xf32, #tpu.memory_space<vmem>> -> memref<32x768xf32, #tpu.memory_space<vmem>>
    tpu.enqueue_dma source(%dma_start3A_79 : memref<32x768xf32, #tpu.memory_space<vmem>>) target(%dma_start3A_76 : memref<32x768xf32, #tpu.memory_space<hbm>>) target_semaphore(%arg15 : memref<!tpu.dma_semaphore, #tpu.memory_space<semaphore_mem>>)
    %dma_wait3A_80 = arith.constant 32 : i32
    %dma_wait3A_81 = arith.constant 0 : i32
    %dma_wait3A_82 = tpu.memref_slice %arg9[%dma_wait3A_80, %dma_wait3A_81] : memref<64x768xf32, #tpu.memory_space<vmem>> -> memref<32x768xf32, #tpu.memory_space<vmem>>
    %dma_wait3A_83 = arith.constant 32 : i32
    %dma_wait3A_84 = tpu.memref_slice %arg7[%dma_wait3A_83] : memref<64xi32, #tpu.memory_space<vmem>> -> memref<32xi32, #tpu.memory_space<vmem>>
    %dma_wait3A_85 = arith.constant 0 : i32
    %dma_wait3A_86 = arith.constant 0 : i32
    %dma_wait3A_87 = tpu.memref_slice %arg2[%dma_wait3A_85, %dma_wait3A_86] : memref<12288x768xf32, #tpu.memory_space<hbm>> -> memref<12288x768xf32, #tpu.memory_space<hbm>>
    tpu.wait_indirect_dma semaphore(%arg14 : memref<!tpu.dma_semaphore, #tpu.memory_space<semaphore_mem>>) src(%dma_wait3A_87 : memref<12288x768xf32, #tpu.memory_space<hbm>>) dst(%dma_wait3A_82 : memref<32x768xf32, #tpu.memory_space<vmem>>)
    %dma_wait3A_88 = arith.constant 32 : i32
    %dma_wait3A_89 = arith.constant 0 : i32
    %dma_wait3A_90 = tpu.memref_slice %arg10[%dma_wait3A_88, %dma_wait3A_89] : memref<64x768xf32, #tpu.memory_space<vmem>> -> memref<32x768xf32, #tpu.memory_space<vmem>>
    %dma_wait3A_91 = arith.constant 32 : i32
    %dma_wait3A_92 = tpu.memref_slice %arg8[%dma_wait3A_91] : memref<64xi32, #tpu.memory_space<vmem>> -> memref<32xi32, #tpu.memory_space<vmem>>
    %dma_wait3A_93 = arith.constant 0 : i32
    %dma_wait3A_94 = arith.constant 0 : i32
    %dma_wait3A_95 = tpu.memref_slice %arg2[%dma_wait3A_93, %dma_wait3A_94] : memref<12288x768xf32, #tpu.memory_space<hbm>> -> memref<12288x768xf32, #tpu.memory_space<hbm>>
    tpu.wait_indirect_dma semaphore(%arg14 : memref<!tpu.dma_semaphore, #tpu.memory_space<semaphore_mem>>) src(%dma_wait3A_95 : memref<12288x768xf32, #tpu.memory_space<hbm>>) dst(%dma_wait3A_90 : memref<32x768xf32, #tpu.memory_space<vmem>>)
    %scan3A_96 = arith.constant 0 : i32
    %scan3A_97 = arith.constant 32 : i32
    %scan3A_98 = arith.constant 32 : i32
    %scan3A_99 = arith.addi %scan3A_97, %scan3A_98 : i32
    %scan3A_100 = arith.constant 1 : i32
    scf.for %scan3A_134 = %scan3A_97 to %scan3A_99 step %scan3A_100  : i32 {
      %get3A = arith.index_cast %scan3A_134 : i32 to index
      %get3A_135 = arith.constant 0 : index
      %get3A_136 = tpu.vector_load %arg11[%get3A, %get3A_135] {strides = array<i32>} : memref<64x32xf32, #tpu.memory_space<vmem>>, vector<1x16xf32>,
      %get3A_137 = vector.shape_cast %get3A_136 : vector<1x16xf32> to vector<16xf32>
      %get3A_138 = arith.index_cast %scan3A_134 : i32 to index
      %get3A_139 = arith.constant 16 : index
      %get3A_140 = tpu.vector_load %arg11[%get3A_138, %get3A_139] {strides = array<i32>} : memref<64x32xf32, #tpu.memory_space<vmem>>, vector<1x16xf32>,
      %get3A_141 = vector.shape_cast %get3A_140 : vector<1x16xf32> to vector<16xf32>
      %get3A_142 = arith.index_cast %scan3A_134 : i32 to index
      %get3A_143 = arith.constant 0 : index
      %get3A_144 = tpu.vector_load %arg9[%get3A_142, %get3A_143] {strides = array<i32>} : memref<64x768xf32, #tpu.memory_space<vmem>>, vector<1x16xf32>,
      %get3A_145 = vector.shape_cast %get3A_144 : vector<1x16xf32> to vector<16xf32>
      %get3A_146 = arith.index_cast %scan3A_134 : i32 to index
      %get3A_147 = arith.constant 0 : index
      %get3A_148 = tpu.vector_load %arg10[%get3A_146, %get3A_147] {strides = array<i32>} : memref<64x768xf32, #tpu.memory_space<vmem>>, vector<1x16xf32>,
      %get3A_149 = vector.shape_cast %get3A_148 : vector<1x16xf32> to vector<16xf32>
      %mul3A_150 = arith.mulf %get3A_137, %get3A_145 : vector<16xf32>
      %mul3A_151 = arith.mulf %get3A_141, %get3A_149 : vector<16xf32>
      %add3A_152 = arith.addf %mul3A_150, %mul3A_151 : vector<16xf32>
      %swap3A = arith.index_cast %scan3A_134 : i32 to index
      %swap3A_153 = arith.constant 0 : index
      %swap3A_154 = tpu.vector_load %arg9[%swap3A, %swap3A_153] {strides = array<i32>} : memref<64x768xf32, #tpu.memory_space<vmem>>, vector<1x16xf32>,
      %swap3A_155 = vector.shape_cast %swap3A_154 : vector<1x16xf32> to vector<16xf32>
      %swap3A_156 = vector.shape_cast %add3A_152 : vector<16xf32> to vector<1x16xf32>
      tpu.vector_store %arg9[%swap3A, %swap3A_153], %swap3A_156 {strides = array<i32>} : memref<64x768xf32, #tpu.memory_space<vmem>>, vector<1x16xf32>,
      %get3A_157 = arith.index_cast %scan3A_134 : i32 to index
      %get3A_158 = arith.constant 16 : index
      %get3A_159 = tpu.vector_load %arg9[%get3A_157, %get3A_158] {strides = array<i32>} : memref<64x768xf32, #tpu.memory_space<vmem>>, vector<1x16xf32>,
      %get3A_160 = vector.shape_cast %get3A_159 : vector<1x16xf32> to vector<16xf32>
      %get3A_161 = arith.index_cast %scan3A_134 : i32 to index
      %get3A_162 = arith.constant 16 : index
      %get3A_163 = tpu.vector_load %arg10[%get3A_161, %get3A_162] {strides = array<i32>} : memref<64x768xf32, #tpu.memory_space<vmem>>, vector<1x16xf32>,
      %get3A_164 = vector.shape_cast %get3A_163 : vector<1x16xf32> to vector<16xf32>
      %mul3A_165 = arith.mulf %get3A_137, %get3A_160 : vector<16xf32>
      %mul3A_166 = arith.mulf %get3A_141, %get3A_164 : vector<16xf32>
      %add3A_167 = arith.addf %mul3A_165, %mul3A_166 : vector<16xf32>
      %swap3A_168 = arith.index_cast %scan3A_134 : i32 to index
      %swap3A_169 = arith.constant 16 : index
      %swap3A_170 = tpu.vector_load %arg9[%swap3A_168, %swap3A_169] {strides = array<i32>} : memref<64x768xf32, #tpu.memory_space<vmem>>, vector<1x16xf32>,
      %swap3A_171 = vector.shape_cast %swap3A_170 : vector<1x16xf32> to vector<16xf32>
      %swap3A_172 = vector.shape_cast %add3A_167 : vector<16xf32> to vector<1x16xf32>
      tpu.vector_store %arg9[%swap3A_168, %swap3A_169], %swap3A_172 {strides = array<i32>} : memref<64x768xf32, #tpu.memory_space<vmem>>, vector<1x16xf32>,
      %get3A_173 = arith.index_cast %scan3A_134 : i32 to index
      %get3A_174 = arith.constant 32 : index
      %get3A_175 = tpu.vector_load %arg9[%get3A_173, %get3A_174] {strides = array<i32>} : memref<64x768xf32, #tpu.memory_space<vmem>>, vector<1x16xf32>,
      %get3A_176 = vector.shape_cast %get3A_175 : vector<1x16xf32> to vector<16xf32>
      %get3A_177 = arith.index_cast %scan3A_134 : i32 to index
      %get3A_178 = arith.constant 32 : index
      %get3A_179 = tpu.vector_load %arg10[%get3A_177, %get3A_178] {strides = array<i32>} : memref<64x768xf32, #tpu.memory_space<vmem>>, vector<1x16xf32>,
      %get3A_180 = vector.shape_cast %get3A_179 : vector<1x16xf32> to vector<16xf32>
      %mul3A_181 = arith.mulf %get3A_137, %get3A_176 : vector<16xf32>
      %mul3A_182 = arith.mulf %get3A_141, %get3A_180 : vector<16xf32>
      %add3A_183 = arith.addf %mul3A_181, %mul3A_182 : vector<16xf32>
      %swap3A_184 = arith.index_cast %scan3A_134 : i32 to index
      %swap3A_185 = arith.constant 32 : index
      %swap3A_186 = tpu.vector_load %arg9[%swap3A_184, %swap3A_185] {strides = array<i32>} : memref<64x768xf32, #tpu.memory_space<vmem>>, vector<1x16xf32>,
      %swap3A_187 = vector.shape_cast %swap3A_186 : vector<1x16xf32> to vector<16xf32>
      %swap3A_188 = vector.shape_cast %add3A_183 : vector<16xf32> to vector<1x16xf32>
      tpu.vector_store %arg9[%swap3A_184, %swap3A_185], %swap3A_188 {strides = array<i32>} : memref<64x768xf32, #tpu.memory_space<vmem>>, vector<1x16xf32>,
      %get3A_189 = arith.index_cast %scan3A_134 : i32 to index
      %get3A_190 = arith.constant 48 : index
      %get3A_191 = tpu.vector_load %arg9[%get3A_189, %get3A_190] {strides = array<i32>} : memref<64x768xf32, #tpu.memory_space<vmem>>, vector<1x16xf32>,
      %get3A_192 = vector.shape_cast %get3A_191 : vector<1x16xf32> to vector<16xf32>
      %get3A_193 = arith.index_cast %scan3A_134 : i32 to index
      %get3A_194 = arith.constant 48 : index
      %get3A_195 = tpu.vector_load %arg10[%get3A_193, %get3A_194] {strides = array<i32>} : memref<64x768xf32, #tpu.memory_space<vmem>>, vector<1x16xf32>,
      %get3A_196 = vector.shape_cast %get3A_195 : vector<1x16xf32> to vector<16xf32>
      %mul3A_197 = arith.mulf %get3A_137, %get3A_192 : vector<16xf32>
      %mul3A_198 = arith.mulf %get3A_141, %get3A_196 : vector<16xf32>
      %add3A_199 = arith.addf %mul3A_197, %mul3A_198 : vector<16xf32>
      %swap3A_200 = arith.index_cast %scan3A_134 : i32 to index
      %swap3A_201 = arith.constant 48 : index
      %swap3A_202 = tpu.vector_load %arg9[%swap3A_200, %swap3A_201] {strides = array<i32>} : memref<64x768xf32, #tpu.memory_space<vmem>>, vector<1x16xf32>,
      %swap3A_203 = vector.shape_cast %swap3A_202 : vector<1x16xf32> to vector<16xf32>
      %swap3A_204 = vector.shape_cast %add3A_199 : vector<16xf32> to vector<1x16xf32>
      tpu.vector_store %arg9[%swap3A_200, %swap3A_201], %swap3A_204 {strides = array<i32>} : memref<64x768xf32, #tpu.memory_space<vmem>>, vector<1x16xf32>,
      %get3A_205 = arith.index_cast %scan3A_134 : i32 to index
      %get3A_206 = arith.constant 64 : index
      %get3A_207 = tpu.vector_load %arg9[%get3A_205, %get3A_206] {strides = array<i32>} : memref<64x768xf32, #tpu.memory_space<vmem>>, vector<1x16xf32>,
      %get3A_208 = vector.shape_cast %get3A_207 : vector<1x16xf32> to vector<16xf32>
      %get3A_209 = arith.index_cast %scan3A_134 : i32 to index
      %get3A_210 = arith.constant 64 : index
      %get3A_211 = tpu.vector_load %arg10[%get3A_209, %get3A_210] {strides = array<i32>} : memref<64x768xf32, #tpu.memory_space<vmem>>, vector<1x16xf32>,
      %get3A_212 = vector.shape_cast %get3A_211 : vector<1x16xf32> to vector<16xf32>
      %mul3A_213 = arith.mulf %get3A_137, %get3A_208 : vector<16xf32>
      %mul3A_214 = arith.mulf %get3A_141, %get3A_212 : vector<16xf32>
      %add3A_215 = arith.addf %mul3A_213, %mul3A_214 : vector<16xf32>
      %swap3A_216 = arith.index_cast %scan3A_134 : i32 to index
      %swap3A_217 = arith.constant 64 : index
      %swap3A_218 = tpu.vector_load %arg9[%swap3A_216, %swap3A_217] {strides = array<i32>} : memref<64x768xf32, #tpu.memory_space<vmem>>, vector<1x16xf32>,
      %swap3A_219 = vector.shape_cast %swap3A_218 : vector<1x16xf32> to vector<16xf32>
      %swap3A_220 = vector.shape_cast %add3A_215 : vector<16xf32> to vector<1x16xf32>
      tpu.vector_store %arg9[%swap3A_216, %swap3A_217], %swap3A_220 {strides = array<i32>} : memref<64x768xf32, #tpu.memory_space<vmem>>, vector<1x16xf32>,
      %get3A_221 = arith.index_cast %scan3A_134 : i32 to index
      %get3A_222 = arith.constant 80 : index
      %get3A_223 = tpu.vector_load %arg9[%get3A_221, %get3A_222] {strides = array<i32>} : memref<64x768xf32, #tpu.memory_space<vmem>>, vector<1x16xf32>,
      %get3A_224 = vector.shape_cast %get3A_223 : vector<1x16xf32> to vector<16xf32>
      %get3A_225 = arith.index_cast %scan3A_134 : i32 to index
      %get3A_226 = arith.constant 80 : index
      %get3A_227 = tpu.vector_load %arg10[%get3A_225, %get3A_226] {strides = array<i32>} : memref<64x768xf32, #tpu.memory_space<vmem>>, vector<1x16xf32>,
      %get3A_228 = vector.shape_cast %get3A_227 : vector<1x16xf32> to vector<16xf32>
      %mul3A_229 = arith.mulf %get3A_137, %get3A_224 : vector<16xf32>
      %mul3A_230 = arith.mulf %get3A_141, %get3A_228 : vector<16xf32>
      %add3A_231 = arith.addf %mul3A_229, %mul3A_230 : vector<16xf32>
      %swap3A_232 = arith.index_cast %scan3A_134 : i32 to index
      %swap3A_233 = arith.constant 80 : index
      %swap3A_234 = tpu.vector_load %arg9[%swap3A_232, %swap3A_233] {strides = array<i32>} : memref<64x768xf32, #tpu.memory_space<vmem>>, vector<1x16xf32>,
      %swap3A_235 = vector.shape_cast %swap3A_234 : vector<1x16xf32> to vector<16xf32>
      %swap3A_236 = vector.shape_cast %add3A_231 : vector<16xf32> to vector<1x16xf32>
      tpu.vector_store %arg9[%swap3A_232, %swap3A_233], %swap3A_236 {strides = array<i32>} : memref<64x768xf32, #tpu.memory_space<vmem>>, vector<1x16xf32>,
      %get3A_237 = arith.index_cast %scan3A_134 : i32 to index
      %get3A_238 = arith.constant 96 : index
      %get3A_239 = tpu.vector_load %arg9[%get3A_237, %get3A_238] {strides = array<i32>} : memref<64x768xf32, #tpu.memory_space<vmem>>, vector<1x16xf32>,
      %get3A_240 = vector.shape_cast %get3A_239 : vector<1x16xf32> to vector<16xf32>
      %get3A_241 = arith.index_cast %scan3A_134 : i32 to index
      %get3A_242 = arith.constant 96 : index
      %get3A_243 = tpu.vector_load %arg10[%get3A_241, %get3A_242] {strides = array<i32>} : memref<64x768xf32, #tpu.memory_space<vmem>>, vector<1x16xf32>,
      %get3A_244 = vector.shape_cast %get3A_243 : vector<1x16xf32> to vector<16xf32>
      %mul3A_245 = arith.mulf %get3A_137, %get3A_240 : vector<16xf32>
      %mul3A_246 = arith.mulf %get3A_141, %get3A_244 : vector<16xf32>
      %add3A_247 = arith.addf %mul3A_245, %mul3A_246 : vector<16xf32>
      %swap3A_248 = arith.index_cast %scan3A_134 : i32 to index
      %swap3A_249 = arith.constant 96 : index
      %swap3A_250 = tpu.vector_load %arg9[%swap3A_248, %swap3A_249] {strides = array<i32>} : memref<64x768xf32, #tpu.memory_space<vmem>>, vector<1x16xf32>,
      %swap3A_251 = vector.shape_cast %swap3A_250 : vector<1x16xf32> to vector<16xf32>
      %swap3A_252 = vector.shape_cast %add3A_247 : vector<16xf32> to vector<1x16xf32>
      tpu.vector_store %arg9[%swap3A_248, %swap3A_249], %swap3A_252 {strides = array<i32>} : memref<64x768xf32, #tpu.memory_space<vmem>>, vector<1x16xf32>,
      %get3A_253 = arith.index_cast %scan3A_134 : i32 to index
      %get3A_254 = arith.constant 112 : index
      %get3A_255 = tpu.vector_load %arg9[%get3A_253, %get3A_254] {strides = array<i32>} : memref<64x768xf32, #tpu.memory_space<vmem>>, vector<1x16xf32>,
      %get3A_256 = vector.shape_cast %get3A_255 : vector<1x16xf32> to vector<16xf32>
      %get3A_257 = arith.index_cast %scan3A_134 : i32 to index
      %get3A_258 = arith.constant 112 : index
      %get3A_259 = tpu.vector_load %arg10[%get3A_257, %get3A_258] {strides = array<i32>} : memref<64x768xf32, #tpu.memory_space<vmem>>, vector<1x16xf32>,
      %get3A_260 = vector.shape_cast %get3A_259 : vector<1x16xf32> to vector<16xf32>
      %mul3A_261 = arith.mulf %get3A_137, %get3A_256 : vector<16xf32>
      %mul3A_262 = arith.mulf %get3A_141, %get3A_260 : vector<16xf32>
      %add3A_263 = arith.addf %mul3A_261, %mul3A_262 : vector<16xf32>
      %swap3A_264 = arith.index_cast %scan3A_134 : i32 to index
      %swap3A_265 = arith.constant 112 : index
      %swap3A_266 = tpu.vector_load %arg9[%swap3A_264, %swap3A_265] {strides = array<i32>} : memref<64x768xf32, #tpu.memory_space<vmem>>, vector<1x16xf32>,
      %swap3A_267 = vector.shape_cast %swap3A_266 : vector<1x16xf32> to vector<16xf32>
      %swap3A_268 = vector.shape_cast %add3A_263 : vector<16xf32> to vector<1x16xf32>
      tpu.vector_store %arg9[%swap3A_264, %swap3A_265], %swap3A_268 {strides = array<i32>} : memref<64x768xf32, #tpu.memory_space<vmem>>, vector<1x16xf32>,
      %get3A_269 = arith.index_cast %scan3A_134 : i32 to index
      %get3A_270 = arith.constant 128 : index
      %get3A_271 = tpu.vector_load %arg9[%get3A_269, %get3A_270] {strides = array<i32>} : memref<64x768xf32, #tpu.memory_space<vmem>>, vector<1x16xf32>,
      %get3A_272 = vector.shape_cast %get3A_271 : vector<1x16xf32> to vector<16xf32>
      %get3A_273 = arith.index_cast %scan3A_134 : i32 to index
      %get3A_274 = arith.constant 128 : index
      %get3A_275 = tpu.vector_load %arg10[%get3A_273, %get3A_274] {strides = array<i32>} : memref<64x768xf32, #tpu.memory_space<vmem>>, vector<1x16xf32>,
      %get3A_276 = vector.shape_cast %get3A_275 : vector<1x16xf32> to vector<16xf32>
      %mul3A_277 = arith.mulf %get3A_137, %get3A_272 : vector<16xf32>
      %mul3A_278 = arith.mulf %get3A_141, %get3A_276 : vector<16xf32>
      %add3A_279 = arith.addf %mul3A_277, %mul3A_278 : vector<16xf32>
      %swap3A_280 = arith.index_cast %scan3A_134 : i32 to index
      %swap3A_281 = arith.constant 128 : index
      %swap3A_282 = tpu.vector_load %arg9[%swap3A_280, %swap3A_281] {strides = array<i32>} : memref<64x768xf32, #tpu.memory_space<vmem>>, vector<1x16xf32>,
      %swap3A_283 = vector.shape_cast %swap3A_282 : vector<1x16xf32> to vector<16xf32>
      %swap3A_284 = vector.shape_cast %add3A_279 : vector<16xf32> to vector<1x16xf32>
      tpu.vector_store %arg9[%swap3A_280, %swap3A_281], %swap3A_284 {strides = array<i32>} : memref<64x768xf32, #tpu.memory_space<vmem>>, vector<1x16xf32>,
      %get3A_285 = arith.index_cast %scan3A_134 : i32 to index
      %get3A_286 = arith.constant 144 : index
      %get3A_287 = tpu.vector_load %arg9[%get3A_285, %get3A_286] {strides = array<i32>} : memref<64x768xf32, #tpu.memory_space<vmem>>, vector<1x16xf32>,
      %get3A_288 = vector.shape_cast %get3A_287 : vector<1x16xf32> to vector<16xf32>
      %get3A_289 = arith.index_cast %scan3A_134 : i32 to index
      %get3A_290 = arith.constant 144 : index
      %get3A_291 = tpu.vector_load %arg10[%get3A_289, %get3A_290] {strides = array<i32>} : memref<64x768xf32, #tpu.memory_space<vmem>>, vector<1x16xf32>,
      %get3A_292 = vector.shape_cast %get3A_291 : vector<1x16xf32> to vector<16xf32>
      %mul3A_293 = arith.mulf %get3A_137, %get3A_288 : vector<16xf32>
      %mul3A_294 = arith.mulf %get3A_141, %get3A_292 : vector<16xf32>
      %add3A_295 = arith.addf %mul3A_293, %mul3A_294 : vector<16xf32>
      %swap3A_296 = arith.index_cast %scan3A_134 : i32 to index
      %swap3A_297 = arith.constant 144 : index
      %swap3A_298 = tpu.vector_load %arg9[%swap3A_296, %swap3A_297] {strides = array<i32>} : memref<64x768xf32, #tpu.memory_space<vmem>>, vector<1x16xf32>,
      %swap3A_299 = vector.shape_cast %swap3A_298 : vector<1x16xf32> to vector<16xf32>
      %swap3A_300 = vector.shape_cast %add3A_295 : vector<16xf32> to vector<1x16xf32>
      tpu.vector_store %arg9[%swap3A_296, %swap3A_297], %swap3A_300 {strides = array<i32>} : memref<64x768xf32, #tpu.memory_space<vmem>>, vector<1x16xf32>,
      %get3A_301 = arith.index_cast %scan3A_134 : i32 to index
      %get3A_302 = arith.constant 160 : index
      %get3A_303 = tpu.vector_load %arg9[%get3A_301, %get3A_302] {strides = array<i32>} : memref<64x768xf32, #tpu.memory_space<vmem>>, vector<1x16xf32>,
      %get3A_304 = vector.shape_cast %get3A_303 : vector<1x16xf32> to vector<16xf32>
      %get3A_305 = arith.index_cast %scan3A_134 : i32 to index
      %get3A_306 = arith.constant 160 : index
      %get3A_307 = tpu.vector_load %arg10[%get3A_305, %get3A_306] {strides = array<i32>} : memref<64x768xf32, #tpu.memory_space<vmem>>, vector<1x16xf32>,
      %get3A_308 = vector.shape_cast %get3A_307 : vector<1x16xf32> to vector<16xf32>
      %mul3A_309 = arith.mulf %get3A_137, %get3A_304 : vector<16xf32>
      %mul3A_310 = arith.mulf %get3A_141, %get3A_308 : vector<16xf32>
      %add3A_311 = arith.addf %mul3A_309, %mul3A_310 : vector<16xf32>
      %swap3A_312 = arith.index_cast %scan3A_134 : i32 to index
      %swap3A_313 = arith.constant 160 : index
      %swap3A_314 = tpu.vector_load %arg9[%swap3A_312, %swap3A_313] {strides = array<i32>} : memref<64x768xf32, #tpu.memory_space<vmem>>, vector<1x16xf32>,
      %swap3A_315 = vector.shape_cast %swap3A_314 : vector<1x16xf32> to vector<16xf32>
      %swap3A_316 = vector.shape_cast %add3A_311 : vector<16xf32> to vector<1x16xf32>
      tpu.vector_store %arg9[%swap3A_312, %swap3A_313], %swap3A_316 {strides = array<i32>} : memref<64x768xf32, #tpu.memory_space<vmem>>, vector<1x16xf32>,
      %get3A_317 = arith.index_cast %scan3A_134 : i32 to index
      %get3A_318 = arith.constant 176 : index
      %get3A_319 = tpu.vector_load %arg9[%get3A_317, %get3A_318] {strides = array<i32>} : memref<64x768xf32, #tpu.memory_space<vmem>>, vector<1x16xf32>,
      %get3A_320 = vector.shape_cast %get3A_319 : vector<1x16xf32> to vector<16xf32>
      %get3A_321 = arith.index_cast %scan3A_134 : i32 to index
      %get3A_322 = arith.constant 176 : index
      %get3A_323 = tpu.vector_load %arg10[%get3A_321, %get3A_322] {strides = array<i32>} : memref<64x768xf32, #tpu.memory_space<vmem>>, vector<1x16xf32>,
      %get3A_324 = vector.shape_cast %get3A_323 : vector<1x16xf32> to vector<16xf32>
      %mul3A_325 = arith.mulf %get3A_137, %get3A_320 : vector<16xf32>
      %mul3A_326 = arith.mulf %get3A_141, %get3A_324 : vector<16xf32>
      %add3A_327 = arith.addf %mul3A_325, %mul3A_326 : vector<16xf32>
      %swap3A_328 = arith.index_cast %scan3A_134 : i32 to index
      %swap3A_329 = arith.constant 176 : index
      %swap3A_330 = tpu.vector_load %arg9[%swap3A_328, %swap3A_329] {strides = array<i32>} : memref<64x768xf32, #tpu.memory_space<vmem>>, vector<1x16xf32>,
      %swap3A_331 = vector.shape_cast %swap3A_330 : vector<1x16xf32> to vector<16xf32>
      %swap3A_332 = vector.shape_cast %add3A_327 : vector<16xf32> to vector<1x16xf32>
      tpu.vector_store %arg9[%swap3A_328, %swap3A_329], %swap3A_332 {strides = array<i32>} : memref<64x768xf32, #tpu.memory_space<vmem>>, vector<1x16xf32>,
      %get3A_333 = arith.index_cast %scan3A_134 : i32 to index
      %get3A_334 = arith.constant 192 : index
      %get3A_335 = tpu.vector_load %arg9[%get3A_333, %get3A_334] {strides = array<i32>} : memref<64x768xf32, #tpu.memory_space<vmem>>, vector<1x16xf32>,
      %get3A_336 = vector.shape_cast %get3A_335 : vector<1x16xf32> to vector<16xf32>
      %get3A_337 = arith.index_cast %scan3A_134 : i32 to index
      %get3A_338 = arith.constant 192 : index
      %get3A_339 = tpu.vector_load %arg10[%get3A_337, %get3A_338] {strides = array<i32>} : memref<64x768xf32, #tpu.memory_space<vmem>>, vector<1x16xf32>,
      %get3A_340 = vector.shape_cast %get3A_339 : vector<1x16xf32> to vector<16xf32>
      %mul3A_341 = arith.mulf %get3A_137, %get3A_336 : vector<16xf32>
      %mul3A_342 = arith.mulf %get3A_141, %get3A_340 : vector<16xf32>
      %add3A_343 = arith.addf %mul3A_341, %mul3A_342 : vector<16xf32>
      %swap3A_344 = arith.index_cast %scan3A_134 : i32 to index
      %swap3A_345 = arith.constant 192 : index
      %swap3A_346 = tpu.vector_load %arg9[%swap3A_344, %swap3A_345] {strides = array<i32>} : memref<64x768xf32, #tpu.memory_space<vmem>>, vector<1x16xf32>,
      %swap3A_347 = vector.shape_cast %swap3A_346 : vector<1x16xf32> to vector<16xf32>
      %swap3A_348 = vector.shape_cast %add3A_343 : vector<16xf32> to vector<1x16xf32>
      tpu.vector_store %arg9[%swap3A_344, %swap3A_345], %swap3A_348 {strides = array<i32>} : memref<64x768xf32, #tpu.memory_space<vmem>>, vector<1x16xf32>,
      %get3A_349 = arith.index_cast %scan3A_134 : i32 to index
      %get3A_350 = arith.constant 208 : index
      %get3A_351 = tpu.vector_load %arg9[%get3A_349, %get3A_350] {strides = array<i32>} : memref<64x768xf32, #tpu.memory_space<vmem>>, vector<1x16xf32>,
      %get3A_352 = vector.shape_cast %get3A_351 : vector<1x16xf32> to vector<16xf32>
      %get3A_353 = arith.index_cast %scan3A_134 : i32 to index
      %get3A_354 = arith.constant 208 : index
      %get3A_355 = tpu.vector_load %arg10[%get3A_353, %get3A_354] {strides = array<i32>} : memref<64x768xf32, #tpu.memory_space<vmem>>, vector<1x16xf32>,
      %get3A_356 = vector.shape_cast %get3A_355 : vector<1x16xf32> to vector<16xf32>
      %mul3A_357 = arith.mulf %get3A_137, %get3A_352 : vector<16xf32>
      %mul3A_358 = arith.mulf %get3A_141, %get3A_356 : vector<16xf32>
      %add3A_359 = arith.addf %mul3A_357, %mul3A_358 : vector<16xf32>
      %swap3A_360 = arith.index_cast %scan3A_134 : i32 to index
      %swap3A_361 = arith.constant 208 : index
      %swap3A_362 = tpu.vector_load %arg9[%swap3A_360, %swap3A_361] {strides = array<i32>} : memref<64x768xf32, #tpu.memory_space<vmem>>, vector<1x16xf32>,
      %swap3A_363 = vector.shape_cast %swap3A_362 : vector<1x16xf32> to vector<16xf32>
      %swap3A_364 = vector.shape_cast %add3A_359 : vector<16xf32> to vector<1x16xf32>
      tpu.vector_store %arg9[%swap3A_360, %swap3A_361], %swap3A_364 {strides = array<i32>} : memref<64x768xf32, #tpu.memory_space<vmem>>, vector<1x16xf32>,
      %get3A_365 = arith.index_cast %scan3A_134 : i32 to index
      %get3A_366 = arith.constant 224 : index
      %get3A_367 = tpu.vector_load %arg9[%get3A_365, %get3A_366] {strides = array<i32>} : memref<64x768xf32, #tpu.memory_space<vmem>>, vector<1x16xf32>,
      %get3A_368 = vector.shape_cast %get3A_367 : vector<1x16xf32> to vector<16xf32>
      %get3A_369 = arith.index_cast %scan3A_134 : i32 to index
      %get3A_370 = arith.constant 224 : index
      %get3A_371 = tpu.vector_load %arg10[%get3A_369, %get3A_370] {strides = array<i32>} : memref<64x768xf32, #tpu.memory_space<vmem>>, vector<1x16xf32>,
      %get3A_372 = vector.shape_cast %get3A_371 : vector<1x16xf32> to vector<16xf32>
      %mul3A_373 = arith.mulf %get3A_137, %get3A_368 : vector<16xf32>
      %mul3A_374 = arith.mulf %get3A_141, %get3A_372 : vector<16xf32>
      %add3A_375 = arith.addf %mul3A_373, %mul3A_374 : vector<16xf32>
      %swap3A_376 = arith.index_cast %scan3A_134 : i32 to index
      %swap3A_377 = arith.constant 224 : index
      %swap3A_378 = tpu.vector_load %arg9[%swap3A_376, %swap3A_377] {strides = array<i32>} : memref<64x768xf32, #tpu.memory_space<vmem>>, vector<1x16xf32>,
      %swap3A_379 = vector.shape_cast %swap3A_378 : vector<1x16xf32> to vector<16xf32>
      %swap3A_380 = vector.shape_cast %add3A_375 : vector<16xf32> to vector<1x16xf32>
      tpu.vector_store %arg9[%swap3A_376, %swap3A_377], %swap3A_380 {strides = array<i32>} : memref<64x768xf32, #tpu.memory_space<vmem>>, vector<1x16xf32>,
      %get3A_381 = arith.index_cast %scan3A_134 : i32 to index
      %get3A_382 = arith.constant 240 : index
      %get3A_383 = tpu.vector_load %arg9[%get3A_381, %get3A_382] {strides = array<i32>} : memref<64x768xf32, #tpu.memory_space<vmem>>, vector<1x16xf32>,
      %get3A_384 = vector.shape_cast %get3A_383 : vector<1x16xf32> to vector<16xf32>
      %get3A_385 = arith.index_cast %scan3A_134 : i32 to index
      %get3A_386 = arith.constant 240 : index
      %get3A_387 = tpu.vector_load %arg10[%get3A_385, %get3A_386] {strides = array<i32>} : memref<64x768xf32, #tpu.memory_space<vmem>>, vector<1x16xf32>,
      %get3A_388 = vector.shape_cast %get3A_387 : vector<1x16xf32> to vector<16xf32>
      %mul3A_389 = arith.mulf %get3A_137, %get3A_384 : vector<16xf32>
      %mul3A_390 = arith.mulf %get3A_141, %get3A_388 : vector<16xf32>
      %add3A_391 = arith.addf %mul3A_389, %mul3A_390 : vector<16xf32>
      %swap3A_392 = arith.index_cast %scan3A_134 : i32 to index
      %swap3A_393 = arith.constant 240 : index
      %swap3A_394 = tpu.vector_load %arg9[%swap3A_392, %swap3A_393] {strides = array<i32>} : memref<64x768xf32, #tpu.memory_space<vmem>>, vector<1x16xf32>,
      %swap3A_395 = vector.shape_cast %swap3A_394 : vector<1x16xf32> to vector<16xf32>
      %swap3A_396 = vector.shape_cast %add3A_391 : vector<16xf32> to vector<1x16xf32>
      tpu.vector_store %arg9[%swap3A_392, %swap3A_393], %swap3A_396 {strides = array<i32>} : memref<64x768xf32, #tpu.memory_space<vmem>>, vector<1x16xf32>,
      %get3A_397 = arith.index_cast %scan3A_134 : i32 to index
      %get3A_398 = arith.constant 256 : index
      %get3A_399 = tpu.vector_load %arg9[%get3A_397, %get3A_398] {strides = array<i32>} : memref<64x768xf32, #tpu.memory_space<vmem>>, vector<1x16xf32>,
      %get3A_400 = vector.shape_cast %get3A_399 : vector<1x16xf32> to vector<16xf32>
      %get3A_401 = arith.index_cast %scan3A_134 : i32 to index
      %get3A_402 = arith.constant 256 : index
      %get3A_403 = tpu.vector_load %arg10[%get3A_401, %get3A_402] {strides = array<i32>} : memref<64x768xf32, #tpu.memory_space<vmem>>, vector<1x16xf32>,
      %get3A_404 = vector.shape_cast %get3A_403 : vector<1x16xf32> to vector<16xf32>
      %mul3A_405 = arith.mulf %get3A_137, %get3A_400 : vector<16xf32>
      %mul3A_406 = arith.mulf %get3A_141, %get3A_404 : vector<16xf32>
      %add3A_407 = arith.addf %mul3A_405, %mul3A_406 : vector<16xf32>
      %swap3A_408 = arith.index_cast %scan3A_134 : i32 to index
      %swap3A_409 = arith.constant 256 : index
      %swap3A_410 = tpu.vector_load %arg9[%swap3A_408, %swap3A_409] {strides = array<i32>} : memref<64x768xf32, #tpu.memory_space<vmem>>, vector<1x16xf32>,
      %swap3A_411 = vector.shape_cast %swap3A_410 : vector<1x16xf32> to vector<16xf32>
      %swap3A_412 = vector.shape_cast %add3A_407 : vector<16xf32> to vector<1x16xf32>
      tpu.vector_store %arg9[%swap3A_408, %swap3A_409], %swap3A_412 {strides = array<i32>} : memref<64x768xf32, #tpu.memory_space<vmem>>, vector<1x16xf32>,
      %get3A_413 = arith.index_cast %scan3A_134 : i32 to index
      %get3A_414 = arith.constant 272 : index
      %get3A_415 = tpu.vector_load %arg9[%get3A_413, %get3A_414] {strides = array<i32>} : memref<64x768xf32, #tpu.memory_space<vmem>>, vector<1x16xf32>,
      %get3A_416 = vector.shape_cast %get3A_415 : vector<1x16xf32> to vector<16xf32>
      %get3A_417 = arith.index_cast %scan3A_134 : i32 to index
      %get3A_418 = arith.constant 272 : index
      %get3A_419 = tpu.vector_load %arg10[%get3A_417, %get3A_418] {strides = array<i32>} : memref<64x768xf32, #tpu.memory_space<vmem>>, vector<1x16xf32>,
      %get3A_420 = vector.shape_cast %get3A_419 : vector<1x16xf32> to vector<16xf32>
      %mul3A_421 = arith.mulf %get3A_137, %get3A_416 : vector<16xf32>
      %mul3A_422 = arith.mulf %get3A_141, %get3A_420 : vector<16xf32>
      %add3A_423 = arith.addf %mul3A_421, %mul3A_422 : vector<16xf32>
      %swap3A_424 = arith.index_cast %scan3A_134 : i32 to index
      %swap3A_425 = arith.constant 272 : index
      %swap3A_426 = tpu.vector_load %arg9[%swap3A_424, %swap3A_425] {strides = array<i32>} : memref<64x768xf32, #tpu.memory_space<vmem>>, vector<1x16xf32>,
      %swap3A_427 = vector.shape_cast %swap3A_426 : vector<1x16xf32> to vector<16xf32>
      %swap3A_428 = vector.shape_cast %add3A_423 : vector<16xf32> to vector<1x16xf32>
      tpu.vector_store %arg9[%swap3A_424, %swap3A_425], %swap3A_428 {strides = array<i32>} : memref<64x768xf32, #tpu.memory_space<vmem>>, vector<1x16xf32>,
      %get3A_429 = arith.index_cast %scan3A_134 : i32 to index
      %get3A_430 = arith.constant 288 : index
      %get3A_431 = tpu.vector_load %arg9[%get3A_429, %get3A_430] {strides = array<i32>} : memref<64x768xf32, #tpu.memory_space<vmem>>, vector<1x16xf32>,
      %get3A_432 = vector.shape_cast %get3A_431 : vector<1x16xf32> to vector<16xf32>
      %get3A_433 = arith.index_cast %scan3A_134 : i32 to index
      %get3A_434 = arith.constant 288 : index
      %get3A_435 = tpu.vector_load %arg10[%get3A_433, %get3A_434] {strides = array<i32>} : memref<64x768xf32, #tpu.memory_space<vmem>>, vector<1x16xf32>,
      %get3A_436 = vector.shape_cast %get3A_435 : vector<1x16xf32> to vector<16xf32>
      %mul3A_437 = arith.mulf %get3A_137, %get3A_432 : vector<16xf32>
      %mul3A_438 = arith.mulf %get3A_141, %get3A_436 : vector<16xf32>
      %add3A_439 = arith.addf %mul3A_437, %mul3A_438 : vector<16xf32>
      %swap3A_440 = arith.index_cast %scan3A_134 : i32 to index
      %swap3A_441 = arith.constant 288 : index
      %swap3A_442 = tpu.vector_load %arg9[%swap3A_440, %swap3A_441] {strides = array<i32>} : memref<64x768xf32, #tpu.memory_space<vmem>>, vector<1x16xf32>,
      %swap3A_443 = vector.shape_cast %swap3A_442 : vector<1x16xf32> to vector<16xf32>
      %swap3A_444 = vector.shape_cast %add3A_439 : vector<16xf32> to vector<1x16xf32>
      tpu.vector_store %arg9[%swap3A_440, %swap3A_441], %swap3A_444 {strides = array<i32>} : memref<64x768xf32, #tpu.memory_space<vmem>>, vector<1x16xf32>,
      %get3A_445 = arith.index_cast %scan3A_134 : i32 to index
      %get3A_446 = arith.constant 304 : index
      %get3A_447 = tpu.vector_load %arg9[%get3A_445, %get3A_446] {strides = array<i32>} : memref<64x768xf32, #tpu.memory_space<vmem>>, vector<1x16xf32>,
      %get3A_448 = vector.shape_cast %get3A_447 : vector<1x16xf32> to vector<16xf32>
      %get3A_449 = arith.index_cast %scan3A_134 : i32 to index
      %get3A_450 = arith.constant 304 : index
      %get3A_451 = tpu.vector_load %arg10[%get3A_449, %get3A_450] {strides = array<i32>} : memref<64x768xf32, #tpu.memory_space<vmem>>, vector<1x16xf32>,
      %get3A_452 = vector.shape_cast %get3A_451 : vector<1x16xf32> to vector<16xf32>
      %mul3A_453 = arith.mulf %get3A_137, %get3A_448 : vector<16xf32>
      %mul3A_454 = arith.mulf %get3A_141, %get3A_452 : vector<16xf32>
      %add3A_455 = arith.addf %mul3A_453, %mul3A_454 : vector<16xf32>
      %swap3A_456 = arith.index_cast %scan3A_134 : i32 to index
      %swap3A_457 = arith.constant 304 : index
      %swap3A_458 = tpu.vector_load %arg9[%swap3A_456, %swap3A_457] {strides = array<i32>} : memref<64x768xf32, #tpu.memory_space<vmem>>, vector<1x16xf32>,
      %swap3A_459 = vector.shape_cast %swap3A_458 : vector<1x16xf32> to vector<16xf32>
      %swap3A_460 = vector.shape_cast %add3A_455 : vector<16xf32> to vector<1x16xf32>
      tpu.vector_store %arg9[%swap3A_456, %swap3A_457], %swap3A_460 {strides = array<i32>} : memref<64x768xf32, #tpu.memory_space<vmem>>, vector<1x16xf32>,
      %get3A_461 = arith.index_cast %scan3A_134 : i32 to index
      %get3A_462 = arith.constant 320 : index
      %get3A_463 = tpu.vector_load %arg9[%get3A_461, %get3A_462] {strides = array<i32>} : memref<64x768xf32, #tpu.memory_space<vmem>>, vector<1x16xf32>,
      %get3A_464 = vector.shape_cast %get3A_463 : vector<1x16xf32> to vector<16xf32>
      %get3A_465 = arith.index_cast %scan3A_134 : i32 to index
      %get3A_466 = arith.constant 320 : index
      %get3A_467 = tpu.vector_load %arg10[%get3A_465, %get3A_466] {strides = array<i32>} : memref<64x768xf32, #tpu.memory_space<vmem>>, vector<1x16xf32>,
      %get3A_468 = vector.shape_cast %get3A_467 : vector<1x16xf32> to vector<16xf32>
      %mul3A_469 = arith.mulf %get3A_137, %get3A_464 : vector<16xf32>
      %mul3A_470 = arith.mulf %get3A_141, %get3A_468 : vector<16xf32>
      %add3A_471 = arith.addf %mul3A_469, %mul3A_470 : vector<16xf32>
      %swap3A_472 = arith.index_cast %scan3A_134 : i32 to index
      %swap3A_473 = arith.constant 320 : index
      %swap3A_474 = tpu.vector_load %arg9[%swap3A_472, %swap3A_473] {strides = array<i32>} : memref<64x768xf32, #tpu.memory_space<vmem>>, vector<1x16xf32>,
      %swap3A_475 = vector.shape_cast %swap3A_474 : vector<1x16xf32> to vector<16xf32>
      %swap3A_476 = vector.shape_cast %add3A_471 : vector<16xf32> to vector<1x16xf32>
      tpu.vector_store %arg9[%swap3A_472, %swap3A_473], %swap3A_476 {strides = array<i32>} : memref<64x768xf32, #tpu.memory_space<vmem>>, vector<1x16xf32>,
      %get3A_477 = arith.index_cast %scan3A_134 : i32 to index
      %get3A_478 = arith.constant 336 : index
      %get3A_479 = tpu.vector_load %arg9[%get3A_477, %get3A_478] {strides = array<i32>} : memref<64x768xf32, #tpu.memory_space<vmem>>, vector<1x16xf32>,
      %get3A_480 = vector.shape_cast %get3A_479 : vector<1x16xf32> to vector<16xf32>
      %get3A_481 = arith.index_cast %scan3A_134 : i32 to index
      %get3A_482 = arith.constant 336 : index
      %get3A_483 = tpu.vector_load %arg10[%get3A_481, %get3A_482] {strides = array<i32>} : memref<64x768xf32, #tpu.memory_space<vmem>>, vector<1x16xf32>,
      %get3A_484 = vector.shape_cast %get3A_483 : vector<1x16xf32> to vector<16xf32>
      %mul3A_485 = arith.mulf %get3A_137, %get3A_480 : vector<16xf32>
      %mul3A_486 = arith.mulf %get3A_141, %get3A_484 : vector<16xf32>
      %add3A_487 = arith.addf %mul3A_485, %mul3A_486 : vector<16xf32>
      %swap3A_488 = arith.index_cast %scan3A_134 : i32 to index
      %swap3A_489 = arith.constant 336 : index
      %swap3A_490 = tpu.vector_load %arg9[%swap3A_488, %swap3A_489] {strides = array<i32>} : memref<64x768xf32, #tpu.memory_space<vmem>>, vector<1x16xf32>,
      %swap3A_491 = vector.shape_cast %swap3A_490 : vector<1x16xf32> to vector<16xf32>
      %swap3A_492 = vector.shape_cast %add3A_487 : vector<16xf32> to vector<1x16xf32>
      tpu.vector_store %arg9[%swap3A_488, %swap3A_489], %swap3A_492 {strides = array<i32>} : memref<64x768xf32, #tpu.memory_space<vmem>>, vector<1x16xf32>,
      %get3A_493 = arith.index_cast %scan3A_134 : i32 to index
      %get3A_494 = arith.constant 352 : index
      %get3A_495 = tpu.vector_load %arg9[%get3A_493, %get3A_494] {strides = array<i32>} : memref<64x768xf32, #tpu.memory_space<vmem>>, vector<1x16xf32>,
      %get3A_496 = vector.shape_cast %get3A_495 : vector<1x16xf32> to vector<16xf32>
      %get3A_497 = arith.index_cast %scan3A_134 : i32 to index
      %get3A_498 = arith.constant 352 : index
      %get3A_499 = tpu.vector_load %arg10[%get3A_497, %get3A_498] {strides = array<i32>} : memref<64x768xf32, #tpu.memory_space<vmem>>, vector<1x16xf32>,
      %get3A_500 = vector.shape_cast %get3A_499 : vector<1x16xf32> to vector<16xf32>
      %mul3A_501 = arith.mulf %get3A_137, %get3A_496 : vector<16xf32>
      %mul3A_502 = arith.mulf %get3A_141, %get3A_500 : vector<16xf32>
      %add3A_503 = arith.addf %mul3A_501, %mul3A_502 : vector<16xf32>
      %swap3A_504 = arith.index_cast %scan3A_134 : i32 to index
      %swap3A_505 = arith.constant 352 : index
      %swap3A_506 = tpu.vector_load %arg9[%swap3A_504, %swap3A_505] {strides = array<i32>} : memref<64x768xf32, #tpu.memory_space<vmem>>, vector<1x16xf32>,
      %swap3A_507 = vector.shape_cast %swap3A_506 : vector<1x16xf32> to vector<16xf32>
      %swap3A_508 = vector.shape_cast %add3A_503 : vector<16xf32> to vector<1x16xf32>
      tpu.vector_store %arg9[%swap3A_504, %swap3A_505], %swap3A_508 {strides = array<i32>} : memref<64x768xf32, #tpu.memory_space<vmem>>, vector<1x16xf32>,
      %get3A_509 = arith.index_cast %scan3A_134 : i32 to index
      %get3A_510 = arith.constant 368 : index
      %get3A_511 = tpu.vector_load %arg9[%get3A_509, %get3A_510] {strides = array<i32>} : memref<64x768xf32, #tpu.memory_space<vmem>>, vector<1x16xf32>,
      %get3A_512 = vector.shape_cast %get3A_511 : vector<1x16xf32> to vector<16xf32>
      %get3A_513 = arith.index_cast %scan3A_134 : i32 to index
      %get3A_514 = arith.constant 368 : index
      %get3A_515 = tpu.vector_load %arg10[%get3A_513, %get3A_514] {strides = array<i32>} : memref<64x768xf32, #tpu.memory_space<vmem>>, vector<1x16xf32>,
      %get3A_516 = vector.shape_cast %get3A_515 : vector<1x16xf32> to vector<16xf32>
      %mul3A_517 = arith.mulf %get3A_137, %get3A_512 : vector<16xf32>
      %mul3A_518 = arith.mulf %get3A_141, %get3A_516 : vector<16xf32>
      %add3A_519 = arith.addf %mul3A_517, %mul3A_518 : vector<16xf32>
      %swap3A_520 = arith.index_cast %scan3A_134 : i32 to index
      %swap3A_521 = arith.constant 368 : index
      %swap3A_522 = tpu.vector_load %arg9[%swap3A_520, %swap3A_521] {strides = array<i32>} : memref<64x768xf32, #tpu.memory_space<vmem>>, vector<1x16xf32>,
      %swap3A_523 = vector.shape_cast %swap3A_522 : vector<1x16xf32> to vector<16xf32>
      %swap3A_524 = vector.shape_cast %add3A_519 : vector<16xf32> to vector<1x16xf32>
      tpu.vector_store %arg9[%swap3A_520, %swap3A_521], %swap3A_524 {strides = array<i32>} : memref<64x768xf32, #tpu.memory_space<vmem>>, vector<1x16xf32>,
      %get3A_525 = arith.index_cast %scan3A_134 : i32 to index
      %get3A_526 = arith.constant 384 : index
      %get3A_527 = tpu.vector_load %arg9[%get3A_525, %get3A_526] {strides = array<i32>} : memref<64x768xf32, #tpu.memory_space<vmem>>, vector<1x16xf32>,
      %get3A_528 = vector.shape_cast %get3A_527 : vector<1x16xf32> to vector<16xf32>
      %get3A_529 = arith.index_cast %scan3A_134 : i32 to index
      %get3A_530 = arith.constant 384 : index
      %get3A_531 = tpu.vector_load %arg10[%get3A_529, %get3A_530] {strides = array<i32>} : memref<64x768xf32, #tpu.memory_space<vmem>>, vector<1x16xf32>,
      %get3A_532 = vector.shape_cast %get3A_531 : vector<1x16xf32> to vector<16xf32>
      %mul3A_533 = arith.mulf %get3A_137, %get3A_528 : vector<16xf32>
      %mul3A_534 = arith.mulf %get3A_141, %get3A_532 : vector<16xf32>
      %add3A_535 = arith.addf %mul3A_533, %mul3A_534 : vector<16xf32>
      %swap3A_536 = arith.index_cast %scan3A_134 : i32 to index
      %swap3A_537 = arith.constant 384 : index
      %swap3A_538 = tpu.vector_load %arg9[%swap3A_536, %swap3A_537] {strides = array<i32>} : memref<64x768xf32, #tpu.memory_space<vmem>>, vector<1x16xf32>,
      %swap3A_539 = vector.shape_cast %swap3A_538 : vector<1x16xf32> to vector<16xf32>
      %swap3A_540 = vector.shape_cast %add3A_535 : vector<16xf32> to vector<1x16xf32>
      tpu.vector_store %arg9[%swap3A_536, %swap3A_537], %swap3A_540 {strides = array<i32>} : memref<64x768xf32, #tpu.memory_space<vmem>>, vector<1x16xf32>,
      %get3A_541 = arith.index_cast %scan3A_134 : i32 to index
      %get3A_542 = arith.constant 400 : index
      %get3A_543 = tpu.vector_load %arg9[%get3A_541, %get3A_542] {strides = array<i32>} : memref<64x768xf32, #tpu.memory_space<vmem>>, vector<1x16xf32>,
      %get3A_544 = vector.shape_cast %get3A_543 : vector<1x16xf32> to vector<16xf32>
      %get3A_545 = arith.index_cast %scan3A_134 : i32 to index
      %get3A_546 = arith.constant 400 : index
      %get3A_547 = tpu.vector_load %arg10[%get3A_545, %get3A_546] {strides = array<i32>} : memref<64x768xf32, #tpu.memory_space<vmem>>, vector<1x16xf32>,
      %get3A_548 = vector.shape_cast %get3A_547 : vector<1x16xf32> to vector<16xf32>
      %mul3A_549 = arith.mulf %get3A_137, %get3A_544 : vector<16xf32>
      %mul3A_550 = arith.mulf %get3A_141, %get3A_548 : vector<16xf32>
      %add3A_551 = arith.addf %mul3A_549, %mul3A_550 : vector<16xf32>
      %swap3A_552 = arith.index_cast %scan3A_134 : i32 to index
      %swap3A_553 = arith.constant 400 : index
      %swap3A_554 = tpu.vector_load %arg9[%swap3A_552, %swap3A_553] {strides = array<i32>} : memref<64x768xf32, #tpu.memory_space<vmem>>, vector<1x16xf32>,
      %swap3A_555 = vector.shape_cast %swap3A_554 : vector<1x16xf32> to vector<16xf32>
      %swap3A_556 = vector.shape_cast %add3A_551 : vector<16xf32> to vector<1x16xf32>
      tpu.vector_store %arg9[%swap3A_552, %swap3A_553], %swap3A_556 {strides = array<i32>} : memref<64x768xf32, #tpu.memory_space<vmem>>, vector<1x16xf32>,
      %get3A_557 = arith.index_cast %scan3A_134 : i32 to index
      %get3A_558 = arith.constant 416 : index
      %get3A_559 = tpu.vector_load %arg9[%get3A_557, %get3A_558] {strides = array<i32>} : memref<64x768xf32, #tpu.memory_space<vmem>>, vector<1x16xf32>,
      %get3A_560 = vector.shape_cast %get3A_559 : vector<1x16xf32> to vector<16xf32>
      %get3A_561 = arith.index_cast %scan3A_134 : i32 to index
      %get3A_562 = arith.constant 416 : index
      %get3A_563 = tpu.vector_load %arg10[%get3A_561, %get3A_562] {strides = array<i32>} : memref<64x768xf32, #tpu.memory_space<vmem>>, vector<1x16xf32>,
      %get3A_564 = vector.shape_cast %get3A_563 : vector<1x16xf32> to vector<16xf32>
      %mul3A_565 = arith.mulf %get3A_137, %get3A_560 : vector<16xf32>
      %mul3A_566 = arith.mulf %get3A_141, %get3A_564 : vector<16xf32>
      %add3A_567 = arith.addf %mul3A_565, %mul3A_566 : vector<16xf32>
      %swap3A_568 = arith.index_cast %scan3A_134 : i32 to index
      %swap3A_569 = arith.constant 416 : index
      %swap3A_570 = tpu.vector_load %arg9[%swap3A_568, %swap3A_569] {strides = array<i32>} : memref<64x768xf32, #tpu.memory_space<vmem>>, vector<1x16xf32>,
      %swap3A_571 = vector.shape_cast %swap3A_570 : vector<1x16xf32> to vector<16xf32>
      %swap3A_572 = vector.shape_cast %add3A_567 : vector<16xf32> to vector<1x16xf32>
      tpu.vector_store %arg9[%swap3A_568, %swap3A_569], %swap3A_572 {strides = array<i32>} : memref<64x768xf32, #tpu.memory_space<vmem>>, vector<1x16xf32>,
      %get3A_573 = arith.index_cast %scan3A_134 : i32 to index
      %get3A_574 = arith.constant 432 : index
      %get3A_575 = tpu.vector_load %arg9[%get3A_573, %get3A_574] {strides = array<i32>} : memref<64x768xf32, #tpu.memory_space<vmem>>, vector<1x16xf32>,
      %get3A_576 = vector.shape_cast %get3A_575 : vector<1x16xf32> to vector<16xf32>
      %get3A_577 = arith.index_cast %scan3A_134 : i32 to index
      %get3A_578 = arith.constant 432 : index
      %get3A_579 = tpu.vector_load %arg10[%get3A_577, %get3A_578] {strides = array<i32>} : memref<64x768xf32, #tpu.memory_space<vmem>>, vector<1x16xf32>,
      %get3A_580 = vector.shape_cast %get3A_579 : vector<1x16xf32> to vector<16xf32>
      %mul3A_581 = arith.mulf %get3A_137, %get3A_576 : vector<16xf32>
      %mul3A_582 = arith.mulf %get3A_141, %get3A_580 : vector<16xf32>
      %add3A_583 = arith.addf %mul3A_581, %mul3A_582 : vector<16xf32>
      %swap3A_584 = arith.index_cast %scan3A_134 : i32 to index
      %swap3A_585 = arith.constant 432 : index
      %swap3A_586 = tpu.vector_load %arg9[%swap3A_584, %swap3A_585] {strides = array<i32>} : memref<64x768xf32, #tpu.memory_space<vmem>>, vector<1x16xf32>,
      %swap3A_587 = vector.shape_cast %swap3A_586 : vector<1x16xf32> to vector<16xf32>
      %swap3A_588 = vector.shape_cast %add3A_583 : vector<16xf32> to vector<1x16xf32>
      tpu.vector_store %arg9[%swap3A_584, %swap3A_585], %swap3A_588 {strides = array<i32>} : memref<64x768xf32, #tpu.memory_space<vmem>>, vector<1x16xf32>,
      %get3A_589 = arith.index_cast %scan3A_134 : i32 to index
      %get3A_590 = arith.constant 448 : index
      %get3A_591 = tpu.vector_load %arg9[%get3A_589, %get3A_590] {strides = array<i32>} : memref<64x768xf32, #tpu.memory_space<vmem>>, vector<1x16xf32>,
      %get3A_592 = vector.shape_cast %get3A_591 : vector<1x16xf32> to vector<16xf32>
      %get3A_593 = arith.index_cast %scan3A_134 : i32 to index
      %get3A_594 = arith.constant 448 : index
      %get3A_595 = tpu.vector_load %arg10[%get3A_593, %get3A_594] {strides = array<i32>} : memref<64x768xf32, #tpu.memory_space<vmem>>, vector<1x16xf32>,
      %get3A_596 = vector.shape_cast %get3A_595 : vector<1x16xf32> to vector<16xf32>
      %mul3A_597 = arith.mulf %get3A_137, %get3A_592 : vector<16xf32>
      %mul3A_598 = arith.mulf %get3A_141, %get3A_596 : vector<16xf32>
      %add3A_599 = arith.addf %mul3A_597, %mul3A_598 : vector<16xf32>
      %swap3A_600 = arith.index_cast %scan3A_134 : i32 to index
      %swap3A_601 = arith.constant 448 : index
      %swap3A_602 = tpu.vector_load %arg9[%swap3A_600, %swap3A_601] {strides = array<i32>} : memref<64x768xf32, #tpu.memory_space<vmem>>, vector<1x16xf32>,
      %swap3A_603 = vector.shape_cast %swap3A_602 : vector<1x16xf32> to vector<16xf32>
      %swap3A_604 = vector.shape_cast %add3A_599 : vector<16xf32> to vector<1x16xf32>
      tpu.vector_store %arg9[%swap3A_600, %swap3A_601], %swap3A_604 {strides = array<i32>} : memref<64x768xf32, #tpu.memory_space<vmem>>, vector<1x16xf32>,
      %get3A_605 = arith.index_cast %scan3A_134 : i32 to index
      %get3A_606 = arith.constant 464 : index
      %get3A_607 = tpu.vector_load %arg9[%get3A_605, %get3A_606] {strides = array<i32>} : memref<64x768xf32, #tpu.memory_space<vmem>>, vector<1x16xf32>,
      %get3A_608 = vector.shape_cast %get3A_607 : vector<1x16xf32> to vector<16xf32>
      %get3A_609 = arith.index_cast %scan3A_134 : i32 to index
      %get3A_610 = arith.constant 464 : index
      %get3A_611 = tpu.vector_load %arg10[%get3A_609, %get3A_610] {strides = array<i32>} : memref<64x768xf32, #tpu.memory_space<vmem>>, vector<1x16xf32>,
      %get3A_612 = vector.shape_cast %get3A_611 : vector<1x16xf32> to vector<16xf32>
      %mul3A_613 = arith.mulf %get3A_137, %get3A_608 : vector<16xf32>
      %mul3A_614 = arith.mulf %get3A_141, %get3A_612 : vector<16xf32>
      %add3A_615 = arith.addf %mul3A_613, %mul3A_614 : vector<16xf32>
      %swap3A_616 = arith.index_cast %scan3A_134 : i32 to index
      %swap3A_617 = arith.constant 464 : index
      %swap3A_618 = tpu.vector_load %arg9[%swap3A_616, %swap3A_617] {strides = array<i32>} : memref<64x768xf32, #tpu.memory_space<vmem>>, vector<1x16xf32>,
      %swap3A_619 = vector.shape_cast %swap3A_618 : vector<1x16xf32> to vector<16xf32>
      %swap3A_620 = vector.shape_cast %add3A_615 : vector<16xf32> to vector<1x16xf32>
      tpu.vector_store %arg9[%swap3A_616, %swap3A_617], %swap3A_620 {strides = array<i32>} : memref<64x768xf32, #tpu.memory_space<vmem>>, vector<1x16xf32>,
      %get3A_621 = arith.index_cast %scan3A_134 : i32 to index
      %get3A_622 = arith.constant 480 : index
      %get3A_623 = tpu.vector_load %arg9[%get3A_621, %get3A_622] {strides = array<i32>} : memref<64x768xf32, #tpu.memory_space<vmem>>, vector<1x16xf32>,
      %get3A_624 = vector.shape_cast %get3A_623 : vector<1x16xf32> to vector<16xf32>
      %get3A_625 = arith.index_cast %scan3A_134 : i32 to index
      %get3A_626 = arith.constant 480 : index
      %get3A_627 = tpu.vector_load %arg10[%get3A_625, %get3A_626] {strides = array<i32>} : memref<64x768xf32, #tpu.memory_space<vmem>>, vector<1x16xf32>,
      %get3A_628 = vector.shape_cast %get3A_627 : vector<1x16xf32> to vector<16xf32>
      %mul3A_629 = arith.mulf %get3A_137, %get3A_624 : vector<16xf32>
      %mul3A_630 = arith.mulf %get3A_141, %get3A_628 : vector<16xf32>
      %add3A_631 = arith.addf %mul3A_629, %mul3A_630 : vector<16xf32>
      %swap3A_632 = arith.index_cast %scan3A_134 : i32 to index
      %swap3A_633 = arith.constant 480 : index
      %swap3A_634 = tpu.vector_load %arg9[%swap3A_632, %swap3A_633] {strides = array<i32>} : memref<64x768xf32, #tpu.memory_space<vmem>>, vector<1x16xf32>,
      %swap3A_635 = vector.shape_cast %swap3A_634 : vector<1x16xf32> to vector<16xf32>
      %swap3A_636 = vector.shape_cast %add3A_631 : vector<16xf32> to vector<1x16xf32>
      tpu.vector_store %arg9[%swap3A_632, %swap3A_633], %swap3A_636 {strides = array<i32>} : memref<64x768xf32, #tpu.memory_space<vmem>>, vector<1x16xf32>,
      %get3A_637 = arith.index_cast %scan3A_134 : i32 to index
      %get3A_638 = arith.constant 496 : index
      %get3A_639 = tpu.vector_load %arg9[%get3A_637, %get3A_638] {strides = array<i32>} : memref<64x768xf32, #tpu.memory_space<vmem>>, vector<1x16xf32>,
      %get3A_640 = vector.shape_cast %get3A_639 : vector<1x16xf32> to vector<16xf32>
      %get3A_641 = arith.index_cast %scan3A_134 : i32 to index
      %get3A_642 = arith.constant 496 : index
      %get3A_643 = tpu.vector_load %arg10[%get3A_641, %get3A_642] {strides = array<i32>} : memref<64x768xf32, #tpu.memory_space<vmem>>, vector<1x16xf32>,
      %get3A_644 = vector.shape_cast %get3A_643 : vector<1x16xf32> to vector<16xf32>
      %mul3A_645 = arith.mulf %get3A_137, %get3A_640 : vector<16xf32>
      %mul3A_646 = arith.mulf %get3A_141, %get3A_644 : vector<16xf32>
      %add3A_647 = arith.addf %mul3A_645, %mul3A_646 : vector<16xf32>
      %swap3A_648 = arith.index_cast %scan3A_134 : i32 to index
      %swap3A_649 = arith.constant 496 : index
      %swap3A_650 = tpu.vector_load %arg9[%swap3A_648, %swap3A_649] {strides = array<i32>} : memref<64x768xf32, #tpu.memory_space<vmem>>, vector<1x16xf32>,
      %swap3A_651 = vector.shape_cast %swap3A_650 : vector<1x16xf32> to vector<16xf32>
      %swap3A_652 = vector.shape_cast %add3A_647 : vector<16xf32> to vector<1x16xf32>
      tpu.vector_store %arg9[%swap3A_648, %swap3A_649], %swap3A_652 {strides = array<i32>} : memref<64x768xf32, #tpu.memory_space<vmem>>, vector<1x16xf32>,
      %get3A_653 = arith.index_cast %scan3A_134 : i32 to index
      %get3A_654 = arith.constant 512 : index
      %get3A_655 = tpu.vector_load %arg9[%get3A_653, %get3A_654] {strides = array<i32>} : memref<64x768xf32, #tpu.memory_space<vmem>>, vector<1x16xf32>,
      %get3A_656 = vector.shape_cast %get3A_655 : vector<1x16xf32> to vector<16xf32>
      %get3A_657 = arith.index_cast %scan3A_134 : i32 to index
      %get3A_658 = arith.constant 512 : index
      %get3A_659 = tpu.vector_load %arg10[%get3A_657, %get3A_658] {strides = array<i32>} : memref<64x768xf32, #tpu.memory_space<vmem>>, vector<1x16xf32>,
      %get3A_660 = vector.shape_cast %get3A_659 : vector<1x16xf32> to vector<16xf32>
      %mul3A_661 = arith.mulf %get3A_137, %get3A_656 : vector<16xf32>
      %mul3A_662 = arith.mulf %get3A_141, %get3A_660 : vector<16xf32>
      %add3A_663 = arith.addf %mul3A_661, %mul3A_662 : vector<16xf32>
      %swap3A_664 = arith.index_cast %scan3A_134 : i32 to index
      %swap3A_665 = arith.constant 512 : index
      %swap3A_666 = tpu.vector_load %arg9[%swap3A_664, %swap3A_665] {strides = array<i32>} : memref<64x768xf32, #tpu.memory_space<vmem>>, vector<1x16xf32>,
      %swap3A_667 = vector.shape_cast %swap3A_666 : vector<1x16xf32> to vector<16xf32>
      %swap3A_668 = vector.shape_cast %add3A_663 : vector<16xf32> to vector<1x16xf32>
      tpu.vector_store %arg9[%swap3A_664, %swap3A_665], %swap3A_668 {strides = array<i32>} : memref<64x768xf32, #tpu.memory_space<vmem>>, vector<1x16xf32>,
      %get3A_669 = arith.index_cast %scan3A_134 : i32 to index
      %get3A_670 = arith.constant 528 : index
      %get3A_671 = tpu.vector_load %arg9[%get3A_669, %get3A_670] {strides = array<i32>} : memref<64x768xf32, #tpu.memory_space<vmem>>, vector<1x16xf32>,
      %get3A_672 = vector.shape_cast %get3A_671 : vector<1x16xf32> to vector<16xf32>
      %get3A_673 = arith.index_cast %scan3A_134 : i32 to index
      %get3A_674 = arith.constant 528 : index
      %get3A_675 = tpu.vector_load %arg10[%get3A_673, %get3A_674] {strides = array<i32>} : memref<64x768xf32, #tpu.memory_space<vmem>>, vector<1x16xf32>,
      %get3A_676 = vector.shape_cast %get3A_675 : vector<1x16xf32> to vector<16xf32>
      %mul3A_677 = arith.mulf %get3A_137, %get3A_672 : vector<16xf32>
      %mul3A_678 = arith.mulf %get3A_141, %get3A_676 : vector<16xf32>
      %add3A_679 = arith.addf %mul3A_677, %mul3A_678 : vector<16xf32>
      %swap3A_680 = arith.index_cast %scan3A_134 : i32 to index
      %swap3A_681 = arith.constant 528 : index
      %swap3A_682 = tpu.vector_load %arg9[%swap3A_680, %swap3A_681] {strides = array<i32>} : memref<64x768xf32, #tpu.memory_space<vmem>>, vector<1x16xf32>,
      %swap3A_683 = vector.shape_cast %swap3A_682 : vector<1x16xf32> to vector<16xf32>
      %swap3A_684 = vector.shape_cast %add3A_679 : vector<16xf32> to vector<1x16xf32>
      tpu.vector_store %arg9[%swap3A_680, %swap3A_681], %swap3A_684 {strides = array<i32>} : memref<64x768xf32, #tpu.memory_space<vmem>>, vector<1x16xf32>,
      %get3A_685 = arith.index_cast %scan3A_134 : i32 to index
      %get3A_686 = arith.constant 544 : index
      %get3A_687 = tpu.vector_load %arg9[%get3A_685, %get3A_686] {strides = array<i32>} : memref<64x768xf32, #tpu.memory_space<vmem>>, vector<1x16xf32>,
      %get3A_688 = vector.shape_cast %get3A_687 : vector<1x16xf32> to vector<16xf32>
      %get3A_689 = arith.index_cast %scan3A_134 : i32 to index
      %get3A_690 = arith.constant 544 : index
      %get3A_691 = tpu.vector_load %arg10[%get3A_689, %get3A_690] {strides = array<i32>} : memref<64x768xf32, #tpu.memory_space<vmem>>, vector<1x16xf32>,
      %get3A_692 = vector.shape_cast %get3A_691 : vector<1x16xf32> to vector<16xf32>
      %mul3A_693 = arith.mulf %get3A_137, %get3A_688 : vector<16xf32>
      %mul3A_694 = arith.mulf %get3A_141, %get3A_692 : vector<16xf32>
      %add3A_695 = arith.addf %mul3A_693, %mul3A_694 : vector<16xf32>
      %swap3A_696 = arith.index_cast %scan3A_134 : i32 to index
      %swap3A_697 = arith.constant 544 : index
      %swap3A_698 = tpu.vector_load %arg9[%swap3A_696, %swap3A_697] {strides = array<i32>} : memref<64x768xf32, #tpu.memory_space<vmem>>, vector<1x16xf32>,
      %swap3A_699 = vector.shape_cast %swap3A_698 : vector<1x16xf32> to vector<16xf32>
      %swap3A_700 = vector.shape_cast %add3A_695 : vector<16xf32> to vector<1x16xf32>
      tpu.vector_store %arg9[%swap3A_696, %swap3A_697], %swap3A_700 {strides = array<i32>} : memref<64x768xf32, #tpu.memory_space<vmem>>, vector<1x16xf32>,
      %get3A_701 = arith.index_cast %scan3A_134 : i32 to index
      %get3A_702 = arith.constant 560 : index
      %get3A_703 = tpu.vector_load %arg9[%get3A_701, %get3A_702] {strides = array<i32>} : memref<64x768xf32, #tpu.memory_space<vmem>>, vector<1x16xf32>,
      %get3A_704 = vector.shape_cast %get3A_703 : vector<1x16xf32> to vector<16xf32>
      %get3A_705 = arith.index_cast %scan3A_134 : i32 to index
      %get3A_706 = arith.constant 560 : index
      %get3A_707 = tpu.vector_load %arg10[%get3A_705, %get3A_706] {strides = array<i32>} : memref<64x768xf32, #tpu.memory_space<vmem>>, vector<1x16xf32>,
      %get3A_708 = vector.shape_cast %get3A_707 : vector<1x16xf32> to vector<16xf32>
      %mul3A_709 = arith.mulf %get3A_137, %get3A_704 : vector<16xf32>
      %mul3A_710 = arith.mulf %get3A_141, %get3A_708 : vector<16xf32>
      %add3A_711 = arith.addf %mul3A_709, %mul3A_710 : vector<16xf32>
      %swap3A_712 = arith.index_cast %scan3A_134 : i32 to index
      %swap3A_713 = arith.constant 560 : index
      %swap3A_714 = tpu.vector_load %arg9[%swap3A_712, %swap3A_713] {strides = array<i32>} : memref<64x768xf32, #tpu.memory_space<vmem>>, vector<1x16xf32>,
      %swap3A_715 = vector.shape_cast %swap3A_714 : vector<1x16xf32> to vector<16xf32>
      %swap3A_716 = vector.shape_cast %add3A_711 : vector<16xf32> to vector<1x16xf32>
      tpu.vector_store %arg9[%swap3A_712, %swap3A_713], %swap3A_716 {strides = array<i32>} : memref<64x768xf32, #tpu.memory_space<vmem>>, vector<1x16xf32>,
      %get3A_717 = arith.index_cast %scan3A_134 : i32 to index
      %get3A_718 = arith.constant 576 : index
      %get3A_719 = tpu.vector_load %arg9[%get3A_717, %get3A_718] {strides = array<i32>} : memref<64x768xf32, #tpu.memory_space<vmem>>, vector<1x16xf32>,
      %get3A_720 = vector.shape_cast %get3A_719 : vector<1x16xf32> to vector<16xf32>
      %get3A_721 = arith.index_cast %scan3A_134 : i32 to index
      %get3A_722 = arith.constant 576 : index
      %get3A_723 = tpu.vector_load %arg10[%get3A_721, %get3A_722] {strides = array<i32>} : memref<64x768xf32, #tpu.memory_space<vmem>>, vector<1x16xf32>,
      %get3A_724 = vector.shape_cast %get3A_723 : vector<1x16xf32> to vector<16xf32>
      %mul3A_725 = arith.mulf %get3A_137, %get3A_720 : vector<16xf32>
      %mul3A_726 = arith.mulf %get3A_141, %get3A_724 : vector<16xf32>
      %add3A_727 = arith.addf %mul3A_725, %mul3A_726 : vector<16xf32>
      %swap3A_728 = arith.index_cast %scan3A_134 : i32 to index
      %swap3A_729 = arith.constant 576 : index
      %swap3A_730 = tpu.vector_load %arg9[%swap3A_728, %swap3A_729] {strides = array<i32>} : memref<64x768xf32, #tpu.memory_space<vmem>>, vector<1x16xf32>,
      %swap3A_731 = vector.shape_cast %swap3A_730 : vector<1x16xf32> to vector<16xf32>
      %swap3A_732 = vector.shape_cast %add3A_727 : vector<16xf32> to vector<1x16xf32>
      tpu.vector_store %arg9[%swap3A_728, %swap3A_729], %swap3A_732 {strides = array<i32>} : memref<64x768xf32, #tpu.memory_space<vmem>>, vector<1x16xf32>,
      %get3A_733 = arith.index_cast %scan3A_134 : i32 to index
      %get3A_734 = arith.constant 592 : index
      %get3A_735 = tpu.vector_load %arg9[%get3A_733, %get3A_734] {strides = array<i32>} : memref<64x768xf32, #tpu.memory_space<vmem>>, vector<1x16xf32>,
      %get3A_736 = vector.shape_cast %get3A_735 : vector<1x16xf32> to vector<16xf32>
      %get3A_737 = arith.index_cast %scan3A_134 : i32 to index
      %get3A_738 = arith.constant 592 : index
      %get3A_739 = tpu.vector_load %arg10[%get3A_737, %get3A_738] {strides = array<i32>} : memref<64x768xf32, #tpu.memory_space<vmem>>, vector<1x16xf32>,
      %get3A_740 = vector.shape_cast %get3A_739 : vector<1x16xf32> to vector<16xf32>
      %mul3A_741 = arith.mulf %get3A_137, %get3A_736 : vector<16xf32>
      %mul3A_742 = arith.mulf %get3A_141, %get3A_740 : vector<16xf32>
      %add3A_743 = arith.addf %mul3A_741, %mul3A_742 : vector<16xf32>
      %swap3A_744 = arith.index_cast %scan3A_134 : i32 to index
      %swap3A_745 = arith.constant 592 : index
      %swap3A_746 = tpu.vector_load %arg9[%swap3A_744, %swap3A_745] {strides = array<i32>} : memref<64x768xf32, #tpu.memory_space<vmem>>, vector<1x16xf32>,
      %swap3A_747 = vector.shape_cast %swap3A_746 : vector<1x16xf32> to vector<16xf32>
      %swap3A_748 = vector.shape_cast %add3A_743 : vector<16xf32> to vector<1x16xf32>
      tpu.vector_store %arg9[%swap3A_744, %swap3A_745], %swap3A_748 {strides = array<i32>} : memref<64x768xf32, #tpu.memory_space<vmem>>, vector<1x16xf32>,
      %get3A_749 = arith.index_cast %scan3A_134 : i32 to index
      %get3A_750 = arith.constant 608 : index
      %get3A_751 = tpu.vector_load %arg9[%get3A_749, %get3A_750] {strides = array<i32>} : memref<64x768xf32, #tpu.memory_space<vmem>>, vector<1x16xf32>,
      %get3A_752 = vector.shape_cast %get3A_751 : vector<1x16xf32> to vector<16xf32>
      %get3A_753 = arith.index_cast %scan3A_134 : i32 to index
      %get3A_754 = arith.constant 608 : index
      %get3A_755 = tpu.vector_load %arg10[%get3A_753, %get3A_754] {strides = array<i32>} : memref<64x768xf32, #tpu.memory_space<vmem>>, vector<1x16xf32>,
      %get3A_756 = vector.shape_cast %get3A_755 : vector<1x16xf32> to vector<16xf32>
      %mul3A_757 = arith.mulf %get3A_137, %get3A_752 : vector<16xf32>
      %mul3A_758 = arith.mulf %get3A_141, %get3A_756 : vector<16xf32>
      %add3A_759 = arith.addf %mul3A_757, %mul3A_758 : vector<16xf32>
      %swap3A_760 = arith.index_cast %scan3A_134 : i32 to index
      %swap3A_761 = arith.constant 608 : index
      %swap3A_762 = tpu.vector_load %arg9[%swap3A_760, %swap3A_761] {strides = array<i32>} : memref<64x768xf32, #tpu.memory_space<vmem>>, vector<1x16xf32>,
      %swap3A_763 = vector.shape_cast %swap3A_762 : vector<1x16xf32> to vector<16xf32>
      %swap3A_764 = vector.shape_cast %add3A_759 : vector<16xf32> to vector<1x16xf32>
      tpu.vector_store %arg9[%swap3A_760, %swap3A_761], %swap3A_764 {strides = array<i32>} : memref<64x768xf32, #tpu.memory_space<vmem>>, vector<1x16xf32>,
      %get3A_765 = arith.index_cast %scan3A_134 : i32 to index
      %get3A_766 = arith.constant 624 : index
      %get3A_767 = tpu.vector_load %arg9[%get3A_765, %get3A_766] {strides = array<i32>} : memref<64x768xf32, #tpu.memory_space<vmem>>, vector<1x16xf32>,
      %get3A_768 = vector.shape_cast %get3A_767 : vector<1x16xf32> to vector<16xf32>
      %get3A_769 = arith.index_cast %scan3A_134 : i32 to index
      %get3A_770 = arith.constant 624 : index
      %get3A_771 = tpu.vector_load %arg10[%get3A_769, %get3A_770] {strides = array<i32>} : memref<64x768xf32, #tpu.memory_space<vmem>>, vector<1x16xf32>,
      %get3A_772 = vector.shape_cast %get3A_771 : vector<1x16xf32> to vector<16xf32>
      %mul3A_773 = arith.mulf %get3A_137, %get3A_768 : vector<16xf32>
      %mul3A_774 = arith.mulf %get3A_141, %get3A_772 : vector<16xf32>
      %add3A_775 = arith.addf %mul3A_773, %mul3A_774 : vector<16xf32>
      %swap3A_776 = arith.index_cast %scan3A_134 : i32 to index
      %swap3A_777 = arith.constant 624 : index
      %swap3A_778 = tpu.vector_load %arg9[%swap3A_776, %swap3A_777] {strides = array<i32>} : memref<64x768xf32, #tpu.memory_space<vmem>>, vector<1x16xf32>,
      %swap3A_779 = vector.shape_cast %swap3A_778 : vector<1x16xf32> to vector<16xf32>
      %swap3A_780 = vector.shape_cast %add3A_775 : vector<16xf32> to vector<1x16xf32>
      tpu.vector_store %arg9[%swap3A_776, %swap3A_777], %swap3A_780 {strides = array<i32>} : memref<64x768xf32, #tpu.memory_space<vmem>>, vector<1x16xf32>,
      %get3A_781 = arith.index_cast %scan3A_134 : i32 to index
      %get3A_782 = arith.constant 640 : index
      %get3A_783 = tpu.vector_load %arg9[%get3A_781, %get3A_782] {strides = array<i32>} : memref<64x768xf32, #tpu.memory_space<vmem>>, vector<1x16xf32>,
      %get3A_784 = vector.shape_cast %get3A_783 : vector<1x16xf32> to vector<16xf32>
      %get3A_785 = arith.index_cast %scan3A_134 : i32 to index
      %get3A_786 = arith.constant 640 : index
      %get3A_787 = tpu.vector_load %arg10[%get3A_785, %get3A_786] {strides = array<i32>} : memref<64x768xf32, #tpu.memory_space<vmem>>, vector<1x16xf32>,
      %get3A_788 = vector.shape_cast %get3A_787 : vector<1x16xf32> to vector<16xf32>
      %mul3A_789 = arith.mulf %get3A_137, %get3A_784 : vector<16xf32>
      %mul3A_790 = arith.mulf %get3A_141, %get3A_788 : vector<16xf32>
      %add3A_791 = arith.addf %mul3A_789, %mul3A_790 : vector<16xf32>
      %swap3A_792 = arith.index_cast %scan3A_134 : i32 to index
      %swap3A_793 = arith.constant 640 : index
      %swap3A_794 = tpu.vector_load %arg9[%swap3A_792, %swap3A_793] {strides = array<i32>} : memref<64x768xf32, #tpu.memory_space<vmem>>, vector<1x16xf32>,
      %swap3A_795 = vector.shape_cast %swap3A_794 : vector<1x16xf32> to vector<16xf32>
      %swap3A_796 = vector.shape_cast %add3A_791 : vector<16xf32> to vector<1x16xf32>
      tpu.vector_store %arg9[%swap3A_792, %swap3A_793], %swap3A_796 {strides = array<i32>} : memref<64x768xf32, #tpu.memory_space<vmem>>, vector<1x16xf32>,
      %get3A_797 = arith.index_cast %scan3A_134 : i32 to index
      %get3A_798 = arith.constant 656 : index
      %get3A_799 = tpu.vector_load %arg9[%get3A_797, %get3A_798] {strides = array<i32>} : memref<64x768xf32, #tpu.memory_space<vmem>>, vector<1x16xf32>,
      %get3A_800 = vector.shape_cast %get3A_799 : vector<1x16xf32> to vector<16xf32>
      %get3A_801 = arith.index_cast %scan3A_134 : i32 to index
      %get3A_802 = arith.constant 656 : index
      %get3A_803 = tpu.vector_load %arg10[%get3A_801, %get3A_802] {strides = array<i32>} : memref<64x768xf32, #tpu.memory_space<vmem>>, vector<1x16xf32>,
      %get3A_804 = vector.shape_cast %get3A_803 : vector<1x16xf32> to vector<16xf32>
      %mul3A_805 = arith.mulf %get3A_137, %get3A_800 : vector<16xf32>
      %mul3A_806 = arith.mulf %get3A_141, %get3A_804 : vector<16xf32>
      %add3A_807 = arith.addf %mul3A_805, %mul3A_806 : vector<16xf32>
      %swap3A_808 = arith.index_cast %scan3A_134 : i32 to index
      %swap3A_809 = arith.constant 656 : index
      %swap3A_810 = tpu.vector_load %arg9[%swap3A_808, %swap3A_809] {strides = array<i32>} : memref<64x768xf32, #tpu.memory_space<vmem>>, vector<1x16xf32>,
      %swap3A_811 = vector.shape_cast %swap3A_810 : vector<1x16xf32> to vector<16xf32>
      %swap3A_812 = vector.shape_cast %add3A_807 : vector<16xf32> to vector<1x16xf32>
      tpu.vector_store %arg9[%swap3A_808, %swap3A_809], %swap3A_812 {strides = array<i32>} : memref<64x768xf32, #tpu.memory_space<vmem>>, vector<1x16xf32>,
      %get3A_813 = arith.index_cast %scan3A_134 : i32 to index
      %get3A_814 = arith.constant 672 : index
      %get3A_815 = tpu.vector_load %arg9[%get3A_813, %get3A_814] {strides = array<i32>} : memref<64x768xf32, #tpu.memory_space<vmem>>, vector<1x16xf32>,
      %get3A_816 = vector.shape_cast %get3A_815 : vector<1x16xf32> to vector<16xf32>
      %get3A_817 = arith.index_cast %scan3A_134 : i32 to index
      %get3A_818 = arith.constant 672 : index
      %get3A_819 = tpu.vector_load %arg10[%get3A_817, %get3A_818] {strides = array<i32>} : memref<64x768xf32, #tpu.memory_space<vmem>>, vector<1x16xf32>,
      %get3A_820 = vector.shape_cast %get3A_819 : vector<1x16xf32> to vector<16xf32>
      %mul3A_821 = arith.mulf %get3A_137, %get3A_816 : vector<16xf32>
      %mul3A_822 = arith.mulf %get3A_141, %get3A_820 : vector<16xf32>
      %add3A_823 = arith.addf %mul3A_821, %mul3A_822 : vector<16xf32>
      %swap3A_824 = arith.index_cast %scan3A_134 : i32 to index
      %swap3A_825 = arith.constant 672 : index
      %swap3A_826 = tpu.vector_load %arg9[%swap3A_824, %swap3A_825] {strides = array<i32>} : memref<64x768xf32, #tpu.memory_space<vmem>>, vector<1x16xf32>,
      %swap3A_827 = vector.shape_cast %swap3A_826 : vector<1x16xf32> to vector<16xf32>
      %swap3A_828 = vector.shape_cast %add3A_823 : vector<16xf32> to vector<1x16xf32>
      tpu.vector_store %arg9[%swap3A_824, %swap3A_825], %swap3A_828 {strides = array<i32>} : memref<64x768xf32, #tpu.memory_space<vmem>>, vector<1x16xf32>,
      %get3A_829 = arith.index_cast %scan3A_134 : i32 to index
      %get3A_830 = arith.constant 688 : index
      %get3A_831 = tpu.vector_load %arg9[%get3A_829, %get3A_830] {strides = array<i32>} : memref<64x768xf32, #tpu.memory_space<vmem>>, vector<1x16xf32>,
      %get3A_832 = vector.shape_cast %get3A_831 : vector<1x16xf32> to vector<16xf32>
      %get3A_833 = arith.index_cast %scan3A_134 : i32 to index
      %get3A_834 = arith.constant 688 : index
      %get3A_835 = tpu.vector_load %arg10[%get3A_833, %get3A_834] {strides = array<i32>} : memref<64x768xf32, #tpu.memory_space<vmem>>, vector<1x16xf32>,
      %get3A_836 = vector.shape_cast %get3A_835 : vector<1x16xf32> to vector<16xf32>
      %mul3A_837 = arith.mulf %get3A_137, %get3A_832 : vector<16xf32>
      %mul3A_838 = arith.mulf %get3A_141, %get3A_836 : vector<16xf32>
      %add3A_839 = arith.addf %mul3A_837, %mul3A_838 : vector<16xf32>
      %swap3A_840 = arith.index_cast %scan3A_134 : i32 to index
      %swap3A_841 = arith.constant 688 : index
      %swap3A_842 = tpu.vector_load %arg9[%swap3A_840, %swap3A_841] {strides = array<i32>} : memref<64x768xf32, #tpu.memory_space<vmem>>, vector<1x16xf32>,
      %swap3A_843 = vector.shape_cast %swap3A_842 : vector<1x16xf32> to vector<16xf32>
      %swap3A_844 = vector.shape_cast %add3A_839 : vector<16xf32> to vector<1x16xf32>
      tpu.vector_store %arg9[%swap3A_840, %swap3A_841], %swap3A_844 {strides = array<i32>} : memref<64x768xf32, #tpu.memory_space<vmem>>, vector<1x16xf32>,
      %get3A_845 = arith.index_cast %scan3A_134 : i32 to index
      %get3A_846 = arith.constant 704 : index
      %get3A_847 = tpu.vector_load %arg9[%get3A_845, %get3A_846] {strides = array<i32>} : memref<64x768xf32, #tpu.memory_space<vmem>>, vector<1x16xf32>,
      %get3A_848 = vector.shape_cast %get3A_847 : vector<1x16xf32> to vector<16xf32>
      %get3A_849 = arith.index_cast %scan3A_134 : i32 to index
      %get3A_850 = arith.constant 704 : index
      %get3A_851 = tpu.vector_load %arg10[%get3A_849, %get3A_850] {strides = array<i32>} : memref<64x768xf32, #tpu.memory_space<vmem>>, vector<1x16xf32>,
      %get3A_852 = vector.shape_cast %get3A_851 : vector<1x16xf32> to vector<16xf32>
      %mul3A_853 = arith.mulf %get3A_137, %get3A_848 : vector<16xf32>
      %mul3A_854 = arith.mulf %get3A_141, %get3A_852 : vector<16xf32>
      %add3A_855 = arith.addf %mul3A_853, %mul3A_854 : vector<16xf32>
      %swap3A_856 = arith.index_cast %scan3A_134 : i32 to index
      %swap3A_857 = arith.constant 704 : index
      %swap3A_858 = tpu.vector_load %arg9[%swap3A_856, %swap3A_857] {strides = array<i32>} : memref<64x768xf32, #tpu.memory_space<vmem>>, vector<1x16xf32>,
      %swap3A_859 = vector.shape_cast %swap3A_858 : vector<1x16xf32> to vector<16xf32>
      %swap3A_860 = vector.shape_cast %add3A_855 : vector<16xf32> to vector<1x16xf32>
      tpu.vector_store %arg9[%swap3A_856, %swap3A_857], %swap3A_860 {strides = array<i32>} : memref<64x768xf32, #tpu.memory_space<vmem>>, vector<1x16xf32>,
      %get3A_861 = arith.index_cast %scan3A_134 : i32 to index
      %get3A_862 = arith.constant 720 : index
      %get3A_863 = tpu.vector_load %arg9[%get3A_861, %get3A_862] {strides = array<i32>} : memref<64x768xf32, #tpu.memory_space<vmem>>, vector<1x16xf32>,
      %get3A_864 = vector.shape_cast %get3A_863 : vector<1x16xf32> to vector<16xf32>
      %get3A_865 = arith.index_cast %scan3A_134 : i32 to index
      %get3A_866 = arith.constant 720 : index
      %get3A_867 = tpu.vector_load %arg10[%get3A_865, %get3A_866] {strides = array<i32>} : memref<64x768xf32, #tpu.memory_space<vmem>>, vector<1x16xf32>,
      %get3A_868 = vector.shape_cast %get3A_867 : vector<1x16xf32> to vector<16xf32>
      %mul3A_869 = arith.mulf %get3A_137, %get3A_864 : vector<16xf32>
      %mul3A_870 = arith.mulf %get3A_141, %get3A_868 : vector<16xf32>
      %add3A_871 = arith.addf %mul3A_869, %mul3A_870 : vector<16xf32>
      %swap3A_872 = arith.index_cast %scan3A_134 : i32 to index
      %swap3A_873 = arith.constant 720 : index
      %swap3A_874 = tpu.vector_load %arg9[%swap3A_872, %swap3A_873] {strides = array<i32>} : memref<64x768xf32, #tpu.memory_space<vmem>>, vector<1x16xf32>,
      %swap3A_875 = vector.shape_cast %swap3A_874 : vector<1x16xf32> to vector<16xf32>
      %swap3A_876 = vector.shape_cast %add3A_871 : vector<16xf32> to vector<1x16xf32>
      tpu.vector_store %arg9[%swap3A_872, %swap3A_873], %swap3A_876 {strides = array<i32>} : memref<64x768xf32, #tpu.memory_space<vmem>>, vector<1x16xf32>,
      %get3A_877 = arith.index_cast %scan3A_134 : i32 to index
      %get3A_878 = arith.constant 736 : index
      %get3A_879 = tpu.vector_load %arg9[%get3A_877, %get3A_878] {strides = array<i32>} : memref<64x768xf32, #tpu.memory_space<vmem>>, vector<1x16xf32>,
      %get3A_880 = vector.shape_cast %get3A_879 : vector<1x16xf32> to vector<16xf32>
      %get3A_881 = arith.index_cast %scan3A_134 : i32 to index
      %get3A_882 = arith.constant 736 : index
      %get3A_883 = tpu.vector_load %arg10[%get3A_881, %get3A_882] {strides = array<i32>} : memref<64x768xf32, #tpu.memory_space<vmem>>, vector<1x16xf32>,
      %get3A_884 = vector.shape_cast %get3A_883 : vector<1x16xf32> to vector<16xf32>
      %mul3A_885 = arith.mulf %get3A_137, %get3A_880 : vector<16xf32>
      %mul3A_886 = arith.mulf %get3A_141, %get3A_884 : vector<16xf32>
      %add3A_887 = arith.addf %mul3A_885, %mul3A_886 : vector<16xf32>
      %swap3A_888 = arith.index_cast %scan3A_134 : i32 to index
      %swap3A_889 = arith.constant 736 : index
      %swap3A_890 = tpu.vector_load %arg9[%swap3A_888, %swap3A_889] {strides = array<i32>} : memref<64x768xf32, #tpu.memory_space<vmem>>, vector<1x16xf32>,
      %swap3A_891 = vector.shape_cast %swap3A_890 : vector<1x16xf32> to vector<16xf32>
      %swap3A_892 = vector.shape_cast %add3A_887 : vector<16xf32> to vector<1x16xf32>
      tpu.vector_store %arg9[%swap3A_888, %swap3A_889], %swap3A_892 {strides = array<i32>} : memref<64x768xf32, #tpu.memory_space<vmem>>, vector<1x16xf32>,
      %get3A_893 = arith.index_cast %scan3A_134 : i32 to index
      %get3A_894 = arith.constant 752 : index
      %get3A_895 = tpu.vector_load %arg9[%get3A_893, %get3A_894] {strides = array<i32>} : memref<64x768xf32, #tpu.memory_space<vmem>>, vector<1x16xf32>,
      %get3A_896 = vector.shape_cast %get3A_895 : vector<1x16xf32> to vector<16xf32>
      %get3A_897 = arith.index_cast %scan3A_134 : i32 to index
      %get3A_898 = arith.constant 752 : index
      %get3A_899 = tpu.vector_load %arg10[%get3A_897, %get3A_898] {strides = array<i32>} : memref<64x768xf32, #tpu.memory_space<vmem>>, vector<1x16xf32>,
      %get3A_900 = vector.shape_cast %get3A_899 : vector<1x16xf32> to vector<16xf32>
      %mul3A_901 = arith.mulf %get3A_137, %get3A_896 : vector<16xf32>
      %mul3A_902 = arith.mulf %get3A_141, %get3A_900 : vector<16xf32>
      %add3A_903 = arith.addf %mul3A_901, %mul3A_902 : vector<16xf32>
      %swap3A_904 = arith.index_cast %scan3A_134 : i32 to index
      %swap3A_905 = arith.constant 752 : index
      %swap3A_906 = tpu.vector_load %arg9[%swap3A_904, %swap3A_905] {strides = array<i32>} : memref<64x768xf32, #tpu.memory_space<vmem>>, vector<1x16xf32>,
      %swap3A_907 = vector.shape_cast %swap3A_906 : vector<1x16xf32> to vector<16xf32>
      %swap3A_908 = vector.shape_cast %add3A_903 : vector<16xf32> to vector<1x16xf32>
      tpu.vector_store %arg9[%swap3A_904, %swap3A_905], %swap3A_908 {strides = array<i32>} : memref<64x768xf32, #tpu.memory_space<vmem>>, vector<1x16xf32>,
    }
    %scan3A_101 = arith.constant 32 : i32
    %add3A_102 = arith.constant 32 : i32
    %add3A_103 = arith.addi %mul3A_2, %add3A_102 : i32
    %dma_start3A_104 = arith.constant 32 : i32
    %dma_start3A_105 = arith.constant 0 : i32
    %dma_start3A_106 = tpu.memref_slice %arg9[%dma_start3A_104, %dma_start3A_105] : memref<64x768xf32, #tpu.memory_space<vmem>> -> memref<32x768xf32, #tpu.memory_space<vmem>>
    %dma_start3A_107 = arith.constant 0 : i32
    %dma_start3A_108 = tpu.memref_slice %arg6[%add3A_103, %dma_start3A_107] : memref<2048x768xf32, #tpu.memory_space<hbm>> -> memref<32x768xf32, #tpu.memory_space<hbm>>
    %dma_start3A_109 = arith.constant 0 : i32
    %dma_start3A_110 = tpu.memref_slice %arg6[%add3A_103, %dma_start3A_109] : memref<2048x768xf32, #tpu.memory_space<hbm>> -> memref<32x768xf32, #tpu.memory_space<hbm>>
    %dma_start3A_111 = arith.constant 32 : i32
    %dma_start3A_112 = arith.constant 0 : i32
    %dma_start3A_113 = tpu.memref_slice %arg9[%dma_start3A_111, %dma_start3A_112] : memref<64x768xf32, #tpu.memory_space<vmem>> -> memref<32x768xf32, #tpu.memory_space<vmem>>
    tpu.enqueue_dma source(%dma_start3A_113 : memref<32x768xf32, #tpu.memory_space<vmem>>) target(%dma_start3A_110 : memref<32x768xf32, #tpu.memory_space<hbm>>) target_semaphore(%arg15 : memref<!tpu.dma_semaphore, #tpu.memory_space<semaphore_mem>>)
    %dma_wait3A_114 = arith.constant 0 : i32
    %dma_wait3A_115 = arith.constant 0 : i32
    %dma_wait3A_116 = tpu.memref_slice %arg9[%dma_wait3A_114, %dma_wait3A_115] : memref<64x768xf32, #tpu.memory_space<vmem>> -> memref<32x768xf32, #tpu.memory_space<vmem>>
    %dma_wait3A_117 = arith.constant 0 : i32
    %dma_wait3A_118 = tpu.memref_slice %arg6[%mul3A_2, %dma_wait3A_117] : memref<2048x768xf32, #tpu.memory_space<hbm>> -> memref<32x768xf32, #tpu.memory_space<hbm>>
    %dma_wait3A_119 = arith.constant 0 : i32
    %dma_wait3A_120 = tpu.memref_slice %arg6[%mul3A_2, %dma_wait3A_119] : memref<2048x768xf32, #tpu.memory_space<hbm>> -> memref<32x768xf32, #tpu.memory_space<hbm>>
    %dma_wait3A_121 = arith.constant 0 : i32
    %dma_wait3A_122 = arith.constant 0 : i32
    %dma_wait3A_123 = tpu.memref_slice %arg9[%dma_wait3A_121, %dma_wait3A_122] : memref<64x768xf32, #tpu.memory_space<vmem>> -> memref<32x768xf32, #tpu.memory_space<vmem>>
    tpu.wait_dma2 semaphore(%arg15 : memref<!tpu.dma_semaphore, #tpu.memory_space<semaphore_mem>>) src(%dma_wait3A_123 : memref<32x768xf32, #tpu.memory_space<vmem>>) dst(%dma_wait3A_120 : memref<32x768xf32, #tpu.memory_space<hbm>>)
    %dma_wait3A_124 = arith.constant 32 : i32
    %dma_wait3A_125 = arith.constant 0 : i32
    %dma_wait3A_126 = tpu.memref_slice %arg9[%dma_wait3A_124, %dma_wait3A_125] : memref<64x768xf32, #tpu.memory_space<vmem>> -> memref<32x768xf32, #tpu.memory_space<vmem>>
    %dma_wait3A_127 = arith.constant 0 : i32
    %dma_wait3A_128 = tpu.memref_slice %arg6[%add3A_103, %dma_wait3A_127] : memref<2048x768xf32, #tpu.memory_space<hbm>> -> memref<32x768xf32, #tpu.memory_space<hbm>>
    %dma_wait3A_129 = arith.constant 0 : i32
    %dma_wait3A_130 = tpu.memref_slice %arg6[%add3A_103, %dma_wait3A_129] : memref<2048x768xf32, #tpu.memory_space<hbm>> -> memref<32x768xf32, #tpu.memory_space<hbm>>
    %dma_wait3A_131 = arith.constant 32 : i32
    %dma_wait3A_132 = arith.constant 0 : i32
    %dma_wait3A_133 = tpu.memref_slice %arg9[%dma_wait3A_131, %dma_wait3A_132] : memref<64x768xf32, #tpu.memory_space<vmem>> -> memref<32x768xf32, #tpu.memory_space<vmem>>
    tpu.wait_dma2 semaphore(%arg15 : memref<!tpu.dma_semaphore, #tpu.memory_space<semaphore_mem>>) src(%dma_wait3A_133 : memref<32x768xf32, #tpu.memory_space<vmem>>) dst(%dma_wait3A_130 : memref<32x768xf32, #tpu.memory_space<hbm>>)
    return
  }
}

module attributes {stable_mosaic.version = 14 : i64} {
  func.func @_ffn_kernel(%arg0: i32, %arg1: memref<128xi32, #tpu.memory_space<smem>>, %arg2: memref<128xi32, #tpu.memory_space<smem>>, %arg3: memref<128xi32, #tpu.memory_space<smem>>, %arg4: memref<128x768xf32, #tpu.memory_space<vmem>>, %arg5: memref<1x768x1024xf32, #tpu.memory_space<vmem>>, %arg6: memref<1x512x768xf32, #tpu.memory_space<vmem>>, %arg7: memref<128x768xf32, #tpu.memory_space<vmem>>) attributes {dimension_semantics = [#tpu.dimension_semantics<arbitrary>], iteration_bounds = array<i64: 95>, scalar_prefetch = 3 : i64, scratch_operands = 0 : i64, tpu.core_type = #tpu.core_type<tc>, window_params = [{transform_indices = @transform_0, window_bounds = array<i64: 128, 768>}, {transform_indices = @transform_1, window_bounds = array<i64: 1, 768, 1024>}, {transform_indices = @transform_2, window_bounds = array<i64: 1, 512, 768>}, {transform_indices = @transform_3, window_bounds = array<i64: 128, 768>}]} {
    %get3A = arith.index_cast %arg0 : i32 to index
    %get3A_0 = memref.load %arg3[%get3A] : memref<128xi32, #tpu.memory_space<smem>>
    %ne3A = arith.constant 95 : i32
    %ne3A_1 = arith.cmpi ne, %get3A_0, %ne3A : i32
    %convert_element_type3A = arith.extui %ne3A_1 : i1 to i32
    %cond3A = arith.constant 0 : i32
    %cond3A_2 = arith.cmpi ne, %convert_element_type3A, %cond3A : i32
    scf.if %cond3A_2 {
      %get3A_3 = arith.constant 0 : index
      %get3A_4 = arith.constant 0 : index
      %get3A_5 = vector.load %arg4[%get3A_3, %get3A_4] : memref<128x768xf32, #tpu.memory_space<vmem>>, vector<128x768xf32>
      %get3A_6 = arith.constant 0 : index
      %get3A_7 = arith.constant 0 : index
      %get3A_8 = arith.constant 0 : index
      %get3A_9 = vector.load %arg5[%get3A_6, %get3A_7, %get3A_8] : memref<1x768x1024xf32, #tpu.memory_space<vmem>>, vector<1x768x1024xf32>
      %get3A_10 = vector.shape_cast %get3A_9 : vector<1x768x1024xf32> to vector<768x1024xf32>
      %dot_general3A = arith.constant dense<0.000000e+00> : vector<128x1024xf32>
      %dot_general3A_11 = tpu.matmul %get3A_5, %get3A_10, %dot_general3A {dimension_numbers = #tpu.dot_dimension_numbers<[1], [0], [0], [1], [0, 0, 1, 1], [], []>, transpose_lhs_hint = false} : vector<128x768xf32>, vector<768x1024xf32>, vector<128x1024xf32> -> vector<128x1024xf32>
      %slice3A = vector.extract_strided_slice %dot_general3A_11 {offsets = [0, 0], sizes = [128, 512], strides = [1, 1]} : vector<128x1024xf32> to vector<128x512xf32>
      %slice3A_12 = vector.extract_strided_slice %dot_general3A_11 {offsets = [0, 512], sizes = [128, 512], strides = [1, 1]} : vector<128x1024xf32> to vector<128x512xf32>
      %logistic3A = arith.negf %slice3A : vector<128x512xf32>
      %logistic3A_13 = math.exp %logistic3A : vector<128x512xf32>
      %logistic3A_14 = arith.constant 1.000000e+00 : f32
      %logistic3A_15 = vector.broadcast %logistic3A_14 : f32 to vector<128x512xf32>
      %logistic3A_16 = arith.addf %logistic3A_15, %logistic3A_13 : vector<128x512xf32>
      %logistic3A_17 = arith.divf %logistic3A_15, %logistic3A_16 : vector<128x512xf32>
      %mul3A = arith.mulf %slice3A, %logistic3A_17 : vector<128x512xf32>
      %mul3A_18 = arith.mulf %mul3A, %slice3A_12 : vector<128x512xf32>
      %get3A_19 = arith.constant 0 : index
      %get3A_20 = arith.constant 0 : index
      %get3A_21 = arith.constant 0 : index
      %get3A_22 = vector.load %arg6[%get3A_19, %get3A_20, %get3A_21] : memref<1x512x768xf32, #tpu.memory_space<vmem>>, vector<1x512x768xf32>
      %get3A_23 = vector.shape_cast %get3A_22 : vector<1x512x768xf32> to vector<512x768xf32>
      %dot_general3A_24 = arith.constant dense<0.000000e+00> : vector<128x768xf32>
      %dot_general3A_25 = tpu.matmul %mul3A_18, %get3A_23, %dot_general3A_24 {dimension_numbers = #tpu.dot_dimension_numbers<[1], [0], [0], [1], [0, 0, 1, 1], [], []>, transpose_lhs_hint = false} : vector<128x512xf32>, vector<512x768xf32>, vector<128x768xf32> -> vector<128x768xf32>
      %swap3A = arith.constant 0 : index
      %swap3A_26 = arith.constant 0 : index
      %swap3A_27 = vector.load %arg7[%swap3A, %swap3A_26] : memref<128x768xf32, #tpu.memory_space<vmem>>, vector<128x768xf32>
      tpu.vector_store %arg7[%swap3A, %swap3A_26], %dot_general3A_25 {strides = array<i32>} : memref<128x768xf32, #tpu.memory_space<vmem>>, vector<128x768xf32>,
    } else {
    }
    return
  }
  func.func @transform_0(%arg0: i32, %arg1: memref<128xi32, #tpu.memory_space<smem>>, %arg2: memref<128xi32, #tpu.memory_space<smem>>, %arg3: memref<128xi32, #tpu.memory_space<smem>>) -> (i32, i32) {
    %get3A = arith.index_cast %arg0 : i32 to index
    %get3A_0 = memref.load %arg2[%get3A] : memref<128xi32, #tpu.memory_space<smem>>
    %c0_i32 = arith.constant 0 : i32
    %c0_i32_1 = arith.constant 0 : i32
    return %get3A_0, %c0_i32 : i32, i32
  }
  func.func @transform_1(%arg0: i32, %arg1: memref<128xi32, #tpu.memory_space<smem>>, %arg2: memref<128xi32, #tpu.memory_space<smem>>, %arg3: memref<128xi32, #tpu.memory_space<smem>>) -> (i32, i32, i32) {
    %get3A = arith.index_cast %arg0 : i32 to index
    %get3A_0 = memref.load %arg1[%get3A] : memref<128xi32, #tpu.memory_space<smem>>
    %c0_i32 = arith.constant 0 : i32
    %c0_i32_1 = arith.constant 0 : i32
    %c0_i32_2 = arith.constant 0 : i32
    return %get3A_0, %c0_i32, %c0_i32_1 : i32, i32, i32
  }
  func.func @transform_2(%arg0: i32, %arg1: memref<128xi32, #tpu.memory_space<smem>>, %arg2: memref<128xi32, #tpu.memory_space<smem>>, %arg3: memref<128xi32, #tpu.memory_space<smem>>) -> (i32, i32, i32) {
    %get3A = arith.index_cast %arg0 : i32 to index
    %get3A_0 = memref.load %arg1[%get3A] : memref<128xi32, #tpu.memory_space<smem>>
    %c0_i32 = arith.constant 0 : i32
    %c0_i32_1 = arith.constant 0 : i32
    %c0_i32_2 = arith.constant 0 : i32
    return %get3A_0, %c0_i32, %c0_i32_1 : i32, i32, i32
  }
  func.func @transform_3(%arg0: i32, %arg1: memref<128xi32, #tpu.memory_space<smem>>, %arg2: memref<128xi32, #tpu.memory_space<smem>>, %arg3: memref<128xi32, #tpu.memory_space<smem>>) -> (i32, i32) {
    %get3A = arith.index_cast %arg0 : i32 to index
    %get3A_0 = memref.load %arg3[%get3A] : memref<128xi32, #tpu.memory_space<smem>>
    %c0_i32 = arith.constant 0 : i32
    %c0_i32_1 = arith.constant 0 : i32
    return %get3A_0, %c0_i32 : i32, i32
  }
}

module attributes {stable_mosaic.version = 14 : i64} {
  func.func @_router_kernel(%arg0: memref<2048x768xf32, #tpu.memory_space<vmem>>, %arg1: memref<768x64xf32, #tpu.memory_space<vmem>>, %arg2: memref<2048x32xf32, #tpu.memory_space<vmem>>, %arg3: memref<2048x2xi32, #tpu.memory_space<vmem>>, %arg4: memref<2048x1xi32, #tpu.memory_space<vmem>>, %arg5: memref<2048x1xi32, #tpu.memory_space<vmem>>, %arg6: memref<128x1xi32, #tpu.memory_space<vmem>>, %arg7: memref<128x1xi32, #tpu.memory_space<vmem>>, %arg8: memref<128x1xi32, #tpu.memory_space<vmem>>) attributes {dimension_semantics = [], scalar_prefetch = 0 : i64, scratch_operands = 0 : i64, tpu.core_type = #tpu.core_type<tc>} {
    %get3A = arith.constant 0 : index
    %get3A_0 = arith.constant 0 : index
    %get3A_1 = vector.load %arg0[%get3A, %get3A_0] : memref<2048x768xf32, #tpu.memory_space<vmem>>, vector<2048x768xf32>
    %get3A_2 = arith.constant 0 : index
    %get3A_3 = arith.constant 0 : index
    %get3A_4 = vector.load %arg1[%get3A_2, %get3A_3] : memref<768x64xf32, #tpu.memory_space<vmem>>, vector<768x64xf32>
    %dot_general3A = arith.constant dense<0.000000e+00> : vector<2048x64xf32>
    %dot_general3A_5 = tpu.matmul %get3A_1, %get3A_4, %dot_general3A {dimension_numbers = #tpu.dot_dimension_numbers<[1], [0], [0], [1], [0, 0, 1, 1], [], []>, transpose_lhs_hint = false} : vector<2048x768xf32>, vector<768x64xf32>, vector<2048x64xf32> -> vector<2048x64xf32>
    %reduce_max3A = arith.constant dense<0xFF800000> : vector<2048xf32>
    %reduce_max3A_6 = vector.multi_reduction <maximumf>, %dot_general3A_5, %reduce_max3A [1] : vector<2048x64xf32> to vector<2048xf32>
    %broadcast_in_dim3A = vector.shape_cast %reduce_max3A_6 : vector<2048xf32> to vector<2048x1xf32>
    %sub3A = vector.broadcast %broadcast_in_dim3A : vector<2048x1xf32> to vector<2048x64xf32>
    %sub3A_7 = arith.subf %dot_general3A_5, %sub3A : vector<2048x64xf32>
    %exp3A = math.exp %sub3A_7 : vector<2048x64xf32>
    %reduce_sum3A = arith.constant dense<0.000000e+00> : vector<2048xf32>
    %reduce_sum3A_8 = vector.multi_reduction <add>, %exp3A, %reduce_sum3A [1] : vector<2048x64xf32> to vector<2048xf32>
    %broadcast_in_dim3A_9 = vector.shape_cast %reduce_sum3A_8 : vector<2048xf32> to vector<2048x1xf32>
    %div3A = vector.broadcast %broadcast_in_dim3A_9 : vector<2048x1xf32> to vector<2048x64xf32>
    %div3A_10 = arith.divf %exp3A, %div3A : vector<2048x64xf32>
    %iota3A = tpu.iota {dimensions = array<i32: 1>} : vector<2048x64xi32>
    %reduce_max3A_11 = arith.constant dense<0xFF800000> : vector<2048xf32>
    %reduce_max3A_12 = vector.multi_reduction <maximumf>, %div3A_10, %reduce_max3A_11 [1] : vector<2048x64xf32> to vector<2048xf32>
    %broadcast_in_dim3A_13 = vector.shape_cast %reduce_max3A_12 : vector<2048xf32> to vector<2048x1xf32>
    %eq3A = vector.broadcast %broadcast_in_dim3A_13 : vector<2048x1xf32> to vector<2048x64xf32>
    %eq3A_14 = arith.cmpf oeq, %div3A_10, %eq3A : vector<2048x64xf32>
    %jit3A = arith.constant 64 : i32
    %broadcast_in_dim3A_15 = vector.broadcast %jit3A : i32 to vector<2048x64xi32>
    %select_n3A = arith.select %eq3A_14, %iota3A, %broadcast_in_dim3A_15 : vector<2048x64xi1>, vector<2048x64xi32>
    %reduce_min3A = arith.constant dense<2147483647> : vector<2048xi32>
    %reduce_min3A_16 = vector.multi_reduction <minsi>, %select_n3A, %reduce_min3A [1] : vector<2048x64xi32> to vector<2048xi32>
    %broadcast_in_dim3A_17 = vector.shape_cast %reduce_min3A_16 : vector<2048xi32> to vector<2048x1xi32>
    %eq3A_18 = vector.broadcast %broadcast_in_dim3A_17 : vector<2048x1xi32> to vector<2048x64xi32>
    %eq3A_19 = arith.cmpi eq, %iota3A, %eq3A_18 : vector<2048x64xi32>
    %jit3A_20 = arith.constant -1.000000e+30 : f32
    %broadcast_in_dim3A_21 = vector.broadcast %jit3A_20 : f32 to vector<2048x64xf32>
    %select_n3A_22 = arith.select %eq3A_19, %broadcast_in_dim3A_21, %div3A_10 : vector<2048x64xi1>, vector<2048x64xf32>
    %reduce_max3A_23 = arith.constant dense<0xFF800000> : vector<2048xf32>
    %reduce_max3A_24 = vector.multi_reduction <maximumf>, %select_n3A_22, %reduce_max3A_23 [1] : vector<2048x64xf32> to vector<2048xf32>
    %broadcast_in_dim3A_25 = vector.shape_cast %reduce_max3A_24 : vector<2048xf32> to vector<2048x1xf32>
    %eq3A_26 = vector.broadcast %broadcast_in_dim3A_25 : vector<2048x1xf32> to vector<2048x64xf32>
    %eq3A_27 = arith.cmpf oeq, %select_n3A_22, %eq3A_26 : vector<2048x64xf32>
    %jit3A_28 = arith.constant 64 : i32
    %broadcast_in_dim3A_29 = vector.broadcast %jit3A_28 : i32 to vector<2048x64xi32>
    %select_n3A_30 = arith.select %eq3A_27, %iota3A, %broadcast_in_dim3A_29 : vector<2048x64xi1>, vector<2048x64xi32>
    %reduce_min3A_31 = arith.constant dense<2147483647> : vector<2048xi32>
    %reduce_min3A_32 = vector.multi_reduction <minsi>, %select_n3A_30, %reduce_min3A_31 [1] : vector<2048x64xi32> to vector<2048xi32>
    %broadcast_in_dim3A_33 = vector.shape_cast %reduce_min3A_32 : vector<2048xi32> to vector<2048x1xi32>
    %add3A = arith.addf %broadcast_in_dim3A_13, %broadcast_in_dim3A_25 : vector<2048x1xf32>
    %div3A_34 = arith.divf %broadcast_in_dim3A_13, %add3A : vector<2048x1xf32>
    %broadcast_in_dim3A_35 = vector.shape_cast %div3A_34 : vector<2048x1xf32> to vector<2048x1xf32>
    %broadcast_in_dim3A_36 = vector.broadcast %broadcast_in_dim3A_35 : vector<2048x1xf32> to vector<2048x16xf32>
    %div3A_37 = arith.divf %broadcast_in_dim3A_25, %add3A : vector<2048x1xf32>
    %broadcast_in_dim3A_38 = vector.shape_cast %div3A_37 : vector<2048x1xf32> to vector<2048x1xf32>
    %broadcast_in_dim3A_39 = vector.broadcast %broadcast_in_dim3A_38 : vector<2048x1xf32> to vector<2048x16xf32>
    %concatenate3A = tpu.concatenate %broadcast_in_dim3A_36, %broadcast_in_dim3A_39 in 1 : vector<2048x16xf32>, vector<2048x16xf32> -> vector<2048x32xf32>
    %swap3A = arith.constant 0 : index
    %swap3A_40 = arith.constant 0 : index
    %swap3A_41 = vector.load %arg2[%swap3A, %swap3A_40] : memref<2048x32xf32, #tpu.memory_space<vmem>>, vector<2048x32xf32>
    tpu.vector_store %arg2[%swap3A, %swap3A_40], %concatenate3A {strides = array<i32>} : memref<2048x32xf32, #tpu.memory_space<vmem>>, vector<2048x32xf32>,
    %eq3A_42 = vector.broadcast %broadcast_in_dim3A_17 : vector<2048x1xi32> to vector<2048x64xi32>
    %eq3A_43 = arith.cmpi eq, %iota3A, %eq3A_42 : vector<2048x64xi32>
    %convert_element_type3A = arith.extui %eq3A_43 : vector<2048x64xi1> to vector<2048x64xi32>
    %convert_element_type3A_44 = arith.sitofp %convert_element_type3A : vector<2048x64xi32> to vector<2048x64xf32>
    %eq3A_45 = vector.broadcast %broadcast_in_dim3A_33 : vector<2048x1xi32> to vector<2048x64xi32>
    %eq3A_46 = arith.cmpi eq, %iota3A, %eq3A_45 : vector<2048x64xi32>
    %convert_element_type3A_47 = arith.extui %eq3A_46 : vector<2048x64xi1> to vector<2048x64xi32>
    %convert_element_type3A_48 = arith.sitofp %convert_element_type3A_47 : vector<2048x64xi32> to vector<2048x64xf32>
    %add3A_49 = arith.addf %convert_element_type3A_44, %convert_element_type3A_48 : vector<2048x64xf32>
    %iota3A_50 = tpu.iota {dimensions = array<i32: 0>} : vector<256x256xi32>
    %iota3A_51 = tpu.iota {dimensions = array<i32: 1>} : vector<256x256xi32>
    %lt3A = arith.cmpi slt, %iota3A_51, %iota3A_50 : vector<256x256xi32>
    %convert_element_type3A_52 = arith.extui %lt3A : vector<256x256xi1> to vector<256x256xi32>
    %convert_element_type3A_53 = arith.sitofp %convert_element_type3A_52 : vector<256x256xi32> to vector<256x256xf32>
    %broadcast_in_dim3A_54 = arith.constant 0.000000e+00 : f32
    %broadcast_in_dim3A_55 = vector.broadcast %broadcast_in_dim3A_54 : f32 to vector<1x64xf32>
    %slice3A = vector.extract_strided_slice %add3A_49 {offsets = [0, 0], sizes = [256, 64], strides = [1, 1]} : vector<2048x64xf32> to vector<256x64xf32>
    %dot_general3A_56 = arith.constant dense<0.000000e+00> : vector<256x64xf32>
    %dot_general3A_57 = tpu.matmul %convert_element_type3A_53, %slice3A, %dot_general3A_56 {dimension_numbers = #tpu.dot_dimension_numbers<[1], [0], [0], [1], [0, 0, 1, 1], [], []>, transpose_lhs_hint = false} : vector<256x256xf32>, vector<256x64xf32>, vector<256x64xf32> -> vector<256x64xf32>
    %add3A_58 = vector.broadcast %broadcast_in_dim3A_55 : vector<1x64xf32> to vector<256x64xf32>
    %add3A_59 = arith.addf %dot_general3A_57, %add3A_58 : vector<256x64xf32>
    %reduce_sum3A_60 = arith.constant dense<0.000000e+00> : vector<64xf32>
    %reduce_sum3A_61 = vector.multi_reduction <add>, %slice3A, %reduce_sum3A_60 [0] : vector<256x64xf32> to vector<64xf32>
    %broadcast_in_dim3A_62 = vector.shape_cast %reduce_sum3A_61 : vector<64xf32> to vector<1x64xf32>
    %add3A_63 = arith.addf %broadcast_in_dim3A_55, %broadcast_in_dim3A_62 : vector<1x64xf32>
    %slice3A_64 = vector.extract_strided_slice %add3A_49 {offsets = [256, 0], sizes = [256, 64], strides = [1, 1]} : vector<2048x64xf32> to vector<256x64xf32>
    %dot_general3A_65 = arith.constant dense<0.000000e+00> : vector<256x64xf32>
    %dot_general3A_66 = tpu.matmul %convert_element_type3A_53, %slice3A_64, %dot_general3A_65 {dimension_numbers = #tpu.dot_dimension_numbers<[1], [0], [0], [1], [0, 0, 1, 1], [], []>, transpose_lhs_hint = false} : vector<256x256xf32>, vector<256x64xf32>, vector<256x64xf32> -> vector<256x64xf32>
    %add3A_67 = vector.broadcast %add3A_63 : vector<1x64xf32> to vector<256x64xf32>
    %add3A_68 = arith.addf %dot_general3A_66, %add3A_67 : vector<256x64xf32>
    %reduce_sum3A_69 = arith.constant dense<0.000000e+00> : vector<64xf32>
    %reduce_sum3A_70 = vector.multi_reduction <add>, %slice3A_64, %reduce_sum3A_69 [0] : vector<256x64xf32> to vector<64xf32>
    %broadcast_in_dim3A_71 = vector.shape_cast %reduce_sum3A_70 : vector<64xf32> to vector<1x64xf32>
    %add3A_72 = arith.addf %add3A_63, %broadcast_in_dim3A_71 : vector<1x64xf32>
    %slice3A_73 = vector.extract_strided_slice %add3A_49 {offsets = [512, 0], sizes = [256, 64], strides = [1, 1]} : vector<2048x64xf32> to vector<256x64xf32>
    %dot_general3A_74 = arith.constant dense<0.000000e+00> : vector<256x64xf32>
    %dot_general3A_75 = tpu.matmul %convert_element_type3A_53, %slice3A_73, %dot_general3A_74 {dimension_numbers = #tpu.dot_dimension_numbers<[1], [0], [0], [1], [0, 0, 1, 1], [], []>, transpose_lhs_hint = false} : vector<256x256xf32>, vector<256x64xf32>, vector<256x64xf32> -> vector<256x64xf32>
    %add3A_76 = vector.broadcast %add3A_72 : vector<1x64xf32> to vector<256x64xf32>
    %add3A_77 = arith.addf %dot_general3A_75, %add3A_76 : vector<256x64xf32>
    %reduce_sum3A_78 = arith.constant dense<0.000000e+00> : vector<64xf32>
    %reduce_sum3A_79 = vector.multi_reduction <add>, %slice3A_73, %reduce_sum3A_78 [0] : vector<256x64xf32> to vector<64xf32>
    %broadcast_in_dim3A_80 = vector.shape_cast %reduce_sum3A_79 : vector<64xf32> to vector<1x64xf32>
    %add3A_81 = arith.addf %add3A_72, %broadcast_in_dim3A_80 : vector<1x64xf32>
    %slice3A_82 = vector.extract_strided_slice %add3A_49 {offsets = [768, 0], sizes = [256, 64], strides = [1, 1]} : vector<2048x64xf32> to vector<256x64xf32>
    %dot_general3A_83 = arith.constant dense<0.000000e+00> : vector<256x64xf32>
    %dot_general3A_84 = tpu.matmul %convert_element_type3A_53, %slice3A_82, %dot_general3A_83 {dimension_numbers = #tpu.dot_dimension_numbers<[1], [0], [0], [1], [0, 0, 1, 1], [], []>, transpose_lhs_hint = false} : vector<256x256xf32>, vector<256x64xf32>, vector<256x64xf32> -> vector<256x64xf32>
    %add3A_85 = vector.broadcast %add3A_81 : vector<1x64xf32> to vector<256x64xf32>
    %add3A_86 = arith.addf %dot_general3A_84, %add3A_85 : vector<256x64xf32>
    %reduce_sum3A_87 = arith.constant dense<0.000000e+00> : vector<64xf32>
    %reduce_sum3A_88 = vector.multi_reduction <add>, %slice3A_82, %reduce_sum3A_87 [0] : vector<256x64xf32> to vector<64xf32>
    %broadcast_in_dim3A_89 = vector.shape_cast %reduce_sum3A_88 : vector<64xf32> to vector<1x64xf32>
    %add3A_90 = arith.addf %add3A_81, %broadcast_in_dim3A_89 : vector<1x64xf32>
    %slice3A_91 = vector.extract_strided_slice %add3A_49 {offsets = [1024, 0], sizes = [256, 64], strides = [1, 1]} : vector<2048x64xf32> to vector<256x64xf32>
    %dot_general3A_92 = arith.constant dense<0.000000e+00> : vector<256x64xf32>
    %dot_general3A_93 = tpu.matmul %convert_element_type3A_53, %slice3A_91, %dot_general3A_92 {dimension_numbers = #tpu.dot_dimension_numbers<[1], [0], [0], [1], [0, 0, 1, 1], [], []>, transpose_lhs_hint = false} : vector<256x256xf32>, vector<256x64xf32>, vector<256x64xf32> -> vector<256x64xf32>
    %add3A_94 = vector.broadcast %add3A_90 : vector<1x64xf32> to vector<256x64xf32>
    %add3A_95 = arith.addf %dot_general3A_93, %add3A_94 : vector<256x64xf32>
    %reduce_sum3A_96 = arith.constant dense<0.000000e+00> : vector<64xf32>
    %reduce_sum3A_97 = vector.multi_reduction <add>, %slice3A_91, %reduce_sum3A_96 [0] : vector<256x64xf32> to vector<64xf32>
    %broadcast_in_dim3A_98 = vector.shape_cast %reduce_sum3A_97 : vector<64xf32> to vector<1x64xf32>
    %add3A_99 = arith.addf %add3A_90, %broadcast_in_dim3A_98 : vector<1x64xf32>
    %slice3A_100 = vector.extract_strided_slice %add3A_49 {offsets = [1280, 0], sizes = [256, 64], strides = [1, 1]} : vector<2048x64xf32> to vector<256x64xf32>
    %dot_general3A_101 = arith.constant dense<0.000000e+00> : vector<256x64xf32>
    %dot_general3A_102 = tpu.matmul %convert_element_type3A_53, %slice3A_100, %dot_general3A_101 {dimension_numbers = #tpu.dot_dimension_numbers<[1], [0], [0], [1], [0, 0, 1, 1], [], []>, transpose_lhs_hint = false} : vector<256x256xf32>, vector<256x64xf32>, vector<256x64xf32> -> vector<256x64xf32>
    %add3A_103 = vector.broadcast %add3A_99 : vector<1x64xf32> to vector<256x64xf32>
    %add3A_104 = arith.addf %dot_general3A_102, %add3A_103 : vector<256x64xf32>
    %reduce_sum3A_105 = arith.constant dense<0.000000e+00> : vector<64xf32>
    %reduce_sum3A_106 = vector.multi_reduction <add>, %slice3A_100, %reduce_sum3A_105 [0] : vector<256x64xf32> to vector<64xf32>
    %broadcast_in_dim3A_107 = vector.shape_cast %reduce_sum3A_106 : vector<64xf32> to vector<1x64xf32>
    %add3A_108 = arith.addf %add3A_99, %broadcast_in_dim3A_107 : vector<1x64xf32>
    %slice3A_109 = vector.extract_strided_slice %add3A_49 {offsets = [1536, 0], sizes = [256, 64], strides = [1, 1]} : vector<2048x64xf32> to vector<256x64xf32>
    %dot_general3A_110 = arith.constant dense<0.000000e+00> : vector<256x64xf32>
    %dot_general3A_111 = tpu.matmul %convert_element_type3A_53, %slice3A_109, %dot_general3A_110 {dimension_numbers = #tpu.dot_dimension_numbers<[1], [0], [0], [1], [0, 0, 1, 1], [], []>, transpose_lhs_hint = false} : vector<256x256xf32>, vector<256x64xf32>, vector<256x64xf32> -> vector<256x64xf32>
    %add3A_112 = vector.broadcast %add3A_108 : vector<1x64xf32> to vector<256x64xf32>
    %add3A_113 = arith.addf %dot_general3A_111, %add3A_112 : vector<256x64xf32>
    %reduce_sum3A_114 = arith.constant dense<0.000000e+00> : vector<64xf32>
    %reduce_sum3A_115 = vector.multi_reduction <add>, %slice3A_109, %reduce_sum3A_114 [0] : vector<256x64xf32> to vector<64xf32>
    %broadcast_in_dim3A_116 = vector.shape_cast %reduce_sum3A_115 : vector<64xf32> to vector<1x64xf32>
    %add3A_117 = arith.addf %add3A_108, %broadcast_in_dim3A_116 : vector<1x64xf32>
    %slice3A_118 = vector.extract_strided_slice %add3A_49 {offsets = [1792, 0], sizes = [256, 64], strides = [1, 1]} : vector<2048x64xf32> to vector<256x64xf32>
    %dot_general3A_119 = arith.constant dense<0.000000e+00> : vector<256x64xf32>
    %dot_general3A_120 = tpu.matmul %convert_element_type3A_53, %slice3A_118, %dot_general3A_119 {dimension_numbers = #tpu.dot_dimension_numbers<[1], [0], [0], [1], [0, 0, 1, 1], [], []>, transpose_lhs_hint = false} : vector<256x256xf32>, vector<256x64xf32>, vector<256x64xf32> -> vector<256x64xf32>
    %add3A_121 = vector.broadcast %add3A_117 : vector<1x64xf32> to vector<256x64xf32>
    %add3A_122 = arith.addf %dot_general3A_120, %add3A_121 : vector<256x64xf32>
    %reduce_sum3A_123 = arith.constant dense<0.000000e+00> : vector<64xf32>
    %reduce_sum3A_124 = vector.multi_reduction <add>, %slice3A_118, %reduce_sum3A_123 [0] : vector<256x64xf32> to vector<64xf32>
    %broadcast_in_dim3A_125 = vector.shape_cast %reduce_sum3A_124 : vector<64xf32> to vector<1x64xf32>
    %add3A_126 = arith.addf %add3A_117, %broadcast_in_dim3A_125 : vector<1x64xf32>
    %concatenate3A_127 = tpu.concatenate %add3A_59, %add3A_68, %add3A_77, %add3A_86, %add3A_95, %add3A_104, %add3A_113, %add3A_122 in 0 : vector<256x64xf32>, vector<256x64xf32>, vector<256x64xf32>, vector<256x64xf32>, vector<256x64xf32>, vector<256x64xf32>, vector<256x64xf32>, vector<256x64xf32> -> vector<2048x64xf32>
    %add3A_128 = arith.constant 1.270000e+02 : f32
    %add3A_129 = vector.broadcast %add3A_128 : f32 to vector<1x64xf32>
    %add3A_130 = arith.addf %add3A_126, %add3A_129 : vector<1x64xf32>
    %mul3A = arith.constant 7.812500e-03 : f32
    %mul3A_131 = vector.broadcast %mul3A : f32 to vector<1x64xf32>
    %mul3A_132 = arith.mulf %add3A_130, %mul3A_131 : vector<1x64xf32>
    %floor3A = math.floor %mul3A_132 : vector<1x64xf32>
    %mul3A_133 = arith.constant 1.280000e+02 : f32
    %mul3A_134 = vector.broadcast %mul3A_133 : f32 to vector<1x64xf32>
    %mul3A_135 = arith.mulf %floor3A, %mul3A_134 : vector<1x64xf32>
    %iota3A_136 = tpu.iota {dimensions = array<i32: 0>} : vector<64x64xi32>
    %iota3A_137 = tpu.iota {dimensions = array<i32: 1>} : vector<64x64xi32>
    %le3A = arith.cmpi sle, %iota3A_136, %iota3A_137 : vector<64x64xi32>
    %convert_element_type3A_138 = arith.extui %le3A : vector<64x64xi1> to vector<64x64xi32>
    %convert_element_type3A_139 = arith.sitofp %convert_element_type3A_138 : vector<64x64xi32> to vector<64x64xf32>
    %dot_general3A_140 = arith.constant dense<0.000000e+00> : vector<1x64xf32>
    %dot_general3A_141 = tpu.matmul %mul3A_135, %convert_element_type3A_139, %dot_general3A_140 {dimension_numbers = #tpu.dot_dimension_numbers<[1], [0], [0], [1], [0, 0, 1, 1], [], []>, transpose_lhs_hint = false} : vector<1x64xf32>, vector<64x64xf32>, vector<1x64xf32> -> vector<1x64xf32>
    %sub3A_142 = arith.subf %dot_general3A_141, %mul3A_135 : vector<1x64xf32>
    %reduce_sum3A_143 = vector.shape_cast %mul3A_135 : vector<1x64xf32> to vector<1x1x64xf32>
    %reduce_sum3A_144 = arith.constant dense<0.000000e+00> : vector<1xf32>
    %reduce_sum3A_145 = vector.multi_reduction <add>, %reduce_sum3A_143, %reduce_sum3A_144 [1, 2] : vector<1x1x64xf32> to vector<1xf32>
    %reduce_sum3A_146 = vector.shape_cast %reduce_sum3A_145 : vector<1xf32> to vector<1x1x1xf32>
    %reduce_sum3A_147 = vector.extract %reduce_sum3A_146[0, 0, 0] : f32 from vector<1x1x1xf32>
    %add3A_148 = vector.broadcast %sub3A_142 : vector<1x64xf32> to vector<2048x64xf32>
    %add3A_149 = arith.addf %add3A_148, %concatenate3A_127 : vector<2048x64xf32>
    %mul3A_150 = arith.mulf %convert_element_type3A_44, %add3A_149 : vector<2048x64xf32>
    %reduce_sum3A_151 = arith.constant dense<0.000000e+00> : vector<2048xf32>
    %reduce_sum3A_152 = vector.multi_reduction <add>, %mul3A_150, %reduce_sum3A_151 [1] : vector<2048x64xf32> to vector<2048xf32>
    %broadcast_in_dim3A_153 = vector.shape_cast %reduce_sum3A_152 : vector<2048xf32> to vector<2048x1xf32>
    %add3A_154 = vector.broadcast %sub3A_142 : vector<1x64xf32> to vector<2048x64xf32>
    %add3A_155 = arith.addf %add3A_154, %concatenate3A_127 : vector<2048x64xf32>
    %mul3A_156 = arith.mulf %convert_element_type3A_48, %add3A_155 : vector<2048x64xf32>
    %reduce_sum3A_157 = arith.constant dense<0.000000e+00> : vector<2048xf32>
    %reduce_sum3A_158 = vector.multi_reduction <add>, %mul3A_156, %reduce_sum3A_157 [1] : vector<2048x64xf32> to vector<2048xf32>
    %broadcast_in_dim3A_159 = vector.shape_cast %reduce_sum3A_158 : vector<2048xf32> to vector<2048x1xf32>
    %concatenate3A_160 = tpu.concatenate %broadcast_in_dim3A_153, %broadcast_in_dim3A_159 in 1 : vector<2048x1xf32>, vector<2048x1xf32> -> vector<2048x2xf32>
    %convert_element_type3A_161 = arith.fptosi %concatenate3A_160 : vector<2048x2xf32> to vector<2048x2xi32>
    %swap3A_162 = arith.constant 0 : index
    %swap3A_163 = arith.constant 0 : index
    %swap3A_164 = vector.load %arg3[%swap3A_162, %swap3A_163] : memref<2048x2xi32, #tpu.memory_space<vmem>>, vector<2048x2xi32>
    tpu.vector_store %arg3[%swap3A_162, %swap3A_163], %convert_element_type3A_161 {strides = array<i32>} : memref<2048x2xi32, #tpu.memory_space<vmem>>, vector<2048x2xi32>,
    %convert_element_type3A_165 = arith.fptosi %broadcast_in_dim3A_153 : vector<2048x1xf32> to vector<2048x1xi32>
    %swap3A_166 = arith.constant 0 : index
    %swap3A_167 = arith.constant 0 : index
    %swap3A_168 = vector.load %arg4[%swap3A_166, %swap3A_167] : memref<2048x1xi32, #tpu.memory_space<vmem>>, vector<2048x1xi32>
    tpu.vector_store %arg4[%swap3A_166, %swap3A_167], %convert_element_type3A_165 {strides = array<i32>} : memref<2048x1xi32, #tpu.memory_space<vmem>>, vector<2048x1xi32>,
    %convert_element_type3A_169 = arith.fptosi %broadcast_in_dim3A_159 : vector<2048x1xf32> to vector<2048x1xi32>
    %swap3A_170 = arith.constant 0 : index
    %swap3A_171 = arith.constant 0 : index
    %swap3A_172 = vector.load %arg5[%swap3A_170, %swap3A_171] : memref<2048x1xi32, #tpu.memory_space<vmem>>, vector<2048x1xi32>
    tpu.vector_store %arg5[%swap3A_170, %swap3A_171], %convert_element_type3A_169 {strides = array<i32>} : memref<2048x1xi32, #tpu.memory_space<vmem>>, vector<2048x1xi32>,
    %iota3A_173 = tpu.iota {dimensions = array<i32: 0>} : vector<128x64xi32>
    %mul3A_174 = arith.constant 128 : i32
    %mul3A_175 = vector.broadcast %mul3A_174 : i32 to vector<128x64xi32>
    %mul3A_176 = arith.muli %iota3A_173, %mul3A_175 : vector<128x64xi32>
    %convert_element_type3A_177 = arith.sitofp %mul3A_176 : vector<128x64xi32> to vector<128x64xf32>
    %sub3A_178 = arith.constant 1.000000e+00 : f32
    %sub3A_179 = arith.subf %reduce_sum3A_147, %sub3A_178 : f32
    %min3A = vector.broadcast %sub3A_179 : f32 to vector<128x64xf32>
    %min3A_180 = arith.minimumf %convert_element_type3A_177, %min3A : vector<128x64xf32>
    %broadcast_in_dim3A_181 = vector.shape_cast %dot_general3A_141 : vector<1x64xf32> to vector<1x64xf32>
    %broadcast_in_dim3A_182 = vector.broadcast %broadcast_in_dim3A_181 : vector<1x64xf32> to vector<128x64xf32>
    %le3A_183 = arith.cmpf ole, %broadcast_in_dim3A_182, %min3A_180 : vector<128x64xf32>
    %convert_element_type3A_184 = arith.extui %le3A_183 : vector<128x64xi1> to vector<128x64xi32>
    %convert_element_type3A_185 = arith.sitofp %convert_element_type3A_184 : vector<128x64xi32> to vector<128x64xf32>
    %reduce_sum3A_186 = arith.constant dense<0.000000e+00> : vector<128xf32>
    %reduce_sum3A_187 = vector.multi_reduction <add>, %convert_element_type3A_185, %reduce_sum3A_186 [1] : vector<128x64xf32> to vector<128xf32>
    %broadcast_in_dim3A_188 = vector.shape_cast %reduce_sum3A_187 : vector<128xf32> to vector<128x1xf32>
    %min3A_189 = arith.constant 6.300000e+01 : f32
    %min3A_190 = vector.broadcast %min3A_189 : f32 to vector<128x1xf32>
    %min3A_191 = arith.minimumf %broadcast_in_dim3A_188, %min3A_190 : vector<128x1xf32>
    %convert_element_type3A_192 = arith.fptosi %min3A_191 : vector<128x1xf32> to vector<128x1xi32>
    %swap3A_193 = arith.constant 0 : index
    %swap3A_194 = arith.constant 0 : index
    %swap3A_195 = vector.load %arg6[%swap3A_193, %swap3A_194] : memref<128x1xi32, #tpu.memory_space<vmem>>, vector<128x1xi32>
    tpu.vector_store %arg6[%swap3A_193, %swap3A_194], %convert_element_type3A_192 {strides = array<i32>} : memref<128x1xi32, #tpu.memory_space<vmem>>, vector<128x1xi32>,
    %slice3A_196 = vector.extract_strided_slice %mul3A_176 {offsets = [0, 0], sizes = [128, 1], strides = [1, 1]} : vector<128x64xi32> to vector<128x1xi32>
    %convert_element_type3A_197 = arith.sitofp %slice3A_196 : vector<128x1xi32> to vector<128x1xf32>
    %lt3A_198 = vector.broadcast %reduce_sum3A_147 : f32 to vector<128x1xf32>
    %lt3A_199 = arith.cmpf olt, %convert_element_type3A_197, %lt3A_198 : vector<128x1xf32>
    %iota3A_200 = tpu.iota {dimensions = array<i32: 0>} : vector<128x1xi32>
    %jit3A_201 = arith.constant 0 : i32
    %broadcast_in_dim3A_202 = vector.broadcast %jit3A_201 : i32 to vector<128x1xi32>
    %select_n3A_203 = arith.select %lt3A_199, %iota3A_200, %broadcast_in_dim3A_202 : vector<128x1xi1>, vector<128x1xi32>
    %swap3A_204 = arith.constant 0 : index
    %swap3A_205 = arith.constant 0 : index
    %swap3A_206 = vector.load %arg7[%swap3A_204, %swap3A_205] : memref<128x1xi32, #tpu.memory_space<vmem>>, vector<128x1xi32>
    tpu.vector_store %arg7[%swap3A_204, %swap3A_205], %select_n3A_203 {strides = array<i32>} : memref<128x1xi32, #tpu.memory_space<vmem>>, vector<128x1xi32>,
    %jit3A_207 = arith.constant 95 : i32
    %broadcast_in_dim3A_208 = vector.broadcast %jit3A_207 : i32 to vector<128x1xi32>
    %select_n3A_209 = arith.select %lt3A_199, %iota3A_200, %broadcast_in_dim3A_208 : vector<128x1xi1>, vector<128x1xi32>
    %swap3A_210 = arith.constant 0 : index
    %swap3A_211 = arith.constant 0 : index
    %swap3A_212 = vector.load %arg8[%swap3A_210, %swap3A_211] : memref<128x1xi32, #tpu.memory_space<vmem>>, vector<128x1xi32>
    tpu.vector_store %arg8[%swap3A_210, %swap3A_211], %select_n3A_209 {strides = array<i32>} : memref<128x1xi32, #tpu.memory_space<vmem>>, vector<128x1xi32>,
    return
  }
}

</mosaic_0001>

<sc_bundles>
// kernel: kernel.6.cloned.1.call-start
scs
__scs_entry_jumppad:
0x0: {  	(pc) =	sbr.rel $0x88, $3  }
0x1: {  	(tag) =	ssettag $0x0;
	lr =	simm.s32 $0x1  }
0x2: {  	[smem:$0x3F9D] =	sst lr;
	_ =	strace $0xD0000000  }
0x3: {  	_ = 	snop  }
0x4: {  	_ = 	snop  }
0x5: {  	_ = 	snop  }
0x6: {  	_ = 	snop  }
0x7: {  	_ = 	snop  }
__scs_overlays_trampoline_lowered:
0x8: {  	[smem:$0x3FAC] =	sst s0  }
0x9: {  	[smem:$0x3FAD] =	sst s1  }
0xa: {  	[smem:$0x3FAE] =	sst s2  }
0xb: {  	[smem:$0x3FAF] =	sst s3  }
0xc: {  	[smem:$0x3FB0] =	sst s4  }
0xd: {  	[smem:$0x3FB1] =	sst s5  }
0xe: {  	[smem:$0x3FB2] =	sst s6  }
0xf: {  	[smem:$0x3FB3] =	sst s7  }
0x10: {  	[smem:$0x3FB4] =	sst s8  }
0x11: {  	[smem:$0x3FB5] =	sst s9;
	s0 =	simm.s32 @!p0 $0x0  }
0x12: {  	s1 =	sld [smem:$0x3F9B];
	s0 =	simm.s32 @p0 $0x1  }
0x13: {  	[smem:$0x3FB6] =	sst s0;
	s0 =	simm.s32 @!p1 $0x0  }
0x14: {  	s2 =	sld [smem:$0x3F9A];
	s0 =	simm.s32 @p1 $0x1  }
0x15: {  	[smem:$0x3FB7] =	sst s0;
	s0 =	simm.s32 @!p2 $0x0  }
0x16: {  	s3 =	sld [smem:$0x3FDB];
	s0 =	simm.s32 @p2 $0x1  }
0x17: {  	s4 =	simm.s32 $0x1BF5;
	[smem:$0x3FB9] =	sst s0  }
0x18: {  	s0 =	sld [smem:$0x3F9C];
	_ =	swait.ge [sflag:s4], $0x0  }
0x19: {  	s7 =	sld [smem:$0x3F9D]  }
0x1a: {  	s8 =	sadd.s32 $0xFFFFE003, lr  }
0x1b: {  	s9 =	sadd.s32 $0xFFFFFEF7, lr;
	s5 =	simm.s32 $0xFFFFFFFF;
	p2 =	slt.u32 s8, $0xFFFFF086  }
0x1c: {  	p1 =	slt.u32 s9, $0xF7A;
	s5 =	simm.s32 @!p2 $0x0  }
0x1d: {  	s5 =	simm.s32 @p1 $0x1;
	p0 =	seq.s32 s7, s2  }
0x1e: {  	s7 =	smul.u32 @!p0 $0xF7A, s2;
	p2 =	seq.s32 @!p0 s5, $0x0  }
0x1f: {  	s9 =	smul.u32 $0xF7A, s1;
	s8 =	simm.s32 @!p0 $0x1BF5;
	p2 =	por !p2, p0  }
0x20: {  	[sflag:s8] =	ssyncset.s32 @!p0 $0xFFFFF086;
	s6 =	sadd.s32 @!p0 s3, s7;
	s7 =	simm.s32 @!p0 $0x108  }
0x21: {  	s3 =	sadd.s32 s3, s9;
	s6 =	sadd.s32 @!p0 $0x88, s6;
	s7 =	simm.s32 @p2 $0x1082  }
0x22: {  	[simem:s7], [sflag:s8] =	dma.local @!p0 [hbm:s6], $0xF7A  }
0x23: {  	s9 =	sor.u32 $0xD0000000, s2;
	s6 =	simm.s32 $0x108;
	_ =	swait.ge @!p0 [sflag:s8], $0x0  }
0x24: {  	s3 =	sadd.s32 $0x88, s3;
	s6 =	simm.s32 @!p1 $0x1082;
	[sflag:s4] =	ssyncset.s32 $0xFFFFF086  }
0x25: {  	[simem:s6], [sflag:s4] =	dma.local [hbm:s3], $0xF7A  }
0x26: {  	[smem:$0x3F9D] =	sst s1;
	(tag) =	ssettag s2;
	_ =	strace s9  }
0x27: {  	s1 =	sld [smem:$0x3FAD]  }
0x28: {  	s2 =	sld [smem:$0x3FAE]  }
0x29: {  	s4 =	sld [smem:$0x3FB0]  }
0x2a: {  	p0 =	seq.s32 s5, $0x0;
	s5 =	sld [smem:$0x3FB1]  }
0x2b: {  	s6 =	sld [smem:$0x3FB2]  }
0x2c: {  	s7 =	sld [smem:$0x3FB3]  }
0x2d: {  	s3 =	simm.s32 $0x108;
	s8 =	sld [smem:$0x3FB4]  }
0x2e: {  	s3 =	simm.s32 @!p0 $0x1082;
	s9 =	sld [smem:$0x3FB5]  }
0x2f: {  	lr =	sadd.s32 s0, s3;
	s0 =	sld [smem:$0x3FAC]  }
0x30: {  	s3 =	sld [smem:$0x3FAF]  }
0x31: {  	[smem:$0x3FB8] =	sst s10  }
0x32: {  	s10 =	sld [smem:$0x3FB6];
	_ =	sdelay $0x3  }
0x33: {  	p0 =	seq.s32 s10, $0x1;
	s10 =	sld [smem:$0x3FB8];
	_ =	sdelay $0x3  }
0x34: {  	[smem:$0x3FB8] =	sst s10  }
0x35: {  	s10 =	sld [smem:$0x3FB7];
	_ =	sdelay $0x3  }
0x36: {  	p1 =	seq.s32 s10, $0x1;
	s10 =	sld [smem:$0x3FB8];
	_ =	sdelay $0x3  }
0x37: {  	[smem:$0x3FB8] =	sst s10  }
0x38: {  	s10 =	sld [smem:$0x3FB9]  }
0x39: {  	_ = 	snop;
	(pc) =	sbr.ind lr, $3  }
0x3a: {  	_ = 	snop  }
0x3b: {  	_ = 	snop  }
0x3c: {  	p2 =	seq.s32 s10, $0x1;
	s10 =	sld [smem:$0x3FB8]  }
0x3d: {  	_ =	shalt  }
0x3e: {  	_ =	shalt  }
0x3f: {  	_ =	shalt  }
0x40: {  	_ =	shalt  }
0x41: {  	_ =	shalt  }
0x42: {  	_ =	shalt  }
0x43: {  	_ =	shalt  }
0x44: {  	_ =	shalt  }
0x45: {  	_ =	shalt  }
0x46: {  	_ =	shalt  }
0x47: {  	_ =	shalt  }
0x48: {  	_ =	shalt  }
0x49: {  	_ =	shalt  }
0x4a: {  	_ =	shalt  }
0x4b: {  	_ =	shalt  }
0x4c: {  	_ =	shalt  }
0x4d: {  	_ =	shalt  }
0x4e: {  	_ =	shalt  }
0x4f: {  	_ =	shalt  }
0x50: {  	_ =	shalt  }
0x51: {  	_ =	shalt  }
0x52: {  	_ =	shalt  }
0x53: {  	_ =	shalt  }
0x54: {  	_ =	shalt  }
0x55: {  	_ =	shalt  }
0x56: {  	_ =	shalt  }
0x57: {  	_ =	shalt  }
0x58: {  	_ =	shalt  }
0x59: {  	_ =	shalt  }
0x5a: {  	_ =	shalt  }
0x5b: {  	_ =	shalt  }
0x5c: {  	_ =	shalt  }
0x5d: {  	_ =	shalt  }
0x5e: {  	_ =	shalt  }
0x5f: {  	_ =	shalt  }
0x60: {  	_ =	shalt  }
0x61: {  	_ =	shalt  }
0x62: {  	_ =	shalt  }
0x63: {  	_ =	shalt  }
0x64: {  	_ =	shalt  }
0x65: {  	_ =	shalt  }
0x66: {  	_ =	shalt  }
0x67: {  	_ =	shalt  }
0x68: {  	_ =	shalt  }
0x69: {  	_ =	shalt  }
0x6a: {  	_ =	shalt  }
0x6b: {  	_ =	shalt  }
0x6c: {  	_ =	shalt  }
0x6d: {  	_ =	shalt  }
0x6e: {  	_ =	shalt  }
0x6f: {  	_ =	shalt  }
0x70: {  	_ =	shalt  }
0x71: {  	_ =	shalt  }
0x72: {  	_ =	shalt  }
0x73: {  	_ =	shalt  }
0x74: {  	_ =	shalt  }
0x75: {  	_ =	shalt  }
0x76: {  	_ =	shalt  }
0x77: {  	_ =	shalt  }
0x78: {  	_ =	shalt  }
0x79: {  	_ =	shalt  }
0x7a: {  	_ =	shalt  }
0x7b: {  	_ =	shalt  }
0x7c: {  	_ =	shalt  }
0x7d: {  	_ =	shalt  }
0x7e: {  	_ =	shalt  }
0x7f: {  	_ =	shalt  }
0x80: {  	_ =	shalt  }
0x81: {  	_ =	shalt  }
0x82: {  	_ =	shalt  }
0x83: {  	_ =	shalt  }
0x84: {  	_ =	shalt  }
0x85: {  	_ =	shalt  }
0x86: {  	_ =	shalt  }
0x87: {  	_ =	shalt  }
.Lfunc_end0:
.L_simem_size_0:
called_computation_lowered:
.L_overlay_start_0:
0x88: {  	s2 =	sld [smem:$0x3FD9]  }
0x89: {  	s3 =	sld [smem:$0x3FFE];
	_ =	sdelay $0x1  }
0x8a: {  	s1 =	srdreg.scid  }
0x8b: {  	s0 =	sand.u32 $0x1, s1  }
0x8c: {  	s17 =	sshll.u32 s0, $0xA;
	s2 =	sadd.s32 s3, s2  }
0x8d: {  	s2 =	sadd.s32 s2, s17  }
0x8e: {  	[smem:$0x3FC4] =	sst s2  }
0x8f: {  	_ = 	snop  }
0x90: {  	s2 =	sld [smem:$0x3FC9]  }
0x91: {  	s18 =	sld [smem:$0x3FD0];
	(tm) =	ssettm $0x1  }
0x92: {  	s4 =	sld [smem:$0x3FFB];
	_ =	sdelay $0x3  }
0x93: {  	_ =	strace s4  }
0x94: {  	s4 =	sld [smem:$0x3FFC];
	_ =	sdelay $0x3  }
0x95: {  	_ =	strace s4  }
0x96: {  	s4 =	sld [smem:$0x3FFD];
	_ =	sdelay $0x3  }
0x97: {  	_ =	strace s4  }
0x98: {  	_ =	strace $0x8FFFFFFF  }
0x99: {  	s19 =	sld [smem:$0x3FDB];
	_ =	sdelay $0x1  }
0x9a: {  	s5 =	simm.s32 $_scs_section_size  }
0x9b: {  	s6 =	simm.s32 $_size__tile_overlayer_lowered;
	s7 =	simm.s32 $_tile_overlayer_lowered  }
0x9c: {  	s22 =	simm.s32 $0x1BFF;
	s21 =	sshll.u32 s7, $0x1;
	s4 =	sadd.s32 s5, s19  }
0x9d: {  	s8 =	simm.s32 $0x0;
	s20 =	sshll.u32 s6, $0x1;
	s6 =	sadd.s32 s21, s4  }
0x9e: {  	[timem:s8], [sflag:s22] =	dma.local [hbm:s6], s20  }
0x9f: {  	_ =	swait.ge [sflag:s22], s20  }
0xa0: {  	s5 =	ssub.s32 $0x0, s20;
	[sflag:s22] =	ssyncset.done $0x0  }
0xa1: {  	[sflag:s22] =	ssyncadd.s32 s5;
	_ =	sdelay $0x1  }
0xa2: {  	s23 =	simm.s32 $0x1B8B  }
0xa3: {  	_ =	swait.ge [sflag:s23], $0x1  }
0xa4: {  	[sflag:s23] =	ssyncset.done $0x0  }
0xa5: {  	s25 =	simm.s32 $0x1B8E;
	s24 =	sld [smem:$0x3FFE];
	[sflag:s23] =	ssyncadd.s32 $0xFFFFFFFF  }
0xa6: {  	s26 =	simm.s32 $execute0_lowered;
	[smem:$0x3FD2] =	sst s25  }
0xa7: {  	s6 =	sshll.u32 s26, $0x1;
	_ =	strace $0x80000046;
	[dreg:$0x1] =	wrdreg $0xFFFFFFFF  }
0xa8: {  	s28 =	simm.s32 $_size_execute0_lowered;
	s4 =	sadd.s32 s4, s6;
	[dreg:$0x0] =	wrdreg $0x0  }
0xa9: {  	s6 =	sshll.u32 s28, $0x1;
	[dreg:$0x2] =	wrdreg s4  }
0xaa: {  	[dreg:$0x3] =	wrdreg s6  }
0xab: {  	[dreg:$0x4] =	wrdreg $0xC0  }
0xac: {  	_ =	task [dreg:s8], $0x5FFFF  }
0xad: {  	[dreg:$0x1] =	wrdreg $0xFFFFFFFF  }
0xae: {  	[dreg:$0x0] =	wrdreg $0x60  }
0xaf: {  	[dreg:$0x2] =	wrdreg s2  }
0xb0: {  	[dreg:$0x3] =	wrdreg s18  }
0xb1: {  	[dreg:$0x4] =	wrdreg s24  }
0xb2: {  	[dreg:$0x5] =	wrdreg $0x9  }
0xb3: {  	_ =	task.clear_ibuf [dreg:s8], $0x6FFFF;
	_ =	strace $0x90000046  }
0xb4: {  	s29 =	simm.s32 $0x9;
	_ =	strace $0x80000048  }
0xb5: {  	_ =	swait.ge [sflag:s29], $0x1  }
0xb6: {  	[sflag:s29] =	ssyncadd.s32 $0xFFFFFFFF  }
0xb7: {  	_ =	strace $0x90000048  }
0xb8: {  	_ =	sfence  }
0xb9: {  	s30 =	sld [smem:$0x0];
	_ =	sdelay $0x2  }
0xba: {  	s31 =	sshll.u32 s1, $0xD;
	s1 =	sshrl.u32 s1, $0x2  }
0xbb: {  	s3 =	sand.u32 $0x4000, s31;
	s1 =	sadd.s32 s1, s30  }
0xbc: {  	s0 =	sor.u32 s3, s0;
	s1 =	sshll.u32 s1, $0x11  }
0xbd: {  	s0 =	sor.u32 s1, s0  }
0xbe: {  	s0 =	sadd.s32 $0x8F2B, s0  }
0xbf: {  	[sflag:s0] =	ssyncadd.remote.s32 $0x1  }
0xc0: {  	_ =	sfence.sel $0xFFFF  }
0xc1: {  	[dreg:$0x0] =	wrdreg $0xFFFFFFFF;
	(pc) =	sbr.abs _section_cstart, $3  }
0xc2: {  	[dreg:$0x1] =	wrdreg $0xFFFFFFFF  }
0xc3: {  	_ =	task.clear_ibuf [dreg:s8], $0x2FFFF;
	_ =	strace $0x9FFFFFFF  }
0xc4: {  	(tm) =	ssettm $0x7FFFFFFF  }
0xc5: {  	_ =	shalt  }
tec
execute0_lowered:
.L_overlay_start_1:
0x0: {  	(tag) =	ssettag $0x1  }
0x1: {  	s1 =	rddreg [dreg:$0x0]  }
0x2: {  	s0 =	rddreg [dreg:$0x1]  }
0x3: {  	s2 =	rddreg [dreg:$0x2];
	s3 =	srdreg.scid  }
0x4: {  	s5 =	stileid.u32;
	s24 =	simm.s32 $0x80;
	s25 =	simm.s32 $0x100  }
0x5: {  	s26 =	simm.s32 $0x180;
	s10 =	simm.s32 $0x1;
	s28 =	simm.s32 $0x4A00  }
0x6: {  	s29 =	simm.s32 $0x5200;
	s30 =	simm.s32 $0x5A00;
	s31 =	simm.s32 $0x6200  }
0x7: {  	s11 =	simm.s32 $0x7A00;
	s12 =	simm.s32 $0x8200;
	s13 =	simm.s32 $0x8A00  }
0x8: {  	s14 =	simm.s32 $0x9200;
	s15 =	simm.s32 $0x9A00;
	s16 =	simm.s32 $0xA200  }
0x9: {  	s17 =	simm.s32 $0xAA00;
	s4 =	sand.u32 $0x1, s3;
	s3 =	simm.s32 $0x0  }
0xa: {  	s5 =	sshll.u32 s5, $0x5;
	s8 =	sadd.s32 $0x8000, s2;
	[smem:$0x7FF] =	sst s3  }
0xb: {  	s6 =	sshll.u32 s4, $0x4;
	_ =	strace $0x80000047;
	[dreg:$0x8] =	wrdreg s24  }
0xc: {  	s20 =	ssub.s32 $0x2, s4;
	s4 =	sadd.s32 $0x8200, s2;
	[dreg:$0x9] =	wrdreg s25  }
0xd: {  	s5 =	sor.u32 s6, s5;
	s22 =	sshrl.u32 s20, $0x1;
	[dreg:$0xa] =	wrdreg s26  }
0xe: {  	s24 =	simm.s32 $0x3200;
	s25 =	simm.s32 $0x3A00;
	s26 =	simm.s32 $0x4200  }
0xf: {  	s6 =	sadd.s32 s0, s5;
	s7 =	sor.u32 $0x8, s5;
	s21 =	sadd.s32 s8, s5  }
0x10: {  	s9 =	ssub.s32 s20, s22;
	s5 =	sadd.s32 $0x100, s1;
	[dreg:$0x4] =	wrdreg s6  }
0x11: {  	s22 =	simm.s32 $0x2200;
	s0 =	sadd.s32 s0, s7;
	[dreg:$0x6] =	wrdreg s21  }
0x12: {  	v2 =	vlaneseq.u32;
	s23 =	sadd.s32 s8, s7;
	s6 =	sadd.s32 $0x200, s1;
	s7 =	sadd.s32 $0x8300, s2  }
0x13: {  	vm0 =	vmmov $0xffff;
	v1 =	vshrl.u32 v2, $0x3;
	s8 =	sadd.s32 $0x8400, s2;
	s9 =	smax.u32 s9, $0x1;
	[dreg:$0x5] =	wrdreg s0  }
0x14: {  	v0 =	vand.u32 $0x7, v2;
	v2 =	vor.u32 $0x8, v2;
	v1 =	vmul.u32 $0x8, v1;
	s2 =	simm.s32 $0x7200;
	[dreg:$0x7] =	wrdreg s23;
	s23 =	simm.s32 $0x2A00  }
.LBB2_1:
0x15: {  	s18 =	rddreg [dreg:$0x4]  }
0x16: {  	s19 =	rddreg [dreg:$0x5]  }
0x17: {  	s20 =	rddreg [dreg:$0x8]  }
0x18: {  	[tilespmem:s3], [sflag:$0x1] =	stream.linear.gather [hbm4b:s18+s3], $0x40, $0x38;
	[tilespmem:$0x18200] =	vst v63  }
0x19: {  	s0 =	rddreg [dreg:$0x7]  }
0x1a: {  	[tilespmem:s20], [sflag:$0x1] =	stream.linear.gather [hbm4b:s19+s3], $0x40, $0x38;
	[tilespmem:$0x18200] =	vst v63  }
0x1b: {  	s19 =	rddreg [dreg:$0x6]  }
0x1c: {  	s20 =	rddreg [dreg:$0x9]  }
0x1d: {  	[tilespmem:s20], [sflag:$0x1] =	stream.linear.gather [hbm4b:s19+s3], $0x40, $0x38;
	[tilespmem:$0x18200] =	vst v63  }
0x1e: {  	s21 =	rddreg [dreg:$0xa]  }
0x1f: {  	[tilespmem:s21], [sflag:$0x1] =	stream.linear.gather [hbm4b:s0+s3], $0x40, $0x38;
	[tilespmem:$0x18200] =	vst v63  }
0x20: {  	_ =	swait.ge [sflag:s10], $0x40  }
0x21: {  	[sflag:s10] =	ssyncset.done $0x0  }
0x22: {  	[sflag:s10] =	ssyncadd.s32 $0xFFFFFFC0  }
0x23: {  	_ =	swait.ge [sflag:s10], $0x40  }
0x24: {  	[sflag:s10] =	ssyncset.done $0x0  }
0x25: {  	[sflag:s10] =	ssyncadd.s32 $0xFFFFFFC0  }
0x26: {  	_ =	swait.ge [sflag:s10], $0x40  }
0x27: {  	[sflag:s10] =	ssyncset.done $0x0  }
0x28: {  	[sflag:s10] =	ssyncadd.s32 $0xFFFFFFC0  }
0x29: {  	_ =	swait.ge [sflag:s10], $0x40  }
0x2a: {  	[sflag:s10] =	ssyncset.done $0x0  }
0x2b: {  	[sflag:s10] =	ssyncadd.s32 $0xFFFFFFC0  }
0x2c: {  	v3 =	vld [tilespmem:$0x0];
	_ =	sdelay $0x4  }
0x2d: {  	v4 =	vshrl.u32 v3, $0x3  }
0x2e: {  	v4 =	vmul.u32 $0x30, v4  }
0x2f: {  	v3 =	vand.u32 $0x7, v3  }
0x30: {  	v3 =	vor.u32 v3, v4  }
0x31: {  	v4 =	vperm.xlane v3, v0;
	_ =	sdelay $0x1  }
0x32: {  	v4 =	vadd.s32 v1, v4;
	_ =	sdelay $0x3  }
0x33: {  	s18 =	simm.s32 $0x200;
	v3 =	vperm.xlane v3, v2  }
0x34: {  	[tilespmem:s18], [sflag:$0x2] =	stream.indirect_vreg.gather [hbm4b:s1+s3], $0x80, v4, vm0, $0xb8;
	[tilespmem:$0x18200] =	vst v63  }
0x35: {  	s19 =	simm.s32 $0xA00;
	v3 =	vadd.s32 v1, v3  }
0x36: {  	[tilespmem:s19], [sflag:$0x2] =	stream.indirect_vreg.gather [hbm4b:s5+s3], $0x80, v4, vm0, $0xb8;
	[tilespmem:$0x18200] =	vst v63  }
0x37: {  	s20 =	simm.s32 $0x1200  }
0x38: {  	[tilespmem:s20], [sflag:$0x2] =	stream.indirect_vreg.gather [hbm4b:s6+s3], $0x80, v4, vm0, $0xb8;
	[tilespmem:$0x18200] =	vst v63  }
0x39: {  	s21 =	simm.s32 $0x1A00  }
0x3a: {  	[tilespmem:s21], [sflag:$0x2] =	stream.indirect_vreg.gather [hbm4b:s1+s3], $0x80, v3, vm0, $0xb8;
	[tilespmem:$0x18200] =	vst v63  }
0x3b: {  	_ = 	snop  }
0x3c: {  	[tilespmem:s22], [sflag:$0x2] =	stream.indirect_vreg.gather [hbm4b:s5+s3], $0x80, v3, vm0, $0xb8;
	[tilespmem:$0x18200] =	vst v63  }
0x3d: {  	_ = 	snop  }
0x3e: {  	[tilespmem:s23], [sflag:$0x2] =	stream.indirect_vreg.gather [hbm4b:s6+s3], $0x80, v3, vm0, $0xb8;
	[tilespmem:$0x18200] =	vst v63  }
0x3f: {  	v3 =	vld [tilespmem:$0x10];
	_ =	sdelay $0x4  }
0x40: {  	v49 =	vshrl.u32 v3, $0x3  }
0x41: {  	v4 =	vmul.u32 $0x30, v49  }
0x42: {  	v3 =	vand.u32 $0x7, v3  }
0x43: {  	v3 =	vor.u32 v3, v4  }
0x44: {  	v4 =	vperm.xlane v3, v0;
	_ =	sdelay $0x1  }
0x45: {  	v4 =	vadd.s32 v1, v4;
	_ =	sdelay $0x3  }
0x46: {  	v3 =	vperm.xlane v3, v2  }
0x47: {  	[tilespmem:s24], [sflag:$0x2] =	stream.indirect_vreg.gather [hbm4b:s1+s3], $0x80, v4, vm0, $0xb8;
	[tilespmem:$0x18200] =	vst v63  }
0x48: {  	v3 =	vadd.s32 v1, v3  }
0x49: {  	[tilespmem:s25], [sflag:$0x2] =	stream.indirect_vreg.gather [hbm4b:s5+s3], $0x80, v4, vm0, $0xb8;
	[tilespmem:$0x18200] =	vst v63  }
0x4a: {  	_ = 	snop  }
0x4b: {  	[tilespmem:s26], [sflag:$0x2] =	stream.indirect_vreg.gather [hbm4b:s6+s3], $0x80, v4, vm0, $0xb8;
	[tilespmem:$0x18200] =	vst v63  }
0x4c: {  	_ = 	snop  }
0x4d: {  	[tilespmem:s28], [sflag:$0x2] =	stream.indirect_vreg.gather [hbm4b:s1+s3], $0x80, v3, vm0, $0xb8;
	[tilespmem:$0x18200] =	vst v63  }
0x4e: {  	_ = 	snop  }
0x4f: {  	[tilespmem:s29], [sflag:$0x2] =	stream.indirect_vreg.gather [hbm4b:s5+s3], $0x80, v3, vm0, $0xb8;
	[tilespmem:$0x18200] =	vst v63  }
0x50: {  	_ = 	snop  }
0x51: {  	[tilespmem:s30], [sflag:$0x2] =	stream.indirect_vreg.gather [hbm4b:s6+s3], $0x80, v3, vm0, $0xb8;
	[tilespmem:$0x18200] =	vst v63  }
0x52: {  	v3 =	vld [tilespmem:$0x20];
	_ =	sdelay $0x4  }
0x53: {  	v50 =	vshrl.u32 v3, $0x3  }
0x54: {  	v4 =	vmul.u32 $0x30, v50  }
0x55: {  	v3 =	vand.u32 $0x7, v3  }
0x56: {  	v3 =	vor.u32 v3, v4  }
0x57: {  	v4 =	vperm.xlane v3, v0;
	_ =	sdelay $0x1  }
0x58: {  	v4 =	vadd.s32 v1, v4;
	_ =	sdelay $0x3  }
0x59: {  	v3 =	vperm.xlane v3, v2  }
0x5a: {  	[tilespmem:s31], [sflag:$0x2] =	stream.indirect_vreg.gather [hbm4b:s1+s3], $0x80, v4, vm0, $0xb8;
	[tilespmem:$0x18200] =	vst v63  }
0x5b: {  	s0 =	simm.s32 $0x6A00;
	v3 =	vadd.s32 v1, v3  }
0x5c: {  	[tilespmem:s0], [sflag:$0x2] =	stream.indirect_vreg.gather [hbm4b:s5+s3], $0x80, v4, vm0, $0xb8;
	[tilespmem:$0x18200] =	vst v63  }
0x5d: {  	_ = 	snop  }
0x5e: {  	[tilespmem:s2], [sflag:$0x2] =	stream.indirect_vreg.gather [hbm4b:s6+s3], $0x80, v4, vm0, $0xb8;
	[tilespmem:$0x18200] =	vst v63  }
0x5f: {  	_ = 	snop  }
0x60: {  	[tilespmem:s11], [sflag:$0x2] =	stream.indirect_vreg.gather [hbm4b:s1+s3], $0x80, v3, vm0, $0xb8;
	[tilespmem:$0x18200] =	vst v63  }
0x61: {  	_ = 	snop  }
0x62: {  	[tilespmem:s12], [sflag:$0x2] =	stream.indirect_vreg.gather [hbm4b:s5+s3], $0x80, v3, vm0, $0xb8;
	[tilespmem:$0x18200] =	vst v63  }
0x63: {  	_ = 	snop  }
0x64: {  	[tilespmem:s13], [sflag:$0x2] =	stream.indirect_vreg.gather [hbm4b:s6+s3], $0x80, v3, vm0, $0xb8;
	[tilespmem:$0x18200] =	vst v63  }
0x65: {  	v3 =	vld [tilespmem:$0x30];
	_ =	sdelay $0x4  }
0x66: {  	v51 =	vshrl.u32 v3, $0x3  }
0x67: {  	v4 =	vmul.u32 $0x30, v51  }
0x68: {  	v3 =	vand.u32 $0x7, v3  }
0x69: {  	v3 =	vor.u32 v3, v4  }
0x6a: {  	v4 =	vperm.xlane v3, v0;
	_ =	sdelay $0x1  }
0x6b: {  	v4 =	vadd.s32 v1, v4;
	_ =	sdelay $0x3  }
0x6c: {  	v3 =	vperm.xlane v3, v2  }
0x6d: {  	[tilespmem:s14], [sflag:$0x2] =	stream.indirect_vreg.gather [hbm4b:s1+s3], $0x80, v4, vm0, $0xb8;
	[tilespmem:$0x18200] =	vst v63  }
0x6e: {  	v3 =	vadd.s32 v1, v3  }
0x6f: {  	[tilespmem:s15], [sflag:$0x2] =	stream.indirect_vreg.gather [hbm4b:s5+s3], $0x80, v4, vm0, $0xb8;
	[tilespmem:$0x18200] =	vst v63  }
0x70: {  	_ = 	snop  }
0x71: {  	[tilespmem:s16], [sflag:$0x2] =	stream.indirect_vreg.gather [hbm4b:s6+s3], $0x80, v4, vm0, $0xb8;
	[tilespmem:$0x18200] =	vst v63  }
0x72: {  	_ = 	snop  }
0x73: {  	[tilespmem:s17], [sflag:$0x2] =	stream.indirect_vreg.gather [hbm4b:s1+s3], $0x80, v3, vm0, $0xb8;
	[tilespmem:$0x18200] =	vst v63  }
0x74: {  	s0 =	simm.s32 $0xB200  }
0x75: {  	[tilespmem:s0], [sflag:$0x2] =	stream.indirect_vreg.gather [hbm4b:s5+s3], $0x80, v3, vm0, $0xb8;
	[tilespmem:$0x18200] =	vst v63  }
0x76: {  	s0 =	simm.s32 $0xBA00  }
0x77: {  	[tilespmem:s0], [sflag:$0x2] =	stream.indirect_vreg.gather [hbm4b:s6+s3], $0x80, v3, vm0, $0xb8;
	[tilespmem:$0x18200] =	vst v63  }
0x78: {  	v3 =	vld [tilespmem:$0x80];
	_ =	sdelay $0x4  }
0x79: {  	v52 =	vshrl.u32 v3, $0x3  }
0x7a: {  	v4 =	vmul.u32 $0x30, v52  }
0x7b: {  	v3 =	vand.u32 $0x7, v3  }
0x7c: {  	v3 =	vor.u32 v3, v4  }
0x7d: {  	v4 =	vperm.xlane v3, v0;
	_ =	sdelay $0x1  }
0x7e: {  	v4 =	vadd.s32 v1, v4;
	_ =	sdelay $0x3  }
0x7f: {  	s0 =	simm.s32 $0xC200;
	v3 =	vperm.xlane v3, v2  }
0x80: {  	[tilespmem:s0], [sflag:$0x3] =	stream.indirect_vreg.gather [hbm4b:s1+s3], $0x80, v4, vm0, $0xb8;
	[tilespmem:$0x18200] =	vst v63  }
0x81: {  	v3 =	vadd.s32 v1, v3;
	s0 =	simm.s32 $0xCA00  }
0x82: {  	[tilespmem:s0], [sflag:$0x3] =	stream.indirect_vreg.gather [hbm4b:s5+s3], $0x80, v4, vm0, $0xb8;
	[tilespmem:$0x18200] =	vst v63  }
0x83: {  	s0 =	simm.s32 $0xD200  }
0x84: {  	[tilespmem:s0], [sflag:$0x3] =	stream.indirect_vreg.gather [hbm4b:s6+s3], $0x80, v4, vm0, $0xb8;
	[tilespmem:$0x18200] =	vst v63  }
0x85: {  	s0 =	simm.s32 $0xDA00  }
0x86: {  	[tilespmem:s0], [sflag:$0x3] =	stream.indirect_vreg.gather [hbm4b:s1+s3], $0x80, v3, vm0, $0xb8;
	[tilespmem:$0x18200] =	vst v63  }
0x87: {  	s0 =	simm.s32 $0xE200  }
0x88: {  	[tilespmem:s0], [sflag:$0x3] =	stream.indirect_vreg.gather [hbm4b:s5+s3], $0x80, v3, vm0, $0xb8;
	[tilespmem:$0x18200] =	vst v63  }
0x89: {  	s0 =	simm.s32 $0xEA00  }
0x8a: {  	[tilespmem:s0], [sflag:$0x3] =	stream.indirect_vreg.gather [hbm4b:s6+s3], $0x80, v3, vm0, $0xb8;
	[tilespmem:$0x18200] =	vst v63  }
0x8b: {  	v3 =	vld [tilespmem:$0x90];
	_ =	sdelay $0x4  }
0x8c: {  	v53 =	vshrl.u32 v3, $0x3  }
0x8d: {  	v4 =	vmul.u32 $0x30, v53  }
0x8e: {  	v3 =	vand.u32 $0x7, v3  }
0x8f: {  	v3 =	vor.u32 v3, v4  }
0x90: {  	v4 =	vperm.xlane v3, v0;
	_ =	sdelay $0x1  }
0x91: {  	v4 =	vadd.s32 v1, v4;
	_ =	sdelay $0x3  }
0x92: {  	s0 =	simm.s32 $0xF200;
	v3 =	vperm.xlane v3, v2  }
0x93: {  	[tilespmem:s0], [sflag:$0x3] =	stream.indirect_vreg.gather [hbm4b:s1+s3], $0x80, v4, vm0, $0xb8;
	[tilespmem:$0x18200] =	vst v63  }
0x94: {  	v3 =	vadd.s32 v1, v3;
	s0 =	simm.s32 $0xFA00  }
0x95: {  	[tilespmem:s0], [sflag:$0x3] =	stream.indirect_vreg.gather [hbm4b:s5+s3], $0x80, v4, vm0, $0xb8;
	[tilespmem:$0x18200] =	vst v63  }
0x96: {  	s0 =	simm.s32 $0x10200  }
0x97: {  	[tilespmem:s0], [sflag:$0x3] =	stream.indirect_vreg.gather [hbm4b:s6+s3], $0x80, v4, vm0, $0xb8;
	[tilespmem:$0x18200] =	vst v63  }
0x98: {  	s0 =	simm.s32 $0x10A00  }
0x99: {  	[tilespmem:s0], [sflag:$0x3] =	stream.indirect_vreg.gather [hbm4b:s1+s3], $0x80, v3, vm0, $0xb8;
	[tilespmem:$0x18200] =	vst v63  }
0x9a: {  	s0 =	simm.s32 $0x11200  }
0x9b: {  	[tilespmem:s0], [sflag:$0x3] =	stream.indirect_vreg.gather [hbm4b:s5+s3], $0x80, v3, vm0, $0xb8;
	[tilespmem:$0x18200] =	vst v63  }
0x9c: {  	s0 =	simm.s32 $0x11A00  }
0x9d: {  	[tilespmem:s0], [sflag:$0x3] =	stream.indirect_vreg.gather [hbm4b:s6+s3], $0x80, v3, vm0, $0xb8;
	[tilespmem:$0x18200] =	vst v63  }
0x9e: {  	v3 =	vld [tilespmem:$0xA0];
	_ =	sdelay $0x4  }
0x9f: {  	v54 =	vshrl.u32 v3, $0x3  }
0xa0: {  	v4 =	vmul.u32 $0x30, v54  }
0xa1: {  	v3 =	vand.u32 $0x7, v3  }
0xa2: {  	v3 =	vor.u32 v3, v4  }
0xa3: {  	v4 =	vperm.xlane v3, v0;
	_ =	sdelay $0x1  }
0xa4: {  	v4 =	vadd.s32 v1, v4;
	_ =	sdelay $0x3  }
0xa5: {  	s0 =	simm.s32 $0x12200;
	v3 =	vperm.xlane v3, v2  }
0xa6: {  	[tilespmem:s0], [sflag:$0x3] =	stream.indirect_vreg.gather [hbm4b:s1+s3], $0x80, v4, vm0, $0xb8;
	[tilespmem:$0x18200] =	vst v63  }
0xa7: {  	v3 =	vadd.s32 v1, v3;
	s0 =	simm.s32 $0x12A00  }
0xa8: {  	[tilespmem:s0], [sflag:$0x3] =	stream.indirect_vreg.gather [hbm4b:s5+s3], $0x80, v4, vm0, $0xb8;
	[tilespmem:$0x18200] =	vst v63  }
0xa9: {  	s0 =	simm.s32 $0x13200  }
0xaa: {  	[tilespmem:s0], [sflag:$0x3] =	stream.indirect_vreg.gather [hbm4b:s6+s3], $0x80, v4, vm0, $0xb8;
	[tilespmem:$0x18200] =	vst v63  }
0xab: {  	s0 =	simm.s32 $0x13A00  }
0xac: {  	[tilespmem:s0], [sflag:$0x3] =	stream.indirect_vreg.gather [hbm4b:s1+s3], $0x80, v3, vm0, $0xb8;
	[tilespmem:$0x18200] =	vst v63  }
0xad: {  	s0 =	simm.s32 $0x14200  }
0xae: {  	[tilespmem:s0], [sflag:$0x3] =	stream.indirect_vreg.gather [hbm4b:s5+s3], $0x80, v3, vm0, $0xb8;
	[tilespmem:$0x18200] =	vst v63  }
0xaf: {  	s0 =	simm.s32 $0x14A00  }
0xb0: {  	[tilespmem:s0], [sflag:$0x3] =	stream.indirect_vreg.gather [hbm4b:s6+s3], $0x80, v3, vm0, $0xb8;
	[tilespmem:$0x18200] =	vst v63  }
0xb1: {  	v3 =	vld [tilespmem:$0xB0];
	_ =	sdelay $0x4  }
0xb2: {  	v55 =	vshrl.u32 v3, $0x3  }
0xb3: {  	v4 =	vmul.u32 $0x30, v55  }
0xb4: {  	v3 =	vand.u32 $0x7, v3  }
0xb5: {  	v3 =	vor.u32 v3, v4  }
0xb6: {  	v4 =	vperm.xlane v3, v0;
	_ =	sdelay $0x1  }
0xb7: {  	v4 =	vadd.s32 v1, v4;
	_ =	sdelay $0x3  }
0xb8: {  	s0 =	simm.s32 $0x15200;
	v3 =	vperm.xlane v3, v2  }
0xb9: {  	[tilespmem:s0], [sflag:$0x3] =	stream.indirect_vreg.gather [hbm4b:s1+s3], $0x80, v4, vm0, $0xb8;
	[tilespmem:$0x18200] =	vst v63  }
0xba: {  	v3 =	vadd.s32 v1, v3;
	s0 =	simm.s32 $0x15A00  }
0xbb: {  	[tilespmem:s0], [sflag:$0x3] =	stream.indirect_vreg.gather [hbm4b:s5+s3], $0x80, v4, vm0, $0xb8;
	[tilespmem:$0x18200] =	vst v63  }
0xbc: {  	s0 =	simm.s32 $0x16200  }
0xbd: {  	[tilespmem:s0], [sflag:$0x3] =	stream.indirect_vreg.gather [hbm4b:s6+s3], $0x80, v4, vm0, $0xb8;
	[tilespmem:$0x18200] =	vst v63  }
0xbe: {  	s0 =	simm.s32 $0x16A00  }
0xbf: {  	[tilespmem:s0], [sflag:$0x3] =	stream.indirect_vreg.gather [hbm4b:s1+s3], $0x80, v3, vm0, $0xb8;
	[tilespmem:$0x18200] =	vst v63  }
0xc0: {  	s0 =	simm.s32 $0x17200  }
0xc1: {  	[tilespmem:s0], [sflag:$0x3] =	stream.indirect_vreg.gather [hbm4b:s5+s3], $0x80, v3, vm0, $0xb8;
	[tilespmem:$0x18200] =	vst v63  }
0xc2: {  	s0 =	simm.s32 $0x17A00  }
0xc3: {  	[tilespmem:s0], [sflag:$0x3] =	stream.indirect_vreg.gather [hbm4b:s6+s3], $0x80, v3, vm0, $0xb8;
	[tilespmem:$0x18200] =	vst v63  }
0xc4: {  	s0 =	simm.s32 $0x2  }
0xc5: {  	_ =	swait.ge [sflag:s0], $0xC000  }
0xc6: {  	[sflag:s0] =	ssyncset.done $0x0  }
0xc7: {  	[sflag:s0] =	ssyncadd.s32 $0xFFFF4000  }
0xc8: {  	v3 =	vld [tilespmem:$0x100];
	_ =	sdelay $0x4  }
0xc9: {  	v56 =	vshrl.u32 v3, $0x3  }
0xca: {  	v4 =	vmul.u32 $0x30, v56  }
0xcb: {  	v3 =	vand.u32 $0x7, v3  }
0xcc: {  	v3 =	vor.u32 v3, v4  }
0xcd: {  	v4 =	vperm.xlane v3, v0;
	_ =	sdelay $0x1  }
0xce: {  	v4 =	vadd.s32 v1, v4;
	_ =	sdelay $0x3  }
0xcf: {  	v3 =	vperm.xlane v3, v2  }
0xd0: {  	[hbm4b:s4+s3] =	stream.indirect_vreg.scatter [tilespmem:s18], [sflag:$0x4], $0x80, v4, vm0, $0xb8;
	[tilespmem:$0x18200] =	vst v63  }
0xd1: {  	v3 =	vadd.s32 v1, v3  }
0xd2: {  	[hbm4b:s7+s3] =	stream.indirect_vreg.scatter [tilespmem:s19], [sflag:$0x4], $0x80, v4, vm0, $0xb8;
	[tilespmem:$0x18200] =	vst v63  }
0xd3: {  	_ = 	snop  }
0xd4: {  	[hbm4b:s8+s3] =	stream.indirect_vreg.scatter [tilespmem:s20], [sflag:$0x4], $0x80, v4, vm0, $0xb8;
	[tilespmem:$0x18200] =	vst v63  }
0xd5: {  	_ = 	snop  }
0xd6: {  	[hbm4b:s4+s3] =	stream.indirect_vreg.scatter [tilespmem:s21], [sflag:$0x4], $0x80, v3, vm0, $0xb8;
	[tilespmem:$0x18200] =	vst v63  }
0xd7: {  	_ = 	snop  }
0xd8: {  	[hbm4b:s7+s3] =	stream.indirect_vreg.scatter [tilespmem:s22], [sflag:$0x4], $0x80, v3, vm0, $0xb8;
	[tilespmem:$0x18200] =	vst v63  }
0xd9: {  	_ = 	snop  }
0xda: {  	[hbm4b:s8+s3] =	stream.indirect_vreg.scatter [tilespmem:s23], [sflag:$0x4], $0x80, v3, vm0, $0xb8;
	[tilespmem:$0x18200] =	vst v63  }
0xdb: {  	v3 =	vld [tilespmem:$0x110];
	_ =	sdelay $0x4  }
0xdc: {  	v57 =	vshrl.u32 v3, $0x3  }
0xdd: {  	v4 =	vmul.u32 $0x30, v57  }
0xde: {  	v3 =	vand.u32 $0x7, v3  }
0xdf: {  	v3 =	vor.u32 v3, v4  }
0xe0: {  	v4 =	vperm.xlane v3, v0;
	_ =	sdelay $0x1  }
0xe1: {  	v4 =	vadd.s32 v1, v4;
	_ =	sdelay $0x3  }
0xe2: {  	v3 =	vperm.xlane v3, v2  }
0xe3: {  	[hbm4b:s4+s3] =	stream.indirect_vreg.scatter [tilespmem:s24], [sflag:$0x4], $0x80, v4, vm0, $0xb8;
	[tilespmem:$0x18200] =	vst v63  }
0xe4: {  	v3 =	vadd.s32 v1, v3  }
0xe5: {  	[hbm4b:s7+s3] =	stream.indirect_vreg.scatter [tilespmem:s25], [sflag:$0x4], $0x80, v4, vm0, $0xb8;
	[tilespmem:$0x18200] =	vst v63  }
0xe6: {  	_ = 	snop  }
0xe7: {  	[hbm4b:s8+s3] =	stream.indirect_vreg.scatter [tilespmem:s26], [sflag:$0x4], $0x80, v4, vm0, $0xb8;
	[tilespmem:$0x18200] =	vst v63  }
0xe8: {  	_ = 	snop  }
0xe9: {  	[hbm4b:s4+s3] =	stream.indirect_vreg.scatter [tilespmem:s28], [sflag:$0x4], $0x80, v3, vm0, $0xb8;
	[tilespmem:$0x18200] =	vst v63  }
0xea: {  	_ = 	snop  }
0xeb: {  	[hbm4b:s7+s3] =	stream.indirect_vreg.scatter [tilespmem:s29], [sflag:$0x4], $0x80, v3, vm0, $0xb8;
	[tilespmem:$0x18200] =	vst v63  }
0xec: {  	_ = 	snop  }
0xed: {  	[hbm4b:s8+s3] =	stream.indirect_vreg.scatter [tilespmem:s30], [sflag:$0x4], $0x80, v3, vm0, $0xb8;
	[tilespmem:$0x18200] =	vst v63  }
0xee: {  	v3 =	vld [tilespmem:$0x120];
	_ =	sdelay $0x4  }
0xef: {  	v58 =	vshrl.u32 v3, $0x3  }
0xf0: {  	v4 =	vmul.u32 $0x30, v58  }
0xf1: {  	v3 =	vand.u32 $0x7, v3  }
0xf2: {  	v3 =	vor.u32 v3, v4  }
0xf3: {  	v4 =	vperm.xlane v3, v0;
	_ =	sdelay $0x1  }
0xf4: {  	v4 =	vadd.s32 v1, v4;
	_ =	sdelay $0x3  }
0xf5: {  	v3 =	vperm.xlane v3, v2  }
0xf6: {  	[hbm4b:s4+s3] =	stream.indirect_vreg.scatter [tilespmem:s31], [sflag:$0x4], $0x80, v4, vm0, $0xb8;
	[tilespmem:$0x18200] =	vst v63  }
0xf7: {  	s21 =	simm.s32 $0x6A00;
	v3 =	vadd.s32 v1, v3  }
0xf8: {  	[hbm4b:s7+s3] =	stream.indirect_vreg.scatter [tilespmem:s21], [sflag:$0x4], $0x80, v4, vm0, $0xb8;
	[tilespmem:$0x18200] =	vst v63  }
0xf9: {  	_ = 	snop  }
0xfa: {  	[hbm4b:s8+s3] =	stream.indirect_vreg.scatter [tilespmem:s2], [sflag:$0x4], $0x80, v4, vm0, $0xb8;
	[tilespmem:$0x18200] =	vst v63  }
0xfb: {  	_ = 	snop  }
0xfc: {  	[hbm4b:s4+s3] =	stream.indirect_vreg.scatter [tilespmem:s11], [sflag:$0x4], $0x80, v3, vm0, $0xb8;
	[tilespmem:$0x18200] =	vst v63  }
0xfd: {  	_ = 	snop  }
0xfe: {  	[hbm4b:s7+s3] =	stream.indirect_vreg.scatter [tilespmem:s12], [sflag:$0x4], $0x80, v3, vm0, $0xb8;
	[tilespmem:$0x18200] =	vst v63  }
0xff: {  	_ = 	snop  }
0x100: {  	[hbm4b:s8+s3] =	stream.indirect_vreg.scatter [tilespmem:s13], [sflag:$0x4], $0x80, v3, vm0, $0xb8;
	[tilespmem:$0x18200] =	vst v63  }
0x101: {  	v3 =	vld [tilespmem:$0x130];
	_ =	sdelay $0x4  }
0x102: {  	v59 =	vshrl.u32 v3, $0x3  }
0x103: {  	v4 =	vmul.u32 $0x30, v59  }
0x104: {  	v3 =	vand.u32 $0x7, v3  }
0x105: {  	v3 =	vor.u32 v3, v4  }
0x106: {  	v4 =	vperm.xlane v3, v0;
	_ =	sdelay $0x1  }
0x107: {  	v4 =	vadd.s32 v1, v4;
	_ =	sdelay $0x3  }
0x108: {  	v3 =	vperm.xlane v3, v2  }
0x109: {  	[hbm4b:s4+s3] =	stream.indirect_vreg.scatter [tilespmem:s14], [sflag:$0x4], $0x80, v4, vm0, $0xb8;
	[tilespmem:$0x18200] =	vst v63  }
0x10a: {  	v3 =	vadd.s32 v1, v3  }
0x10b: {  	[hbm4b:s7+s3] =	stream.indirect_vreg.scatter [tilespmem:s15], [sflag:$0x4], $0x80, v4, vm0, $0xb8;
	[tilespmem:$0x18200] =	vst v63  }
0x10c: {  	_ = 	snop  }
0x10d: {  	[hbm4b:s8+s3] =	stream.indirect_vreg.scatter [tilespmem:s16], [sflag:$0x4], $0x80, v4, vm0, $0xb8;
	[tilespmem:$0x18200] =	vst v63  }
0x10e: {  	_ = 	snop  }
0x10f: {  	[hbm4b:s4+s3] =	stream.indirect_vreg.scatter [tilespmem:s17], [sflag:$0x4], $0x80, v3, vm0, $0xb8;
	[tilespmem:$0x18200] =	vst v63  }
0x110: {  	s18 =	simm.s32 $0xB200  }
0x111: {  	[hbm4b:s7+s3] =	stream.indirect_vreg.scatter [tilespmem:s18], [sflag:$0x4], $0x80, v3, vm0, $0xb8;
	[tilespmem:$0x18200] =	vst v63  }
0x112: {  	s19 =	simm.s32 $0xBA00;
	s20 =	simm.s32 $0x3  }
0x113: {  	[hbm4b:s8+s3] =	stream.indirect_vreg.scatter [tilespmem:s19], [sflag:$0x4], $0x80, v3, vm0, $0xb8;
	[tilespmem:$0x18200] =	vst v63  }
0x114: {  	_ =	swait.ge [sflag:s20], $0xC000  }
0x115: {  	[sflag:s20] =	ssyncset.done $0x0  }
0x116: {  	[sflag:s20] =	ssyncadd.s32 $0xFFFF4000  }
0x117: {  	v3 =	vld [tilespmem:$0x180];
	_ =	sdelay $0x4  }
0x118: {  	v60 =	vshrl.u32 v3, $0x3  }
0x119: {  	v4 =	vmul.u32 $0x30, v60  }
0x11a: {  	v3 =	vand.u32 $0x7, v3  }
0x11b: {  	v3 =	vor.u32 v3, v4  }
0x11c: {  	v4 =	vperm.xlane v3, v0;
	_ =	sdelay $0x1  }
0x11d: {  	v4 =	vadd.s32 v1, v4;
	_ =	sdelay $0x3  }
0x11e: {  	s21 =	simm.s32 $0xC200;
	v3 =	vperm.xlane v3, v2  }
0x11f: {  	[hbm4b:s4+s3] =	stream.indirect_vreg.scatter [tilespmem:s21], [sflag:$0x4], $0x80, v4, vm0, $0xb8;
	[tilespmem:$0x18200] =	vst v63  }
0x120: {  	s18 =	simm.s32 $0xCA00;
	v3 =	vadd.s32 v1, v3  }
0x121: {  	[hbm4b:s7+s3] =	stream.indirect_vreg.scatter [tilespmem:s18], [sflag:$0x4], $0x80, v4, vm0, $0xb8;
	[tilespmem:$0x18200] =	vst v63  }
0x122: {  	s19 =	simm.s32 $0xD200  }
0x123: {  	[hbm4b:s8+s3] =	stream.indirect_vreg.scatter [tilespmem:s19], [sflag:$0x4], $0x80, v4, vm0, $0xb8;
	[tilespmem:$0x18200] =	vst v63  }
0x124: {  	s20 =	simm.s32 $0xDA00  }
0x125: {  	[hbm4b:s4+s3] =	stream.indirect_vreg.scatter [tilespmem:s20], [sflag:$0x4], $0x80, v3, vm0, $0xb8;
	[tilespmem:$0x18200] =	vst v63  }
0x126: {  	s21 =	simm.s32 $0xE200  }
0x127: {  	[hbm4b:s7+s3] =	stream.indirect_vreg.scatter [tilespmem:s21], [sflag:$0x4], $0x80, v3, vm0, $0xb8;
	[tilespmem:$0x18200] =	vst v63  }
0x128: {  	s18 =	simm.s32 $0xEA00  }
0x129: {  	[hbm4b:s8+s3] =	stream.indirect_vreg.scatter [tilespmem:s18], [sflag:$0x4], $0x80, v3, vm0, $0xb8;
	[tilespmem:$0x18200] =	vst v63  }
0x12a: {  	v3 =	vld [tilespmem:$0x190];
	_ =	sdelay $0x4  }
0x12b: {  	v61 =	vshrl.u32 v3, $0x3  }
0x12c: {  	v4 =	vmul.u32 $0x30, v61  }
0x12d: {  	v3 =	vand.u32 $0x7, v3  }
0x12e: {  	v3 =	vor.u32 v3, v4  }
0x12f: {  	v4 =	vperm.xlane v3, v0;
	_ =	sdelay $0x1  }
0x130: {  	v4 =	vadd.s32 v1, v4;
	_ =	sdelay $0x3  }
0x131: {  	s19 =	simm.s32 $0xF200;
	v3 =	vperm.xlane v3, v2  }
0x132: {  	[hbm4b:s4+s3] =	stream.indirect_vreg.scatter [tilespmem:s19], [sflag:$0x4], $0x80, v4, vm0, $0xb8;
	[tilespmem:$0x18200] =	vst v63  }
0x133: {  	s20 =	simm.s32 $0xFA00;
	v3 =	vadd.s32 v1, v3  }
0x134: {  	[hbm4b:s7+s3] =	stream.indirect_vreg.scatter [tilespmem:s20], [sflag:$0x4], $0x80, v4, vm0, $0xb8;
	[tilespmem:$0x18200] =	vst v63  }
0x135: {  	s21 =	simm.s32 $0x10200  }
0x136: {  	[hbm4b:s8+s3] =	stream.indirect_vreg.scatter [tilespmem:s21], [sflag:$0x4], $0x80, v4, vm0, $0xb8;
	[tilespmem:$0x18200] =	vst v63  }
0x137: {  	s18 =	simm.s32 $0x10A00  }
0x138: {  	[hbm4b:s4+s3] =	stream.indirect_vreg.scatter [tilespmem:s18], [sflag:$0x4], $0x80, v3, vm0, $0xb8;
	[tilespmem:$0x18200] =	vst v63  }
0x139: {  	s19 =	simm.s32 $0x11200  }
0x13a: {  	[hbm4b:s7+s3] =	stream.indirect_vreg.scatter [tilespmem:s19], [sflag:$0x4], $0x80, v3, vm0, $0xb8;
	[tilespmem:$0x18200] =	vst v63  }
0x13b: {  	s20 =	simm.s32 $0x11A00  }
0x13c: {  	[hbm4b:s8+s3] =	stream.indirect_vreg.scatter [tilespmem:s20], [sflag:$0x4], $0x80, v3, vm0, $0xb8;
	[tilespmem:$0x18200] =	vst v63  }
0x13d: {  	v3 =	vld [tilespmem:$0x1A0];
	_ =	sdelay $0x4  }
0x13e: {  	v62 =	vshrl.u32 v3, $0x3  }
0x13f: {  	v4 =	vmul.u32 $0x30, v62  }
0x140: {  	v3 =	vand.u32 $0x7, v3  }
0x141: {  	v3 =	vor.u32 v3, v4  }
0x142: {  	v4 =	vperm.xlane v3, v0;
	_ =	sdelay $0x1  }
0x143: {  	v4 =	vadd.s32 v1, v4;
	_ =	sdelay $0x3  }
0x144: {  	s21 =	simm.s32 $0x12200;
	v3 =	vperm.xlane v3, v2  }
0x145: {  	[hbm4b:s4+s3] =	stream.indirect_vreg.scatter [tilespmem:s21], [sflag:$0x4], $0x80, v4, vm0, $0xb8;
	[tilespmem:$0x18200] =	vst v63  }
0x146: {  	s18 =	simm.s32 $0x12A00;
	v3 =	vadd.s32 v1, v3  }
0x147: {  	[hbm4b:s7+s3] =	stream.indirect_vreg.scatter [tilespmem:s18], [sflag:$0x4], $0x80, v4, vm0, $0xb8;
	[tilespmem:$0x18200] =	vst v63  }
0x148: {  	s19 =	simm.s32 $0x13200  }
0x149: {  	[hbm4b:s8+s3] =	stream.indirect_vreg.scatter [tilespmem:s19], [sflag:$0x4], $0x80, v4, vm0, $0xb8;
	[tilespmem:$0x18200] =	vst v63  }
0x14a: {  	s20 =	simm.s32 $0x13A00  }
0x14b: {  	[hbm4b:s4+s3] =	stream.indirect_vreg.scatter [tilespmem:s20], [sflag:$0x4], $0x80, v3, vm0, $0xb8;
	[tilespmem:$0x18200] =	vst v63  }
0x14c: {  	s21 =	simm.s32 $0x14200  }
0x14d: {  	[hbm4b:s7+s3] =	stream.indirect_vreg.scatter [tilespmem:s21], [sflag:$0x4], $0x80, v3, vm0, $0xb8;
	[tilespmem:$0x18200] =	vst v63  }
0x14e: {  	s18 =	simm.s32 $0x14A00  }
0x14f: {  	[hbm4b:s8+s3] =	stream.indirect_vreg.scatter [tilespmem:s18], [sflag:$0x4], $0x80, v3, vm0, $0xb8;
	[tilespmem:$0x18200] =	vst v63  }
0x150: {  	v3 =	vld [tilespmem:$0x1B0];
	_ =	sdelay $0x4  }
0x151: {  	v63 =	vshrl.u32 v3, $0x3  }
0x152: {  	v4 =	vmul.u32 $0x30, v63  }
0x153: {  	v3 =	vand.u32 $0x7, v3  }
0x154: {  	v3 =	vor.u32 v3, v4  }
0x155: {  	v4 =	vperm.xlane v3, v0;
	_ =	sdelay $0x1  }
0x156: {  	v4 =	vadd.s32 v1, v4;
	_ =	sdelay $0x3  }
0x157: {  	s19 =	simm.s32 $0x15200;
	v3 =	vperm.xlane v3, v2  }
0x158: {  	[hbm4b:s4+s3] =	stream.indirect_vreg.scatter [tilespmem:s19], [sflag:$0x4], $0x80, v4, vm0, $0xb8;
	[tilespmem:$0x18200] =	vst v63  }
0x159: {  	s20 =	simm.s32 $0x15A00;
	v3 =	vadd.s32 v1, v3  }
0x15a: {  	[hbm4b:s7+s3] =	stream.indirect_vreg.scatter [tilespmem:s20], [sflag:$0x4], $0x80, v4, vm0, $0xb8;
	[tilespmem:$0x18200] =	vst v63  }
0x15b: {  	s21 =	simm.s32 $0x16200  }
0x15c: {  	[hbm4b:s8+s3] =	stream.indirect_vreg.scatter [tilespmem:s21], [sflag:$0x4], $0x80, v4, vm0, $0xb8;
	[tilespmem:$0x18200] =	vst v63  }
0x15d: {  	s18 =	simm.s32 $0x16A00  }
0x15e: {  	[hbm4b:s4+s3] =	stream.indirect_vreg.scatter [tilespmem:s18], [sflag:$0x4], $0x80, v3, vm0, $0xb8;
	[tilespmem:$0x18200] =	vst v63  }
0x15f: {  	s19 =	simm.s32 $0x17200  }
0x160: {  	[hbm4b:s7+s3] =	stream.indirect_vreg.scatter [tilespmem:s19], [sflag:$0x4], $0x80, v3, vm0, $0xb8;
	[tilespmem:$0x18200] =	vst v63  }
0x161: {  	s20 =	simm.s32 $0x17A00;
	s21 =	simm.s32 $0x4  }
0x162: {  	[hbm4b:s8+s3] =	stream.indirect_vreg.scatter [tilespmem:s20], [sflag:$0x4], $0x80, v3, vm0, $0xb8;
	[tilespmem:$0x18200] =	vst v63  }
0x163: {  	p0 =	sne.s32 s9, $0x1;
	_ =	swait.ge [sflag:s21], $0xC000  }
.Ltmp0:
0x164: {  	[sflag:s21] =	ssyncset.done $0x0;
	(pc) =	sbr.rel @p0 .LBB2_1-.Ltmp0, $4  }
0x165: {  	[sflag:s21] =	ssyncadd.s32 $0xFFFF4000  }
0x166: {  	_ =	swait.ge [sflag:s21], $0xC000  }
0x167: {  	[sflag:s21] =	ssyncset.done $0x0  }
0x168: {  	s9 =	sadd.s32 $0xFFFFFFFF, s9;
	[sflag:s21] =	ssyncadd.s32 $0xFFFF4000  }
0x169: {  	_ =	sfence.sel $0x180000  }
0x16a: {  	[bflag:$0x0] =	sbarrier.arrive $0xFFFF  }
0x16b: {  	_ =	strace $0x90000047  }
0x16c: {  	s0 =	stileid.u32;
	[bflag:$0x2] =	sbarrier.arrive $0xFFFF  }
0x16d: {  	p0 =	sne.s32 s0, $0x0;
	s0 =	rddreg [dreg:$0x3]  }
0x16e: {  	s0 =	sadd.s32 @!p0 $0x100000, s0  }
0x16f: {  	[sflag:s0] =	ssyncadd.tile.s32 @!p0 $0x1;
	_ =	shalt  }
.Lfunc_end2:
_tile_overlayer_lowered:
.L_overlay_start_2:
0x170: {  	(tag) =	ssettag $0x2  }
0x171: {  	s0 =	rddreg [dreg:$0x0];
	s2 =	stileid.u32  }
0x172: {  	s1 =	rddreg [dreg:$0x1];
	p0 =	sne.s32 s2, $0x0  }
0x173: {  	s3 =	rddreg [dreg:$0x2];
	[bflag:$0x3] =	sbarrier.arrive $0xFFFF;
	s2 =	simm.s32 @!p0 $0x1C05  }
0x174: {  	[timem:s3], [sflag:s2] =	dma.local @!p0 [hbm:s0], s1  }
0x175: {  	s0 =	simm.s32 @!p0 $0x5  }
0x176: {  	_ =	swait.ge @!p0 [sflag:s0], s1  }
0x177: {  	s1 =	ssub.s32 @!p0 $0x0, s1;
	[sflag:s0] =	ssyncset.done @!p0 $0x0  }
0x178: {  	[sflag:s0] =	ssyncadd.s32 @!p0 s1  }
0x179: {  	[bflag:$0x3] =	sbarrier.arrive $0xFFFF  }
0x17a: {  	_ =	shalt  }

// kernel: kernel.9.cloned.1.call-start
scs
__scs_entry_jumppad:
0x0: {  	(pc) =	sbr.rel $0x88, $3  }
0x1: {  	(tag) =	ssettag $0x0;
	lr =	simm.s32 $0x1  }
0x2: {  	[smem:$0x3F9D] =	sst lr;
	_ =	strace $0xD0000000  }
0x3: {  	_ = 	snop  }
0x4: {  	_ = 	snop  }
0x5: {  	_ = 	snop  }
0x6: {  	_ = 	snop  }
0x7: {  	_ = 	snop  }
__scs_overlays_trampoline_lowered:
0x8: {  	[smem:$0x3FAC] =	sst s0  }
0x9: {  	[smem:$0x3FAD] =	sst s1  }
0xa: {  	[smem:$0x3FAE] =	sst s2  }
0xb: {  	[smem:$0x3FAF] =	sst s3  }
0xc: {  	[smem:$0x3FB0] =	sst s4  }
0xd: {  	[smem:$0x3FB1] =	sst s5  }
0xe: {  	[smem:$0x3FB2] =	sst s6  }
0xf: {  	[smem:$0x3FB3] =	sst s7  }
0x10: {  	[smem:$0x3FB4] =	sst s8  }
0x11: {  	[smem:$0x3FB5] =	sst s9;
	s0 =	simm.s32 @!p0 $0x0  }
0x12: {  	s1 =	sld [smem:$0x3F9B];
	s0 =	simm.s32 @p0 $0x1  }
0x13: {  	[smem:$0x3FB6] =	sst s0;
	s0 =	simm.s32 @!p1 $0x0  }
0x14: {  	s2 =	sld [smem:$0x3F9A];
	s0 =	simm.s32 @p1 $0x1  }
0x15: {  	[smem:$0x3FB7] =	sst s0;
	s0 =	simm.s32 @!p2 $0x0  }
0x16: {  	s3 =	sld [smem:$0x3FDB];
	s0 =	simm.s32 @p2 $0x1  }
0x17: {  	s4 =	simm.s32 $0x1BF5;
	[smem:$0x3FB9] =	sst s0  }
0x18: {  	s0 =	sld [smem:$0x3F9C];
	_ =	swait.ge [sflag:s4], $0x0  }
0x19: {  	s7 =	sld [smem:$0x3F9D]  }
0x1a: {  	s8 =	sadd.s32 $0xFFFFE003, lr  }
0x1b: {  	s9 =	sadd.s32 $0xFFFFFEF7, lr;
	s5 =	simm.s32 $0xFFFFFFFF;
	p2 =	slt.u32 s8, $0xFFFFF086  }
0x1c: {  	p1 =	slt.u32 s9, $0xF7A;
	s5 =	simm.s32 @!p2 $0x0  }
0x1d: {  	s5 =	simm.s32 @p1 $0x1;
	p0 =	seq.s32 s7, s2  }
0x1e: {  	s7 =	smul.u32 @!p0 $0xF7A, s2;
	p2 =	seq.s32 @!p0 s5, $0x0  }
0x1f: {  	s9 =	smul.u32 $0xF7A, s1;
	s8 =	simm.s32 @!p0 $0x1BF5;
	p2 =	por !p2, p0  }
0x20: {  	[sflag:s8] =	ssyncset.s32 @!p0 $0xFFFFF086;
	s6 =	sadd.s32 @!p0 s3, s7;
	s7 =	simm.s32 @!p0 $0x108  }
0x21: {  	s3 =	sadd.s32 s3, s9;
	s6 =	sadd.s32 @!p0 $0x88, s6;
	s7 =	simm.s32 @p2 $0x1082  }
0x22: {  	[simem:s7], [sflag:s8] =	dma.local @!p0 [hbm:s6], $0xF7A  }
0x23: {  	s9 =	sor.u32 $0xD0000000, s2;
	s6 =	simm.s32 $0x108;
	_ =	swait.ge @!p0 [sflag:s8], $0x0  }
0x24: {  	s3 =	sadd.s32 $0x88, s3;
	s6 =	simm.s32 @!p1 $0x1082;
	[sflag:s4] =	ssyncset.s32 $0xFFFFF086  }
0x25: {  	[simem:s6], [sflag:s4] =	dma.local [hbm:s3], $0xF7A  }
0x26: {  	[smem:$0x3F9D] =	sst s1;
	(tag) =	ssettag s2;
	_ =	strace s9  }
0x27: {  	s1 =	sld [smem:$0x3FAD]  }
0x28: {  	s2 =	sld [smem:$0x3FAE]  }
0x29: {  	s4 =	sld [smem:$0x3FB0]  }
0x2a: {  	p0 =	seq.s32 s5, $0x0;
	s5 =	sld [smem:$0x3FB1]  }
0x2b: {  	s6 =	sld [smem:$0x3FB2]  }
0x2c: {  	s7 =	sld [smem:$0x3FB3]  }
0x2d: {  	s3 =	simm.s32 $0x108;
	s8 =	sld [smem:$0x3FB4]  }
0x2e: {  	s3 =	simm.s32 @!p0 $0x1082;
	s9 =	sld [smem:$0x3FB5]  }
0x2f: {  	lr =	sadd.s32 s0, s3;
	s0 =	sld [smem:$0x3FAC]  }
0x30: {  	s3 =	sld [smem:$0x3FAF]  }
0x31: {  	[smem:$0x3FB8] =	sst s10  }
0x32: {  	s10 =	sld [smem:$0x3FB6];
	_ =	sdelay $0x3  }
0x33: {  	p0 =	seq.s32 s10, $0x1;
	s10 =	sld [smem:$0x3FB8];
	_ =	sdelay $0x3  }
0x34: {  	[smem:$0x3FB8] =	sst s10  }
0x35: {  	s10 =	sld [smem:$0x3FB7];
	_ =	sdelay $0x3  }
0x36: {  	p1 =	seq.s32 s10, $0x1;
	s10 =	sld [smem:$0x3FB8];
	_ =	sdelay $0x3  }
0x37: {  	[smem:$0x3FB8] =	sst s10  }
0x38: {  	s10 =	sld [smem:$0x3FB9]  }
0x39: {  	_ = 	snop;
	(pc) =	sbr.ind lr, $3  }
0x3a: {  	_ = 	snop  }
0x3b: {  	_ = 	snop  }
0x3c: {  	p2 =	seq.s32 s10, $0x1;
	s10 =	sld [smem:$0x3FB8]  }
0x3d: {  	_ =	shalt  }
0x3e: {  	_ =	shalt  }
0x3f: {  	_ =	shalt  }
0x40: {  	_ =	shalt  }
0x41: {  	_ =	shalt  }
0x42: {  	_ =	shalt  }
0x43: {  	_ =	shalt  }
0x44: {  	_ =	shalt  }
0x45: {  	_ =	shalt  }
0x46: {  	_ =	shalt  }
0x47: {  	_ =	shalt  }
0x48: {  	_ =	shalt  }
0x49: {  	_ =	shalt  }
0x4a: {  	_ =	shalt  }
0x4b: {  	_ =	shalt  }
0x4c: {  	_ =	shalt  }
0x4d: {  	_ =	shalt  }
0x4e: {  	_ =	shalt  }
0x4f: {  	_ =	shalt  }
0x50: {  	_ =	shalt  }
0x51: {  	_ =	shalt  }
0x52: {  	_ =	shalt  }
0x53: {  	_ =	shalt  }
0x54: {  	_ =	shalt  }
0x55: {  	_ =	shalt  }
0x56: {  	_ =	shalt  }
0x57: {  	_ =	shalt  }
0x58: {  	_ =	shalt  }
0x59: {  	_ =	shalt  }
0x5a: {  	_ =	shalt  }
0x5b: {  	_ =	shalt  }
0x5c: {  	_ =	shalt  }
0x5d: {  	_ =	shalt  }
0x5e: {  	_ =	shalt  }
0x5f: {  	_ =	shalt  }
0x60: {  	_ =	shalt  }
0x61: {  	_ =	shalt  }
0x62: {  	_ =	shalt  }
0x63: {  	_ =	shalt  }
0x64: {  	_ =	shalt  }
0x65: {  	_ =	shalt  }
0x66: {  	_ =	shalt  }
0x67: {  	_ =	shalt  }
0x68: {  	_ =	shalt  }
0x69: {  	_ =	shalt  }
0x6a: {  	_ =	shalt  }
0x6b: {  	_ =	shalt  }
0x6c: {  	_ =	shalt  }
0x6d: {  	_ =	shalt  }
0x6e: {  	_ =	shalt  }
0x6f: {  	_ =	shalt  }
0x70: {  	_ =	shalt  }
0x71: {  	_ =	shalt  }
0x72: {  	_ =	shalt  }
0x73: {  	_ =	shalt  }
0x74: {  	_ =	shalt  }
0x75: {  	_ =	shalt  }
0x76: {  	_ =	shalt  }
0x77: {  	_ =	shalt  }
0x78: {  	_ =	shalt  }
0x79: {  	_ =	shalt  }
0x7a: {  	_ =	shalt  }
0x7b: {  	_ =	shalt  }
0x7c: {  	_ =	shalt  }
0x7d: {  	_ =	shalt  }
0x7e: {  	_ =	shalt  }
0x7f: {  	_ =	shalt  }
0x80: {  	_ =	shalt  }
0x81: {  	_ =	shalt  }
0x82: {  	_ =	shalt  }
0x83: {  	_ =	shalt  }
0x84: {  	_ =	shalt  }
0x85: {  	_ =	shalt  }
0x86: {  	_ =	shalt  }
0x87: {  	_ =	shalt  }
.Lfunc_end0:
.L_simem_size_0:
called_computation.1_lowered:
.L_overlay_start_0:
0x88: {  	s2 =	sld [smem:$0x3FD9]  }
0x89: {  	s3 =	sld [smem:$0x3FFE];
	_ =	sdelay $0x1  }
0x8a: {  	s1 =	srdreg.scid  }
0x8b: {  	s0 =	sand.u32 $0x1, s1  }
0x8c: {  	s17 =	sshll.u32 s0, $0xA;
	s2 =	sadd.s32 s3, s2  }
0x8d: {  	s2 =	sadd.s32 s2, s17  }
0x8e: {  	[smem:$0x3FC4] =	sst s2  }
0x8f: {  	_ = 	snop  }
0x90: {  	s2 =	sld [smem:$0x3FD0];
	(tm) =	ssettm $0x1  }
0x91: {  	s18 =	sld [smem:$0x3FFB];
	_ =	sdelay $0x3  }
0x92: {  	_ =	strace s18  }
0x93: {  	s3 =	sld [smem:$0x3FFC];
	_ =	sdelay $0x3  }
0x94: {  	_ =	strace s3  }
0x95: {  	s3 =	sld [smem:$0x3FFD];
	_ =	sdelay $0x3  }
0x96: {  	_ =	strace s3  }
0x97: {  	_ =	strace $0x8FFFFFFF  }
0x98: {  	s19 =	sld [smem:$0x3FDB];
	_ =	sdelay $0x1  }
0x99: {  	s4 =	simm.s32 $_scs_section_size  }
0x9a: {  	s5 =	simm.s32 $_size__tile_overlayer_lowered;
	s6 =	simm.s32 $_tile_overlayer_lowered  }
0x9b: {  	s22 =	simm.s32 $0x1BFF;
	s21 =	sshll.u32 s6, $0x1;
	s3 =	sadd.s32 s4, s19  }
0x9c: {  	s7 =	simm.s32 $0x0;
	s20 =	sshll.u32 s5, $0x1;
	s5 =	sadd.s32 s21, s3  }
0x9d: {  	[timem:s7], [sflag:s22] =	dma.local [hbm:s5], s20  }
0x9e: {  	_ =	swait.ge [sflag:s22], s20  }
0x9f: {  	s4 =	ssub.s32 $0x0, s20;
	[sflag:s22] =	ssyncset.done $0x0  }
0xa0: {  	[sflag:s22] =	ssyncadd.s32 s4;
	_ =	sdelay $0x1  }
0xa1: {  	s23 =	simm.s32 $0x1B8B  }
0xa2: {  	_ =	swait.ge [sflag:s23], $0x1  }
0xa3: {  	[sflag:s23] =	ssyncset.done $0x0  }
0xa4: {  	s25 =	simm.s32 $0x1B8E;
	s24 =	sld [smem:$0x3FFE];
	[sflag:s23] =	ssyncadd.s32 $0xFFFFFFFF  }
0xa5: {  	s26 =	simm.s32 $execute0_lowered;
	[smem:$0x3FD2] =	sst s25  }
0xa6: {  	s5 =	sshll.u32 s26, $0x1;
	_ =	strace $0x80000049;
	[dreg:$0x1] =	wrdreg $0xFFFFFFFF  }
0xa7: {  	s28 =	simm.s32 $_size_execute0_lowered;
	s3 =	sadd.s32 s3, s5;
	[dreg:$0x0] =	wrdreg $0x0  }
0xa8: {  	s5 =	sshll.u32 s28, $0x1;
	[dreg:$0x2] =	wrdreg s3  }
0xa9: {  	[dreg:$0x3] =	wrdreg s5  }
0xaa: {  	[dreg:$0x4] =	wrdreg $0xC0  }
0xab: {  	_ =	task [dreg:s7], $0x5FFFF  }
0xac: {  	[dreg:$0x1] =	wrdreg $0xFFFFFFFF  }
0xad: {  	[dreg:$0x0] =	wrdreg $0x60  }
0xae: {  	[dreg:$0x2] =	wrdreg s24  }
0xaf: {  	[dreg:$0x3] =	wrdreg s2  }
0xb0: {  	[dreg:$0x4] =	wrdreg $0x9  }
0xb1: {  	_ =	task.clear_ibuf [dreg:s7], $0x5FFFF;
	_ =	strace $0x90000049  }
0xb2: {  	s29 =	simm.s32 $0x9;
	_ =	strace $0x8000004B  }
0xb3: {  	_ =	swait.ge [sflag:s29], $0x1  }
0xb4: {  	[sflag:s29] =	ssyncadd.s32 $0xFFFFFFFF  }
0xb5: {  	_ =	strace $0x9000004B  }
0xb6: {  	_ =	sfence  }
0xb7: {  	s30 =	sld [smem:$0x0];
	_ =	sdelay $0x2  }
0xb8: {  	s31 =	sshll.u32 s1, $0xD;
	s1 =	sshrl.u32 s1, $0x2  }
0xb9: {  	s3 =	sand.u32 $0x4000, s31;
	s1 =	sadd.s32 s1, s30  }
0xba: {  	s0 =	sor.u32 s3, s0;
	s1 =	sshll.u32 s1, $0x11  }
0xbb: {  	s0 =	sor.u32 s1, s0  }
0xbc: {  	s0 =	sadd.s32 $0x8F2B, s0  }
0xbd: {  	[sflag:s0] =	ssyncadd.remote.s32 $0x1  }
0xbe: {  	_ =	sfence.sel $0xFFFF  }
0xbf: {  	[dreg:$0x0] =	wrdreg $0xFFFFFFFF;
	(pc) =	sbr.abs _section_cstart, $3  }
0xc0: {  	[dreg:$0x1] =	wrdreg $0xFFFFFFFF  }
0xc1: {  	_ =	task.clear_ibuf [dreg:s7], $0x2FFFF;
	_ =	strace $0x9FFFFFFF  }
0xc2: {  	(tm) =	ssettm $0x7FFFFFFF  }
0xc3: {  	_ =	shalt  }
tec
execute0_lowered:
.L_overlay_start_1:
0x0: {  	(tag) =	ssettag $0x1  }
0x1: {  	s0 =	rddreg [dreg:$0x0]  }
0x2: {  	s1 =	rddreg [dreg:$0x1];
	s2 =	srdreg.scid  }
0x3: {  	s4 =	stileid.u32;
	s14 =	simm.s32 $0x1;
	s15 =	simm.s32 $0x100  }
0x4: {  	s20 =	simm.s32 $0x6100;
	s17 =	simm.s32 $0x14100;
	s18 =	simm.s32 $0x14900  }
0x5: {  	s19 =	simm.s32 $0x15100;
	s21 =	simm.s32 $0x15900;
	s22 =	simm.s32 $0x16100  }
0x6: {  	s23 =	simm.s32 $0x16900;
	s28 =	simm.s32 $0x3;
	s29 =	simm.s32 $0x4  }
0x7: {  	s30 =	simm.s32 $0x0;
	s3 =	sand.u32 $0x1, s2;
	s2 =	simm.s32 $0x0  }
0x8: {  	s4 =	sshll.u32 s4, $0x7;
	s5 =	sshll.u32 s3, $0x6;
	[smem:$0x7FF] =	sst s2  }
0x9: {  	s24 =	ssub.s32 $0x2, s3;
	s3 =	sadd.s32 $0x125600, s0;
	s6 =	sor.u32 s5, s4  }
0xa: {  	_ =	strace $0x8000004A;
	s8 =	sshrl.u32 s24, $0x1;
	s7 =	sshrl.u32 s6, $0x3  }
0xb: {  	s11 =	ssub.s32 s24, s8;
	s6 =	sshll.u32 s6, $0x4;
	s8 =	sadd.s32 $0x125800, s0  }
0xc: {  	s24 =	simm.s32 $0x17100;
	s25 =	sadd.s32 s7, s0;
	s26 =	smul.u32 $0x1800, s7  }
0xd: {  	s9 =	smul.u32 $0x300, s7;
	s6 =	sadd.s32 s0, s6;
	s7 =	sadd.s32 $0x125700, s0  }
0xe: {  	v2 =	vlaneseq.u32;
	s11 =	smax.u32 s11, $0x1;
	s4 =	sadd.s32 $0x125200, s25;
	s10 =	sshrl.u32 s26, $0x3  }
0xf: {  	vm0 =	vmmov $0xffff;
	v1 =	vshrl.u32 v2, $0x3;
	s5 =	sadd.s32 $0x125400, s25;
	s25 =	simm.s32 $0x17900;
	s31 =	sadd.s32 s1, s10  }
0x10: {  	v0 =	vand.u32 $0x7, v2;
	v2 =	vor.u32 $0x8, v2;
	v1 =	vmul.u32 $0x8, v1;
	s9 =	sadd.s32 s1, s9;
	s26 =	simm.s32 $0x2;
	s10 =	sadd.s32 $0xC00, s31  }
.LBB2_1:
0x11: {  	[tilespmem:s2], [sflag:$0x1] =	stream.linear.gather [hbm4b:s4+s2], $0x40, $0x38;
	[tilespmem:$0x1A100] =	vst v63  }
0x12: {  	s0 =	simm.s32 $0x80  }
0x13: {  	[tilespmem:s0], [sflag:$0x1] =	stream.linear.gather [hbm4b:s5+s2], $0x40, $0x38;
	[tilespmem:$0x1A100] =	vst v63  }
0x14: {  	s16 =	simm.s32 $0x18100  }
0x15: {  	[tilespmem:s16], [sflag:$0x1] =	stream.linear.gather [hbm4b:s6+s2], $0x2000, $0x38;
	[tilespmem:$0x1A100] =	vst v63  }
0x16: {  	_ =	swait.ge [sflag:s14], $0x40  }
0x17: {  	[sflag:s14] =	ssyncset.done $0x0  }
0x18: {  	[sflag:s14] =	ssyncadd.s32 $0xFFFFFFC0  }
0x19: {  	_ =	swait.ge [sflag:s14], $0x40  }
0x1a: {  	[sflag:s14] =	ssyncset.done $0x0  }
0x1b: {  	[sflag:s14] =	ssyncadd.s32 $0xFFFFFFC0  }
0x1c: {  	_ =	swait.ge [sflag:s14], $0x2000  }
0x1d: {  	[sflag:s14] =	ssyncset.done $0x0  }
0x1e: {  	[sflag:s14] =	ssyncadd.s32 $0xFFFFE000  }
0x1f: {  	v3 =	vld [tilespmem:$0x0];
	_ =	sdelay $0x4  }
0x20: {  	v4 =	vshrl.u32 v3, $0x3  }
0x21: {  	v4 =	vmul.u32 $0x30, v4  }
0x22: {  	v3 =	vand.u32 $0x7, v3  }
0x23: {  	v3 =	vor.u32 v3, v4  }
0x24: {  	v4 =	vperm.xlane v3, v0;
	_ =	sdelay $0x1  }
0x25: {  	v4 =	vadd.s32 v1, v4;
	_ =	sdelay $0x3  }
0x26: {  	v3 =	vperm.xlane v3, v2  }
0x27: {  	[tilespmem:s15], [sflag:$0x2] =	stream.indirect_vreg.gather [hbm4b:s3+s2], $0x80, v4, vm0, $0xb8;
	[tilespmem:$0x1A100] =	vst v63  }
0x28: {  	s1 =	simm.s32 $0x900;
	v3 =	vadd.s32 v1, v3  }
0x29: {  	[tilespmem:s1], [sflag:$0x2] =	stream.indirect_vreg.gather [hbm4b:s7+s2], $0x80, v4, vm0, $0xb8;
	[tilespmem:$0x1A100] =	vst v63  }
0x2a: {  	s12 =	simm.s32 $0x1100  }
0x2b: {  	[tilespmem:s12], [sflag:$0x2] =	stream.indirect_vreg.gather [hbm4b:s8+s2], $0x80, v4, vm0, $0xb8;
	[tilespmem:$0x1A100] =	vst v63  }
0x2c: {  	s13 =	simm.s32 $0x1900  }
0x2d: {  	[tilespmem:s13], [sflag:$0x2] =	stream.indirect_vreg.gather [hbm4b:s3+s2], $0x80, v3, vm0, $0xb8;
	[tilespmem:$0x1A100] =	vst v63  }
0x2e: {  	s16 =	simm.s32 $0x2100  }
0x2f: {  	[tilespmem:s16], [sflag:$0x2] =	stream.indirect_vreg.gather [hbm4b:s7+s2], $0x80, v3, vm0, $0xb8;
	[tilespmem:$0x1A100] =	vst v63  }
0x30: {  	s1 =	simm.s32 $0x2900  }
0x31: {  	[tilespmem:s1], [sflag:$0x2] =	stream.indirect_vreg.gather [hbm4b:s8+s2], $0x80, v3, vm0, $0xb8;
	[tilespmem:$0x1A100] =	vst v63  }
0x32: {  	v3 =	vld [tilespmem:$0x10];
	_ =	sdelay $0x4  }
0x33: {  	v4 =	vshrl.u32 v3, $0x3  }
0x34: {  	v4 =	vmul.u32 $0x30, v4  }
0x35: {  	v3 =	vand.u32 $0x7, v3  }
0x36: {  	v3 =	vor.u32 v3, v4  }
0x37: {  	v4 =	vperm.xlane v3, v0;
	_ =	sdelay $0x1  }
0x38: {  	v4 =	vadd.s32 v1, v4;
	_ =	sdelay $0x3  }
0x39: {  	s12 =	simm.s32 $0x3100;
	v3 =	vperm.xlane v3, v2  }
0x3a: {  	[tilespmem:s12], [sflag:$0x2] =	stream.indirect_vreg.gather [hbm4b:s3+s2], $0x80, v4, vm0, $0xb8;
	[tilespmem:$0x1A100] =	vst v63  }
0x3b: {  	s13 =	simm.s32 $0x3900;
	v3 =	vadd.s32 v1, v3  }
0x3c: {  	[tilespmem:s13], [sflag:$0x2] =	stream.indirect_vreg.gather [hbm4b:s7+s2], $0x80, v4, vm0, $0xb8;
	[tilespmem:$0x1A100] =	vst v63  }
0x3d: {  	s16 =	simm.s32 $0x4100  }
0x3e: {  	[tilespmem:s16], [sflag:$0x2] =	stream.indirect_vreg.gather [hbm4b:s8+s2], $0x80, v4, vm0, $0xb8;
	[tilespmem:$0x1A100] =	vst v63  }
0x3f: {  	s1 =	simm.s32 $0x4900  }
0x40: {  	[tilespmem:s1], [sflag:$0x2] =	stream.indirect_vreg.gather [hbm4b:s3+s2], $0x80, v3, vm0, $0xb8;
	[tilespmem:$0x1A100] =	vst v63  }
0x41: {  	s12 =	simm.s32 $0x5100  }
0x42: {  	[tilespmem:s12], [sflag:$0x2] =	stream.indirect_vreg.gather [hbm4b:s7+s2], $0x80, v3, vm0, $0xb8;
	[tilespmem:$0x1A100] =	vst v63  }
0x43: {  	s13 =	simm.s32 $0x5900  }
0x44: {  	[tilespmem:s13], [sflag:$0x2] =	stream.indirect_vreg.gather [hbm4b:s8+s2], $0x80, v3, vm0, $0xb8;
	[tilespmem:$0x1A100] =	vst v63  }
0x45: {  	v3 =	vld [tilespmem:$0x80];
	_ =	sdelay $0x4  }
0x46: {  	v4 =	vshrl.u32 v3, $0x3  }
0x47: {  	v4 =	vmul.u32 $0x30, v4  }
0x48: {  	v3 =	vand.u32 $0x7, v3  }
0x49: {  	v3 =	vor.u32 v3, v4  }
0x4a: {  	v4 =	vperm.xlane v3, v0;
	_ =	sdelay $0x1  }
0x4b: {  	v4 =	vadd.s32 v1, v4;
	_ =	sdelay $0x3  }
0x4c: {  	s16 =	simm.s32 $0xC100;
	v3 =	vperm.xlane v3, v2  }
0x4d: {  	[tilespmem:s16], [sflag:$0x2] =	stream.indirect_vreg.gather [hbm4b:s3+s2], $0x80, v4, vm0, $0xb8;
	[tilespmem:$0x1A100] =	vst v63  }
0x4e: {  	s1 =	simm.s32 $0xC900;
	v3 =	vadd.s32 v1, v3  }
0x4f: {  	[tilespmem:s1], [sflag:$0x2] =	stream.indirect_vreg.gather [hbm4b:s7+s2], $0x80, v4, vm0, $0xb8;
	[tilespmem:$0x1A100] =	vst v63  }
0x50: {  	s12 =	simm.s32 $0xD100  }
0x51: {  	[tilespmem:s12], [sflag:$0x2] =	stream.indirect_vreg.gather [hbm4b:s8+s2], $0x80, v4, vm0, $0xb8;
	[tilespmem:$0x1A100] =	vst v63  }
0x52: {  	s13 =	simm.s32 $0xD900  }
0x53: {  	[tilespmem:s13], [sflag:$0x2] =	stream.indirect_vreg.gather [hbm4b:s3+s2], $0x80, v3, vm0, $0xb8;
	[tilespmem:$0x1A100] =	vst v63  }
0x54: {  	s16 =	simm.s32 $0xE100  }
0x55: {  	[tilespmem:s16], [sflag:$0x2] =	stream.indirect_vreg.gather [hbm4b:s7+s2], $0x80, v3, vm0, $0xb8;
	[tilespmem:$0x1A100] =	vst v63  }
0x56: {  	s1 =	simm.s32 $0xE900  }
0x57: {  	[tilespmem:s1], [sflag:$0x2] =	stream.indirect_vreg.gather [hbm4b:s8+s2], $0x80, v3, vm0, $0xb8;
	[tilespmem:$0x1A100] =	vst v63  }
0x58: {  	v3 =	vld [tilespmem:$0x90];
	_ =	sdelay $0x4  }
0x59: {  	v4 =	vshrl.u32 v3, $0x3  }
0x5a: {  	v4 =	vmul.u32 $0x30, v4  }
0x5b: {  	v3 =	vand.u32 $0x7, v3  }
0x5c: {  	v3 =	vor.u32 v3, v4  }
0x5d: {  	v4 =	vperm.xlane v3, v0;
	_ =	sdelay $0x1  }
0x5e: {  	v4 =	vadd.s32 v1, v4;
	_ =	sdelay $0x3  }
0x5f: {  	s12 =	simm.s32 $0xF100;
	v3 =	vperm.xlane v3, v2  }
0x60: {  	[tilespmem:s12], [sflag:$0x2] =	stream.indirect_vreg.gather [hbm4b:s3+s2], $0x80, v4, vm0, $0xb8;
	[tilespmem:$0x1A100] =	vst v63  }
0x61: {  	s13 =	simm.s32 $0xF900;
	v3 =	vadd.s32 v1, v3  }
0x62: {  	[tilespmem:s13], [sflag:$0x2] =	stream.indirect_vreg.gather [hbm4b:s7+s2], $0x80, v4, vm0, $0xb8;
	[tilespmem:$0x1A100] =	vst v63  }
0x63: {  	s16 =	simm.s32 $0x10100  }
0x64: {  	[tilespmem:s16], [sflag:$0x2] =	stream.indirect_vreg.gather [hbm4b:s8+s2], $0x80, v4, vm0, $0xb8;
	[tilespmem:$0x1A100] =	vst v63  }
0x65: {  	s1 =	simm.s32 $0x10900  }
0x66: {  	[tilespmem:s1], [sflag:$0x2] =	stream.indirect_vreg.gather [hbm4b:s3+s2], $0x80, v3, vm0, $0xb8;
	[tilespmem:$0x1A100] =	vst v63  }
0x67: {  	s12 =	simm.s32 $0x11100  }
0x68: {  	[tilespmem:s12], [sflag:$0x2] =	stream.indirect_vreg.gather [hbm4b:s7+s2], $0x80, v3, vm0, $0xb8;
	[tilespmem:$0x1A100] =	vst v63  }
0x69: {  	s13 =	simm.s32 $0x11900  }
0x6a: {  	[tilespmem:s13], [sflag:$0x2] =	stream.indirect_vreg.gather [hbm4b:s8+s2], $0x80, v3, vm0, $0xb8;
	[tilespmem:$0x1A100] =	vst v63  }
0x6b: {  	v3 =	vld [tilespmem:$0x20];
	_ =	sdelay $0x4  }
0x6c: {  	v4 =	vshrl.u32 v3, $0x3  }
0x6d: {  	v4 =	vmul.u32 $0x30, v4  }
0x6e: {  	v3 =	vand.u32 $0x7, v3  }
0x6f: {  	v3 =	vor.u32 v3, v4  }
0x70: {  	v4 =	vperm.xlane v3, v0;
	_ =	sdelay $0x1  }
0x71: {  	v4 =	vadd.s32 v1, v4;
	_ =	sdelay $0x3  }
0x72: {  	v3 =	vperm.xlane v3, v2  }
0x73: {  	[tilespmem:s20], [sflag:$0x3] =	stream.indirect_vreg.gather [hbm4b:s3+s2], $0x80, v4, vm0, $0xb8;
	[tilespmem:$0x1A100] =	vst v63  }
0x74: {  	s16 =	simm.s32 $0x6900;
	v3 =	vadd.s32 v1, v3  }
0x75: {  	[tilespmem:s16], [sflag:$0x3] =	stream.indirect_vreg.gather [hbm4b:s7+s2], $0x80, v4, vm0, $0xb8;
	[tilespmem:$0x1A100] =	vst v63  }
0x76: {  	s1 =	simm.s32 $0x7100  }
0x77: {  	[tilespmem:s1], [sflag:$0x3] =	stream.indirect_vreg.gather [hbm4b:s8+s2], $0x80, v4, vm0, $0xb8;
	[tilespmem:$0x1A100] =	vst v63  }
0x78: {  	s12 =	simm.s32 $0x7900  }
0x79: {  	[tilespmem:s12], [sflag:$0x3] =	stream.indirect_vreg.gather [hbm4b:s3+s2], $0x80, v3, vm0, $0xb8;
	[tilespmem:$0x1A100] =	vst v63  }
0x7a: {  	s13 =	simm.s32 $0x8100  }
0x7b: {  	[tilespmem:s13], [sflag:$0x3] =	stream.indirect_vreg.gather [hbm4b:s7+s2], $0x80, v3, vm0, $0xb8;
	[tilespmem:$0x1A100] =	vst v63  }
0x7c: {  	s16 =	simm.s32 $0x8900  }
0x7d: {  	[tilespmem:s16], [sflag:$0x3] =	stream.indirect_vreg.gather [hbm4b:s8+s2], $0x80, v3, vm0, $0xb8;
	[tilespmem:$0x1A100] =	vst v63  }
0x7e: {  	v3 =	vld [tilespmem:$0x30];
	_ =	sdelay $0x4  }
0x7f: {  	v4 =	vshrl.u32 v3, $0x3  }
0x80: {  	v4 =	vmul.u32 $0x30, v4  }
0x81: {  	v3 =	vand.u32 $0x7, v3  }
0x82: {  	v3 =	vor.u32 v3, v4  }
0x83: {  	v4 =	vperm.xlane v3, v0;
	_ =	sdelay $0x1  }
0x84: {  	v4 =	vadd.s32 v1, v4;
	_ =	sdelay $0x3  }
0x85: {  	s1 =	simm.s32 $0x9100;
	v3 =	vperm.xlane v3, v2  }
0x86: {  	[tilespmem:s1], [sflag:$0x3] =	stream.indirect_vreg.gather [hbm4b:s3+s2], $0x80, v4, vm0, $0xb8;
	[tilespmem:$0x1A100] =	vst v63  }
0x87: {  	s12 =	simm.s32 $0x9900;
	v3 =	vadd.s32 v1, v3  }
0x88: {  	[tilespmem:s12], [sflag:$0x3] =	stream.indirect_vreg.gather [hbm4b:s7+s2], $0x80, v4, vm0, $0xb8;
	[tilespmem:$0x1A100] =	vst v63  }
0x89: {  	s13 =	simm.s32 $0xA100  }
0x8a: {  	[tilespmem:s13], [sflag:$0x3] =	stream.indirect_vreg.gather [hbm4b:s8+s2], $0x80, v4, vm0, $0xb8;
	[tilespmem:$0x1A100] =	vst v63  }
0x8b: {  	s16 =	simm.s32 $0xA900  }
0x8c: {  	[tilespmem:s16], [sflag:$0x3] =	stream.indirect_vreg.gather [hbm4b:s3+s2], $0x80, v3, vm0, $0xb8;
	[tilespmem:$0x1A100] =	vst v63  }
0x8d: {  	s1 =	simm.s32 $0xB100  }
0x8e: {  	[tilespmem:s1], [sflag:$0x3] =	stream.indirect_vreg.gather [hbm4b:s7+s2], $0x80, v3, vm0, $0xb8;
	[tilespmem:$0x1A100] =	vst v63  }
0x8f: {  	s12 =	simm.s32 $0xB900  }
0x90: {  	[tilespmem:s12], [sflag:$0x3] =	stream.indirect_vreg.gather [hbm4b:s8+s2], $0x80, v3, vm0, $0xb8;
	[tilespmem:$0x1A100] =	vst v63  }
0x91: {  	v3 =	vld [tilespmem:$0xA0];
	_ =	sdelay $0x4  }
0x92: {  	v4 =	vshrl.u32 v3, $0x3  }
0x93: {  	v4 =	vmul.u32 $0x30, v4  }
0x94: {  	v3 =	vand.u32 $0x7, v3  }
0x95: {  	v3 =	vor.u32 v3, v4  }
0x96: {  	v4 =	vperm.xlane v3, v0;
	_ =	sdelay $0x1  }
0x97: {  	v4 =	vadd.s32 v1, v4;
	_ =	sdelay $0x3  }
0x98: {  	s13 =	simm.s32 $0x12100;
	v3 =	vperm.xlane v3, v2  }
0x99: {  	[tilespmem:s13], [sflag:$0x3] =	stream.indirect_vreg.gather [hbm4b:s3+s2], $0x80, v4, vm0, $0xb8;
	[tilespmem:$0x1A100] =	vst v63  }
0x9a: {  	s16 =	simm.s32 $0x12900;
	v3 =	vadd.s32 v1, v3  }
0x9b: {  	[tilespmem:s16], [sflag:$0x3] =	stream.indirect_vreg.gather [hbm4b:s7+s2], $0x80, v4, vm0, $0xb8;
	[tilespmem:$0x1A100] =	vst v63  }
0x9c: {  	s1 =	simm.s32 $0x13100  }
0x9d: {  	[tilespmem:s1], [sflag:$0x3] =	stream.indirect_vreg.gather [hbm4b:s8+s2], $0x80, v4, vm0, $0xb8;
	[tilespmem:$0x1A100] =	vst v63  }
0x9e: {  	s12 =	simm.s32 $0x13900  }
0x9f: {  	[tilespmem:s12], [sflag:$0x3] =	stream.indirect_vreg.gather [hbm4b:s3+s2], $0x80, v3, vm0, $0xb8;
	[tilespmem:$0x1A100] =	vst v63  }
0xa0: {  	_ = 	snop  }
0xa1: {  	[tilespmem:s17], [sflag:$0x3] =	stream.indirect_vreg.gather [hbm4b:s7+s2], $0x80, v3, vm0, $0xb8;
	[tilespmem:$0x1A100] =	vst v63  }
0xa2: {  	_ = 	snop  }
0xa3: {  	[tilespmem:s18], [sflag:$0x3] =	stream.indirect_vreg.gather [hbm4b:s8+s2], $0x80, v3, vm0, $0xb8;
	[tilespmem:$0x1A100] =	vst v63  }
0xa4: {  	v3 =	vld [tilespmem:$0xB0];
	_ =	sdelay $0x4  }
0xa5: {  	v4 =	vshrl.u32 v3, $0x3  }
0xa6: {  	v4 =	vmul.u32 $0x30, v4  }
0xa7: {  	v3 =	vand.u32 $0x7, v3  }
0xa8: {  	v3 =	vor.u32 v3, v4  }
0xa9: {  	v4 =	vperm.xlane v3, v0;
	_ =	sdelay $0x1  }
0xaa: {  	v4 =	vadd.s32 v1, v4;
	_ =	sdelay $0x3  }
0xab: {  	v3 =	vperm.xlane v3, v2  }
0xac: {  	[tilespmem:s19], [sflag:$0x3] =	stream.indirect_vreg.gather [hbm4b:s3+s2], $0x80, v4, vm0, $0xb8;
	[tilespmem:$0x1A100] =	vst v63  }
0xad: {  	v3 =	vadd.s32 v1, v3  }
0xae: {  	[tilespmem:s21], [sflag:$0x3] =	stream.indirect_vreg.gather [hbm4b:s7+s2], $0x80, v4, vm0, $0xb8;
	[tilespmem:$0x1A100] =	vst v63  }
0xaf: {  	_ = 	snop  }
0xb0: {  	[tilespmem:s22], [sflag:$0x3] =	stream.indirect_vreg.gather [hbm4b:s8+s2], $0x80, v4, vm0, $0xb8;
	[tilespmem:$0x1A100] =	vst v63  }
0xb1: {  	_ = 	snop  }
0xb2: {  	[tilespmem:s23], [sflag:$0x3] =	stream.indirect_vreg.gather [hbm4b:s3+s2], $0x80, v3, vm0, $0xb8;
	[tilespmem:$0x1A100] =	vst v63  }
0xb3: {  	_ = 	snop  }
0xb4: {  	[tilespmem:s24], [sflag:$0x3] =	stream.indirect_vreg.gather [hbm4b:s7+s2], $0x80, v3, vm0, $0xb8;
	[tilespmem:$0x1A100] =	vst v63  }
0xb5: {  	_ = 	snop  }
0xb6: {  	[tilespmem:s25], [sflag:$0x3] =	stream.indirect_vreg.gather [hbm4b:s8+s2], $0x80, v3, vm0, $0xb8;
	[tilespmem:$0x1A100] =	vst v63  }
0xb7: {  	_ =	swait.ge [sflag:s26], $0x6000  }
0xb8: {  	[sflag:s26] =	ssyncset.done $0x0  }
0xb9: {  	s13 =	simm.s32 $0x0;
	[sflag:s26] =	ssyncadd.s32 $0xFFFFA000  }
0xba: {  	s0 =	smul.u32 $0x1800, s13;
	_ =	swait.ge [sflag:s26], $0x6000  }
0xbb: {  	s1 =	sand.u32 $0x380, s2;
	[sflag:s26] =	ssyncset.done $0x0  }
0xbc: {  	s12 =	sor.u32 s1, s0;
	[sflag:s26] =	ssyncadd.s32 $0xFFFFA000  }
0xbd: {  	v4 =	vld [tilespmem:s12+$0x110]  }
0xbe: {  	v3 =	vld [tilespmem:s12+$0xC110]  }
0xbf: {  	v6 =	vld [tilespmem:s12+$0x120]  }
0xc0: {  	v5 =	vld [tilespmem:s12+$0xC120]  }
0xc1: {  	v10 =	vld [tilespmem:s12+$0x130]  }
0xc2: {  	v7 =	vld [tilespmem:s12+$0xC130]  }
0xc3: {  	v12 =	vld [tilespmem:s12+$0x140]  }
0xc4: {  	v11 =	vld [tilespmem:s12+$0xC140]  }
0xc5: {  	v13 =	vld [tilespmem:s12+$0x160]  }
0xc6: {  	v14 =	vld [tilespmem:s12+$0x170]  }
0xc7: {  	v15 =	vld [tilespmem:s12+$0x500]  }
0xc8: {  	v16 =	vld [tilespmem:s12+$0x510]  }
0xc9: {  	v17 =	vld [tilespmem:s12+$0x520]  }
0xca: {  	v18 =	vld [tilespmem:s12+$0x530]  }
0xcb: {  	v19 =	vld [tilespmem:s12+$0x540]  }
0xcc: {  	v20 =	vld [tilespmem:s12+$0x550]  }
0xcd: {  	v21 =	vld [tilespmem:s12+$0x560]  }
0xce: {  	v22 =	vld [tilespmem:s12+$0x570]  }
0xcf: {  	v23 =	vld [tilespmem:s12+$0x900]  }
0xd0: {  	v24 =	vld [tilespmem:s12+$0x910]  }
0xd1: {  	v25 =	vld [tilespmem:s12+$0x920]  }
0xd2: {  	v26 =	vld [tilespmem:s12+$0x930]  }
0xd3: {  	v27 =	vld [tilespmem:s12+$0x940]  }
0xd4: {  	v28 =	vld [tilespmem:s12+$0x950]  }
0xd5: {  	v29 =	vld [tilespmem:s12+$0x960]  }
0xd6: {  	v30 =	vld [tilespmem:s12+$0x970]  }
0xd7: {  	v31 =	vld [tilespmem:s12+$0xD00]  }
0xd8: {  	v32 =	vld [tilespmem:s12+$0xD10]  }
0xd9: {  	v33 =	vld [tilespmem:s12+$0xD20]  }
0xda: {  	v34 =	vld [tilespmem:s12+$0xD30]  }
0xdb: {  	v35 =	vld [tilespmem:s12+$0xD40]  }
0xdc: {  	v36 =	vld [tilespmem:s12+$0xD50]  }
0xdd: {  	v37 =	vld [tilespmem:s12+$0xD60]  }
0xde: {  	v38 =	vld [tilespmem:s12+$0xD70]  }
0xdf: {  	v39 =	vld [tilespmem:s12+$0x1100]  }
0xe0: {  	v40 =	vld [tilespmem:s12+$0x1110]  }
0xe1: {  	v41 =	vld [tilespmem:s12+$0x1120]  }
0xe2: {  	v42 =	vld [tilespmem:s12+$0x1130]  }
0xe3: {  	v43 =	vld [tilespmem:s12+$0x1140]  }
0xe4: {  	v44 =	vld [tilespmem:s12+$0x1150]  }
0xe5: {  	v45 =	vld [tilespmem:s12+$0x1160]  }
0xe6: {  	v46 =	vld [tilespmem:s12+$0x1500]  }
0xe7: {  	v47 =	vld [tilespmem:s12+$0x1510]  }
0xe8: {  	v48 =	vld [tilespmem:s12+$0xD510]  }
0xe9: {  	v49 =	vld [tilespmem:s12+$0xD530]  }
0xea: {  	v50 =	vld [tilespmem:s12+$0x1530]  }
0xeb: {  	s0 =	simm.s32 $0x18110;
	v51 =	vld [tilespmem:s12+$0x1520]  }
0xec: {  	v8 =	vld [tilespmem:s0+$0xFFFFFFF0]  }
0xed: {  	v9 =	vld [tilespmem:s0+$0x0]  }
0xee: {  	v52 =	vld [tilespmem:s12+$0xD520]  }
0xef: {  	v53 =	vld [tilespmem:s12+$0xD500]  }
0xf0: {  	v54 =	vld [tilespmem:s12+$0x1170]  }
0xf1: {  	v55 =	vld [tilespmem:s12+$0xD170];
	v50 =	vmul.f32 v50, v8  }
0xf2: {  	v56 =	vld [tilespmem:s12+$0xD160];
	v49 =	vmul.f32 v49, v9;
	v51 =	vmul.f32 v51, v8  }
0xf3: {  	v61 =	vld [tilespmem:s12+$0xD100];
	v52 =	vmul.f32 v52, v9;
	v47 =	vmul.f32 v47, v8  }
0xf4: {  	v57 =	vld [tilespmem:s12+$0xD150];
	v48 =	vmul.f32 v48, v9;
	v46 =	vmul.f32 v46, v8;
	v49 =	vadd.f32 v49, v50  }
0xf5: {  	v58 =	vld [tilespmem:s12+$0xD140];
	v62 =	vmul.f32 v53, v9;
	v63 =	vmul.f32 v54, v8;
	v51 =	vadd.f32 v52, v51  }
0xf6: {  	v53 =	vld [tilespmem:s12+$0xD130];
	v59 =	vmul.f32 v55, v9;
	v45 =	vmul.f32 v45, v8;
	v47 =	vadd.f32 v48, v47;
	[tilespmem:s12+$0x1530] =	vst v49  }
0xf7: {  	v60 =	vmul.f32 v56, v9;
	v56 =	vld [tilespmem:s12+$0xCD60];
	v39 =	vmul.f32 v39, v8;
	v46 =	vadd.f32 v62, v46;
	[tilespmem:s12+$0x1520] =	vst v51  }
0xf8: {  	v61 =	vmul.f32 v61, v9;
	v55 =	vld [tilespmem:s12+$0xC970];
	v12 =	vmul.f32 v12, v8;
	v52 =	vadd.f32 v59, v63;
	[tilespmem:s12+$0x1510] =	vst v47  }
0xf9: {  	v11 =	vmul.f32 v11, v9;
	v10 =	vmul.f32 v10, v8;
	v48 =	vld [tilespmem:s12+$0xD120];
	v45 =	vadd.f32 v60, v45;
	[tilespmem:s12+$0x1500] =	vst v46  }
0xfa: {  	v7 =	vmul.f32 v7, v9;
	v63 =	vmul.f32 v58, v9;
	v58 =	vld [tilespmem:s12+$0xCD50];
	v39 =	vadd.f32 v61, v39;
	[tilespmem:s12+$0x1170] =	vst v52  }
0xfb: {  	v44 =	vmul.f32 v44, v8;
	v62 =	vmul.f32 v57, v9;
	v59 =	vld [tilespmem:s12+$0xCD40];
	v11 =	vadd.f32 v11, v12;
	[tilespmem:s12+$0x1160] =	vst v45  }
0xfc: {  	v43 =	vmul.f32 v43, v8;
	v60 =	vld [tilespmem:s12+$0xCD30];
	v7 =	vadd.f32 v7, v10;
	[tilespmem:s12+$0x1100] =	vst v39  }
0xfd: {  	v42 =	vmul.f32 v42, v8;
	v61 =	vld [tilespmem:s12+$0xC910];
	v44 =	vadd.f32 v62, v44;
	[tilespmem:s12+$0x140] =	vst v11;
	v57 =	vmul.f32 v53, v9  }
0xfe: {  	v37 =	vmul.f32 v37, v8;
	v49 =	vld [tilespmem:s12+$0xD110];
	v43 =	vadd.f32 v63, v43;
	[tilespmem:s12+$0x130] =	vst v7;
	v46 =	vmul.f32 v56, v9  }
0xff: {  	v41 =	vmul.f32 v41, v8;
	v47 =	vld [tilespmem:s12+$0xCD70];
	[tilespmem:s12+$0x1150] =	vst v44;
	v48 =	vmul.f32 v48, v9;
	v42 =	vadd.f32 v57, v42  }
0x100: {  	v36 =	vmul.f32 v36, v8;
	v62 =	vld [tilespmem:s12+$0xCD20];
	[tilespmem:s12+$0x1140] =	vst v43;
	v54 =	vmul.f32 v58, v9;
	v37 =	vadd.f32 v46, v37  }
0x101: {  	v35 =	vmul.f32 v35, v8;
	v63 =	vld [tilespmem:s12+$0xCD10];
	v45 =	vmul.f32 v59, v9;
	v41 =	vadd.f32 v48, v41;
	[tilespmem:s12+$0x1130] =	vst v42  }
0x102: {  	v34 =	vmul.f32 v34, v8;
	v56 =	vld [tilespmem:s12+$0xC960];
	v44 =	vmul.f32 v60, v9;
	v36 =	vadd.f32 v54, v36;
	[tilespmem:s12+$0xD60] =	vst v37  }
0x103: {  	v40 =	vmul.f32 v40, v8;
	v53 =	vld [tilespmem:s12+$0xCD00];
	v49 =	vmul.f32 v49, v9;
	v35 =	vadd.f32 v45, v35;
	[tilespmem:s12+$0x1120] =	vst v41  }
0x104: {  	v38 =	vmul.f32 v38, v8;
	v12 =	vld [tilespmem:s12+$0x1560];
	v47 =	vmul.f32 v47, v9;
	v34 =	vadd.f32 v44, v34;
	[tilespmem:s12+$0xD50] =	vst v36  }
0x105: {  	v33 =	vmul.f32 v33, v8;
	v58 =	vld [tilespmem:s12+$0xC940];
	v43 =	vmul.f32 v62, v9;
	v40 =	vadd.f32 v49, v40;
	[tilespmem:s12+$0xD40] =	vst v35  }
0x106: {  	v32 =	vmul.f32 v32, v8;
	v57 =	vld [tilespmem:s12+$0xC950];
	v42 =	vmul.f32 v63, v9;
	v38 =	vadd.f32 v47, v38;
	[tilespmem:s12+$0xD30] =	vst v34  }
0x107: {  	v29 =	vmul.f32 v29, v8;
	v60 =	vld [tilespmem:s12+$0xC920];
	v39 =	vmul.f32 v56, v9;
	v33 =	vadd.f32 v43, v33;
	[tilespmem:s12+$0x1110] =	vst v40  }
0x108: {  	v31 =	vmul.f32 v31, v8;
	v59 =	vld [tilespmem:s12+$0xC930];
	v41 =	vmul.f32 v53, v9;
	v32 =	vadd.f32 v42, v32;
	[tilespmem:s12+$0xD70] =	vst v38  }
0x109: {  	v24 =	vmul.f32 v24, v8;
	v62 =	vld [tilespmem:s12+$0xC900];
	v34 =	vmul.f32 v61, v9;
	v29 =	vadd.f32 v39, v29;
	[tilespmem:s12+$0xD20] =	vst v33  }
0x10a: {  	v27 =	vmul.f32 v27, v8;
	v63 =	vld [tilespmem:s12+$0xC570];
	v37 =	vmul.f32 v58, v9;
	v31 =	vadd.f32 v41, v31;
	[tilespmem:s12+$0xD10] =	vst v32  }
0x10b: {  	v30 =	vmul.f32 v30, v8;
	v40 =	vmul.f32 v55, v9;
	v24 =	vadd.f32 v34, v24;
	[tilespmem:s12+$0x960] =	vst v29;
	v29 =	vld [tilespmem:s12+$0xC540]  }
0x10c: {  	v25 =	vmul.f32 v25, v8;
	v35 =	vmul.f32 v60, v9;
	v27 =	vadd.f32 v37, v27;
	[tilespmem:s12+$0xD00] =	vst v31;
	v31 =	vld [tilespmem:s12+$0xC560]  }
0x10d: {  	v28 =	vmul.f32 v28, v8;
	v38 =	vmul.f32 v57, v9;
	v30 =	vadd.f32 v40, v30;
	[tilespmem:s12+$0x910] =	vst v24;
	v24 =	vld [tilespmem:s12+$0xC170]  }
0x10e: {  	v23 =	vmul.f32 v23, v8;
	v33 =	vmul.f32 v62, v9;
	v25 =	vadd.f32 v35, v25;
	[tilespmem:s12+$0x940] =	vst v27;
	v27 =	vld [tilespmem:s12+$0xC520]  }
0x10f: {  	v26 =	vmul.f32 v26, v8;
	v36 =	vmul.f32 v59, v9;
	v28 =	vadd.f32 v38, v28;
	[tilespmem:s12+$0x970] =	vst v30;
	v30 =	vld [tilespmem:s12+$0xC550]  }
0x110: {  	v22 =	vmul.f32 v22, v8;
	v32 =	vmul.f32 v63, v9;
	v23 =	vadd.f32 v33, v23;
	[tilespmem:s12+$0x920] =	vst v25;
	v25 =	vld [tilespmem:s12+$0xC500]  }
0x111: {  	v19 =	vmul.f32 v19, v8;
	v26 =	vadd.f32 v36, v26;
	[tilespmem:s12+$0x950] =	vst v28;
	v28 =	vld [tilespmem:s12+$0xC530];
	v29 =	vmul.f32 v29, v9  }
0x112: {  	v21 =	vmul.f32 v21, v8;
	v22 =	vadd.f32 v32, v22;
	[tilespmem:s12+$0x900] =	vst v23;
	v23 =	vld [tilespmem:s12+$0xC160];
	v31 =	vmul.f32 v31, v9  }
0x113: {  	v17 =	vmul.f32 v17, v8;
	[tilespmem:s12+$0x930] =	vst v26;
	v26 =	vld [tilespmem:s12+$0xC510];
	v27 =	vmul.f32 v27, v9;
	v19 =	vadd.f32 v29, v19  }
0x114: {  	v20 =	vmul.f32 v20, v8;
	[tilespmem:s12+$0x570] =	vst v22;
	v22 =	vld [tilespmem:s12+$0x150];
	v30 =	vmul.f32 v30, v9;
	v21 =	vadd.f32 v31, v21  }
0x115: {  	v15 =	vmul.f32 v15, v8;
	v25 =	vmul.f32 v25, v9;
	v17 =	vadd.f32 v27, v17;
	[tilespmem:s12+$0x540] =	vst v19;
	v19 =	vld [tilespmem:s12+$0xD550]  }
0x116: {  	v18 =	vmul.f32 v18, v8;
	v28 =	vmul.f32 v28, v9;
	v20 =	vadd.f32 v30, v20;
	[tilespmem:s12+$0x560] =	vst v21;
	v21 =	vld [tilespmem:s12+$0xC150]  }
0x117: {  	v13 =	vmul.f32 v13, v8;
	v23 =	vmul.f32 v23, v9;
	v15 =	vadd.f32 v25, v15;
	[tilespmem:s12+$0x520] =	vst v17;
	v17 =	vld [tilespmem:s12+$0x1540]  }
0x118: {  	v6 =	vmul.f32 v6, v8;
	v5 =	vmul.f32 v5, v9;
	v18 =	vadd.f32 v28, v18;
	[tilespmem:s12+$0x550] =	vst v20;
	v20 =	vld [tilespmem:s12+$0xD540]  }
0x119: {  	v14 =	vmul.f32 v14, v8;
	v24 =	vmul.f32 v24, v9;
	v13 =	vadd.f32 v23, v13;
	[tilespmem:s12+$0x500] =	vst v15;
	v15 =	vld [tilespmem:s12+$0x1550]  }
0x11a: {  	v4 =	vmul.f32 v4, v8;
	v3 =	vmul.f32 v3, v9;
	v5 =	vadd.f32 v5, v6;
	[tilespmem:s12+$0x530] =	vst v18;
	v18 =	vld [tilespmem:s12+$0xD560]  }
0x11b: {  	v6 =	vld [tilespmem:s12+$0x100];
	v14 =	vadd.f32 v24, v14;
	v10 =	vmul.f32 v22, v8;
	[tilespmem:s12+$0x160] =	vst v13;
	v13 =	vmul.f32 v21, v9  }
0x11c: {  	s16 =	simm.s32 $0x0;
	v16 =	vmul.f32 v16, v8;
	v3 =	vadd.f32 v3, v4;
	v7 =	vld [tilespmem:s12+$0xC100];
	[tilespmem:s12+$0x120] =	vst v5;
	v26 =	vmul.f32 v26, v9  }
0x11d: {  	s31 =	smul.u32 $0x1800, s16;
	s1 =	simm.s32 $0x80;
	[tilespmem:s12+$0x170] =	vst v14;
	v14 =	vld [tilespmem:s12+$0x1570];
	v11 =	vmul.f32 v17, v8;
	v17 =	vmul.f32 v20, v9;
	v4 =	vadd.f32 v13, v10  }
0x11e: {  	s13 =	sand.u32 $0x380, s1;
	[tilespmem:s12+$0x110] =	vst v3;
	v16 =	vadd.f32 v26, v16;
	v5 =	vmul.f32 v15, v8;
	v10 =	vmul.f32 v19, v9  }
0x11f: {  	s31 =	sor.u32 s13, s31;
	v11 =	vadd.f32 v17, v11;
	[tilespmem:s12+$0x150] =	vst v4;
	v4 =	vmul.f32 v12, v8;
	v12 =	vmul.f32 v18, v9  }
0x120: {  	v3 =	vld [tilespmem:s31+$0x110];
	[tilespmem:s12+$0x510] =	vst v16;
	v5 =	vadd.f32 v10, v5  }
0x121: {  	v7 =	vmul.f32 v7, v9;
	v16 =	vld [tilespmem:s12+$0xD570];
	[tilespmem:s12+$0x1540] =	vst v11;
	v12 =	vadd.f32 v12, v4  }
0x122: {  	v10 =	vmul.f32 v14, v8;
	v8 =	vmul.f32 v6, v8;
	v4 =	vld [tilespmem:s31+$0xC110];
	[tilespmem:s12+$0x1550] =	vst v5  }
0x123: {  	v6 =	vld [tilespmem:s31+$0x120];
	[tilespmem:s12+$0x1560] =	vst v12  }
0x124: {  	v7 =	vadd.f32 v7, v8;
	v5 =	vld [tilespmem:s31+$0xC120]  }
0x125: {  	v8 =	vld [tilespmem:s31+$0x130]  }
0x126: {  	[tilespmem:s12+$0x100] =	vst v7;
	v18 =	vld [tilespmem:s31+$0x530]  }
0x127: {  	v11 =	vmul.f32 v16, v9;
	v26 =	vld [tilespmem:s31+$0x930]  }
0x128: {  	v36 =	vld [tilespmem:s31+$0xD30]  }
0x129: {  	v9 =	vadd.f32 v11, v10;
	v44 =	vld [tilespmem:s31+$0x1130]  }
0x12a: {  	v48 =	vld [tilespmem:s31+$0x1500]  }
0x12b: {  	[tilespmem:s12+$0x1570] =	vst v9;
	v50 =	vld [tilespmem:s31+$0x1510]  }
0x12c: {  	v7 =	vld [tilespmem:s31+$0xC130]  }
0x12d: {  	v10 =	vld [tilespmem:s31+$0x140]  }
0x12e: {  	v9 =	vld [tilespmem:s31+$0xC140]  }
0x12f: {  	v12 =	vld [tilespmem:s31+$0x150]  }
0x130: {  	v11 =	vld [tilespmem:s31+$0xC150]  }
0x131: {  	v13 =	vld [tilespmem:s31+$0x160]  }
0x132: {  	v14 =	vld [tilespmem:s31+$0x170]  }
0x133: {  	v15 =	vld [tilespmem:s31+$0x500]  }
0x134: {  	v16 =	vld [tilespmem:s31+$0x510]  }
0x135: {  	v17 =	vld [tilespmem:s31+$0x520]  }
0x136: {  	v19 =	vld [tilespmem:s31+$0x540]  }
0x137: {  	v20 =	vld [tilespmem:s31+$0x550]  }
0x138: {  	v21 =	vld [tilespmem:s31+$0x560]  }
0x139: {  	v22 =	vld [tilespmem:s31+$0x570]  }
0x13a: {  	v23 =	vld [tilespmem:s31+$0x900]  }
0x13b: {  	v24 =	vld [tilespmem:s31+$0x910]  }
0x13c: {  	v25 =	vld [tilespmem:s31+$0x920]  }
0x13d: {  	v27 =	vld [tilespmem:s31+$0x940]  }
0x13e: {  	v28 =	vld [tilespmem:s31+$0x950]  }
0x13f: {  	v29 =	vld [tilespmem:s31+$0x960]  }
0x140: {  	v30 =	vld [tilespmem:s31+$0x970]  }
0x141: {  	v32 =	vld [tilespmem:s31+$0xD00]  }
0x142: {  	v34 =	vld [tilespmem:s31+$0xD10]  }
0x143: {  	v35 =	vld [tilespmem:s31+$0xD20]  }
0x144: {  	v37 =	vld [tilespmem:s31+$0xD40]  }
0x145: {  	v38 =	vld [tilespmem:s31+$0xD50]  }
0x146: {  	v39 =	vld [tilespmem:s31+$0xD60]  }
0x147: {  	v40 =	vld [tilespmem:s31+$0xD70]  }
0x148: {  	v41 =	vld [tilespmem:s31+$0x1100]  }
0x149: {  	v42 =	vld [tilespmem:s31+$0x1110]  }
0x14a: {  	v43 =	vld [tilespmem:s31+$0x1120]  }
0x14b: {  	v45 =	vld [tilespmem:s31+$0x1140]  }
0x14c: {  	v46 =	vld [tilespmem:s31+$0x1150]  }
0x14d: {  	v47 =	vld [tilespmem:s31+$0x1160]  }
0x14e: {  	v49 =	vld [tilespmem:s31+$0xD510]  }
0x14f: {  	s12 =	simm.s32 $0x2;
	v51 =	vld [tilespmem:s31+$0xD530]  }
.LBB2_2:
0x150: {  	p0 =	sne.s32 s12, $0x1F;
	v52 =	vld [tilespmem:s31+$0x1530]  }
0x151: {  	s0 =	sadd.s32 $0x80, s0;
	v53 =	vld [tilespmem:s31+$0x1520]  }
0x152: {  	v33 =	vld [tilespmem:s0+$0xFFFFFFF0]  }
0x153: {  	v31 =	vld [tilespmem:s0+$0x0]  }
0x154: {  	v54 =	vld [tilespmem:s31+$0xD520]  }
0x155: {  	v55 =	vld [tilespmem:s31+$0xD500]  }
0x156: {  	v56 =	vld [tilespmem:s31+$0x1170]  }
0x157: {  	v57 =	vld [tilespmem:s31+$0xD170];
	v50 =	vmul.f32 v50, v33;
	v53 =	vmul.f32 v53, v33  }
0x158: {  	v52 =	vmul.f32 v52, v33;
	v58 =	vld [tilespmem:s31+$0xD160];
	v51 =	vmul.f32 v51, v31  }
0x159: {  	v49 =	vmul.f32 v49, v31;
	v59 =	vld [tilespmem:s31+$0xD150];
	v54 =	vmul.f32 v54, v31  }
0x15a: {  	v48 =	vmul.f32 v48, v33;
	v60 =	vld [tilespmem:s31+$0xD140];
	v55 =	vmul.f32 v55, v31;
	v51 =	vadd.f32 v51, v52  }
0x15b: {  	v49 =	vadd.f32 v49, v50;
	v52 =	vld [tilespmem:s31+$0xD130];
	v56 =	vmul.f32 v56, v33;
	v50 =	vadd.f32 v54, v53  }
0x15c: {  	v47 =	vmul.f32 v47, v33;
	v53 =	vld [tilespmem:s31+$0xD120];
	v54 =	vmul.f32 v57, v31;
	v48 =	vadd.f32 v55, v48;
	[tilespmem:s31+$0x1530] =	vst v51  }
0x15d: {  	v46 =	vmul.f32 v46, v33;
	v51 =	vld [tilespmem:s31+$0xD110];
	v55 =	vmul.f32 v58, v31;
	[tilespmem:s31+$0x1520] =	vst v50  }
0x15e: {  	v45 =	vmul.f32 v45, v33;
	v50 =	vld [tilespmem:s31+$0xD100];
	v57 =	vmul.f32 v59, v31;
	v54 =	vadd.f32 v54, v56;
	[tilespmem:s31+$0x1510] =	vst v49  }
0x15f: {  	v44 =	vmul.f32 v44, v33;
	v49 =	vld [tilespmem:s31+$0xCD70];
	v56 =	vmul.f32 v60, v31;
	v47 =	vadd.f32 v55, v47;
	[tilespmem:s31+$0x1500] =	vst v48  }
0x160: {  	v43 =	vmul.f32 v43, v33;
	v48 =	vld [tilespmem:s31+$0xCD60];
	v52 =	vmul.f32 v52, v31;
	v46 =	vadd.f32 v57, v46;
	[tilespmem:s31+$0x1170] =	vst v54  }
0x161: {  	v42 =	vmul.f32 v42, v33;
	v54 =	vld [tilespmem:s31+$0xCD50];
	v53 =	vmul.f32 v53, v31;
	v45 =	vadd.f32 v56, v45;
	[tilespmem:s31+$0x1160] =	vst v47  }
0x162: {  	v41 =	vmul.f32 v41, v33;
	v47 =	vld [tilespmem:s31+$0xCD40];
	v51 =	vmul.f32 v51, v31;
	v44 =	vadd.f32 v52, v44;
	[tilespmem:s31+$0x1150] =	vst v46  }
0x163: {  	v40 =	vmul.f32 v40, v33;
	v46 =	vld [tilespmem:s31+$0xCD30];
	v50 =	vmul.f32 v50, v31;
	v43 =	vadd.f32 v53, v43;
	[tilespmem:s31+$0x1140] =	vst v45  }
0x164: {  	v39 =	vmul.f32 v39, v33;
	v45 =	vld [tilespmem:s31+$0xCD20];
	v49 =	vmul.f32 v49, v31;
	v42 =	vadd.f32 v51, v42;
	[tilespmem:s31+$0x1130] =	vst v44  }
0x165: {  	v38 =	vmul.f32 v38, v33;
	v44 =	vld [tilespmem:s31+$0xCD10];
	v48 =	vmul.f32 v48, v31;
	v41 =	vadd.f32 v50, v41;
	[tilespmem:s31+$0x1120] =	vst v43  }
0x166: {  	v37 =	vmul.f32 v37, v33;
	v43 =	vld [tilespmem:s31+$0xCD00];
	v50 =	vmul.f32 v54, v31;
	v40 =	vadd.f32 v49, v40;
	[tilespmem:s31+$0x1110] =	vst v42  }
0x167: {  	v36 =	vmul.f32 v36, v33;
	v42 =	vld [tilespmem:s31+$0xC970];
	v47 =	vmul.f32 v47, v31;
	v39 =	vadd.f32 v48, v39;
	[tilespmem:s31+$0x1100] =	vst v41  }
0x168: {  	v35 =	vmul.f32 v35, v33;
	v41 =	vld [tilespmem:s31+$0xC960];
	v46 =	vmul.f32 v46, v31;
	v38 =	vadd.f32 v50, v38;
	[tilespmem:s31+$0xD70] =	vst v40  }
0x169: {  	v34 =	vmul.f32 v34, v33;
	v40 =	vld [tilespmem:s31+$0xC950];
	v45 =	vmul.f32 v45, v31;
	v37 =	vadd.f32 v47, v37;
	[tilespmem:s31+$0xD60] =	vst v39  }
0x16a: {  	v32 =	vmul.f32 v32, v33;
	v39 =	vld [tilespmem:s31+$0xC940];
	v44 =	vmul.f32 v44, v31;
	v36 =	vadd.f32 v46, v36;
	[tilespmem:s31+$0xD50] =	vst v38  }
0x16b: {  	v30 =	vmul.f32 v30, v33;
	v38 =	vld [tilespmem:s31+$0xC930];
	v43 =	vmul.f32 v43, v31;
	v35 =	vadd.f32 v45, v35;
	[tilespmem:s31+$0xD40] =	vst v37  }
0x16c: {  	v29 =	vmul.f32 v29, v33;
	v37 =	vld [tilespmem:s31+$0xC920];
	v42 =	vmul.f32 v42, v31;
	v34 =	vadd.f32 v44, v34;
	[tilespmem:s31+$0xD30] =	vst v36  }
0x16d: {  	v28 =	vmul.f32 v28, v33;
	v36 =	vld [tilespmem:s31+$0xC910];
	v41 =	vmul.f32 v41, v31;
	v32 =	vadd.f32 v43, v32;
	[tilespmem:s31+$0xD20] =	vst v35  }
0x16e: {  	v27 =	vmul.f32 v27, v33;
	v35 =	vld [tilespmem:s31+$0xC900];
	v40 =	vmul.f32 v40, v31;
	v30 =	vadd.f32 v42, v30;
	[tilespmem:s31+$0xD10] =	vst v34  }
0x16f: {  	v26 =	vmul.f32 v26, v33;
	v34 =	vld [tilespmem:s31+$0xC570];
	v39 =	vmul.f32 v39, v31;
	v29 =	vadd.f32 v41, v29;
	[tilespmem:s31+$0xD00] =	vst v32  }
0x170: {  	v25 =	vmul.f32 v25, v33;
	v32 =	vld [tilespmem:s31+$0xC560];
	v38 =	vmul.f32 v38, v31;
	v28 =	vadd.f32 v40, v28;
	[tilespmem:s31+$0x970] =	vst v30  }
0x171: {  	v24 =	vmul.f32 v24, v33;
	v30 =	vld [tilespmem:s31+$0xC550];
	v37 =	vmul.f32 v37, v31;
	v27 =	vadd.f32 v39, v27;
	[tilespmem:s31+$0x960] =	vst v29  }
0x172: {  	v23 =	vmul.f32 v23, v33;
	v29 =	vld [tilespmem:s31+$0xC540];
	v36 =	vmul.f32 v36, v31;
	v26 =	vadd.f32 v38, v26;
	[tilespmem:s31+$0x950] =	vst v28  }
0x173: {  	v22 =	vmul.f32 v22, v33;
	v28 =	vld [tilespmem:s31+$0xC530];
	v35 =	vmul.f32 v35, v31;
	v25 =	vadd.f32 v37, v25;
	[tilespmem:s31+$0x940] =	vst v27  }
0x174: {  	v21 =	vmul.f32 v21, v33;
	v27 =	vld [tilespmem:s31+$0xC520];
	v34 =	vmul.f32 v34, v31;
	v24 =	vadd.f32 v36, v24;
	[tilespmem:s31+$0x930] =	vst v26  }
0x175: {  	v20 =	vmul.f32 v20, v33;
	v26 =	vld [tilespmem:s31+$0xC510];
	v32 =	vmul.f32 v32, v31;
	v23 =	vadd.f32 v35, v23;
	[tilespmem:s31+$0x920] =	vst v25  }
0x176: {  	v19 =	vmul.f32 v19, v33;
	v25 =	vld [tilespmem:s31+$0xC500];
	v30 =	vmul.f32 v30, v31;
	v22 =	vadd.f32 v34, v22;
	[tilespmem:s31+$0x910] =	vst v24  }
0x177: {  	v18 =	vmul.f32 v18, v33;
	v24 =	vld [tilespmem:s31+$0xC170];
	v29 =	vmul.f32 v29, v31;
	v21 =	vadd.f32 v32, v21;
	[tilespmem:s31+$0x900] =	vst v23  }
0x178: {  	v17 =	vmul.f32 v17, v33;
	v23 =	vld [tilespmem:s31+$0xC160];
	v28 =	vmul.f32 v28, v31;
	v20 =	vadd.f32 v30, v20;
	[tilespmem:s31+$0x570] =	vst v22  }
0x179: {  	v16 =	vmul.f32 v16, v33;
	v22 =	vmul.f32 v27, v31;
	v19 =	vadd.f32 v29, v19;
	[tilespmem:s31+$0x560] =	vst v21;
	v21 =	vld [tilespmem:s31+$0xD540]  }
0x17a: {  	v15 =	vmul.f32 v15, v33;
	v26 =	vmul.f32 v26, v31;
	v18 =	vadd.f32 v28, v18;
	[tilespmem:s31+$0x550] =	vst v20;
	v20 =	vld [tilespmem:s31+$0xD550]  }
0x17b: {  	v14 =	vmul.f32 v14, v33;
	v25 =	vmul.f32 v25, v31;
	v17 =	vadd.f32 v22, v17;
	[tilespmem:s31+$0x540] =	vst v19;
	v19 =	vld [tilespmem:s31+$0xD560]  }
0x17c: {  	v13 =	vmul.f32 v13, v33;
	v22 =	vmul.f32 v24, v31;
	v16 =	vadd.f32 v26, v16;
	[tilespmem:s31+$0x530] =	vst v18;
	v18 =	vld [tilespmem:s31+$0xD570]  }
0x17d: {  	v12 =	vmul.f32 v12, v33;
	v23 =	vmul.f32 v23, v31;
	v15 =	vadd.f32 v25, v15;
	[tilespmem:s31+$0x520] =	vst v17;
	v17 =	vld [tilespmem:s31+$0x1540]  }
0x17e: {  	v10 =	vmul.f32 v10, v33;
	v11 =	vmul.f32 v11, v31;
	v14 =	vadd.f32 v22, v14;
	[tilespmem:s31+$0x510] =	vst v16;
	v16 =	vld [tilespmem:s31+$0x1550]  }
0x17f: {  	v8 =	vmul.f32 v8, v33;
	v9 =	vmul.f32 v9, v31;
	v13 =	vadd.f32 v23, v13;
	[tilespmem:s31+$0x500] =	vst v15;
	v15 =	vld [tilespmem:s31+$0x1560]  }
0x180: {  	v6 =	vmul.f32 v6, v33;
	v7 =	vmul.f32 v7, v31;
	v11 =	vadd.f32 v11, v12;
	[tilespmem:s31+$0x170] =	vst v14;
	v12 =	vld [tilespmem:s31+$0x1570]  }
0x181: {  	v3 =	vmul.f32 v3, v33;
	v5 =	vmul.f32 v5, v31;
	v9 =	vadd.f32 v9, v10;
	v14 =	vld [tilespmem:s31+$0x100];
	[tilespmem:s31+$0x160] =	vst v13  }
0x182: {  	v4 =	vmul.f32 v4, v31;
	v7 =	vadd.f32 v7, v8;
	v10 =	vld [tilespmem:s31+$0xC100];
	[tilespmem:s31+$0x150] =	vst v11;
	v8 =	vmul.f32 v17, v33  }
0x183: {  	s13 =	sshrl.u32 s12, $0x3;
	v5 =	vadd.f32 v5, v6;
	v6 =	vmul.f32 v21, v31;
	[tilespmem:s31+$0x140] =	vst v9;
	v9 =	vmul.f32 v16, v33  }
0x184: {  	s1 =	sadd.s32 $0x80, s1;
	s13 =	smul.u32 $0x1800, s13;
	v3 =	vadd.f32 v4, v3;
	v4 =	vmul.f32 v20, v31;
	[tilespmem:s31+$0x130] =	vst v7;
	v7 =	vmul.f32 v15, v33  }
0x185: {  	s16 =	sand.u32 $0x380, s1;
	[tilespmem:s31+$0x120] =	vst v5;
	v5 =	vadd.f32 v6, v8;
	v6 =	vmul.f32 v19, v31;
	v8 =	vmul.f32 v12, v33  }
0x186: {  	s13 =	sor.u32 s16, s13;
	v9 =	vadd.f32 v4, v9;
	v12 =	vmul.f32 v18, v31;
	v11 =	vmul.f32 v14, v33;
	[tilespmem:s31+$0x110] =	vst v3  }
0x187: {  	v3 =	vld [tilespmem:s13+$0x110];
	v10 =	vmul.f32 v10, v31;
	[tilespmem:s31+$0x1540] =	vst v5;
	v5 =	vadd.f32 v6, v7  }
0x188: {  	v7 =	vadd.f32 v12, v8;
	v4 =	vld [tilespmem:s13+$0xC110];
	[tilespmem:s31+$0x1550] =	vst v9  }
0x189: {  	v6 =	vld [tilespmem:s13+$0x120];
	v9 =	vadd.f32 v10, v11;
	[tilespmem:s31+$0x1560] =	vst v5  }
0x18a: {  	v5 =	vld [tilespmem:s13+$0xC120];
	[tilespmem:s31+$0x1570] =	vst v7  }
0x18b: {  	v8 =	vld [tilespmem:s13+$0x130];
	[tilespmem:s31+$0x100] =	vst v9;
	s31 =	smov.u32 s13  }
0x18c: {  	v7 =	vld [tilespmem:s31+$0xC130]  }
0x18d: {  	v10 =	vld [tilespmem:s31+$0x140]  }
0x18e: {  	v9 =	vld [tilespmem:s31+$0xC140]  }
0x18f: {  	v12 =	vld [tilespmem:s31+$0x150]  }
0x190: {  	v11 =	vld [tilespmem:s31+$0xC150]  }
0x191: {  	v13 =	vld [tilespmem:s31+$0x160]  }
0x192: {  	v14 =	vld [tilespmem:s31+$0x170]  }
0x193: {  	v15 =	vld [tilespmem:s31+$0x500]  }
0x194: {  	v16 =	vld [tilespmem:s31+$0x510]  }
0x195: {  	v17 =	vld [tilespmem:s31+$0x520]  }
0x196: {  	v18 =	vld [tilespmem:s31+$0x530]  }
0x197: {  	v19 =	vld [tilespmem:s31+$0x540]  }
0x198: {  	v20 =	vld [tilespmem:s31+$0x550]  }
0x199: {  	v21 =	vld [tilespmem:s31+$0x560]  }
0x19a: {  	v22 =	vld [tilespmem:s31+$0x570]  }
0x19b: {  	v23 =	vld [tilespmem:s31+$0x900]  }
0x19c: {  	v24 =	vld [tilespmem:s31+$0x910]  }
0x19d: {  	v25 =	vld [tilespmem:s31+$0x920]  }
0x19e: {  	v26 =	vld [tilespmem:s31+$0x930]  }
0x19f: {  	v27 =	vld [tilespmem:s31+$0x940]  }
0x1a0: {  	v28 =	vld [tilespmem:s31+$0x950]  }
0x1a1: {  	v29 =	vld [tilespmem:s31+$0x960]  }
0x1a2: {  	v30 =	vld [tilespmem:s31+$0x970]  }
0x1a3: {  	v32 =	vld [tilespmem:s31+$0xD00]  }
0x1a4: {  	v34 =	vld [tilespmem:s31+$0xD10]  }
0x1a5: {  	v35 =	vld [tilespmem:s31+$0xD20]  }
0x1a6: {  	v36 =	vld [tilespmem:s31+$0xD30]  }
0x1a7: {  	v37 =	vld [tilespmem:s31+$0xD40]  }
0x1a8: {  	v38 =	vld [tilespmem:s31+$0xD50]  }
0x1a9: {  	v39 =	vld [tilespmem:s31+$0xD60]  }
0x1aa: {  	v40 =	vld [tilespmem:s31+$0xD70]  }
0x1ab: {  	v41 =	vld [tilespmem:s31+$0x1100]  }
0x1ac: {  	v42 =	vld [tilespmem:s31+$0x1110]  }
0x1ad: {  	v43 =	vld [tilespmem:s31+$0x1120]  }
0x1ae: {  	v44 =	vld [tilespmem:s31+$0x1130]  }
0x1af: {  	v45 =	vld [tilespmem:s31+$0x1140]  }
0x1b0: {  	v46 =	vld [tilespmem:s31+$0x1150]  }
.Ltmp0:
0x1b1: {  	v47 =	vld [tilespmem:s31+$0x1160];
	(pc) =	sbr.rel @p0 .LBB2_2-.Ltmp0, $4  }
0x1b2: {  	v48 =	vld [tilespmem:s31+$0x1500]  }
0x1b3: {  	v50 =	vld [tilespmem:s31+$0x1510]  }
0x1b4: {  	v49 =	vld [tilespmem:s31+$0xD510]  }
0x1b5: {  	s12 =	sadd.s32 $0x1, s12;
	v51 =	vld [tilespmem:s31+$0xD530]  }
0x1b6: {  	v52 =	vld [tilespmem:s31+$0x1530]  }
0x1b7: {  	v53 =	vld [tilespmem:s31+$0x1520];
	s0 =	sadd.s32 $0x80, s0  }
0x1b8: {  	v31 =	vld [tilespmem:s0+$0xFFFFFFF0]  }
0x1b9: {  	v33 =	vld [tilespmem:s0+$0x0]  }
0x1ba: {  	v54 =	vld [tilespmem:s31+$0xD520]  }
0x1bb: {  	v55 =	vld [tilespmem:s31+$0xD500]  }
0x1bc: {  	v56 =	vld [tilespmem:s31+$0x1170]  }
0x1bd: {  	v57 =	vld [tilespmem:s31+$0xD170];
	v52 =	vmul.f32 v52, v31  }
0x1be: {  	v58 =	vld [tilespmem:s31+$0xD160];
	v51 =	vmul.f32 v51, v33;
	v53 =	vmul.f32 v53, v31  }
0x1bf: {  	v54 =	vmul.f32 v54, v33;
	v50 =	vmul.f32 v50, v31  }
0x1c0: {  	v49 =	vmul.f32 v49, v33;
	v48 =	vmul.f32 v48, v31  }
0x1c1: {  	v59 =	vld [tilespmem:s31+$0xD150];
	v62 =	vmul.f32 v55, v33;
	v63 =	vmul.f32 v56, v31  }
0x1c2: {  	v60 =	vld [tilespmem:s31+$0xD140];
	v57 =	vmul.f32 v57, v33;
	v47 =	vmul.f32 v47, v31;
	v51 =	vadd.f32 v51, v52  }
0x1c3: {  	v61 =	vld [tilespmem:s31+$0xD120];
	v58 =	vmul.f32 v58, v33;
	v46 =	vmul.f32 v46, v31;
	v53 =	vadd.f32 v54, v53  }
0x1c4: {  	v45 =	vmul.f32 v45, v31;
	v44 =	vmul.f32 v44, v31;
	v52 =	vld [tilespmem:s31+$0xD130];
	v49 =	vadd.f32 v49, v50;
	[tilespmem:s31+$0x1530] =	vst v51  }
0x1c5: {  	v43 =	vmul.f32 v43, v31;
	v42 =	vmul.f32 v42, v31;
	v50 =	vld [tilespmem:s31+$0xD100];
	v48 =	vadd.f32 v62, v48;
	[tilespmem:s31+$0x1520] =	vst v53  }
0x1c6: {  	v41 =	vmul.f32 v41, v31;
	v62 =	vmul.f32 v59, v33;
	v47 =	vadd.f32 v58, v47;
	v59 =	vld [tilespmem:s31+$0xCD20];
	[tilespmem:s31+$0x1510] =	vst v49  }
0x1c7: {  	v40 =	vmul.f32 v40, v31;
	v51 =	vld [tilespmem:s31+$0xD110];
	v53 =	vadd.f32 v57, v63;
	[tilespmem:s31+$0x1500] =	vst v48;
	v63 =	vmul.f32 v60, v33  }
0x1c8: {  	v39 =	vmul.f32 v39, v31;
	v58 =	vmul.f32 v61, v33;
	v49 =	vld [tilespmem:s31+$0xCD70];
	v46 =	vadd.f32 v62, v46;
	[tilespmem:s31+$0x1160] =	vst v47  }
0x1c9: {  	v38 =	vmul.f32 v38, v31;
	v48 =	vld [tilespmem:s31+$0xCD60];
	[tilespmem:s31+$0x1170] =	vst v53;
	v45 =	vadd.f32 v63, v45;
	v52 =	vmul.f32 v52, v33  }
0x1ca: {  	v37 =	vmul.f32 v37, v31;
	v47 =	vld [tilespmem:s31+$0xCD40];
	v43 =	vadd.f32 v58, v43;
	[tilespmem:s31+$0x1150] =	vst v46;
	v50 =	vmul.f32 v50, v33  }
0x1cb: {  	v35 =	vmul.f32 v35, v31;
	v57 =	vld [tilespmem:s31+$0xCD30];
	[tilespmem:s31+$0x1140] =	vst v45;
	v45 =	vmul.f32 v59, v33;
	v44 =	vadd.f32 v52, v44  }
0x1cc: {  	v36 =	vmul.f32 v36, v31;
	v53 =	vld [tilespmem:s31+$0xCD50];
	[tilespmem:s31+$0x1120] =	vst v43;
	v51 =	vmul.f32 v51, v33;
	v41 =	vadd.f32 v50, v41  }
0x1cd: {  	v34 =	vmul.f32 v34, v31;
	v60 =	vld [tilespmem:s31+$0xCD10];
	v49 =	vmul.f32 v49, v33;
	v35 =	vadd.f32 v45, v35;
	[tilespmem:s31+$0x1130] =	vst v44  }
0x1ce: {  	v30 =	vmul.f32 v30, v31;
	v63 =	vld [tilespmem:s31+$0xC960];
	v48 =	vmul.f32 v48, v33;
	v42 =	vadd.f32 v51, v42;
	[tilespmem:s31+$0x1100] =	vst v41  }
0x1cf: {  	v29 =	vmul.f32 v29, v31;
	v58 =	vld [tilespmem:s31+$0xC900];
	v47 =	vmul.f32 v47, v33;
	v40 =	vadd.f32 v49, v40;
	[tilespmem:s31+$0xD20] =	vst v35  }
0x1d0: {  	v28 =	vmul.f32 v28, v31;
	v62 =	vld [tilespmem:s31+$0xC970];
	v46 =	vmul.f32 v57, v33;
	v39 =	vadd.f32 v48, v39;
	[tilespmem:s31+$0x1110] =	vst v42  }
0x1d1: {  	v27 =	vmul.f32 v27, v31;
	v54 =	vld [tilespmem:s31+$0xC940];
	v52 =	vmul.f32 v53, v33;
	v37 =	vadd.f32 v47, v37;
	[tilespmem:s31+$0xD70] =	vst v40  }
0x1d2: {  	v26 =	vmul.f32 v26, v31;
	v53 =	vld [tilespmem:s31+$0xC950];
	v36 =	vadd.f32 v46, v36;
	v44 =	vmul.f32 v60, v33;
	[tilespmem:s31+$0xD60] =	vst v39  }
0x1d3: {  	v25 =	vmul.f32 v25, v31;
	v57 =	vld [tilespmem:s31+$0xC910];
	v41 =	vmul.f32 v63, v33;
	v38 =	vadd.f32 v52, v38;
	[tilespmem:s31+$0xD40] =	vst v37  }
0x1d4: {  	v55 =	vld [tilespmem:s31+$0xC930];
	v23 =	vmul.f32 v23, v31;
	v35 =	vmul.f32 v58, v33;
	[tilespmem:s31+$0xD30] =	vst v36;
	v34 =	vadd.f32 v44, v34  }
0x1d5: {  	v24 =	vmul.f32 v24, v31;
	v59 =	vld [tilespmem:s31+$0xC570];
	v42 =	vmul.f32 v62, v33;
	v29 =	vadd.f32 v41, v29;
	[tilespmem:s31+$0xD50] =	vst v38  }
0x1d6: {  	v56 =	vld [tilespmem:s31+$0xC920];
	v22 =	vmul.f32 v22, v31;
	v39 =	vmul.f32 v54, v33;
	v23 =	vadd.f32 v35, v23;
	[tilespmem:s31+$0xD10] =	vst v34  }
0x1d7: {  	v21 =	vmul.f32 v21, v31;
	v60 =	vld [tilespmem:s31+$0xC560];
	v30 =	vadd.f32 v42, v30;
	[tilespmem:s31+$0x960] =	vst v29;
	v40 =	vmul.f32 v53, v33  }
0x1d8: {  	v20 =	vmul.f32 v20, v31;
	v36 =	vmul.f32 v57, v33;
	v29 =	vld [tilespmem:s31+$0xC540];
	v27 =	vadd.f32 v39, v27;
	[tilespmem:s31+$0x900] =	vst v23  }
0x1d9: {  	v19 =	vmul.f32 v19, v31;
	v38 =	vmul.f32 v55, v33;
	[tilespmem:s31+$0x970] =	vst v30;
	v30 =	vld [tilespmem:s31+$0xC550];
	v28 =	vadd.f32 v40, v28  }
0x1da: {  	v10 =	vmul.f32 v10, v31;
	v61 =	vld [tilespmem:s31+$0xCD00];
	v34 =	vmul.f32 v59, v33;
	v24 =	vadd.f32 v36, v24;
	[tilespmem:s31+$0x940] =	vst v27  }
0x1db: {  	v9 =	vmul.f32 v9, v33;
	v37 =	vmul.f32 v56, v33;
	v26 =	vadd.f32 v38, v26;
	[tilespmem:s31+$0x950] =	vst v28;
	v28 =	vld [tilespmem:s31+$0xC530]  }
0x1dc: {  	v12 =	vmul.f32 v12, v31;
	v11 =	vmul.f32 v11, v33;
	v27 =	vld [tilespmem:s31+$0xC520];
	v22 =	vadd.f32 v34, v22;
	[tilespmem:s31+$0x910] =	vst v24  }
0x1dd: {  	v9 =	vadd.f32 v9, v10;
	v10 =	vld [tilespmem:s31+$0xC100];
	v25 =	vadd.f32 v37, v25;
	v24 =	vmul.f32 v60, v33;
	[tilespmem:s31+$0x930] =	vst v26  }
0x1de: {  	v11 =	vadd.f32 v11, v12;
	v26 =	vld [tilespmem:s31+$0xC510];
	[tilespmem:s31+$0x570] =	vst v22;
	v22 =	vmul.f32 v29, v33;
	v23 =	vmul.f32 v30, v33  }
0x1df: {  	v18 =	vmul.f32 v18, v31;
	v43 =	vmul.f32 v61, v33;
	[tilespmem:s31+$0x920] =	vst v25;
	v25 =	vld [tilespmem:s31+$0xC500];
	v21 =	vadd.f32 v24, v21  }
0x1e0: {  	[tilespmem:s31+$0x150] =	vst v11;
	v61 =	vld [tilespmem:s31+$0xC170];
	v19 =	vadd.f32 v22, v19;
	v20 =	vadd.f32 v23, v20;
	v23 =	vmul.f32 v28, v33  }
0x1e1: {  	v17 =	vmul.f32 v17, v31;
	v24 =	vld [tilespmem:s31+$0xC160];
	[tilespmem:s31+$0x560] =	vst v21;
	v22 =	vmul.f32 v27, v33  }
0x1e2: {  	v21 =	vld [tilespmem:s31+$0xD540];
	[tilespmem:s31+$0x540] =	vst v19;
	v18 =	vadd.f32 v23, v18  }
0x1e3: {  	v16 =	vmul.f32 v16, v31;
	v19 =	vld [tilespmem:s31+$0xD560];
	v17 =	vadd.f32 v22, v17;
	[tilespmem:s31+$0x550] =	vst v20;
	v23 =	vmul.f32 v26, v33  }
0x1e4: {  	v15 =	vmul.f32 v15, v31;
	v22 =	vld [tilespmem:s31+$0xD570];
	[tilespmem:s31+$0x530] =	vst v18;
	v18 =	vmul.f32 v25, v33  }
0x1e5: {  	v14 =	vmul.f32 v14, v31;
	v20 =	vld [tilespmem:s31+$0xD550];
	[tilespmem:s31+$0x520] =	vst v17;
	v17 =	vmul.f32 v61, v33;
	v16 =	vadd.f32 v23, v16  }
0x1e6: {  	v8 =	vmul.f32 v8, v31;
	v7 =	vmul.f32 v7, v33;
	[tilespmem:s31+$0x140] =	vst v9;
	v15 =	vadd.f32 v18, v15;
	v18 =	vld [tilespmem:s31+$0x1540]  }
0x1e7: {  	v6 =	vmul.f32 v6, v31;
	v5 =	vmul.f32 v5, v33;
	v14 =	vadd.f32 v17, v14;
	[tilespmem:s31+$0x510] =	vst v16;
	v16 =	vld [tilespmem:s31+$0x1550]  }
0x1e8: {  	v3 =	vmul.f32 v3, v31;
	v4 =	vmul.f32 v4, v33;
	v7 =	vadd.f32 v7, v8;
	[tilespmem:s31+$0x500] =	vst v15;
	v15 =	vld [tilespmem:s31+$0x1560]  }
0x1e9: {  	v32 =	vmul.f32 v32, v31;
	v5 =	vadd.f32 v5, v6;
	[tilespmem:s31+$0x170] =	vst v14;
	v14 =	vld [tilespmem:s31+$0x1570]  }
0x1ea: {  	v13 =	vmul.f32 v13, v31;
	v12 =	vld [tilespmem:s31+$0x100];
	v3 =	vadd.f32 v4, v3;
	[tilespmem:s31+$0x130] =	vst v7;
	v23 =	vmul.f32 v24, v33  }
0x1eb: {  	[tilespmem:s31+$0x120] =	vst v5;
	v32 =	vadd.f32 v43, v32;
	v6 =	vmul.f32 v21, v33;
	v8 =	vmul.f32 v18, v31  }
0x1ec: {  	[tilespmem:s31+$0x110] =	vst v3;
	v13 =	vadd.f32 v23, v13;
	v4 =	vmul.f32 v20, v33;
	v9 =	vmul.f32 v16, v31  }
0x1ed: {  	[tilespmem:s31+$0xD00] =	vst v32;
	v7 =	vmul.f32 v15, v31;
	v5 =	vadd.f32 v6, v8;
	v6 =	vmul.f32 v19, v33  }
0x1ee: {  	[tilespmem:s31+$0x160] =	vst v13;
	v8 =	vmul.f32 v14, v31;
	v3 =	vadd.f32 v4, v9;
	v4 =	vmul.f32 v22, v33  }
0x1ef: {  	v10 =	vmul.f32 v10, v33;
	v9 =	vmul.f32 v12, v31;
	[tilespmem:s31+$0x1540] =	vst v5;
	v5 =	vadd.f32 v6, v7  }
0x1f0: {  	[tilespmem:s31+$0x1550] =	vst v3;
	v3 =	vadd.f32 v4, v8  }
0x1f1: {  	v4 =	vadd.f32 v10, v9;
	[tilespmem:s31+$0x1560] =	vst v5  }
0x1f2: {  	[tilespmem:s31+$0x1570] =	vst v3  }
0x1f3: {  	[tilespmem:s31+$0x100] =	vst v4  }
0x1f4: {  	[hbm4b:s9+s2] =	stream.linear.scatter [tilespmem:s15], [sflag:$0x4], $0x6000, $0x38;
	[tilespmem:$0x1A100] =	vst v63  }
0x1f5: {  	_ =	swait.ge [sflag:s28], $0x6000  }
0x1f6: {  	[sflag:s28] =	ssyncset.done $0x0  }
0x1f7: {  	s16 =	simm.s32 $0x4;
	[sflag:s28] =	ssyncadd.s32 $0xFFFFA000  }
0x1f8: {  	s1 =	simm.s32 $0x1000;
	s0 =	smul.u32 $0x1800, s16;
	_ =	swait.ge [sflag:s28], $0x6000  }
0x1f9: {  	s1 =	sand.u32 $0x380, s1;
	[sflag:s28] =	ssyncset.done $0x0  }
0x1fa: {  	s1 =	sor.u32 s1, s0;
	[sflag:s28] =	ssyncadd.s32 $0xFFFFA000  }
0x1fb: {  	v4 =	vld [tilespmem:s1+$0x110]  }
0x1fc: {  	v3 =	vld [tilespmem:s1+$0xC110]  }
0x1fd: {  	v6 =	vld [tilespmem:s1+$0x120]  }
0x1fe: {  	v5 =	vld [tilespmem:s1+$0xC120]  }
0x1ff: {  	v10 =	vld [tilespmem:s1+$0x130]  }
0x200: {  	v7 =	vld [tilespmem:s1+$0xC130]  }
0x201: {  	v12 =	vld [tilespmem:s1+$0x140]  }
0x202: {  	v11 =	vld [tilespmem:s1+$0xC140]  }
0x203: {  	v13 =	vld [tilespmem:s1+$0x160]  }
0x204: {  	v14 =	vld [tilespmem:s1+$0x170]  }
0x205: {  	v15 =	vld [tilespmem:s1+$0x500]  }
0x206: {  	v16 =	vld [tilespmem:s1+$0x510]  }
0x207: {  	v17 =	vld [tilespmem:s1+$0x520]  }
0x208: {  	v18 =	vld [tilespmem:s1+$0x530]  }
0x209: {  	v19 =	vld [tilespmem:s1+$0x540]  }
0x20a: {  	v20 =	vld [tilespmem:s1+$0x550]  }
0x20b: {  	v21 =	vld [tilespmem:s1+$0x560]  }
0x20c: {  	v22 =	vld [tilespmem:s1+$0x570]  }
0x20d: {  	v23 =	vld [tilespmem:s1+$0x900]  }
0x20e: {  	v24 =	vld [tilespmem:s1+$0x910]  }
0x20f: {  	v25 =	vld [tilespmem:s1+$0x920]  }
0x210: {  	v26 =	vld [tilespmem:s1+$0x930]  }
0x211: {  	v27 =	vld [tilespmem:s1+$0x940]  }
0x212: {  	v28 =	vld [tilespmem:s1+$0x950]  }
0x213: {  	v29 =	vld [tilespmem:s1+$0x960]  }
0x214: {  	v30 =	vld [tilespmem:s1+$0x970]  }
0x215: {  	v31 =	vld [tilespmem:s1+$0xD00]  }
0x216: {  	v32 =	vld [tilespmem:s1+$0xD10]  }
0x217: {  	v33 =	vld [tilespmem:s1+$0xD20]  }
0x218: {  	v34 =	vld [tilespmem:s1+$0xD30]  }
0x219: {  	v35 =	vld [tilespmem:s1+$0xD40]  }
0x21a: {  	v36 =	vld [tilespmem:s1+$0xD50]  }
0x21b: {  	v37 =	vld [tilespmem:s1+$0xD60]  }
0x21c: {  	v38 =	vld [tilespmem:s1+$0xD70]  }
0x21d: {  	v39 =	vld [tilespmem:s1+$0x1100]  }
0x21e: {  	v40 =	vld [tilespmem:s1+$0x1110]  }
0x21f: {  	v41 =	vld [tilespmem:s1+$0x1120]  }
0x220: {  	v42 =	vld [tilespmem:s1+$0x1130]  }
0x221: {  	v43 =	vld [tilespmem:s1+$0x1140]  }
0x222: {  	v44 =	vld [tilespmem:s1+$0x1150]  }
0x223: {  	v45 =	vld [tilespmem:s1+$0x1160]  }
0x224: {  	v46 =	vld [tilespmem:s1+$0x1500]  }
0x225: {  	v47 =	vld [tilespmem:s1+$0x1510]  }
0x226: {  	v48 =	vld [tilespmem:s1+$0xD510]  }
0x227: {  	v49 =	vld [tilespmem:s1+$0xD530]  }
0x228: {  	v50 =	vld [tilespmem:s1+$0x1530]  }
0x229: {  	s0 =	simm.s32 $0x19110;
	v51 =	vld [tilespmem:s1+$0x1520]  }
0x22a: {  	v8 =	vld [tilespmem:s0+$0xFFFFFFF0]  }
0x22b: {  	v9 =	vld [tilespmem:s0+$0x0]  }
0x22c: {  	v52 =	vld [tilespmem:s1+$0xD520]  }
0x22d: {  	v62 =	vld [tilespmem:s1+$0xD500]  }
0x22e: {  	v63 =	vld [tilespmem:s1+$0x1170]  }
0x22f: {  	v60 =	vld [tilespmem:s1+$0xD170];
	v50 =	vmul.f32 v50, v8  }
0x230: {  	v61 =	vld [tilespmem:s1+$0xD160];
	v49 =	vmul.f32 v49, v9;
	v51 =	vmul.f32 v51, v8  }
0x231: {  	v57 =	vld [tilespmem:s1+$0xD150];
	v52 =	vmul.f32 v52, v9;
	v47 =	vmul.f32 v47, v8  }
0x232: {  	v58 =	vld [tilespmem:s1+$0xD140];
	v48 =	vmul.f32 v48, v9;
	v46 =	vmul.f32 v46, v8;
	v49 =	vadd.f32 v49, v50  }
0x233: {  	v53 =	vld [tilespmem:s1+$0xD130];
	v62 =	vmul.f32 v62, v9;
	v63 =	vmul.f32 v63, v8;
	v51 =	vadd.f32 v52, v51  }
0x234: {  	v56 =	vld [tilespmem:s1+$0xCD60];
	v59 =	vmul.f32 v60, v9;
	v45 =	vmul.f32 v45, v8;
	v47 =	vadd.f32 v48, v47;
	[tilespmem:s1+$0x1530] =	vst v49  }
0x235: {  	v55 =	vld [tilespmem:s1+$0xC970];
	v60 =	vmul.f32 v61, v9;
	v44 =	vmul.f32 v44, v8;
	v46 =	vadd.f32 v62, v46;
	[tilespmem:s1+$0x1520] =	vst v51  }
0x236: {  	v61 =	vld [tilespmem:s1+$0xD100];
	v12 =	vmul.f32 v12, v8;
	v11 =	vmul.f32 v11, v9;
	v52 =	vadd.f32 v59, v63;
	[tilespmem:s1+$0x1510] =	vst v47  }
0x237: {  	v10 =	vmul.f32 v10, v8;
	v7 =	vmul.f32 v7, v9;
	v48 =	vld [tilespmem:s1+$0xD120];
	v45 =	vadd.f32 v60, v45;
	[tilespmem:s1+$0x1500] =	vst v46  }
0x238: {  	v62 =	vmul.f32 v57, v9;
	v63 =	vmul.f32 v58, v9;
	v58 =	vld [tilespmem:s1+$0xCD50];
	v11 =	vadd.f32 v11, v12;
	[tilespmem:s1+$0x1170] =	vst v52  }
0x239: {  	v43 =	vmul.f32 v43, v8;
	v59 =	vld [tilespmem:s1+$0xCD40];
	v7 =	vadd.f32 v7, v10;
	[tilespmem:s1+$0x1160] =	vst v45  }
0x23a: {  	v42 =	vmul.f32 v42, v8;
	v57 =	vmul.f32 v53, v9;
	v60 =	vld [tilespmem:s1+$0xCD30];
	v44 =	vadd.f32 v62, v44;
	[tilespmem:s1+$0x140] =	vst v11  }
0x23b: {  	v37 =	vmul.f32 v37, v8;
	v53 =	vld [tilespmem:s1+$0xCD00];
	v43 =	vadd.f32 v63, v43;
	v46 =	vmul.f32 v56, v9;
	[tilespmem:s1+$0x130] =	vst v7  }
0x23c: {  	v39 =	vmul.f32 v39, v8;
	v49 =	vld [tilespmem:s1+$0xD110];
	v42 =	vadd.f32 v57, v42;
	v61 =	vmul.f32 v61, v9;
	[tilespmem:s1+$0x1150] =	vst v44  }
0x23d: {  	v41 =	vmul.f32 v41, v8;
	v47 =	vld [tilespmem:s1+$0xCD70];
	[tilespmem:s1+$0x1140] =	vst v43;
	v37 =	vadd.f32 v46, v37;
	v48 =	vmul.f32 v48, v9  }
0x23e: {  	v36 =	vmul.f32 v36, v8;
	v62 =	vld [tilespmem:s1+$0xCD20];
	[tilespmem:s1+$0x1130] =	vst v42;
	v39 =	vadd.f32 v61, v39;
	v54 =	vmul.f32 v58, v9  }
0x23f: {  	v35 =	vmul.f32 v35, v8;
	v63 =	vld [tilespmem:s1+$0xCD10];
	v45 =	vmul.f32 v59, v9;
	[tilespmem:s1+$0xD60] =	vst v37;
	v41 =	vadd.f32 v48, v41  }
0x240: {  	v34 =	vmul.f32 v34, v8;
	v56 =	vld [tilespmem:s1+$0xC960];
	v44 =	vmul.f32 v60, v9;
	[tilespmem:s1+$0x1100] =	vst v39;
	v36 =	vadd.f32 v54, v36  }
0x241: {  	v40 =	vmul.f32 v40, v8;
	v12 =	vld [tilespmem:s1+$0x1560];
	v49 =	vmul.f32 v49, v9;
	v35 =	vadd.f32 v45, v35;
	[tilespmem:s1+$0x1120] =	vst v41  }
0x242: {  	v38 =	vmul.f32 v38, v8;
	v58 =	vld [tilespmem:s1+$0xC940];
	v47 =	vmul.f32 v47, v9;
	v34 =	vadd.f32 v44, v34;
	[tilespmem:s1+$0xD50] =	vst v36  }
0x243: {  	v33 =	vmul.f32 v33, v8;
	v59 =	vld [tilespmem:s1+$0xC930];
	v43 =	vmul.f32 v62, v9;
	v40 =	vadd.f32 v49, v40;
	[tilespmem:s1+$0xD40] =	vst v35  }
0x244: {  	v32 =	vmul.f32 v32, v8;
	v57 =	vld [tilespmem:s1+$0xC950];
	v42 =	vmul.f32 v63, v9;
	v38 =	vadd.f32 v47, v38;
	[tilespmem:s1+$0xD30] =	vst v34  }
0x245: {  	v29 =	vmul.f32 v29, v8;
	v60 =	vld [tilespmem:s1+$0xC920];
	v39 =	vmul.f32 v56, v9;
	v33 =	vadd.f32 v43, v33;
	[tilespmem:s1+$0x1110] =	vst v40  }
0x246: {  	v31 =	vmul.f32 v31, v8;
	v61 =	vld [tilespmem:s1+$0xC910];
	v41 =	vmul.f32 v53, v9;
	v32 =	vadd.f32 v42, v32;
	[tilespmem:s1+$0xD70] =	vst v38  }
0x247: {  	v27 =	vmul.f32 v27, v8;
	v62 =	vld [tilespmem:s1+$0xC900];
	v29 =	vadd.f32 v39, v29;
	v37 =	vmul.f32 v58, v9;
	[tilespmem:s1+$0xD20] =	vst v33  }
0x248: {  	v26 =	vmul.f32 v26, v8;
	v63 =	vld [tilespmem:s1+$0xC570];
	v36 =	vmul.f32 v59, v9;
	v31 =	vadd.f32 v41, v31;
	[tilespmem:s1+$0xD10] =	vst v32  }
0x249: {  	v30 =	vmul.f32 v30, v8;
	v40 =	vmul.f32 v55, v9;
	[tilespmem:s1+$0x960] =	vst v29;
	v29 =	vld [tilespmem:s1+$0xC540];
	v27 =	vadd.f32 v37, v27  }
0x24a: {  	v25 =	vmul.f32 v25, v8;
	v35 =	vmul.f32 v60, v9;
	v26 =	vadd.f32 v36, v26;
	[tilespmem:s1+$0xD00] =	vst v31;
	v31 =	vld [tilespmem:s1+$0xC560]  }
0x24b: {  	v28 =	vmul.f32 v28, v8;
	v38 =	vmul.f32 v57, v9;
	v30 =	vadd.f32 v40, v30;
	[tilespmem:s1+$0x940] =	vst v27;
	v27 =	vld [tilespmem:s1+$0xC520]  }
0x24c: {  	v23 =	vmul.f32 v23, v8;
	v33 =	vmul.f32 v62, v9;
	v25 =	vadd.f32 v35, v25;
	[tilespmem:s1+$0x930] =	vst v26;
	v26 =	vld [tilespmem:s1+$0xC510]  }
0x24d: {  	v24 =	vmul.f32 v24, v8;
	v34 =	vmul.f32 v61, v9;
	v28 =	vadd.f32 v38, v28;
	[tilespmem:s1+$0x970] =	vst v30;
	v30 =	vld [tilespmem:s1+$0xC550]  }
0x24e: {  	v22 =	vmul.f32 v22, v8;
	v32 =	vmul.f32 v63, v9;
	v23 =	vadd.f32 v33, v23;
	[tilespmem:s1+$0x920] =	vst v25;
	v25 =	vld [tilespmem:s1+$0xC500]  }
0x24f: {  	v19 =	vmul.f32 v19, v8;
	v24 =	vadd.f32 v34, v24;
	[tilespmem:s1+$0x950] =	vst v28;
	v28 =	vld [tilespmem:s1+$0xC530];
	v29 =	vmul.f32 v29, v9  }
0x250: {  	v21 =	vmul.f32 v21, v8;
	v22 =	vadd.f32 v32, v22;
	[tilespmem:s1+$0x900] =	vst v23;
	v23 =	vld [tilespmem:s1+$0xC160];
	v31 =	vmul.f32 v31, v9  }
0x251: {  	v17 =	vmul.f32 v17, v8;
	[tilespmem:s1+$0x910] =	vst v24;
	v24 =	vld [tilespmem:s1+$0xC170];
	v19 =	vadd.f32 v29, v19;
	v27 =	vmul.f32 v27, v9  }
0x252: {  	v20 =	vmul.f32 v20, v8;
	[tilespmem:s1+$0x570] =	vst v22;
	v22 =	vld [tilespmem:s1+$0x150];
	v30 =	vmul.f32 v30, v9;
	v21 =	vadd.f32 v31, v21  }
0x253: {  	v15 =	vmul.f32 v15, v8;
	v25 =	vmul.f32 v25, v9;
	[tilespmem:s1+$0x540] =	vst v19;
	v19 =	vld [tilespmem:s1+$0xD550];
	v17 =	vadd.f32 v27, v17  }
0x254: {  	v18 =	vmul.f32 v18, v8;
	v28 =	vmul.f32 v28, v9;
	v20 =	vadd.f32 v30, v20;
	[tilespmem:s1+$0x560] =	vst v21;
	v21 =	vld [tilespmem:s1+$0xC150]  }
0x255: {  	v13 =	vmul.f32 v13, v8;
	v23 =	vmul.f32 v23, v9;
	v15 =	vadd.f32 v25, v15;
	[tilespmem:s1+$0x520] =	vst v17;
	v17 =	vld [tilespmem:s1+$0x1540]  }
0x256: {  	v6 =	vmul.f32 v6, v8;
	v5 =	vmul.f32 v5, v9;
	v18 =	vadd.f32 v28, v18;
	[tilespmem:s1+$0x550] =	vst v20;
	v20 =	vld [tilespmem:s1+$0xD540]  }
0x257: {  	v14 =	vmul.f32 v14, v8;
	v24 =	vmul.f32 v24, v9;
	v13 =	vadd.f32 v23, v13;
	[tilespmem:s1+$0x500] =	vst v15;
	v15 =	vld [tilespmem:s1+$0x1550]  }
0x258: {  	v4 =	vmul.f32 v4, v8;
	v3 =	vmul.f32 v3, v9;
	v5 =	vadd.f32 v5, v6;
	[tilespmem:s1+$0x530] =	vst v18;
	v18 =	vld [tilespmem:s1+$0xD560]  }
0x259: {  	v6 =	vld [tilespmem:s1+$0x100];
	v14 =	vadd.f32 v24, v14;
	v10 =	vmul.f32 v22, v8;
	[tilespmem:s1+$0x160] =	vst v13;
	v13 =	vmul.f32 v21, v9  }
0x25a: {  	s12 =	simm.s32 $0x4;
	v16 =	vmul.f32 v16, v8;
	v3 =	vadd.f32 v3, v4;
	v7 =	vld [tilespmem:s1+$0xC100];
	[tilespmem:s1+$0x120] =	vst v5;
	v26 =	vmul.f32 v26, v9  }
0x25b: {  	s13 =	simm.s32 $0x1080;
	s12 =	smul.u32 $0x1800, s12;
	[tilespmem:s1+$0x170] =	vst v14;
	v14 =	vld [tilespmem:s1+$0x1570];
	v11 =	vmul.f32 v17, v8;
	v17 =	vmul.f32 v20, v9;
	v4 =	vadd.f32 v13, v10  }
0x25c: {  	s13 =	sand.u32 $0x380, s13;
	[tilespmem:s1+$0x110] =	vst v3;
	v16 =	vadd.f32 v26, v16;
	v5 =	vmul.f32 v15, v8;
	v10 =	vmul.f32 v19, v9  }
0x25d: {  	s31 =	sor.u32 s13, s12;
	v11 =	vadd.f32 v17, v11;
	[tilespmem:s1+$0x150] =	vst v4;
	v4 =	vmul.f32 v12, v8;
	v12 =	vmul.f32 v18, v9  }
0x25e: {  	v3 =	vld [tilespmem:s31+$0x110];
	[tilespmem:s1+$0x510] =	vst v16;
	v5 =	vadd.f32 v10, v5  }
0x25f: {  	v7 =	vmul.f32 v7, v9;
	v16 =	vld [tilespmem:s1+$0xD570];
	[tilespmem:s1+$0x1540] =	vst v11;
	v12 =	vadd.f32 v12, v4  }
0x260: {  	v10 =	vmul.f32 v14, v8;
	v8 =	vmul.f32 v6, v8;
	v4 =	vld [tilespmem:s31+$0xC110];
	[tilespmem:s1+$0x1550] =	vst v5  }
0x261: {  	v6 =	vld [tilespmem:s31+$0x120];
	[tilespmem:s1+$0x1560] =	vst v12  }
0x262: {  	v7 =	vadd.f32 v7, v8;
	v5 =	vld [tilespmem:s31+$0xC120]  }
0x263: {  	v8 =	vld [tilespmem:s31+$0x130]  }
0x264: {  	[tilespmem:s1+$0x100] =	vst v7;
	v18 =	vld [tilespmem:s31+$0x530]  }
0x265: {  	v11 =	vmul.f32 v16, v9;
	v26 =	vld [tilespmem:s31+$0x930]  }
0x266: {  	v36 =	vld [tilespmem:s31+$0xD30]  }
0x267: {  	v9 =	vadd.f32 v11, v10;
	v44 =	vld [tilespmem:s31+$0x1130]  }
0x268: {  	v48 =	vld [tilespmem:s31+$0x1500]  }
0x269: {  	[tilespmem:s1+$0x1570] =	vst v9;
	v50 =	vld [tilespmem:s31+$0x1510]  }
0x26a: {  	v7 =	vld [tilespmem:s31+$0xC130]  }
0x26b: {  	v10 =	vld [tilespmem:s31+$0x140]  }
0x26c: {  	v9 =	vld [tilespmem:s31+$0xC140]  }
0x26d: {  	v12 =	vld [tilespmem:s31+$0x150]  }
0x26e: {  	v11 =	vld [tilespmem:s31+$0xC150]  }
0x26f: {  	v13 =	vld [tilespmem:s31+$0x160]  }
0x270: {  	v14 =	vld [tilespmem:s31+$0x170]  }
0x271: {  	v15 =	vld [tilespmem:s31+$0x500]  }
0x272: {  	v16 =	vld [tilespmem:s31+$0x510]  }
0x273: {  	v17 =	vld [tilespmem:s31+$0x520]  }
0x274: {  	v19 =	vld [tilespmem:s31+$0x540]  }
0x275: {  	v20 =	vld [tilespmem:s31+$0x550]  }
0x276: {  	v21 =	vld [tilespmem:s31+$0x560]  }
0x277: {  	v22 =	vld [tilespmem:s31+$0x570]  }
0x278: {  	v23 =	vld [tilespmem:s31+$0x900]  }
0x279: {  	v24 =	vld [tilespmem:s31+$0x910]  }
0x27a: {  	v25 =	vld [tilespmem:s31+$0x920]  }
0x27b: {  	v27 =	vld [tilespmem:s31+$0x940]  }
0x27c: {  	v28 =	vld [tilespmem:s31+$0x950]  }
0x27d: {  	v29 =	vld [tilespmem:s31+$0x960]  }
0x27e: {  	v30 =	vld [tilespmem:s31+$0x970]  }
0x27f: {  	v31 =	vld [tilespmem:s31+$0xD00]  }
0x280: {  	v34 =	vld [tilespmem:s31+$0xD10]  }
0x281: {  	v35 =	vld [tilespmem:s31+$0xD20]  }
0x282: {  	v37 =	vld [tilespmem:s31+$0xD40]  }
0x283: {  	v38 =	vld [tilespmem:s31+$0xD50]  }
0x284: {  	v39 =	vld [tilespmem:s31+$0xD60]  }
0x285: {  	v40 =	vld [tilespmem:s31+$0xD70]  }
0x286: {  	v41 =	vld [tilespmem:s31+$0x1100]  }
0x287: {  	v42 =	vld [tilespmem:s31+$0x1110]  }
0x288: {  	v43 =	vld [tilespmem:s31+$0x1120]  }
0x289: {  	v45 =	vld [tilespmem:s31+$0x1140]  }
0x28a: {  	v46 =	vld [tilespmem:s31+$0x1150]  }
0x28b: {  	v47 =	vld [tilespmem:s31+$0x1160]  }
0x28c: {  	v49 =	vld [tilespmem:s31+$0xD510]  }
0x28d: {  	s12 =	simm.s32 $0x1100;
	s1 =	simm.s32 $0x21;
	v51 =	vld [tilespmem:s31+$0xD530]  }
.LBB2_4:
0x28e: {  	p0 =	sne.s32 s12, $0x1F80;
	v52 =	vld [tilespmem:s31+$0x1530]  }
0x28f: {  	s0 =	sadd.s32 $0x80, s0;
	v53 =	vld [tilespmem:s31+$0x1520]  }
0x290: {  	v33 =	vld [tilespmem:s0+$0xFFFFFFF0]  }
0x291: {  	v32 =	vld [tilespmem:s0+$0x0]  }
0x292: {  	v54 =	vld [tilespmem:s31+$0xD520]  }
0x293: {  	v55 =	vld [tilespmem:s31+$0xD500]  }
0x294: {  	v56 =	vld [tilespmem:s31+$0x1170]  }
0x295: {  	v57 =	vld [tilespmem:s31+$0xD170];
	v50 =	vmul.f32 v50, v33;
	v53 =	vmul.f32 v53, v33  }
0x296: {  	v52 =	vmul.f32 v52, v33;
	v58 =	vld [tilespmem:s31+$0xD160];
	v51 =	vmul.f32 v51, v32  }
0x297: {  	v49 =	vmul.f32 v49, v32;
	v59 =	vld [tilespmem:s31+$0xD150];
	v54 =	vmul.f32 v54, v32  }
0x298: {  	v48 =	vmul.f32 v48, v33;
	v60 =	vld [tilespmem:s31+$0xD140];
	v55 =	vmul.f32 v55, v32;
	v51 =	vadd.f32 v51, v52  }
0x299: {  	v49 =	vadd.f32 v49, v50;
	v52 =	vld [tilespmem:s31+$0xD130];
	v56 =	vmul.f32 v56, v33;
	v50 =	vadd.f32 v54, v53  }
0x29a: {  	v47 =	vmul.f32 v47, v33;
	v53 =	vld [tilespmem:s31+$0xD120];
	v54 =	vmul.f32 v57, v32;
	v48 =	vadd.f32 v55, v48;
	[tilespmem:s31+$0x1530] =	vst v51  }
0x29b: {  	v46 =	vmul.f32 v46, v33;
	v51 =	vld [tilespmem:s31+$0xD110];
	v55 =	vmul.f32 v58, v32;
	[tilespmem:s31+$0x1520] =	vst v50  }
0x29c: {  	v45 =	vmul.f32 v45, v33;
	v50 =	vld [tilespmem:s31+$0xD100];
	v57 =	vmul.f32 v59, v32;
	v54 =	vadd.f32 v54, v56;
	[tilespmem:s31+$0x1510] =	vst v49  }
0x29d: {  	v44 =	vmul.f32 v44, v33;
	v49 =	vld [tilespmem:s31+$0xCD70];
	v56 =	vmul.f32 v60, v32;
	v47 =	vadd.f32 v55, v47;
	[tilespmem:s31+$0x1500] =	vst v48  }
0x29e: {  	v43 =	vmul.f32 v43, v33;
	v48 =	vld [tilespmem:s31+$0xCD60];
	v52 =	vmul.f32 v52, v32;
	v46 =	vadd.f32 v57, v46;
	[tilespmem:s31+$0x1170] =	vst v54  }
0x29f: {  	v42 =	vmul.f32 v42, v33;
	v54 =	vld [tilespmem:s31+$0xCD50];
	v53 =	vmul.f32 v53, v32;
	v45 =	vadd.f32 v56, v45;
	[tilespmem:s31+$0x1160] =	vst v47  }
0x2a0: {  	v41 =	vmul.f32 v41, v33;
	v47 =	vld [tilespmem:s31+$0xCD40];
	v51 =	vmul.f32 v51, v32;
	v44 =	vadd.f32 v52, v44;
	[tilespmem:s31+$0x1150] =	vst v46  }
0x2a1: {  	v40 =	vmul.f32 v40, v33;
	v46 =	vld [tilespmem:s31+$0xCD30];
	v50 =	vmul.f32 v50, v32;
	v43 =	vadd.f32 v53, v43;
	[tilespmem:s31+$0x1140] =	vst v45  }
0x2a2: {  	v39 =	vmul.f32 v39, v33;
	v45 =	vld [tilespmem:s31+$0xCD20];
	v49 =	vmul.f32 v49, v32;
	v42 =	vadd.f32 v51, v42;
	[tilespmem:s31+$0x1130] =	vst v44  }
0x2a3: {  	v38 =	vmul.f32 v38, v33;
	v44 =	vld [tilespmem:s31+$0xCD10];
	v48 =	vmul.f32 v48, v32;
	v41 =	vadd.f32 v50, v41;
	[tilespmem:s31+$0x1120] =	vst v43  }
0x2a4: {  	v37 =	vmul.f32 v37, v33;
	v43 =	vld [tilespmem:s31+$0xCD00];
	v50 =	vmul.f32 v54, v32;
	v40 =	vadd.f32 v49, v40;
	[tilespmem:s31+$0x1110] =	vst v42  }
0x2a5: {  	v36 =	vmul.f32 v36, v33;
	v42 =	vld [tilespmem:s31+$0xC970];
	v47 =	vmul.f32 v47, v32;
	v39 =	vadd.f32 v48, v39;
	[tilespmem:s31+$0x1100] =	vst v41  }
0x2a6: {  	v35 =	vmul.f32 v35, v33;
	v41 =	vld [tilespmem:s31+$0xC960];
	v46 =	vmul.f32 v46, v32;
	v38 =	vadd.f32 v50, v38;
	[tilespmem:s31+$0xD70] =	vst v40  }
0x2a7: {  	v34 =	vmul.f32 v34, v33;
	v40 =	vld [tilespmem:s31+$0xC950];
	v45 =	vmul.f32 v45, v32;
	v37 =	vadd.f32 v47, v37;
	[tilespmem:s31+$0xD60] =	vst v39  }
0x2a8: {  	v31 =	vmul.f32 v31, v33;
	v39 =	vld [tilespmem:s31+$0xC940];
	v44 =	vmul.f32 v44, v32;
	v36 =	vadd.f32 v46, v36;
	[tilespmem:s31+$0xD50] =	vst v38  }
0x2a9: {  	v30 =	vmul.f32 v30, v33;
	v38 =	vld [tilespmem:s31+$0xC930];
	v43 =	vmul.f32 v43, v32;
	v35 =	vadd.f32 v45, v35;
	[tilespmem:s31+$0xD40] =	vst v37  }
0x2aa: {  	v29 =	vmul.f32 v29, v33;
	v37 =	vld [tilespmem:s31+$0xC920];
	v42 =	vmul.f32 v42, v32;
	v34 =	vadd.f32 v44, v34;
	[tilespmem:s31+$0xD30] =	vst v36  }
0x2ab: {  	v28 =	vmul.f32 v28, v33;
	v36 =	vld [tilespmem:s31+$0xC910];
	v41 =	vmul.f32 v41, v32;
	v31 =	vadd.f32 v43, v31;
	[tilespmem:s31+$0xD20] =	vst v35  }
0x2ac: {  	v27 =	vmul.f32 v27, v33;
	v35 =	vld [tilespmem:s31+$0xC900];
	v40 =	vmul.f32 v40, v32;
	v30 =	vadd.f32 v42, v30;
	[tilespmem:s31+$0xD10] =	vst v34  }
0x2ad: {  	v26 =	vmul.f32 v26, v33;
	v34 =	vld [tilespmem:s31+$0xC570];
	v39 =	vmul.f32 v39, v32;
	v29 =	vadd.f32 v41, v29;
	[tilespmem:s31+$0xD00] =	vst v31  }
0x2ae: {  	v25 =	vmul.f32 v25, v33;
	v31 =	vld [tilespmem:s31+$0xC560];
	v38 =	vmul.f32 v38, v32;
	v28 =	vadd.f32 v40, v28;
	[tilespmem:s31+$0x970] =	vst v30  }
0x2af: {  	v24 =	vmul.f32 v24, v33;
	v30 =	vld [tilespmem:s31+$0xC550];
	v37 =	vmul.f32 v37, v32;
	v27 =	vadd.f32 v39, v27;
	[tilespmem:s31+$0x960] =	vst v29  }
0x2b0: {  	v23 =	vmul.f32 v23, v33;
	v29 =	vld [tilespmem:s31+$0xC540];
	v36 =	vmul.f32 v36, v32;
	v26 =	vadd.f32 v38, v26;
	[tilespmem:s31+$0x950] =	vst v28  }
0x2b1: {  	v22 =	vmul.f32 v22, v33;
	v28 =	vld [tilespmem:s31+$0xC530];
	v35 =	vmul.f32 v35, v32;
	v25 =	vadd.f32 v37, v25;
	[tilespmem:s31+$0x940] =	vst v27  }
0x2b2: {  	v21 =	vmul.f32 v21, v33;
	v27 =	vld [tilespmem:s31+$0xC520];
	v34 =	vmul.f32 v34, v32;
	v24 =	vadd.f32 v36, v24;
	[tilespmem:s31+$0x930] =	vst v26  }
0x2b3: {  	v20 =	vmul.f32 v20, v33;
	v26 =	vld [tilespmem:s31+$0xC510];
	v31 =	vmul.f32 v31, v32;
	v23 =	vadd.f32 v35, v23;
	[tilespmem:s31+$0x920] =	vst v25  }
0x2b4: {  	v19 =	vmul.f32 v19, v33;
	v25 =	vld [tilespmem:s31+$0xC500];
	v30 =	vmul.f32 v30, v32;
	v22 =	vadd.f32 v34, v22;
	[tilespmem:s31+$0x910] =	vst v24  }
0x2b5: {  	v18 =	vmul.f32 v18, v33;
	v24 =	vld [tilespmem:s31+$0xC170];
	v29 =	vmul.f32 v29, v32;
	v21 =	vadd.f32 v31, v21;
	[tilespmem:s31+$0x900] =	vst v23  }
0x2b6: {  	v17 =	vmul.f32 v17, v33;
	v23 =	vld [tilespmem:s31+$0xC160];
	v28 =	vmul.f32 v28, v32;
	v20 =	vadd.f32 v30, v20;
	[tilespmem:s31+$0x570] =	vst v22  }
0x2b7: {  	v16 =	vmul.f32 v16, v33;
	v22 =	vmul.f32 v27, v32;
	v19 =	vadd.f32 v29, v19;
	[tilespmem:s31+$0x560] =	vst v21;
	v21 =	vld [tilespmem:s31+$0xD540]  }
0x2b8: {  	v15 =	vmul.f32 v15, v33;
	v26 =	vmul.f32 v26, v32;
	v18 =	vadd.f32 v28, v18;
	[tilespmem:s31+$0x550] =	vst v20;
	v20 =	vld [tilespmem:s31+$0xD550]  }
0x2b9: {  	v14 =	vmul.f32 v14, v33;
	v25 =	vmul.f32 v25, v32;
	v17 =	vadd.f32 v22, v17;
	[tilespmem:s31+$0x540] =	vst v19;
	v19 =	vld [tilespmem:s31+$0xD560]  }
0x2ba: {  	v13 =	vmul.f32 v13, v33;
	v22 =	vmul.f32 v24, v32;
	v16 =	vadd.f32 v26, v16;
	[tilespmem:s31+$0x530] =	vst v18;
	v18 =	vld [tilespmem:s31+$0xD570]  }
0x2bb: {  	v12 =	vmul.f32 v12, v33;
	v23 =	vmul.f32 v23, v32;
	v15 =	vadd.f32 v25, v15;
	[tilespmem:s31+$0x520] =	vst v17;
	v17 =	vld [tilespmem:s31+$0x1540]  }
0x2bc: {  	v10 =	vmul.f32 v10, v33;
	v11 =	vmul.f32 v11, v32;
	v14 =	vadd.f32 v22, v14;
	[tilespmem:s31+$0x510] =	vst v16;
	v16 =	vld [tilespmem:s31+$0x1550]  }
0x2bd: {  	v8 =	vmul.f32 v8, v33;
	v9 =	vmul.f32 v9, v32;
	v13 =	vadd.f32 v23, v13;
	[tilespmem:s31+$0x500] =	vst v15;
	v15 =	vld [tilespmem:s31+$0x1560]  }
0x2be: {  	v6 =	vmul.f32 v6, v33;
	v7 =	vmul.f32 v7, v32;
	v11 =	vadd.f32 v11, v12;
	[tilespmem:s31+$0x170] =	vst v14;
	v12 =	vld [tilespmem:s31+$0x1570]  }
0x2bf: {  	v3 =	vmul.f32 v3, v33;
	v5 =	vmul.f32 v5, v32;
	v9 =	vadd.f32 v9, v10;
	v14 =	vld [tilespmem:s31+$0x100];
	[tilespmem:s31+$0x160] =	vst v13  }
0x2c0: {  	s1 =	sadd.s32 $0x1, s1;
	v4 =	vmul.f32 v4, v32;
	v7 =	vadd.f32 v7, v8;
	v10 =	vld [tilespmem:s31+$0xC100];
	[tilespmem:s31+$0x150] =	vst v11;
	v8 =	vmul.f32 v17, v33  }
0x2c1: {  	s13 =	sshrl.u32 s1, $0x3;
	v5 =	vadd.f32 v5, v6;
	v6 =	vmul.f32 v21, v32;
	[tilespmem:s31+$0x140] =	vst v9;
	v9 =	vmul.f32 v16, v33  }
0x2c2: {  	s13 =	smul.u32 $0x1800, s13;
	v3 =	vadd.f32 v4, v3;
	v4 =	vmul.f32 v20, v32;
	[tilespmem:s31+$0x130] =	vst v7;
	v7 =	vmul.f32 v15, v33  }
0x2c3: {  	s16 =	sand.u32 $0x380, s12;
	[tilespmem:s31+$0x120] =	vst v5;
	v5 =	vadd.f32 v6, v8;
	v6 =	vmul.f32 v19, v32;
	v8 =	vmul.f32 v12, v33  }
0x2c4: {  	s13 =	sor.u32 s16, s13;
	v9 =	vadd.f32 v4, v9;
	v12 =	vmul.f32 v18, v32;
	v11 =	vmul.f32 v14, v33;
	[tilespmem:s31+$0x110] =	vst v3  }
0x2c5: {  	v3 =	vld [tilespmem:s13+$0x110];
	v10 =	vmul.f32 v10, v32;
	[tilespmem:s31+$0x1540] =	vst v5;
	v5 =	vadd.f32 v6, v7  }
0x2c6: {  	v7 =	vadd.f32 v12, v8;
	v4 =	vld [tilespmem:s13+$0xC110];
	[tilespmem:s31+$0x1550] =	vst v9  }
0x2c7: {  	v6 =	vld [tilespmem:s13+$0x120];
	v9 =	vadd.f32 v10, v11;
	[tilespmem:s31+$0x1560] =	vst v5  }
0x2c8: {  	v5 =	vld [tilespmem:s13+$0xC120];
	[tilespmem:s31+$0x1570] =	vst v7  }
0x2c9: {  	v8 =	vld [tilespmem:s13+$0x130];
	[tilespmem:s31+$0x100] =	vst v9;
	s31 =	smov.u32 s13  }
0x2ca: {  	v7 =	vld [tilespmem:s31+$0xC130]  }
0x2cb: {  	v10 =	vld [tilespmem:s31+$0x140]  }
0x2cc: {  	v9 =	vld [tilespmem:s31+$0xC140]  }
0x2cd: {  	v12 =	vld [tilespmem:s31+$0x150]  }
0x2ce: {  	v11 =	vld [tilespmem:s31+$0xC150]  }
0x2cf: {  	v13 =	vld [tilespmem:s31+$0x160]  }
0x2d0: {  	v14 =	vld [tilespmem:s31+$0x170]  }
0x2d1: {  	v15 =	vld [tilespmem:s31+$0x500]  }
0x2d2: {  	v16 =	vld [tilespmem:s31+$0x510]  }
0x2d3: {  	v17 =	vld [tilespmem:s31+$0x520]  }
0x2d4: {  	v18 =	vld [tilespmem:s31+$0x530]  }
0x2d5: {  	v19 =	vld [tilespmem:s31+$0x540]  }
0x2d6: {  	v20 =	vld [tilespmem:s31+$0x550]  }
0x2d7: {  	v21 =	vld [tilespmem:s31+$0x560]  }
0x2d8: {  	v22 =	vld [tilespmem:s31+$0x570]  }
0x2d9: {  	v23 =	vld [tilespmem:s31+$0x900]  }
0x2da: {  	v24 =	vld [tilespmem:s31+$0x910]  }
0x2db: {  	v25 =	vld [tilespmem:s31+$0x920]  }
0x2dc: {  	v26 =	vld [tilespmem:s31+$0x930]  }
0x2dd: {  	v27 =	vld [tilespmem:s31+$0x940]  }
0x2de: {  	v28 =	vld [tilespmem:s31+$0x950]  }
0x2df: {  	v29 =	vld [tilespmem:s31+$0x960]  }
0x2e0: {  	v30 =	vld [tilespmem:s31+$0x970]  }
0x2e1: {  	v31 =	vld [tilespmem:s31+$0xD00]  }
0x2e2: {  	v34 =	vld [tilespmem:s31+$0xD10]  }
0x2e3: {  	v35 =	vld [tilespmem:s31+$0xD20]  }
0x2e4: {  	v36 =	vld [tilespmem:s31+$0xD30]  }
0x2e5: {  	v37 =	vld [tilespmem:s31+$0xD40]  }
0x2e6: {  	v38 =	vld [tilespmem:s31+$0xD50]  }
0x2e7: {  	v39 =	vld [tilespmem:s31+$0xD60]  }
0x2e8: {  	v40 =	vld [tilespmem:s31+$0xD70]  }
0x2e9: {  	v41 =	vld [tilespmem:s31+$0x1100]  }
0x2ea: {  	v42 =	vld [tilespmem:s31+$0x1110]  }
0x2eb: {  	v43 =	vld [tilespmem:s31+$0x1120]  }
0x2ec: {  	v44 =	vld [tilespmem:s31+$0x1130]  }
0x2ed: {  	v45 =	vld [tilespmem:s31+$0x1140]  }
0x2ee: {  	v46 =	vld [tilespmem:s31+$0x1150]  }
.Ltmp1:
0x2ef: {  	v47 =	vld [tilespmem:s31+$0x1160];
	(pc) =	sbr.rel @p0 .LBB2_4-.Ltmp1, $4  }
0x2f0: {  	v48 =	vld [tilespmem:s31+$0x1500]  }
0x2f1: {  	v50 =	vld [tilespmem:s31+$0x1510]  }
0x2f2: {  	v49 =	vld [tilespmem:s31+$0xD510]  }
0x2f3: {  	s12 =	sadd.s32 $0x80, s12;
	v51 =	vld [tilespmem:s31+$0xD530]  }
0x2f4: {  	v52 =	vld [tilespmem:s31+$0x1530]  }
0x2f5: {  	v53 =	vld [tilespmem:s31+$0x1520];
	s0 =	sadd.s32 $0x80, s0  }
0x2f6: {  	v32 =	vld [tilespmem:s0+$0xFFFFFFF0]  }
0x2f7: {  	v33 =	vld [tilespmem:s0+$0x0]  }
0x2f8: {  	v54 =	vld [tilespmem:s31+$0xD520];
	_ =	sdelay $0x1  }
0x2f9: {  	v55 =	vld [tilespmem:s31+$0xD500]  }
0x2fa: {  	v56 =	vld [tilespmem:s31+$0x1170]  }
0x2fb: {  	v58 =	vld [tilespmem:s31+$0xD160];
	v52 =	vmul.f32 v52, v32;
	v51 =	vmul.f32 v51, v33  }
0x2fc: {  	v57 =	vld [tilespmem:s31+$0xD170];
	v53 =	vmul.f32 v53, v32;
	v54 =	vmul.f32 v54, v33  }
0x2fd: {  	v59 =	vld [tilespmem:s31+$0xD150];
	v50 =	vmul.f32 v50, v32;
	v49 =	vmul.f32 v49, v33  }
0x2fe: {  	v60 =	vld [tilespmem:s31+$0xD140];
	v48 =	vmul.f32 v48, v32;
	v62 =	vmul.f32 v55, v33;
	v51 =	vadd.f32 v51, v52  }
0x2ff: {  	v61 =	vld [tilespmem:s31+$0xD120];
	v63 =	vmul.f32 v56, v32;
	v47 =	vmul.f32 v47, v32;
	v53 =	vadd.f32 v54, v53  }
0x300: {  	v58 =	vmul.f32 v58, v33;
	v55 =	vld [tilespmem:s31+$0xC560];
	v12 =	vmul.f32 v12, v32;
	v49 =	vadd.f32 v49, v50;
	[tilespmem:s31+$0x1530] =	vst v51  }
0x301: {  	v56 =	vld [tilespmem:s31+$0xC550];
	v11 =	vmul.f32 v11, v33;
	v10 =	vmul.f32 v10, v32;
	v48 =	vadd.f32 v62, v48;
	[tilespmem:s31+$0x1520] =	vst v53  }
0x302: {  	v9 =	vmul.f32 v9, v33;
	v8 =	vmul.f32 v8, v32;
	v52 =	vld [tilespmem:s31+$0xD130];
	v47 =	vadd.f32 v58, v47;
	[tilespmem:s31+$0x1510] =	vst v49  }
0x303: {  	v7 =	vmul.f32 v7, v33;
	v6 =	vmul.f32 v6, v32;
	v50 =	vld [tilespmem:s31+$0xD100];
	v11 =	vadd.f32 v11, v12;
	[tilespmem:s31+$0x1500] =	vst v48  }
0x304: {  	v5 =	vmul.f32 v5, v33;
	v3 =	vmul.f32 v3, v32;
	v58 =	vld [tilespmem:s31+$0xCD20];
	v9 =	vadd.f32 v9, v10;
	[tilespmem:s31+$0x1160] =	vst v47  }
0x305: {  	v4 =	vmul.f32 v4, v33;
	v62 =	vmul.f32 v59, v33;
	v59 =	vld [tilespmem:s31+$0xCD10];
	v7 =	vadd.f32 v7, v8;
	[tilespmem:s31+$0x150] =	vst v11  }
0x306: {  	v57 =	vmul.f32 v57, v33;
	v54 =	vld [tilespmem:s31+$0xC570];
	v5 =	vadd.f32 v5, v6;
	[tilespmem:s31+$0x140] =	vst v9  }
0x307: {  	v46 =	vmul.f32 v46, v32;
	v3 =	vadd.f32 v4, v3;
	v51 =	vld [tilespmem:s31+$0xD110];
	[tilespmem:s31+$0x130] =	vst v7  }
0x308: {  	v45 =	vmul.f32 v45, v32;
	v49 =	vld [tilespmem:s31+$0xCD70];
	v53 =	vadd.f32 v57, v63;
	v63 =	vmul.f32 v60, v33;
	[tilespmem:s31+$0x120] =	vst v5  }
0x309: {  	v43 =	vmul.f32 v43, v32;
	v48 =	vld [tilespmem:s31+$0xCD60];
	v46 =	vadd.f32 v62, v46;
	v57 =	vmul.f32 v61, v33;
	[tilespmem:s31+$0x110] =	vst v3  }
0x30a: {  	v44 =	vmul.f32 v44, v32;
	v47 =	vld [tilespmem:s31+$0xCD40];
	[tilespmem:s31+$0x1170] =	vst v53;
	v45 =	vadd.f32 v63, v45;
	v52 =	vmul.f32 v52, v33  }
0x30b: {  	v41 =	vmul.f32 v41, v32;
	v60 =	vld [tilespmem:s31+$0xCD00];
	[tilespmem:s31+$0x1150] =	vst v46;
	v43 =	vadd.f32 v57, v43;
	v50 =	vmul.f32 v50, v33  }
0x30c: {  	v35 =	vmul.f32 v35, v32;
	v61 =	vld [tilespmem:s31+$0xC970];
	[tilespmem:s31+$0x1140] =	vst v45;
	v45 =	vmul.f32 v58, v33;
	v44 =	vadd.f32 v52, v44  }
0x30d: {  	v42 =	vmul.f32 v42, v32;
	v53 =	vld [tilespmem:s31+$0xCD50];
	[tilespmem:s31+$0x1120] =	vst v43;
	v51 =	vmul.f32 v51, v33;
	v41 =	vadd.f32 v50, v41  }
0x30e: {  	v40 =	vmul.f32 v40, v32;
	v46 =	vld [tilespmem:s31+$0xCD30];
	v49 =	vmul.f32 v49, v33;
	v35 =	vadd.f32 v45, v35;
	[tilespmem:s31+$0x1130] =	vst v44  }
0x30f: {  	v39 =	vmul.f32 v39, v32;
	v62 =	vld [tilespmem:s31+$0xC960];
	v48 =	vmul.f32 v48, v33;
	v42 =	vadd.f32 v51, v42;
	[tilespmem:s31+$0x1100] =	vst v41  }
0x310: {  	v37 =	vmul.f32 v37, v32;
	v57 =	vld [tilespmem:s31+$0xC540];
	v47 =	vmul.f32 v47, v33;
	v40 =	vadd.f32 v49, v40;
	[tilespmem:s31+$0xD20] =	vst v35  }
0x311: {  	v31 =	vmul.f32 v31, v32;
	v58 =	vld [tilespmem:s31+$0xC530];
	v43 =	vmul.f32 v60, v33;
	v39 =	vadd.f32 v48, v39;
	[tilespmem:s31+$0x1110] =	vst v42  }
0x312: {  	v38 =	vmul.f32 v38, v32;
	v50 =	vld [tilespmem:s31+$0xC930];
	v63 =	vmul.f32 v53, v33;
	v37 =	vadd.f32 v47, v37;
	[tilespmem:s31+$0xD70] =	vst v40  }
0x313: {  	v36 =	vmul.f32 v36, v32;
	v60 =	vld [tilespmem:s31+$0xC510];
	v46 =	vmul.f32 v46, v33;
	v31 =	vadd.f32 v43, v31;
	[tilespmem:s31+$0xD60] =	vst v39  }
0x314: {  	v34 =	vmul.f32 v34, v32;
	v52 =	vld [tilespmem:s31+$0xC910];
	v44 =	vmul.f32 v59, v33;
	v38 =	vadd.f32 v63, v38;
	[tilespmem:s31+$0xD40] =	vst v37  }
0x315: {  	v29 =	vmul.f32 v29, v32;
	v45 =	vld [tilespmem:s31+$0x1540];
	v41 =	vmul.f32 v62, v33;
	v36 =	vadd.f32 v46, v36;
	[tilespmem:s31+$0xD00] =	vst v31  }
0x316: {  	v21 =	vmul.f32 v21, v32;
	v48 =	vld [tilespmem:s31+$0xC950];
	v62 =	vmul.f32 v55, v33;
	v34 =	vadd.f32 v44, v34;
	[tilespmem:s31+$0xD50] =	vst v38  }
0x317: {  	v30 =	vmul.f32 v30, v32;
	v49 =	vld [tilespmem:s31+$0xC940];
	v42 =	vmul.f32 v61, v33;
	v29 =	vadd.f32 v41, v29;
	[tilespmem:s31+$0xD30] =	vst v36  }
0x318: {  	v16 =	vmul.f32 v16, v32;
	v51 =	vld [tilespmem:s31+$0xC920];
	v21 =	vadd.f32 v62, v21;
	v41 =	vmul.f32 v60, v33;
	[tilespmem:s31+$0xD10] =	vst v34  }
0x319: {  	v26 =	vmul.f32 v26, v32;
	v53 =	vld [tilespmem:s31+$0xC900];
	v30 =	vadd.f32 v42, v30;
	[tilespmem:s31+$0x960] =	vst v29;
	v38 =	vmul.f32 v50, v33  }
0x31a: {  	v24 =	vmul.f32 v24, v32;
	v59 =	vld [tilespmem:s31+$0xC520];
	v36 =	vmul.f32 v52, v33;
	[tilespmem:s31+$0x560] =	vst v21;
	v16 =	vadd.f32 v41, v16  }
0x31b: {  	v22 =	vmul.f32 v22, v32;
	v43 =	vld [tilespmem:s31+$0xD570];
	v34 =	vmul.f32 v54, v33;
	[tilespmem:s31+$0x970] =	vst v30;
	v26 =	vadd.f32 v38, v26  }
0x31c: {  	v28 =	vmul.f32 v28, v32;
	v61 =	vld [tilespmem:s31+$0xC500];
	v40 =	vmul.f32 v48, v33;
	v24 =	vadd.f32 v36, v24;
	[tilespmem:s31+$0x510] =	vst v16  }
0x31d: {  	v27 =	vmul.f32 v27, v32;
	v63 =	vld [tilespmem:s31+$0xC170];
	v39 =	vmul.f32 v49, v33;
	v22 =	vadd.f32 v34, v22;
	[tilespmem:s31+$0x930] =	vst v26  }
0x31e: {  	v25 =	vmul.f32 v25, v32;
	v46 =	vld [tilespmem:s31+$0x1550];
	v37 =	vmul.f32 v51, v33;
	v28 =	vadd.f32 v40, v28;
	[tilespmem:s31+$0x910] =	vst v24  }
0x31f: {  	v23 =	vmul.f32 v23, v32;
	v50 =	vld [tilespmem:s31+$0xC100];
	v35 =	vmul.f32 v53, v33;
	v27 =	vadd.f32 v39, v27;
	[tilespmem:s31+$0x570] =	vst v22  }
0x320: {  	v20 =	vmul.f32 v20, v32;
	v48 =	vld [tilespmem:s31+$0x1560];
	v30 =	vmul.f32 v56, v33;
	v25 =	vadd.f32 v37, v25;
	[tilespmem:s31+$0x950] =	vst v28  }
0x321: {  	v19 =	vmul.f32 v19, v32;
	v51 =	vld [tilespmem:s31+$0x100];
	v23 =	vadd.f32 v35, v23;
	v35 =	vmul.f32 v57, v33;
	[tilespmem:s31+$0x940] =	vst v27  }
0x322: {  	v18 =	vmul.f32 v18, v32;
	v34 =	vld [tilespmem:s31+$0xC160];
	v37 =	vmul.f32 v58, v33;
	v20 =	vadd.f32 v30, v20;
	[tilespmem:s31+$0x920] =	vst v25  }
0x323: {  	v17 =	vmul.f32 v17, v32;
	v36 =	vld [tilespmem:s31+$0xD540];
	v39 =	vmul.f32 v59, v33;
	[tilespmem:s31+$0x900] =	vst v23;
	v19 =	vadd.f32 v35, v19  }
0x324: {  	v15 =	vmul.f32 v15, v32;
	v38 =	vld [tilespmem:s31+$0xD550];
	v42 =	vmul.f32 v61, v33;
	v18 =	vadd.f32 v37, v18;
	[tilespmem:s31+$0x550] =	vst v20  }
0x325: {  	v14 =	vmul.f32 v14, v32;
	v40 =	vld [tilespmem:s31+$0xD560];
	v44 =	vmul.f32 v63, v33;
	v17 =	vadd.f32 v39, v17;
	[tilespmem:s31+$0x540] =	vst v19  }
0x326: {  	v49 =	vld [tilespmem:s31+$0x1570];
	v15 =	vadd.f32 v42, v15;
	v10 =	vmul.f32 v50, v33;
	v61 =	vmul.f32 v51, v32;
	[tilespmem:s31+$0x530] =	vst v18  }
0x327: {  	v13 =	vmul.f32 v13, v32;
	v14 =	vadd.f32 v44, v14;
	[tilespmem:s31+$0x520] =	vst v17;
	v47 =	vmul.f32 v34, v33  }
0x328: {  	v52 =	vmul.f32 v45, v32;
	[tilespmem:s31+$0x500] =	vst v15;
	v53 =	vmul.f32 v36, v33;
	v63 =	vadd.f32 v10, v61  }
0x329: {  	v54 =	vmul.f32 v46, v32;
	[tilespmem:s31+$0x170] =	vst v14;
	v55 =	vmul.f32 v38, v33;
	v13 =	vadd.f32 v47, v13  }
0x32a: {  	v56 =	vmul.f32 v48, v32;
	v58 =	vmul.f32 v40, v33;
	v57 =	vadd.f32 v53, v52;
	[tilespmem:s31+$0x100] =	vst v63  }
0x32b: {  	v60 =	vmul.f32 v43, v33;
	v59 =	vmul.f32 v49, v32;
	v3 =	vadd.f32 v55, v54;
	[tilespmem:s31+$0x160] =	vst v13  }
0x32c: {  	v62 =	vadd.f32 v58, v56;
	[tilespmem:s31+$0x1540] =	vst v57  }
0x32d: {  	[tilespmem:s31+$0x1550] =	vst v3;
	v3 =	vadd.f32 v60, v59  }
0x32e: {  	[tilespmem:s31+$0x1560] =	vst v62  }
0x32f: {  	s30 =	sadd.s32 $0x1, s30;
	[tilespmem:s31+$0x1570] =	vst v3  }
0x330: {  	[hbm4b:s10+s2] =	stream.linear.scatter [tilespmem:s20], [sflag:$0x4], $0x6000, $0x38;
	[tilespmem:$0x1A100] =	vst v63  }
0x331: {  	p0 =	sne.s32 s30, s11;
	_ =	swait.ge [sflag:s29], $0x6000  }
.Ltmp2:
0x332: {  	[sflag:s29] =	ssyncset.done $0x0;
	(pc) =	sbr.rel @p0 .LBB2_1-.Ltmp2, $4  }
0x333: {  	[sflag:s29] =	ssyncadd.s32 $0xFFFFA000  }
0x334: {  	_ =	swait.ge [sflag:s29], $0x6000  }
0x335: {  	[sflag:s29] =	ssyncset.done $0x0  }
0x336: {  	[sflag:s29] =	ssyncadd.s32 $0xFFFFA000  }
0x337: {  	_ =	sfence.sel $0x180000  }
0x338: {  	[bflag:$0x0] =	sbarrier.arrive $0xFFFF  }
0x339: {  	_ =	strace $0x9000004A  }
0x33a: {  	s0 =	stileid.u32;
	[bflag:$0x2] =	sbarrier.arrive $0xFFFF  }
0x33b: {  	p0 =	sne.s32 s0, $0x0;
	s0 =	rddreg [dreg:$0x2]  }
0x33c: {  	s0 =	sadd.s32 @!p0 $0x100000, s0  }
0x33d: {  	[sflag:s0] =	ssyncadd.tile.s32 @!p0 $0x1;
	_ =	shalt  }
.Lfunc_end2:
_tile_overlayer_lowered:
.L_overlay_start_2:
0x33e: {  	(tag) =	ssettag $0x2  }
0x33f: {  	s0 =	rddreg [dreg:$0x0];
	s2 =	stileid.u32  }
0x340: {  	s1 =	rddreg [dreg:$0x1];
	p0 =	sne.s32 s2, $0x0  }
0x341: {  	s3 =	rddreg [dreg:$0x2];
	[bflag:$0x3] =	sbarrier.arrive $0xFFFF;
	s2 =	simm.s32 @!p0 $0x1C05  }
0x342: {  	[timem:s3], [sflag:s2] =	dma.local @!p0 [hbm:s0], s1  }
0x343: {  	s0 =	simm.s32 @!p0 $0x5  }
0x344: {  	_ =	swait.ge @!p0 [sflag:s0], s1  }
0x345: {  	s1 =	ssub.s32 @!p0 $0x0, s1;
	[sflag:s0] =	ssyncset.done @!p0 $0x0  }
0x346: {  	[sflag:s0] =	ssyncadd.s32 @!p0 s1  }
0x347: {  	[bflag:$0x3] =	sbarrier.arrive $0xFFFF  }
0x348: {  	_ =	shalt  }

</sc_bundles>
